<compile_context>
chip_gen: v7x
topology: tpu7x:2x2x1
jax: 0.10.2.dev20260603
libtpu: 0.0.44.dev20260713+nightly
codegen_flags: <defaults>
</compile_context>

<pallas_src>
import functools

import jax
import jax.numpy as jnp
from jax import lax
from jax.experimental import pallas as pl
from jax.experimental.pallas import tpu as pltpu
from jax.experimental.pallas import tpu_sc as plsc

N_NODES_C = 10000
N_EDGES_C = 320000
D_C = 128
N_GRAPHS_C = 64

CHUNK = 128
N_CHUNKS = N_EDGES_C // CHUNK
NC, NS = 2, 16
NW = NC * NS
ROW_BLK = 2000


def _segment_sum_sc(h, edge_index):
    mesh = plsc.VectorSubcoreMesh(core_axis_name="c", subcore_axis_name="s")
    STRIPE = 624

    NPW = N_CHUNKS // NW
    LEFT = N_CHUNKS - NPW * NW
    NB = 3

    @functools.partial(
        pl.kernel,
        out_type=jax.ShapeDtypeStruct((NC, N_NODES_C, D_C), jnp.float32),
        mesh=mesh,
        scratch_types=(
            [pltpu.VMEM((2, CHUNK), jnp.int32) for _ in range(2 * NB)] +
            [pltpu.VMEM((CHUNK, D_C), jnp.float32) for _ in range(NB)] +
            [pltpu.VMEM_SHARED((N_NODES_C, D_C), jnp.float32)] +
            [pltpu.SemaphoreType.DMA for _ in range(3 * NB)]
        ),
    )
    def seg_kernel(h_hbm, ei_hbm, out_hbm, *rest):
        idx_bufs = rest[0:2 * NB]
        row_bufs = rest[2 * NB:3 * NB]
        acc_sh = rest[3 * NB]
        gsems = rest[3 * NB + 1:4 * NB + 1]
        isems = rest[4 * NB + 1:6 * NB + 1]
        rows0_v = row_bufs[0]
        c = lax.axis_index("c")
        s = lax.axis_index("s")
        wid = c * NS + s
        lo = wid * NPW

        def idx_copy(q, j):
            return pltpu.make_async_copy(
                ei_hbm.at[:, pl.ds((lo + j) * CHUNK, CHUNK)], idx_bufs[q],
                isems[q])

        def gather(b, q):
            return pltpu.make_async_copy(h_hbm.at[idx_bufs[q].at[0]],
                                         row_bufs[b], gsems[b])

        def scatter(b, q):
            pltpu.sync_copy(row_bufs[b], acc_sh.at[idx_bufs[q].at[1]],
                            add=True)

        for q in range(2 * NB):
            idx_copy(q, q).start()

        def zrow(r, carry):
            for l in range(D_C // 16):
                rows0_v[r, pl.ds(l * 16, 16)] = jnp.zeros((16,), jnp.float32)
            return carry
        lax.fori_loop(0, CHUNK, zrow, 0)
        base = s * STRIPE

        @pl.when(s < NS - 1)
        def _():
            zd = pltpu.make_async_copy(rows0_v.at[pl.ds(0, 104)],
                                       acc_sh.at[pl.ds(base, 104)], gsems[0])
            for i in range(6):
                pltpu.make_async_copy(
                    rows0_v.at[pl.ds(0, 104)],
                    acc_sh.at[pl.ds(base + i * 104, 104)], gsems[0]).start()
            for i in range(6):
                zd.wait()

        @pl.when(s == NS - 1)
        def _():
            zd = pltpu.make_async_copy(rows0_v.at[pl.ds(0, 128)],
                                       acc_sh.at[pl.ds(base, 128)], gsems[0])
            for i in range(5):
                pltpu.make_async_copy(
                    rows0_v.at[pl.ds(0, 128)],
                    acc_sh.at[pl.ds(base + i * 128, 128)], gsems[0]).start()
            for i in range(5):
                zd.wait()

        for b in range(NB):
            idx_copy(b, b).wait()
            gather(b, b).start()
        plsc.subcore_barrier()

        def body(i, carry):
            j0 = i * (2 * NB)
            for t in range(2 * NB):
                j = j0 + t
                b = t % NB
                gather(b, t).wait()
                scatter(b, t)

                @pl.when(j + 2 * NB < NPW)
                def _():
                    idx_copy(t, j + 2 * NB).start()

                @pl.when(j + NB < NPW)
                def _():
                    qn = (t + NB) % (2 * NB)
                    idx_copy(qn, j + NB).wait()
                    gather(b, qn).start()
            return carry
        lax.fori_loop(0, NPW // (2 * NB), body, 0)

        @pl.when(wid < LEFT)
        def _():
            off = (NPW * NW + wid) * CHUNK
            pltpu.sync_copy(ei_hbm.at[:, pl.ds(off, CHUNK)], idx_bufs[0])
            pltpu.async_copy(h_hbm.at[idx_bufs[0].at[0]], row_bufs[0],
                             gsems[0]).wait()
            scatter(0, 0)
        plsc.subcore_barrier()

        @pl.when(s < NS - 1)
        def _():
            pltpu.sync_copy(acc_sh.at[pl.ds(base, STRIPE)],
                            out_hbm.at[c, pl.ds(base, STRIPE)])

        @pl.when(s == NS - 1)
        def _():
            pltpu.sync_copy(acc_sh.at[pl.ds(base, 640)],
                            out_hbm.at[c, pl.ds(base, 640)])

    return seg_kernel(h, edge_index)


def _mlp_body(h, W1_ref, b1_ref, W2_ref, b2_ref, last_relu):
    a = jnp.dot(h, W1_ref[...], preferred_element_type=jnp.float32)
    a = jnp.maximum(a + b1_ref[...], 0.0)
    o = jnp.dot(a, W2_ref[...], preferred_element_type=jnp.float32)
    o = o + b2_ref[...]
    if last_relu:
        o = jnp.maximum(o, 0.0)
    return o


def _mlp_tc(x, W1, b1, W2, b2, last_relu, parts=None):
    n = x.shape[0]
    grid = (n // ROW_BLK,)
    w_spec = pl.BlockSpec((D_C, D_C), lambda i: (0, 0))
    b_spec = pl.BlockSpec((1, D_C), lambda i: (0, 0))
    in_specs = [pl.BlockSpec((ROW_BLK, D_C), lambda i: (i, 0))]
    args = [x]
    if parts is not None:
        in_specs.append(pl.BlockSpec((NC, ROW_BLK, D_C), lambda i: (0, i, 0)))
        args.append(parts)
    in_specs += [w_spec, b_spec, w_spec, b_spec]
    args += [W1, b1.reshape(1, D_C), W2, b2.reshape(1, D_C)]

    if parts is None:
        def body(x_ref, W1_ref, b1_ref, W2_ref, b2_ref, o_ref):
            o_ref[...] = _mlp_body(x_ref[...], W1_ref, b1_ref, W2_ref, b2_ref,
                                   last_relu)
    else:
        def body(x_ref, p_ref, W1_ref, b1_ref, W2_ref, b2_ref, o_ref):
            h = x_ref[...] + p_ref[0] + p_ref[1]
            o_ref[...] = _mlp_body(h, W1_ref, b1_ref, W2_ref, b2_ref,
                                   last_relu)

    return pl.pallas_call(
        body,
        grid=grid,
        in_specs=in_specs,
        out_specs=pl.BlockSpec((ROW_BLK, D_C), lambda i: (i, 0)),
        out_shape=jax.ShapeDtypeStruct((n, D_C), jnp.float32),
    )(*args)


def _conv_pool_decode_tc(h, parts, cW1, cb1, cW2, cb2, batch3,
                         dec_W1, dec_b1, dec_W2, dec_b2):
    n_blocks = N_NODES_C // ROW_BLK
    w_spec = pl.BlockSpec((D_C, D_C), lambda i: (0, 0))
    b_spec = pl.BlockSpec((1, D_C), lambda i: (0, 0))

    def body(h_ref, p_ref, cW1_ref, cb1_ref, cW2_ref, cb2_ref, b_ref,
             W1_ref, b1_ref, W2_ref, b2_ref, o_ref, acc_ref, cnt_ref):
        i = pl.program_id(0)

        @pl.when(i == 0)
        def _():
            acc_ref[...] = jnp.zeros((N_GRAPHS_C, D_C), jnp.float32)
            cnt_ref[...] = jnp.zeros((N_GRAPHS_C, D_C), jnp.float32)

        hin = h_ref[...] + p_ref[0] + p_ref[1]
        h3 = _mlp_body(hin, cW1_ref, cb1_ref, cW2_ref, cb2_ref, True)

        ids = b_ref[0, 0, :]
        gids = lax.broadcasted_iota(jnp.int32, (N_GRAPHS_C, ROW_BLK), 0)
        onehot = (ids[None, :] == gids).astype(jnp.float32)
        acc_ref[...] += jnp.dot(onehot, h3,
                                preferred_element_type=jnp.float32)
        cnt_ref[...] += jnp.broadcast_to(
            jnp.sum(onehot, axis=1, keepdims=True), (N_GRAPHS_C, D_C))

        @pl.when(i == n_blocks - 1)
        def _():
            pooled = acc_ref[...] / jnp.maximum(cnt_ref[...], 1.0)
            o_ref[...] = _mlp_body(pooled, W1_ref, b1_ref, W2_ref, b2_ref,
                                   False)

    return pl.pallas_call(
        body,
        grid=(n_blocks,),
        in_specs=[
            pl.BlockSpec((ROW_BLK, D_C), lambda i: (i, 0)),
            pl.BlockSpec((NC, ROW_BLK, D_C), lambda i: (0, i, 0)),
            w_spec, b_spec, w_spec, b_spec,
            pl.BlockSpec((1, 1, ROW_BLK), lambda i: (i, 0, 0)),
            w_spec, b_spec, w_spec, b_spec,
        ],
        out_specs=pl.BlockSpec((N_GRAPHS_C, D_C), lambda i: (0, 0)),
        out_shape=jax.ShapeDtypeStruct((N_GRAPHS_C, D_C), jnp.float32),
        scratch_shapes=[
            pltpu.VMEM((N_GRAPHS_C, D_C), jnp.float32),
            pltpu.VMEM((N_GRAPHS_C, D_C), jnp.float32),
        ],
    )(h, parts, cW1, cb1.reshape(1, D_C), cW2, cb2.reshape(1, D_C), batch3,
      dec_W1, dec_b1.reshape(1, D_C), dec_W2, dec_b2.reshape(1, D_C))


def kernel(x, edge_index, batch, enc_W1, enc_b1, enc_W2, enc_b2,
           conv_W1, conv_b1, conv_W2, conv_b2,
           dec_W1, dec_b1, dec_W2, dec_b2):
    n_layers = conv_W1.shape[0]
    h = _mlp_tc(x, enc_W1, enc_b1, enc_W2, enc_b2, last_relu=False)
    for i in range(n_layers - 1):
        parts = _segment_sum_sc(h, edge_index)
        h = _mlp_tc(h, conv_W1[i], conv_b1[i], conv_W2[i], conv_b2[i],
                    last_relu=True, parts=parts)
    parts = _segment_sum_sc(h, edge_index)
    batch3 = batch.reshape(N_NODES_C // ROW_BLK, 1, ROW_BLK)
    return _conv_pool_decode_tc(
        h, parts, conv_W1[n_layers - 1], conv_b1[n_layers - 1],
        conv_W2[n_layers - 1], conv_b2[n_layers - 1], batch3,
        dec_W1, dec_b1, dec_W2, dec_b2)

# --- scband reference (transcript-rebuilt; emitter-appended) ---
"""Pipeline reference for scband-gin-6030134083939 (READ-ONLY COPY).

The authoritative reference and input builder live on the scoring server;
editing this copy changes nothing except your own understanding.
"""

import jax, jax.numpy as jnp
import numpy as np

N_NODES = 10000
N_EDGES = 320000
D_IN = 128
D_HID = 128
D_OUT = 128
N_LAYERS = 3
N_GRAPHS = 64

def _lin(k, fi, fo):
    return jax.random.normal(k, (fi, fo), dtype=jnp.float32) * (1.0 / np.sqrt(fi))

def setup_inputs(seed: int = 0):
    key = jax.random.key(seed)
    ks = jax.random.split(key, 16)
    inp = {}
    inp['x'] = jax.random.normal(ks[0], (N_NODES, D_IN), dtype=jnp.float32)
    inp['edge_index'] = jax.random.randint(ks[1], (2, N_EDGES), 0, N_NODES, dtype=jnp.int32)
    inp['batch'] = jnp.sort(jax.random.randint(ks[2], (N_NODES,), 0, N_GRAPHS, dtype=jnp.int32))
    inp['enc_W1'] = _lin(ks[3], D_IN, D_HID)
    inp['enc_b1'] = jnp.zeros((D_HID,), jnp.float32)
    inp['enc_W2'] = _lin(ks[4], D_HID, D_HID)
    inp['enc_b2'] = jnp.zeros((D_HID,), jnp.float32)
    inp['conv_W1'] = jax.random.normal(ks[5], (N_LAYERS, D_HID, D_HID), dtype=jnp.float32) * (1.0 / np.sqrt(D_HID))
    inp['conv_b1'] = jnp.zeros((N_LAYERS, D_HID), jnp.float32)
    inp['conv_W2'] = jax.random.normal(ks[6], (N_LAYERS, D_HID, D_HID), dtype=jnp.float32) * (1.0 / np.sqrt(D_HID))
    inp['conv_b2'] = jnp.zeros((N_LAYERS, D_HID), jnp.float32)
    inp['dec_W1'] = _lin(ks[7], D_HID, D_HID)
    inp['dec_b1'] = jnp.zeros((D_HID,), jnp.float32)
    inp['dec_W2'] = _lin(ks[8], D_HID, D_OUT)
    inp['dec_b2'] = jnp.zeros((D_OUT,), jnp.float32)
    return inp

def _mlp2(h, W1, b1, W2, b2, last_relu):
    h = jax.nn.relu(h @ W1 + b1)
    h = h @ W2 + b2
    if last_relu:
        h = jax.nn.relu(h)
    return h

def reference(x, edge_index, batch, enc_W1, enc_b1, enc_W2, enc_b2, conv_W1, conv_b1, conv_W2, conv_b2, dec_W1, dec_b1, dec_W2, dec_b2):
    src = edge_index[0]
    dst = edge_index[1]
    # encoder MLP (last_relu=False)
    h = _mlp2(x, enc_W1, enc_b1, enc_W2, enc_b2, False)
    # GINConv layers: h' = MLP((1+eps)*h + sum_{j in N(i)} h_j), eps=0
    for i in range(N_LAYERS):
        agg = jax.ops.segment_sum(h[src], dst, num_segments=N_NODES)
        h = _mlp2(h + agg, conv_W1[i], conv_b1[i], conv_W2[i], conv_b2[i], True)
    # global mean pool per graph
    sums = jax.ops.segment_sum(h, batch, num_segments=N_GRAPHS)
    cnts = jax.ops.segment_sum(jnp.ones((N_NODES, 1), jnp.float32), batch, num_segments=N_GRAPHS)
    pooled = sums / jnp.maximum(cnts, 1.0)
    # decoder MLP (last_relu=False)
    out = _mlp2(pooled, dec_W1, dec_b1, dec_W2, dec_b2, False)
    return out

if __name__ == "__main__":
    import jax
    _d = setup_inputs()
    print(jax.jit(kernel)(*tuple(_d.values())))

</pallas_src>

<mosaic_0001>
#map = affine_map<(d0, d1) -> (0, 0)>
#map1 = affine_map<(d0, d1) -> (0, 0, 0)>
module attributes {stable_mosaic.version = 14 : i64} {
  func.func @seg_kernel(%arg0: i32, %arg1: i32, %arg2: memref<10000x128xf32, #tpu.memory_space<hbm>>, %arg3: memref<2x320000xi32, #tpu.memory_space<hbm>>, %arg4: memref<2x10000x128xf32, #tpu.memory_space<hbm>>, %arg5: memref<2x128xi32, #tpu.memory_space<vmem>>, %arg6: memref<2x128xi32, #tpu.memory_space<vmem>>, %arg7: memref<2x128xi32, #tpu.memory_space<vmem>>, %arg8: memref<2x128xi32, #tpu.memory_space<vmem>>, %arg9: memref<2x128xi32, #tpu.memory_space<vmem>>, %arg10: memref<2x128xi32, #tpu.memory_space<vmem>>, %arg11: memref<128x128xf32, #tpu.memory_space<vmem>>, %arg12: memref<128x128xf32, #tpu.memory_space<vmem>>, %arg13: memref<128x128xf32, #tpu.memory_space<vmem>>, %arg14: memref<10000x128xf32, #tpu.memory_space<vmem_shared>>, %arg15: memref<!tpu.dma_semaphore, #tpu.memory_space<semaphore_mem>>, %arg16: memref<!tpu.dma_semaphore, #tpu.memory_space<semaphore_mem>>, %arg17: memref<!tpu.dma_semaphore, #tpu.memory_space<semaphore_mem>>, %arg18: memref<!tpu.dma_semaphore, #tpu.memory_space<semaphore_mem>>, %arg19: memref<!tpu.dma_semaphore, #tpu.memory_space<semaphore_mem>>, %arg20: memref<!tpu.dma_semaphore, #tpu.memory_space<semaphore_mem>>, %arg21: memref<!tpu.dma_semaphore, #tpu.memory_space<semaphore_mem>>, %arg22: memref<!tpu.dma_semaphore, #tpu.memory_space<semaphore_mem>>, %arg23: memref<!tpu.dma_semaphore, #tpu.memory_space<semaphore_mem>>) attributes {dimension_semantics = [#tpu.dimension_semantics<core_parallel>, #tpu.dimension_semantics<subcore_parallel>], iteration_bounds = array<i64: 2, 16>, scalar_prefetch = 0 : i64, scratch_operands = 19 : i64, tpu.core_type = #tpu.core_type<sc_vector_subcore>, window_params = [{transform_indices = #map}, {transform_indices = #map}, {transform_indices = #map1}]} {
    %mul3A = arith.constant 16 : i32
    %mul3A_0 = arith.muli %arg0, %mul3A : i32
    %add3A = arith.addi %mul3A_0, %arg1 : i32
    %mul3A_1 = arith.constant 78 : i32
    %mul3A_2 = arith.muli %add3A, %mul3A_1 : i32
    %add3A_3 = arith.constant 0 : i32
    %add3A_4 = arith.addi %mul3A_2, %add3A_3 : i32
    %mul3A_5 = arith.constant 128 : i32
    %mul3A_6 = arith.muli %add3A_4, %mul3A_5 : i32
    %dma_start3A = arith.constant 0 : i32
    %dma_start3A_7 = tpu.memref_slice %arg3[%dma_start3A, %mul3A_6] : memref<2x320000xi32, #tpu.memory_space<hbm>> -> memref<2x128xi32, #tpu.memory_space<hbm>>
    %dma_start3A_8 = arith.constant 0 : i32
    %dma_start3A_9 = tpu.memref_slice %arg3[%dma_start3A_8, %mul3A_6] : memref<2x320000xi32, #tpu.memory_space<hbm>> -> memref<2x128xi32, #tpu.memory_space<hbm>>
    tpu.enqueue_dma source(%dma_start3A_9 : memref<2x128xi32, #tpu.memory_space<hbm>>) target(%arg5 : memref<2x128xi32, #tpu.memory_space<vmem>>) target_semaphore(%arg18 : memref<!tpu.dma_semaphore, #tpu.memory_space<semaphore_mem>>)
    %add3A_10 = arith.constant 1 : i32
    %add3A_11 = arith.addi %mul3A_2, %add3A_10 : i32
    %mul3A_12 = arith.constant 128 : i32
    %mul3A_13 = arith.muli %add3A_11, %mul3A_12 : i32
    %dma_start3A_14 = arith.constant 0 : i32
    %dma_start3A_15 = tpu.memref_slice %arg3[%dma_start3A_14, %mul3A_13] : memref<2x320000xi32, #tpu.memory_space<hbm>> -> memref<2x128xi32, #tpu.memory_space<hbm>>
    %dma_start3A_16 = arith.constant 0 : i32
    %dma_start3A_17 = tpu.memref_slice %arg3[%dma_start3A_16, %mul3A_13] : memref<2x320000xi32, #tpu.memory_space<hbm>> -> memref<2x128xi32, #tpu.memory_space<hbm>>
    tpu.enqueue_dma source(%dma_start3A_17 : memref<2x128xi32, #tpu.memory_space<hbm>>) target(%arg6 : memref<2x128xi32, #tpu.memory_space<vmem>>) target_semaphore(%arg19 : memref<!tpu.dma_semaphore, #tpu.memory_space<semaphore_mem>>)
    %add3A_18 = arith.constant 2 : i32
    %add3A_19 = arith.addi %mul3A_2, %add3A_18 : i32
    %mul3A_20 = arith.constant 128 : i32
    %mul3A_21 = arith.muli %add3A_19, %mul3A_20 : i32
    %dma_start3A_22 = arith.constant 0 : i32
    %dma_start3A_23 = tpu.memref_slice %arg3[%dma_start3A_22, %mul3A_21] : memref<2x320000xi32, #tpu.memory_space<hbm>> -> memref<2x128xi32, #tpu.memory_space<hbm>>
    %dma_start3A_24 = arith.constant 0 : i32
    %dma_start3A_25 = tpu.memref_slice %arg3[%dma_start3A_24, %mul3A_21] : memref<2x320000xi32, #tpu.memory_space<hbm>> -> memref<2x128xi32, #tpu.memory_space<hbm>>
    tpu.enqueue_dma source(%dma_start3A_25 : memref<2x128xi32, #tpu.memory_space<hbm>>) target(%arg7 : memref<2x128xi32, #tpu.memory_space<vmem>>) target_semaphore(%arg20 : memref<!tpu.dma_semaphore, #tpu.memory_space<semaphore_mem>>)
    %add3A_26 = arith.constant 3 : i32
    %add3A_27 = arith.addi %mul3A_2, %add3A_26 : i32
    %mul3A_28 = arith.constant 128 : i32
    %mul3A_29 = arith.muli %add3A_27, %mul3A_28 : i32
    %dma_start3A_30 = arith.constant 0 : i32
    %dma_start3A_31 = tpu.memref_slice %arg3[%dma_start3A_30, %mul3A_29] : memref<2x320000xi32, #tpu.memory_space<hbm>> -> memref<2x128xi32, #tpu.memory_space<hbm>>
    %dma_start3A_32 = arith.constant 0 : i32
    %dma_start3A_33 = tpu.memref_slice %arg3[%dma_start3A_32, %mul3A_29] : memref<2x320000xi32, #tpu.memory_space<hbm>> -> memref<2x128xi32, #tpu.memory_space<hbm>>
    tpu.enqueue_dma source(%dma_start3A_33 : memref<2x128xi32, #tpu.memory_space<hbm>>) target(%arg8 : memref<2x128xi32, #tpu.memory_space<vmem>>) target_semaphore(%arg21 : memref<!tpu.dma_semaphore, #tpu.memory_space<semaphore_mem>>)
    %add3A_34 = arith.constant 4 : i32
    %add3A_35 = arith.addi %mul3A_2, %add3A_34 : i32
    %mul3A_36 = arith.constant 128 : i32
    %mul3A_37 = arith.muli %add3A_35, %mul3A_36 : i32
    %dma_start3A_38 = arith.constant 0 : i32
    %dma_start3A_39 = tpu.memref_slice %arg3[%dma_start3A_38, %mul3A_37] : memref<2x320000xi32, #tpu.memory_space<hbm>> -> memref<2x128xi32, #tpu.memory_space<hbm>>
    %dma_start3A_40 = arith.constant 0 : i32
    %dma_start3A_41 = tpu.memref_slice %arg3[%dma_start3A_40, %mul3A_37] : memref<2x320000xi32, #tpu.memory_space<hbm>> -> memref<2x128xi32, #tpu.memory_space<hbm>>
    tpu.enqueue_dma source(%dma_start3A_41 : memref<2x128xi32, #tpu.memory_space<hbm>>) target(%arg9 : memref<2x128xi32, #tpu.memory_space<vmem>>) target_semaphore(%arg22 : memref<!tpu.dma_semaphore, #tpu.memory_space<semaphore_mem>>)
    %add3A_42 = arith.constant 5 : i32
    %add3A_43 = arith.addi %mul3A_2, %add3A_42 : i32
    %mul3A_44 = arith.constant 128 : i32
    %mul3A_45 = arith.muli %add3A_43, %mul3A_44 : i32
    %dma_start3A_46 = arith.constant 0 : i32
    %dma_start3A_47 = tpu.memref_slice %arg3[%dma_start3A_46, %mul3A_45] : memref<2x320000xi32, #tpu.memory_space<hbm>> -> memref<2x128xi32, #tpu.memory_space<hbm>>
    %dma_start3A_48 = arith.constant 0 : i32
    %dma_start3A_49 = tpu.memref_slice %arg3[%dma_start3A_48, %mul3A_45] : memref<2x320000xi32, #tpu.memory_space<hbm>> -> memref<2x128xi32, #tpu.memory_space<hbm>>
    tpu.enqueue_dma source(%dma_start3A_49 : memref<2x128xi32, #tpu.memory_space<hbm>>) target(%arg10 : memref<2x128xi32, #tpu.memory_space<vmem>>) target_semaphore(%arg23 : memref<!tpu.dma_semaphore, #tpu.memory_space<semaphore_mem>>)
    %scan3A = arith.constant 0 : i32
    %scan3A_50 = arith.constant 0 : i32
    %scan3A_51 = arith.constant 128 : i32
    %scan3A_52 = arith.addi %scan3A_50, %scan3A_51 : i32
    %scan3A_53 = arith.constant 1 : i32
    scf.for %scan3A_129 = %scan3A_50 to %scan3A_52 step %scan3A_53  : i32 {
      %broadcast_in_dim3A = arith.constant 0.000000e+00 : f32
      %broadcast_in_dim3A_130 = vector.broadcast %broadcast_in_dim3A : f32 to vector<16xf32>
      %swap3A = arith.index_cast %scan3A_129 : i32 to index
      %swap3A_131 = arith.constant 0 : index
      %swap3A_132 = tpu.vector_load %arg11[%swap3A, %swap3A_131] {strides = array<i32>} : memref<128x128xf32, #tpu.memory_space<vmem>>, vector<1x16xf32>,
      %swap3A_133 = vector.shape_cast %swap3A_132 : vector<1x16xf32> to vector<16xf32>
      %swap3A_134 = vector.shape_cast %broadcast_in_dim3A_130 : vector<16xf32> to vector<1x16xf32>
      tpu.vector_store %arg11[%swap3A, %swap3A_131], %swap3A_134 {strides = array<i32>} : memref<128x128xf32, #tpu.memory_space<vmem>>, vector<1x16xf32>,
      %broadcast_in_dim3A_135 = arith.constant 0.000000e+00 : f32
      %broadcast_in_dim3A_136 = vector.broadcast %broadcast_in_dim3A_135 : f32 to vector<16xf32>
      %swap3A_137 = arith.index_cast %scan3A_129 : i32 to index
      %swap3A_138 = arith.constant 16 : index
      %swap3A_139 = tpu.vector_load %arg11[%swap3A_137, %swap3A_138] {strides = array<i32>} : memref<128x128xf32, #tpu.memory_space<vmem>>, vector<1x16xf32>,
      %swap3A_140 = vector.shape_cast %swap3A_139 : vector<1x16xf32> to vector<16xf32>
      %swap3A_141 = vector.shape_cast %broadcast_in_dim3A_136 : vector<16xf32> to vector<1x16xf32>
      tpu.vector_store %arg11[%swap3A_137, %swap3A_138], %swap3A_141 {strides = array<i32>} : memref<128x128xf32, #tpu.memory_space<vmem>>, vector<1x16xf32>,
      %broadcast_in_dim3A_142 = arith.constant 0.000000e+00 : f32
      %broadcast_in_dim3A_143 = vector.broadcast %broadcast_in_dim3A_142 : f32 to vector<16xf32>
      %swap3A_144 = arith.index_cast %scan3A_129 : i32 to index
      %swap3A_145 = arith.constant 32 : index
      %swap3A_146 = tpu.vector_load %arg11[%swap3A_144, %swap3A_145] {strides = array<i32>} : memref<128x128xf32, #tpu.memory_space<vmem>>, vector<1x16xf32>,
      %swap3A_147 = vector.shape_cast %swap3A_146 : vector<1x16xf32> to vector<16xf32>
      %swap3A_148 = vector.shape_cast %broadcast_in_dim3A_143 : vector<16xf32> to vector<1x16xf32>
      tpu.vector_store %arg11[%swap3A_144, %swap3A_145], %swap3A_148 {strides = array<i32>} : memref<128x128xf32, #tpu.memory_space<vmem>>, vector<1x16xf32>,
      %broadcast_in_dim3A_149 = arith.constant 0.000000e+00 : f32
      %broadcast_in_dim3A_150 = vector.broadcast %broadcast_in_dim3A_149 : f32 to vector<16xf32>
      %swap3A_151 = arith.index_cast %scan3A_129 : i32 to index
      %swap3A_152 = arith.constant 48 : index
      %swap3A_153 = tpu.vector_load %arg11[%swap3A_151, %swap3A_152] {strides = array<i32>} : memref<128x128xf32, #tpu.memory_space<vmem>>, vector<1x16xf32>,
      %swap3A_154 = vector.shape_cast %swap3A_153 : vector<1x16xf32> to vector<16xf32>
      %swap3A_155 = vector.shape_cast %broadcast_in_dim3A_150 : vector<16xf32> to vector<1x16xf32>
      tpu.vector_store %arg11[%swap3A_151, %swap3A_152], %swap3A_155 {strides = array<i32>} : memref<128x128xf32, #tpu.memory_space<vmem>>, vector<1x16xf32>,
      %broadcast_in_dim3A_156 = arith.constant 0.000000e+00 : f32
      %broadcast_in_dim3A_157 = vector.broadcast %broadcast_in_dim3A_156 : f32 to vector<16xf32>
      %swap3A_158 = arith.index_cast %scan3A_129 : i32 to index
      %swap3A_159 = arith.constant 64 : index
      %swap3A_160 = tpu.vector_load %arg11[%swap3A_158, %swap3A_159] {strides = array<i32>} : memref<128x128xf32, #tpu.memory_space<vmem>>, vector<1x16xf32>,
      %swap3A_161 = vector.shape_cast %swap3A_160 : vector<1x16xf32> to vector<16xf32>
      %swap3A_162 = vector.shape_cast %broadcast_in_dim3A_157 : vector<16xf32> to vector<1x16xf32>
      tpu.vector_store %arg11[%swap3A_158, %swap3A_159], %swap3A_162 {strides = array<i32>} : memref<128x128xf32, #tpu.memory_space<vmem>>, vector<1x16xf32>,
      %broadcast_in_dim3A_163 = arith.constant 0.000000e+00 : f32
      %broadcast_in_dim3A_164 = vector.broadcast %broadcast_in_dim3A_163 : f32 to vector<16xf32>
      %swap3A_165 = arith.index_cast %scan3A_129 : i32 to index
      %swap3A_166 = arith.constant 80 : index
      %swap3A_167 = tpu.vector_load %arg11[%swap3A_165, %swap3A_166] {strides = array<i32>} : memref<128x128xf32, #tpu.memory_space<vmem>>, vector<1x16xf32>,
      %swap3A_168 = vector.shape_cast %swap3A_167 : vector<1x16xf32> to vector<16xf32>
      %swap3A_169 = vector.shape_cast %broadcast_in_dim3A_164 : vector<16xf32> to vector<1x16xf32>
      tpu.vector_store %arg11[%swap3A_165, %swap3A_166], %swap3A_169 {strides = array<i32>} : memref<128x128xf32, #tpu.memory_space<vmem>>, vector<1x16xf32>,
      %broadcast_in_dim3A_170 = arith.constant 0.000000e+00 : f32
      %broadcast_in_dim3A_171 = vector.broadcast %broadcast_in_dim3A_170 : f32 to vector<16xf32>
      %swap3A_172 = arith.index_cast %scan3A_129 : i32 to index
      %swap3A_173 = arith.constant 96 : index
      %swap3A_174 = tpu.vector_load %arg11[%swap3A_172, %swap3A_173] {strides = array<i32>} : memref<128x128xf32, #tpu.memory_space<vmem>>, vector<1x16xf32>,
      %swap3A_175 = vector.shape_cast %swap3A_174 : vector<1x16xf32> to vector<16xf32>
      %swap3A_176 = vector.shape_cast %broadcast_in_dim3A_171 : vector<16xf32> to vector<1x16xf32>
      tpu.vector_store %arg11[%swap3A_172, %swap3A_173], %swap3A_176 {strides = array<i32>} : memref<128x128xf32, #tpu.memory_space<vmem>>, vector<1x16xf32>,
      %broadcast_in_dim3A_177 = arith.constant 0.000000e+00 : f32
      %broadcast_in_dim3A_178 = vector.broadcast %broadcast_in_dim3A_177 : f32 to vector<16xf32>
      %swap3A_179 = arith.index_cast %scan3A_129 : i32 to index
      %swap3A_180 = arith.constant 112 : index
      %swap3A_181 = tpu.vector_load %arg11[%swap3A_179, %swap3A_180] {strides = array<i32>} : memref<128x128xf32, #tpu.memory_space<vmem>>, vector<1x16xf32>,
      %swap3A_182 = vector.shape_cast %swap3A_181 : vector<1x16xf32> to vector<16xf32>
      %swap3A_183 = vector.shape_cast %broadcast_in_dim3A_178 : vector<16xf32> to vector<1x16xf32>
      tpu.vector_store %arg11[%swap3A_179, %swap3A_180], %swap3A_183 {strides = array<i32>} : memref<128x128xf32, #tpu.memory_space<vmem>>, vector<1x16xf32>,
    }
    %scan3A_54 = arith.constant 128 : i32
    %mul3A_55 = arith.constant 624 : i32
    %mul3A_56 = arith.muli %arg1, %mul3A_55 : i32
    %lt3A = arith.constant 15 : i32
    %lt3A_57 = arith.cmpi slt, %arg1, %lt3A : i32
    %convert_element_type3A = arith.extui %lt3A_57 : i1 to i32
    %cond3A = arith.constant 0 : i32
    %cond3A_58 = arith.cmpi ne, %convert_element_type3A, %cond3A : i32
    scf.if %cond3A_58 {
      %add3A_129 = arith.constant 0 : i32
      %add3A_130 = arith.addi %mul3A_56, %add3A_129 : i32
      %dma_start3A_131 = arith.constant 0 : i32
      %dma_start3A_132 = arith.constant 0 : i32
      %dma_start3A_133 = tpu.memref_slice %arg11[%dma_start3A_131, %dma_start3A_132] : memref<128x128xf32, #tpu.memory_space<vmem>> -> memref<104x128xf32, #tpu.memory_space<vmem>>
      %dma_start3A_134 = arith.constant 0 : i32
      %dma_start3A_135 = tpu.memref_slice %arg14[%add3A_130, %dma_start3A_134] : memref<10000x128xf32, #tpu.memory_space<vmem_shared>> -> memref<104x128xf32, #tpu.memory_space<vmem_shared>>
      %dma_start3A_136 = arith.constant 0 : i32
      %dma_start3A_137 = tpu.memref_slice %arg14[%add3A_130, %dma_start3A_136] : memref<10000x128xf32, #tpu.memory_space<vmem_shared>> -> memref<104x128xf32, #tpu.memory_space<vmem_shared>>
      %dma_start3A_138 = arith.constant 0 : i32
      %dma_start3A_139 = arith.constant 0 : i32
      %dma_start3A_140 = tpu.memref_slice %arg11[%dma_start3A_138, %dma_start3A_139] : memref<128x128xf32, #tpu.memory_space<vmem>> -> memref<104x128xf32, #tpu.memory_space<vmem>>
      tpu.enqueue_dma source(%dma_start3A_140 : memref<104x128xf32, #tpu.memory_space<vmem>>) target(%dma_start3A_137 : memref<104x128xf32, #tpu.memory_space<vmem_shared>>) target_semaphore(%arg15 : memref<!tpu.dma_semaphore, #tpu.memory_space<semaphore_mem>>)
      %add3A_141 = arith.constant 104 : i32
      %add3A_142 = arith.addi %mul3A_56, %add3A_141 : i32
      %dma_start3A_143 = arith.constant 0 : i32
      %dma_start3A_144 = arith.constant 0 : i32
      %dma_start3A_145 = tpu.memref_slice %arg11[%dma_start3A_143, %dma_start3A_144] : memref<128x128xf32, #tpu.memory_space<vmem>> -> memref<104x128xf32, #tpu.memory_space<vmem>>
      %dma_start3A_146 = arith.constant 0 : i32
      %dma_start3A_147 = tpu.memref_slice %arg14[%add3A_142, %dma_start3A_146] : memref<10000x128xf32, #tpu.memory_space<vmem_shared>> -> memref<104x128xf32, #tpu.memory_space<vmem_shared>>
      %dma_start3A_148 = arith.constant 0 : i32
      %dma_start3A_149 = tpu.memref_slice %arg14[%add3A_142, %dma_start3A_148] : memref<10000x128xf32, #tpu.memory_space<vmem_shared>> -> memref<104x128xf32, #tpu.memory_space<vmem_shared>>
      %dma_start3A_150 = arith.constant 0 : i32
      %dma_start3A_151 = arith.constant 0 : i32
      %dma_start3A_152 = tpu.memref_slice %arg11[%dma_start3A_150, %dma_start3A_151] : memref<128x128xf32, #tpu.memory_space<vmem>> -> memref<104x128xf32, #tpu.memory_space<vmem>>
      tpu.enqueue_dma source(%dma_start3A_152 : memref<104x128xf32, #tpu.memory_space<vmem>>) target(%dma_start3A_149 : memref<104x128xf32, #tpu.memory_space<vmem_shared>>) target_semaphore(%arg15 : memref<!tpu.dma_semaphore, #tpu.memory_space<semaphore_mem>>)
      %add3A_153 = arith.constant 208 : i32
      %add3A_154 = arith.addi %mul3A_56, %add3A_153 : i32
      %dma_start3A_155 = arith.constant 0 : i32
      %dma_start3A_156 = arith.constant 0 : i32
      %dma_start3A_157 = tpu.memref_slice %arg11[%dma_start3A_155, %dma_start3A_156] : memref<128x128xf32, #tpu.memory_space<vmem>> -> memref<104x128xf32, #tpu.memory_space<vmem>>
      %dma_start3A_158 = arith.constant 0 : i32
      %dma_start3A_159 = tpu.memref_slice %arg14[%add3A_154, %dma_start3A_158] : memref<10000x128xf32, #tpu.memory_space<vmem_shared>> -> memref<104x128xf32, #tpu.memory_space<vmem_shared>>
      %dma_start3A_160 = arith.constant 0 : i32
      %dma_start3A_161 = tpu.memref_slice %arg14[%add3A_154, %dma_start3A_160] : memref<10000x128xf32, #tpu.memory_space<vmem_shared>> -> memref<104x128xf32, #tpu.memory_space<vmem_shared>>
      %dma_start3A_162 = arith.constant 0 : i32
      %dma_start3A_163 = arith.constant 0 : i32
      %dma_start3A_164 = tpu.memref_slice %arg11[%dma_start3A_162, %dma_start3A_163] : memref<128x128xf32, #tpu.memory_space<vmem>> -> memref<104x128xf32, #tpu.memory_space<vmem>>
      tpu.enqueue_dma source(%dma_start3A_164 : memref<104x128xf32, #tpu.memory_space<vmem>>) target(%dma_start3A_161 : memref<104x128xf32, #tpu.memory_space<vmem_shared>>) target_semaphore(%arg15 : memref<!tpu.dma_semaphore, #tpu.memory_space<semaphore_mem>>)
      %add3A_165 = arith.constant 312 : i32
      %add3A_166 = arith.addi %mul3A_56, %add3A_165 : i32
      %dma_start3A_167 = arith.constant 0 : i32
      %dma_start3A_168 = arith.constant 0 : i32
      %dma_start3A_169 = tpu.memref_slice %arg11[%dma_start3A_167, %dma_start3A_168] : memref<128x128xf32, #tpu.memory_space<vmem>> -> memref<104x128xf32, #tpu.memory_space<vmem>>
      %dma_start3A_170 = arith.constant 0 : i32
      %dma_start3A_171 = tpu.memref_slice %arg14[%add3A_166, %dma_start3A_170] : memref<10000x128xf32, #tpu.memory_space<vmem_shared>> -> memref<104x128xf32, #tpu.memory_space<vmem_shared>>
      %dma_start3A_172 = arith.constant 0 : i32
      %dma_start3A_173 = tpu.memref_slice %arg14[%add3A_166, %dma_start3A_172] : memref<10000x128xf32, #tpu.memory_space<vmem_shared>> -> memref<104x128xf32, #tpu.memory_space<vmem_shared>>
      %dma_start3A_174 = arith.constant 0 : i32
      %dma_start3A_175 = arith.constant 0 : i32
      %dma_start3A_176 = tpu.memref_slice %arg11[%dma_start3A_174, %dma_start3A_175] : memref<128x128xf32, #tpu.memory_space<vmem>> -> memref<104x128xf32, #tpu.memory_space<vmem>>
      tpu.enqueue_dma source(%dma_start3A_176 : memref<104x128xf32, #tpu.memory_space<vmem>>) target(%dma_start3A_173 : memref<104x128xf32, #tpu.memory_space<vmem_shared>>) target_semaphore(%arg15 : memref<!tpu.dma_semaphore, #tpu.memory_space<semaphore_mem>>)
      %add3A_177 = arith.constant 416 : i32
      %add3A_178 = arith.addi %mul3A_56, %add3A_177 : i32
      %dma_start3A_179 = arith.constant 0 : i32
      %dma_start3A_180 = arith.constant 0 : i32
      %dma_start3A_181 = tpu.memref_slice %arg11[%dma_start3A_179, %dma_start3A_180] : memref<128x128xf32, #tpu.memory_space<vmem>> -> memref<104x128xf32, #tpu.memory_space<vmem>>
      %dma_start3A_182 = arith.constant 0 : i32
      %dma_start3A_183 = tpu.memref_slice %arg14[%add3A_178, %dma_start3A_182] : memref<10000x128xf32, #tpu.memory_space<vmem_shared>> -> memref<104x128xf32, #tpu.memory_space<vmem_shared>>
      %dma_start3A_184 = arith.constant 0 : i32
      %dma_start3A_185 = tpu.memref_slice %arg14[%add3A_178, %dma_start3A_184] : memref<10000x128xf32, #tpu.memory_space<vmem_shared>> -> memref<104x128xf32, #tpu.memory_space<vmem_shared>>
      %dma_start3A_186 = arith.constant 0 : i32
      %dma_start3A_187 = arith.constant 0 : i32
      %dma_start3A_188 = tpu.memref_slice %arg11[%dma_start3A_186, %dma_start3A_187] : memref<128x128xf32, #tpu.memory_space<vmem>> -> memref<104x128xf32, #tpu.memory_space<vmem>>
      tpu.enqueue_dma source(%dma_start3A_188 : memref<104x128xf32, #tpu.memory_space<vmem>>) target(%dma_start3A_185 : memref<104x128xf32, #tpu.memory_space<vmem_shared>>) target_semaphore(%arg15 : memref<!tpu.dma_semaphore, #tpu.memory_space<semaphore_mem>>)
      %add3A_189 = arith.constant 520 : i32
      %add3A_190 = arith.addi %mul3A_56, %add3A_189 : i32
      %dma_start3A_191 = arith.constant 0 : i32
      %dma_start3A_192 = arith.constant 0 : i32
      %dma_start3A_193 = tpu.memref_slice %arg11[%dma_start3A_191, %dma_start3A_192] : memref<128x128xf32, #tpu.memory_space<vmem>> -> memref<104x128xf32, #tpu.memory_space<vmem>>
      %dma_start3A_194 = arith.constant 0 : i32
      %dma_start3A_195 = tpu.memref_slice %arg14[%add3A_190, %dma_start3A_194] : memref<10000x128xf32, #tpu.memory_space<vmem_shared>> -> memref<104x128xf32, #tpu.memory_space<vmem_shared>>
      %dma_start3A_196 = arith.constant 0 : i32
      %dma_start3A_197 = tpu.memref_slice %arg14[%add3A_190, %dma_start3A_196] : memref<10000x128xf32, #tpu.memory_space<vmem_shared>> -> memref<104x128xf32, #tpu.memory_space<vmem_shared>>
      %dma_start3A_198 = arith.constant 0 : i32
      %dma_start3A_199 = arith.constant 0 : i32
      %dma_start3A_200 = tpu.memref_slice %arg11[%dma_start3A_198, %dma_start3A_199] : memref<128x128xf32, #tpu.memory_space<vmem>> -> memref<104x128xf32, #tpu.memory_space<vmem>>
      tpu.enqueue_dma source(%dma_start3A_200 : memref<104x128xf32, #tpu.memory_space<vmem>>) target(%dma_start3A_197 : memref<104x128xf32, #tpu.memory_space<vmem_shared>>) target_semaphore(%arg15 : memref<!tpu.dma_semaphore, #tpu.memory_space<semaphore_mem>>)
      %dma_wait3A_201 = arith.constant 0 : i32
      %dma_wait3A_202 = arith.constant 0 : i32
      %dma_wait3A_203 = tpu.memref_slice %arg11[%dma_wait3A_201, %dma_wait3A_202] : memref<128x128xf32, #tpu.memory_space<vmem>> -> memref<104x128xf32, #tpu.memory_space<vmem>>
      %dma_wait3A_204 = arith.constant 0 : i32
      %dma_wait3A_205 = tpu.memref_slice %arg14[%mul3A_56, %dma_wait3A_204] : memref<10000x128xf32, #tpu.memory_space<vmem_shared>> -> memref<104x128xf32, #tpu.memory_space<vmem_shared>>
      %dma_wait3A_206 = arith.constant 0 : i32
      %dma_wait3A_207 = tpu.memref_slice %arg14[%mul3A_56, %dma_wait3A_206] : memref<10000x128xf32, #tpu.memory_space<vmem_shared>> -> memref<104x128xf32, #tpu.memory_space<vmem_shared>>
      %dma_wait3A_208 = arith.constant 0 : i32
      %dma_wait3A_209 = arith.constant 0 : i32
      %dma_wait3A_210 = tpu.memref_slice %arg11[%dma_wait3A_208, %dma_wait3A_209] : memref<128x128xf32, #tpu.memory_space<vmem>> -> memref<104x128xf32, #tpu.memory_space<vmem>>
      tpu.wait_dma2 semaphore(%arg15 : memref<!tpu.dma_semaphore, #tpu.memory_space<semaphore_mem>>) src(%dma_wait3A_210 : memref<104x128xf32, #tpu.memory_space<vmem>>) dst(%dma_wait3A_207 : memref<104x128xf32, #tpu.memory_space<vmem_shared>>)
      %dma_wait3A_211 = arith.constant 0 : i32
      %dma_wait3A_212 = arith.constant 0 : i32
      %dma_wait3A_213 = tpu.memref_slice %arg11[%dma_wait3A_211, %dma_wait3A_212] : memref<128x128xf32, #tpu.memory_space<vmem>> -> memref<104x128xf32, #tpu.memory_space<vmem>>
      %dma_wait3A_214 = arith.constant 0 : i32
      %dma_wait3A_215 = tpu.memref_slice %arg14[%mul3A_56, %dma_wait3A_214] : memref<10000x128xf32, #tpu.memory_space<vmem_shared>> -> memref<104x128xf32, #tpu.memory_space<vmem_shared>>
      %dma_wait3A_216 = arith.constant 0 : i32
      %dma_wait3A_217 = tpu.memref_slice %arg14[%mul3A_56, %dma_wait3A_216] : memref<10000x128xf32, #tpu.memory_space<vmem_shared>> -> memref<104x128xf32, #tpu.memory_space<vmem_shared>>
      %dma_wait3A_218 = arith.constant 0 : i32
      %dma_wait3A_219 = arith.constant 0 : i32
      %dma_wait3A_220 = tpu.memref_slice %arg11[%dma_wait3A_218, %dma_wait3A_219] : memref<128x128xf32, #tpu.memory_space<vmem>> -> memref<104x128xf32, #tpu.memory_space<vmem>>
      tpu.wait_dma2 semaphore(%arg15 : memref<!tpu.dma_semaphore, #tpu.memory_space<semaphore_mem>>) src(%dma_wait3A_220 : memref<104x128xf32, #tpu.memory_space<vmem>>) dst(%dma_wait3A_217 : memref<104x128xf32, #tpu.memory_space<vmem_shared>>)
      %dma_wait3A_221 = arith.constant 0 : i32
      %dma_wait3A_222 = arith.constant 0 : i32
      %dma_wait3A_223 = tpu.memref_slice %arg11[%dma_wait3A_221, %dma_wait3A_222] : memref<128x128xf32, #tpu.memory_space<vmem>> -> memref<104x128xf32, #tpu.memory_space<vmem>>
      %dma_wait3A_224 = arith.constant 0 : i32
      %dma_wait3A_225 = tpu.memref_slice %arg14[%mul3A_56, %dma_wait3A_224] : memref<10000x128xf32, #tpu.memory_space<vmem_shared>> -> memref<104x128xf32, #tpu.memory_space<vmem_shared>>
      %dma_wait3A_226 = arith.constant 0 : i32
      %dma_wait3A_227 = tpu.memref_slice %arg14[%mul3A_56, %dma_wait3A_226] : memref<10000x128xf32, #tpu.memory_space<vmem_shared>> -> memref<104x128xf32, #tpu.memory_space<vmem_shared>>
      %dma_wait3A_228 = arith.constant 0 : i32
      %dma_wait3A_229 = arith.constant 0 : i32
      %dma_wait3A_230 = tpu.memref_slice %arg11[%dma_wait3A_228, %dma_wait3A_229] : memref<128x128xf32, #tpu.memory_space<vmem>> -> memref<104x128xf32, #tpu.memory_space<vmem>>
      tpu.wait_dma2 semaphore(%arg15 : memref<!tpu.dma_semaphore, #tpu.memory_space<semaphore_mem>>) src(%dma_wait3A_230 : memref<104x128xf32, #tpu.memory_space<vmem>>) dst(%dma_wait3A_227 : memref<104x128xf32, #tpu.memory_space<vmem_shared>>)
      %dma_wait3A_231 = arith.constant 0 : i32
      %dma_wait3A_232 = arith.constant 0 : i32
      %dma_wait3A_233 = tpu.memref_slice %arg11[%dma_wait3A_231, %dma_wait3A_232] : memref<128x128xf32, #tpu.memory_space<vmem>> -> memref<104x128xf32, #tpu.memory_space<vmem>>
      %dma_wait3A_234 = arith.constant 0 : i32
      %dma_wait3A_235 = tpu.memref_slice %arg14[%mul3A_56, %dma_wait3A_234] : memref<10000x128xf32, #tpu.memory_space<vmem_shared>> -> memref<104x128xf32, #tpu.memory_space<vmem_shared>>
      %dma_wait3A_236 = arith.constant 0 : i32
      %dma_wait3A_237 = tpu.memref_slice %arg14[%mul3A_56, %dma_wait3A_236] : memref<10000x128xf32, #tpu.memory_space<vmem_shared>> -> memref<104x128xf32, #tpu.memory_space<vmem_shared>>
      %dma_wait3A_238 = arith.constant 0 : i32
      %dma_wait3A_239 = arith.constant 0 : i32
      %dma_wait3A_240 = tpu.memref_slice %arg11[%dma_wait3A_238, %dma_wait3A_239] : memref<128x128xf32, #tpu.memory_space<vmem>> -> memref<104x128xf32, #tpu.memory_space<vmem>>
      tpu.wait_dma2 semaphore(%arg15 : memref<!tpu.dma_semaphore, #tpu.memory_space<semaphore_mem>>) src(%dma_wait3A_240 : memref<104x128xf32, #tpu.memory_space<vmem>>) dst(%dma_wait3A_237 : memref<104x128xf32, #tpu.memory_space<vmem_shared>>)
      %dma_wait3A_241 = arith.constant 0 : i32
      %dma_wait3A_242 = arith.constant 0 : i32
      %dma_wait3A_243 = tpu.memref_slice %arg11[%dma_wait3A_241, %dma_wait3A_242] : memref<128x128xf32, #tpu.memory_space<vmem>> -> memref<104x128xf32, #tpu.memory_space<vmem>>
      %dma_wait3A_244 = arith.constant 0 : i32
      %dma_wait3A_245 = tpu.memref_slice %arg14[%mul3A_56, %dma_wait3A_244] : memref<10000x128xf32, #tpu.memory_space<vmem_shared>> -> memref<104x128xf32, #tpu.memory_space<vmem_shared>>
      %dma_wait3A_246 = arith.constant 0 : i32
      %dma_wait3A_247 = tpu.memref_slice %arg14[%mul3A_56, %dma_wait3A_246] : memref<10000x128xf32, #tpu.memory_space<vmem_shared>> -> memref<104x128xf32, #tpu.memory_space<vmem_shared>>
      %dma_wait3A_248 = arith.constant 0 : i32
      %dma_wait3A_249 = arith.constant 0 : i32
      %dma_wait3A_250 = tpu.memref_slice %arg11[%dma_wait3A_248, %dma_wait3A_249] : memref<128x128xf32, #tpu.memory_space<vmem>> -> memref<104x128xf32, #tpu.memory_space<vmem>>
      tpu.wait_dma2 semaphore(%arg15 : memref<!tpu.dma_semaphore, #tpu.memory_space<semaphore_mem>>) src(%dma_wait3A_250 : memref<104x128xf32, #tpu.memory_space<vmem>>) dst(%dma_wait3A_247 : memref<104x128xf32, #tpu.memory_space<vmem_shared>>)
      %dma_wait3A_251 = arith.constant 0 : i32
      %dma_wait3A_252 = arith.constant 0 : i32
      %dma_wait3A_253 = tpu.memref_slice %arg11[%dma_wait3A_251, %dma_wait3A_252] : memref<128x128xf32, #tpu.memory_space<vmem>> -> memref<104x128xf32, #tpu.memory_space<vmem>>
      %dma_wait3A_254 = arith.constant 0 : i32
      %dma_wait3A_255 = tpu.memref_slice %arg14[%mul3A_56, %dma_wait3A_254] : memref<10000x128xf32, #tpu.memory_space<vmem_shared>> -> memref<104x128xf32, #tpu.memory_space<vmem_shared>>
      %dma_wait3A_256 = arith.constant 0 : i32
      %dma_wait3A_257 = tpu.memref_slice %arg14[%mul3A_56, %dma_wait3A_256] : memref<10000x128xf32, #tpu.memory_space<vmem_shared>> -> memref<104x128xf32, #tpu.memory_space<vmem_shared>>
      %dma_wait3A_258 = arith.constant 0 : i32
      %dma_wait3A_259 = arith.constant 0 : i32
      %dma_wait3A_260 = tpu.memref_slice %arg11[%dma_wait3A_258, %dma_wait3A_259] : memref<128x128xf32, #tpu.memory_space<vmem>> -> memref<104x128xf32, #tpu.memory_space<vmem>>
      tpu.wait_dma2 semaphore(%arg15 : memref<!tpu.dma_semaphore, #tpu.memory_space<semaphore_mem>>) src(%dma_wait3A_260 : memref<104x128xf32, #tpu.memory_space<vmem>>) dst(%dma_wait3A_257 : memref<104x128xf32, #tpu.memory_space<vmem_shared>>)
    } else {
    }
    %eq3A = arith.constant 15 : i32
    %eq3A_59 = arith.cmpi eq, %arg1, %eq3A : i32
    %convert_element_type3A_60 = arith.extui %eq3A_59 : i1 to i32
    %cond3A_61 = arith.constant 0 : i32
    %cond3A_62 = arith.cmpi ne, %convert_element_type3A_60, %cond3A_61 : i32
    scf.if %cond3A_62 {
      %add3A_129 = arith.constant 0 : i32
      %add3A_130 = arith.addi %mul3A_56, %add3A_129 : i32
      %dma_start3A_131 = arith.constant 0 : i32
      %dma_start3A_132 = arith.constant 0 : i32
      %dma_start3A_133 = tpu.memref_slice %arg11[%dma_start3A_131, %dma_start3A_132] : memref<128x128xf32, #tpu.memory_space<vmem>> -> memref<128x128xf32, #tpu.memory_space<vmem>>
      %dma_start3A_134 = arith.constant 0 : i32
      %dma_start3A_135 = tpu.memref_slice %arg14[%add3A_130, %dma_start3A_134] : memref<10000x128xf32, #tpu.memory_space<vmem_shared>> -> memref<128x128xf32, #tpu.memory_space<vmem_shared>>
      %dma_start3A_136 = arith.constant 0 : i32
      %dma_start3A_137 = tpu.memref_slice %arg14[%add3A_130, %dma_start3A_136] : memref<10000x128xf32, #tpu.memory_space<vmem_shared>> -> memref<128x128xf32, #tpu.memory_space<vmem_shared>>
      %dma_start3A_138 = arith.constant 0 : i32
      %dma_start3A_139 = arith.constant 0 : i32
      %dma_start3A_140 = tpu.memref_slice %arg11[%dma_start3A_138, %dma_start3A_139] : memref<128x128xf32, #tpu.memory_space<vmem>> -> memref<128x128xf32, #tpu.memory_space<vmem>>
      tpu.enqueue_dma source(%dma_start3A_140 : memref<128x128xf32, #tpu.memory_space<vmem>>) target(%dma_start3A_137 : memref<128x128xf32, #tpu.memory_space<vmem_shared>>) target_semaphore(%arg15 : memref<!tpu.dma_semaphore, #tpu.memory_space<semaphore_mem>>)
      %add3A_141 = arith.constant 128 : i32
      %add3A_142 = arith.addi %mul3A_56, %add3A_141 : i32
      %dma_start3A_143 = arith.constant 0 : i32
      %dma_start3A_144 = arith.constant 0 : i32
      %dma_start3A_145 = tpu.memref_slice %arg11[%dma_start3A_143, %dma_start3A_144] : memref<128x128xf32, #tpu.memory_space<vmem>> -> memref<128x128xf32, #tpu.memory_space<vmem>>
      %dma_start3A_146 = arith.constant 0 : i32
      %dma_start3A_147 = tpu.memref_slice %arg14[%add3A_142, %dma_start3A_146] : memref<10000x128xf32, #tpu.memory_space<vmem_shared>> -> memref<128x128xf32, #tpu.memory_space<vmem_shared>>
      %dma_start3A_148 = arith.constant 0 : i32
      %dma_start3A_149 = tpu.memref_slice %arg14[%add3A_142, %dma_start3A_148] : memref<10000x128xf32, #tpu.memory_space<vmem_shared>> -> memref<128x128xf32, #tpu.memory_space<vmem_shared>>
      %dma_start3A_150 = arith.constant 0 : i32
      %dma_start3A_151 = arith.constant 0 : i32
      %dma_start3A_152 = tpu.memref_slice %arg11[%dma_start3A_150, %dma_start3A_151] : memref<128x128xf32, #tpu.memory_space<vmem>> -> memref<128x128xf32, #tpu.memory_space<vmem>>
      tpu.enqueue_dma source(%dma_start3A_152 : memref<128x128xf32, #tpu.memory_space<vmem>>) target(%dma_start3A_149 : memref<128x128xf32, #tpu.memory_space<vmem_shared>>) target_semaphore(%arg15 : memref<!tpu.dma_semaphore, #tpu.memory_space<semaphore_mem>>)
      %add3A_153 = arith.constant 256 : i32
      %add3A_154 = arith.addi %mul3A_56, %add3A_153 : i32
      %dma_start3A_155 = arith.constant 0 : i32
      %dma_start3A_156 = arith.constant 0 : i32
      %dma_start3A_157 = tpu.memref_slice %arg11[%dma_start3A_155, %dma_start3A_156] : memref<128x128xf32, #tpu.memory_space<vmem>> -> memref<128x128xf32, #tpu.memory_space<vmem>>
      %dma_start3A_158 = arith.constant 0 : i32
      %dma_start3A_159 = tpu.memref_slice %arg14[%add3A_154, %dma_start3A_158] : memref<10000x128xf32, #tpu.memory_space<vmem_shared>> -> memref<128x128xf32, #tpu.memory_space<vmem_shared>>
      %dma_start3A_160 = arith.constant 0 : i32
      %dma_start3A_161 = tpu.memref_slice %arg14[%add3A_154, %dma_start3A_160] : memref<10000x128xf32, #tpu.memory_space<vmem_shared>> -> memref<128x128xf32, #tpu.memory_space<vmem_shared>>
      %dma_start3A_162 = arith.constant 0 : i32
      %dma_start3A_163 = arith.constant 0 : i32
      %dma_start3A_164 = tpu.memref_slice %arg11[%dma_start3A_162, %dma_start3A_163] : memref<128x128xf32, #tpu.memory_space<vmem>> -> memref<128x128xf32, #tpu.memory_space<vmem>>
      tpu.enqueue_dma source(%dma_start3A_164 : memref<128x128xf32, #tpu.memory_space<vmem>>) target(%dma_start3A_161 : memref<128x128xf32, #tpu.memory_space<vmem_shared>>) target_semaphore(%arg15 : memref<!tpu.dma_semaphore, #tpu.memory_space<semaphore_mem>>)
      %add3A_165 = arith.constant 384 : i32
      %add3A_166 = arith.addi %mul3A_56, %add3A_165 : i32
      %dma_start3A_167 = arith.constant 0 : i32
      %dma_start3A_168 = arith.constant 0 : i32
      %dma_start3A_169 = tpu.memref_slice %arg11[%dma_start3A_167, %dma_start3A_168] : memref<128x128xf32, #tpu.memory_space<vmem>> -> memref<128x128xf32, #tpu.memory_space<vmem>>
      %dma_start3A_170 = arith.constant 0 : i32
      %dma_start3A_171 = tpu.memref_slice %arg14[%add3A_166, %dma_start3A_170] : memref<10000x128xf32, #tpu.memory_space<vmem_shared>> -> memref<128x128xf32, #tpu.memory_space<vmem_shared>>
      %dma_start3A_172 = arith.constant 0 : i32
      %dma_start3A_173 = tpu.memref_slice %arg14[%add3A_166, %dma_start3A_172] : memref<10000x128xf32, #tpu.memory_space<vmem_shared>> -> memref<128x128xf32, #tpu.memory_space<vmem_shared>>
      %dma_start3A_174 = arith.constant 0 : i32
      %dma_start3A_175 = arith.constant 0 : i32
      %dma_start3A_176 = tpu.memref_slice %arg11[%dma_start3A_174, %dma_start3A_175] : memref<128x128xf32, #tpu.memory_space<vmem>> -> memref<128x128xf32, #tpu.memory_space<vmem>>
      tpu.enqueue_dma source(%dma_start3A_176 : memref<128x128xf32, #tpu.memory_space<vmem>>) target(%dma_start3A_173 : memref<128x128xf32, #tpu.memory_space<vmem_shared>>) target_semaphore(%arg15 : memref<!tpu.dma_semaphore, #tpu.memory_space<semaphore_mem>>)
      %add3A_177 = arith.constant 512 : i32
      %add3A_178 = arith.addi %mul3A_56, %add3A_177 : i32
      %dma_start3A_179 = arith.constant 0 : i32
      %dma_start3A_180 = arith.constant 0 : i32
      %dma_start3A_181 = tpu.memref_slice %arg11[%dma_start3A_179, %dma_start3A_180] : memref<128x128xf32, #tpu.memory_space<vmem>> -> memref<128x128xf32, #tpu.memory_space<vmem>>
      %dma_start3A_182 = arith.constant 0 : i32
      %dma_start3A_183 = tpu.memref_slice %arg14[%add3A_178, %dma_start3A_182] : memref<10000x128xf32, #tpu.memory_space<vmem_shared>> -> memref<128x128xf32, #tpu.memory_space<vmem_shared>>
      %dma_start3A_184 = arith.constant 0 : i32
      %dma_start3A_185 = tpu.memref_slice %arg14[%add3A_178, %dma_start3A_184] : memref<10000x128xf32, #tpu.memory_space<vmem_shared>> -> memref<128x128xf32, #tpu.memory_space<vmem_shared>>
      %dma_start3A_186 = arith.constant 0 : i32
      %dma_start3A_187 = arith.constant 0 : i32
      %dma_start3A_188 = tpu.memref_slice %arg11[%dma_start3A_186, %dma_start3A_187] : memref<128x128xf32, #tpu.memory_space<vmem>> -> memref<128x128xf32, #tpu.memory_space<vmem>>
      tpu.enqueue_dma source(%dma_start3A_188 : memref<128x128xf32, #tpu.memory_space<vmem>>) target(%dma_start3A_185 : memref<128x128xf32, #tpu.memory_space<vmem_shared>>) target_semaphore(%arg15 : memref<!tpu.dma_semaphore, #tpu.memory_space<semaphore_mem>>)
      %dma_wait3A_189 = arith.constant 0 : i32
      %dma_wait3A_190 = arith.constant 0 : i32
      %dma_wait3A_191 = tpu.memref_slice %arg11[%dma_wait3A_189, %dma_wait3A_190] : memref<128x128xf32, #tpu.memory_space<vmem>> -> memref<128x128xf32, #tpu.memory_space<vmem>>
      %dma_wait3A_192 = arith.constant 0 : i32
      %dma_wait3A_193 = tpu.memref_slice %arg14[%mul3A_56, %dma_wait3A_192] : memref<10000x128xf32, #tpu.memory_space<vmem_shared>> -> memref<128x128xf32, #tpu.memory_space<vmem_shared>>
      %dma_wait3A_194 = arith.constant 0 : i32
      %dma_wait3A_195 = tpu.memref_slice %arg14[%mul3A_56, %dma_wait3A_194] : memref<10000x128xf32, #tpu.memory_space<vmem_shared>> -> memref<128x128xf32, #tpu.memory_space<vmem_shared>>
      %dma_wait3A_196 = arith.constant 0 : i32
      %dma_wait3A_197 = arith.constant 0 : i32
      %dma_wait3A_198 = tpu.memref_slice %arg11[%dma_wait3A_196, %dma_wait3A_197] : memref<128x128xf32, #tpu.memory_space<vmem>> -> memref<128x128xf32, #tpu.memory_space<vmem>>
      tpu.wait_dma2 semaphore(%arg15 : memref<!tpu.dma_semaphore, #tpu.memory_space<semaphore_mem>>) src(%dma_wait3A_198 : memref<128x128xf32, #tpu.memory_space<vmem>>) dst(%dma_wait3A_195 : memref<128x128xf32, #tpu.memory_space<vmem_shared>>)
      %dma_wait3A_199 = arith.constant 0 : i32
      %dma_wait3A_200 = arith.constant 0 : i32
      %dma_wait3A_201 = tpu.memref_slice %arg11[%dma_wait3A_199, %dma_wait3A_200] : memref<128x128xf32, #tpu.memory_space<vmem>> -> memref<128x128xf32, #tpu.memory_space<vmem>>
      %dma_wait3A_202 = arith.constant 0 : i32
      %dma_wait3A_203 = tpu.memref_slice %arg14[%mul3A_56, %dma_wait3A_202] : memref<10000x128xf32, #tpu.memory_space<vmem_shared>> -> memref<128x128xf32, #tpu.memory_space<vmem_shared>>
      %dma_wait3A_204 = arith.constant 0 : i32
      %dma_wait3A_205 = tpu.memref_slice %arg14[%mul3A_56, %dma_wait3A_204] : memref<10000x128xf32, #tpu.memory_space<vmem_shared>> -> memref<128x128xf32, #tpu.memory_space<vmem_shared>>
      %dma_wait3A_206 = arith.constant 0 : i32
      %dma_wait3A_207 = arith.constant 0 : i32
      %dma_wait3A_208 = tpu.memref_slice %arg11[%dma_wait3A_206, %dma_wait3A_207] : memref<128x128xf32, #tpu.memory_space<vmem>> -> memref<128x128xf32, #tpu.memory_space<vmem>>
      tpu.wait_dma2 semaphore(%arg15 : memref<!tpu.dma_semaphore, #tpu.memory_space<semaphore_mem>>) src(%dma_wait3A_208 : memref<128x128xf32, #tpu.memory_space<vmem>>) dst(%dma_wait3A_205 : memref<128x128xf32, #tpu.memory_space<vmem_shared>>)
      %dma_wait3A_209 = arith.constant 0 : i32
      %dma_wait3A_210 = arith.constant 0 : i32
      %dma_wait3A_211 = tpu.memref_slice %arg11[%dma_wait3A_209, %dma_wait3A_210] : memref<128x128xf32, #tpu.memory_space<vmem>> -> memref<128x128xf32, #tpu.memory_space<vmem>>
      %dma_wait3A_212 = arith.constant 0 : i32
      %dma_wait3A_213 = tpu.memref_slice %arg14[%mul3A_56, %dma_wait3A_212] : memref<10000x128xf32, #tpu.memory_space<vmem_shared>> -> memref<128x128xf32, #tpu.memory_space<vmem_shared>>
      %dma_wait3A_214 = arith.constant 0 : i32
      %dma_wait3A_215 = tpu.memref_slice %arg14[%mul3A_56, %dma_wait3A_214] : memref<10000x128xf32, #tpu.memory_space<vmem_shared>> -> memref<128x128xf32, #tpu.memory_space<vmem_shared>>
      %dma_wait3A_216 = arith.constant 0 : i32
      %dma_wait3A_217 = arith.constant 0 : i32
      %dma_wait3A_218 = tpu.memref_slice %arg11[%dma_wait3A_216, %dma_wait3A_217] : memref<128x128xf32, #tpu.memory_space<vmem>> -> memref<128x128xf32, #tpu.memory_space<vmem>>
      tpu.wait_dma2 semaphore(%arg15 : memref<!tpu.dma_semaphore, #tpu.memory_space<semaphore_mem>>) src(%dma_wait3A_218 : memref<128x128xf32, #tpu.memory_space<vmem>>) dst(%dma_wait3A_215 : memref<128x128xf32, #tpu.memory_space<vmem_shared>>)
      %dma_wait3A_219 = arith.constant 0 : i32
      %dma_wait3A_220 = arith.constant 0 : i32
      %dma_wait3A_221 = tpu.memref_slice %arg11[%dma_wait3A_219, %dma_wait3A_220] : memref<128x128xf32, #tpu.memory_space<vmem>> -> memref<128x128xf32, #tpu.memory_space<vmem>>
      %dma_wait3A_222 = arith.constant 0 : i32
      %dma_wait3A_223 = tpu.memref_slice %arg14[%mul3A_56, %dma_wait3A_222] : memref<10000x128xf32, #tpu.memory_space<vmem_shared>> -> memref<128x128xf32, #tpu.memory_space<vmem_shared>>
      %dma_wait3A_224 = arith.constant 0 : i32
      %dma_wait3A_225 = tpu.memref_slice %arg14[%mul3A_56, %dma_wait3A_224] : memref<10000x128xf32, #tpu.memory_space<vmem_shared>> -> memref<128x128xf32, #tpu.memory_space<vmem_shared>>
      %dma_wait3A_226 = arith.constant 0 : i32
      %dma_wait3A_227 = arith.constant 0 : i32
      %dma_wait3A_228 = tpu.memref_slice %arg11[%dma_wait3A_226, %dma_wait3A_227] : memref<128x128xf32, #tpu.memory_space<vmem>> -> memref<128x128xf32, #tpu.memory_space<vmem>>
      tpu.wait_dma2 semaphore(%arg15 : memref<!tpu.dma_semaphore, #tpu.memory_space<semaphore_mem>>) src(%dma_wait3A_228 : memref<128x128xf32, #tpu.memory_space<vmem>>) dst(%dma_wait3A_225 : memref<128x128xf32, #tpu.memory_space<vmem_shared>>)
      %dma_wait3A_229 = arith.constant 0 : i32
      %dma_wait3A_230 = arith.constant 0 : i32
      %dma_wait3A_231 = tpu.memref_slice %arg11[%dma_wait3A_229, %dma_wait3A_230] : memref<128x128xf32, #tpu.memory_space<vmem>> -> memref<128x128xf32, #tpu.memory_space<vmem>>
      %dma_wait3A_232 = arith.constant 0 : i32
      %dma_wait3A_233 = tpu.memref_slice %arg14[%mul3A_56, %dma_wait3A_232] : memref<10000x128xf32, #tpu.memory_space<vmem_shared>> -> memref<128x128xf32, #tpu.memory_space<vmem_shared>>
      %dma_wait3A_234 = arith.constant 0 : i32
      %dma_wait3A_235 = tpu.memref_slice %arg14[%mul3A_56, %dma_wait3A_234] : memref<10000x128xf32, #tpu.memory_space<vmem_shared>> -> memref<128x128xf32, #tpu.memory_space<vmem_shared>>
      %dma_wait3A_236 = arith.constant 0 : i32
      %dma_wait3A_237 = arith.constant 0 : i32
      %dma_wait3A_238 = tpu.memref_slice %arg11[%dma_wait3A_236, %dma_wait3A_237] : memref<128x128xf32, #tpu.memory_space<vmem>> -> memref<128x128xf32, #tpu.memory_space<vmem>>
      tpu.wait_dma2 semaphore(%arg15 : memref<!tpu.dma_semaphore, #tpu.memory_space<semaphore_mem>>) src(%dma_wait3A_238 : memref<128x128xf32, #tpu.memory_space<vmem>>) dst(%dma_wait3A_235 : memref<128x128xf32, #tpu.memory_space<vmem_shared>>)
    } else {
    }
    %add3A_63 = arith.constant 0 : i32
    %add3A_64 = arith.addi %mul3A_2, %add3A_63 : i32
    %mul3A_65 = arith.constant 128 : i32
    %mul3A_66 = arith.muli %add3A_64, %mul3A_65 : i32
    %dma_wait3A = arith.constant 0 : i32
    %dma_wait3A_67 = tpu.memref_slice %arg3[%dma_wait3A, %mul3A_66] : memref<2x320000xi32, #tpu.memory_space<hbm>> -> memref<2x128xi32, #tpu.memory_space<hbm>>
    %dma_wait3A_68 = arith.constant 0 : i32
    %dma_wait3A_69 = tpu.memref_slice %arg3[%dma_wait3A_68, %mul3A_66] : memref<2x320000xi32, #tpu.memory_space<hbm>> -> memref<2x128xi32, #tpu.memory_space<hbm>>
    tpu.wait_dma2 semaphore(%arg18 : memref<!tpu.dma_semaphore, #tpu.memory_space<semaphore_mem>>) src(%dma_wait3A_69 : memref<2x128xi32, #tpu.memory_space<hbm>>) dst(%arg5 : memref<2x128xi32, #tpu.memory_space<vmem>>)
    %dma_start3A_70 = arith.constant 0 : i32
    %dma_start3A_71 = arith.constant 0 : i32
    %dma_start3A_72 = tpu.memref_slice %arg5[%dma_start3A_70, %dma_start3A_71] : memref<2x128xi32, #tpu.memory_space<vmem>> -> memref<1x128xi32, #tpu.memory_space<vmem>>
    %dma_start3A_73 = tpu.memref_squeeze %dma_start3A_72 : memref<1x128xi32, #tpu.memory_space<vmem>> -> memref<128xi32, #tpu.memory_space<vmem>>
    %dma_start3A_74 = arith.constant 0 : i32
    %dma_start3A_75 = arith.constant 0 : i32
    %dma_start3A_76 = tpu.memref_slice %arg2[%dma_start3A_74, %dma_start3A_75] : memref<10000x128xf32, #tpu.memory_space<hbm>> -> memref<10000x128xf32, #tpu.memory_space<hbm>>
    tpu.enqueue_indirect_dma source(%dma_start3A_76 : memref<10000x128xf32, #tpu.memory_space<hbm>>) target(%arg11 : memref<128x128xf32, #tpu.memory_space<vmem>>) offsets(%dma_start3A_73 : memref<128xi32, #tpu.memory_space<vmem>>) semaphore(%arg15 : memref<!tpu.dma_semaphore, #tpu.memory_space<semaphore_mem>>)
    %add3A_77 = arith.constant 1 : i32
    %add3A_78 = arith.addi %mul3A_2, %add3A_77 : i32
    %mul3A_79 = arith.constant 128 : i32
    %mul3A_80 = arith.muli %add3A_78, %mul3A_79 : i32
    %dma_wait3A_81 = arith.constant 0 : i32
    %dma_wait3A_82 = tpu.memref_slice %arg3[%dma_wait3A_81, %mul3A_80] : memref<2x320000xi32, #tpu.memory_space<hbm>> -> memref<2x128xi32, #tpu.memory_space<hbm>>
    %dma_wait3A_83 = arith.constant 0 : i32
    %dma_wait3A_84 = tpu.memref_slice %arg3[%dma_wait3A_83, %mul3A_80] : memref<2x320000xi32, #tpu.memory_space<hbm>> -> memref<2x128xi32, #tpu.memory_space<hbm>>
    tpu.wait_dma2 semaphore(%arg19 : memref<!tpu.dma_semaphore, #tpu.memory_space<semaphore_mem>>) src(%dma_wait3A_84 : memref<2x128xi32, #tpu.memory_space<hbm>>) dst(%arg6 : memref<2x128xi32, #tpu.memory_space<vmem>>)
    %dma_start3A_85 = arith.constant 0 : i32
    %dma_start3A_86 = arith.constant 0 : i32
    %dma_start3A_87 = tpu.memref_slice %arg6[%dma_start3A_85, %dma_start3A_86] : memref<2x128xi32, #tpu.memory_space<vmem>> -> memref<1x128xi32, #tpu.memory_space<vmem>>
    %dma_start3A_88 = tpu.memref_squeeze %dma_start3A_87 : memref<1x128xi32, #tpu.memory_space<vmem>> -> memref<128xi32, #tpu.memory_space<vmem>>
    %dma_start3A_89 = arith.constant 0 : i32
    %dma_start3A_90 = arith.constant 0 : i32
    %dma_start3A_91 = tpu.memref_slice %arg2[%dma_start3A_89, %dma_start3A_90] : memref<10000x128xf32, #tpu.memory_space<hbm>> -> memref<10000x128xf32, #tpu.memory_space<hbm>>
    tpu.enqueue_indirect_dma source(%dma_start3A_91 : memref<10000x128xf32, #tpu.memory_space<hbm>>) target(%arg12 : memref<128x128xf32, #tpu.memory_space<vmem>>) offsets(%dma_start3A_88 : memref<128xi32, #tpu.memory_space<vmem>>) semaphore(%arg16 : memref<!tpu.dma_semaphore, #tpu.memory_space<semaphore_mem>>)
    %add3A_92 = arith.constant 2 : i32
    %add3A_93 = arith.addi %mul3A_2, %add3A_92 : i32
    %mul3A_94 = arith.constant 128 : i32
    %mul3A_95 = arith.muli %add3A_93, %mul3A_94 : i32
    %dma_wait3A_96 = arith.constant 0 : i32
    %dma_wait3A_97 = tpu.memref_slice %arg3[%dma_wait3A_96, %mul3A_95] : memref<2x320000xi32, #tpu.memory_space<hbm>> -> memref<2x128xi32, #tpu.memory_space<hbm>>
    %dma_wait3A_98 = arith.constant 0 : i32
    %dma_wait3A_99 = tpu.memref_slice %arg3[%dma_wait3A_98, %mul3A_95] : memref<2x320000xi32, #tpu.memory_space<hbm>> -> memref<2x128xi32, #tpu.memory_space<hbm>>
    tpu.wait_dma2 semaphore(%arg20 : memref<!tpu.dma_semaphore, #tpu.memory_space<semaphore_mem>>) src(%dma_wait3A_99 : memref<2x128xi32, #tpu.memory_space<hbm>>) dst(%arg7 : memref<2x128xi32, #tpu.memory_space<vmem>>)
    %dma_start3A_100 = arith.constant 0 : i32
    %dma_start3A_101 = arith.constant 0 : i32
    %dma_start3A_102 = tpu.memref_slice %arg7[%dma_start3A_100, %dma_start3A_101] : memref<2x128xi32, #tpu.memory_space<vmem>> -> memref<1x128xi32, #tpu.memory_space<vmem>>
    %dma_start3A_103 = tpu.memref_squeeze %dma_start3A_102 : memref<1x128xi32, #tpu.memory_space<vmem>> -> memref<128xi32, #tpu.memory_space<vmem>>
    %dma_start3A_104 = arith.constant 0 : i32
    %dma_start3A_105 = arith.constant 0 : i32
    %dma_start3A_106 = tpu.memref_slice %arg2[%dma_start3A_104, %dma_start3A_105] : memref<10000x128xf32, #tpu.memory_space<hbm>> -> memref<10000x128xf32, #tpu.memory_space<hbm>>
    tpu.enqueue_indirect_dma source(%dma_start3A_106 : memref<10000x128xf32, #tpu.memory_space<hbm>>) target(%arg13 : memref<128x128xf32, #tpu.memory_space<vmem>>) offsets(%dma_start3A_103 : memref<128xi32, #tpu.memory_space<vmem>>) semaphore(%arg17 : memref<!tpu.dma_semaphore, #tpu.memory_space<semaphore_mem>>)
    %barrier3A = arith.constant 0 : index
    tpu.barrier barrier_id(%barrier3A)
    %scan3A_107 = arith.constant 0 : i32
    %scan3A_108 = arith.constant 0 : i32
    %scan3A_109 = arith.constant 13 : i32
    %scan3A_110 = arith.addi %scan3A_108, %scan3A_109 : i32
    %scan3A_111 = arith.constant 1 : i32
    scf.for %scan3A_129 = %scan3A_108 to %scan3A_110 step %scan3A_111  : i32 {
      %mul3A_130 = arith.constant 6 : i32
      %mul3A_131 = arith.muli %scan3A_129, %mul3A_130 : i32
      %add3A_132 = arith.constant 0 : i32
      %add3A_133 = arith.addi %mul3A_131, %add3A_132 : i32
      %dma_wait3A_134 = arith.constant 0 : i32
      %dma_wait3A_135 = arith.constant 0 : i32
      %dma_wait3A_136 = tpu.memref_slice %arg5[%dma_wait3A_134, %dma_wait3A_135] : memref<2x128xi32, #tpu.memory_space<vmem>> -> memref<1x128xi32, #tpu.memory_space<vmem>>
      %dma_wait3A_137 = tpu.memref_squeeze %dma_wait3A_136 : memref<1x128xi32, #tpu.memory_space<vmem>> -> memref<128xi32, #tpu.memory_space<vmem>>
      %dma_wait3A_138 = arith.constant 0 : i32
      %dma_wait3A_139 = arith.constant 0 : i32
      %dma_wait3A_140 = tpu.memref_slice %arg2[%dma_wait3A_138, %dma_wait3A_139] : memref<10000x128xf32, #tpu.memory_space<hbm>> -> memref<10000x128xf32, #tpu.memory_space<hbm>>
      tpu.wait_indirect_dma semaphore(%arg15 : memref<!tpu.dma_semaphore, #tpu.memory_space<semaphore_mem>>) src(%dma_wait3A_140 : memref<10000x128xf32, #tpu.memory_space<hbm>>) dst(%arg11 : memref<128x128xf32, #tpu.memory_space<vmem>>)
      %run_scoped3A = arith.constant 1 : i32
      "tpu.region"() ({
        %run_scoped3A_275 = tpu.sem_alloc : memref<!tpu.dma_semaphore, #tpu.memory_space<semaphore_mem>>
        %dma_start3A_276 = arith.constant 0 : i32
        %dma_start3A_277 = tpu.memref_slice %arg5[%run_scoped3A, %dma_start3A_276] : memref<2x128xi32, #tpu.memory_space<vmem>> -> memref<1x128xi32, #tpu.memory_space<vmem>>
        %dma_start3A_278 = tpu.memref_squeeze %dma_start3A_277 : memref<1x128xi32, #tpu.memory_space<vmem>> -> memref<128xi32, #tpu.memory_space<vmem>>
        %dma_start3A_279 = arith.constant 0 : i32
        %dma_start3A_280 = arith.constant 0 : i32
        %dma_start3A_281 = tpu.memref_slice %arg14[%dma_start3A_279, %dma_start3A_280] : memref<10000x128xf32, #tpu.memory_space<vmem_shared>> -> memref<10000x128xf32, #tpu.memory_space<vmem_shared>>
        tpu.enqueue_indirect_dma source(%arg11 : memref<128x128xf32, #tpu.memory_space<vmem>>) target(%dma_start3A_281 : memref<10000x128xf32, #tpu.memory_space<vmem_shared>>) offsets(%dma_start3A_278 : memref<128xi32, #tpu.memory_space<vmem>>) semaphore(%run_scoped3A_275 : memref<!tpu.dma_semaphore, #tpu.memory_space<semaphore_mem>>) {add = true}
        %dma_wait3A_282 = arith.constant 0 : i32
        %dma_wait3A_283 = tpu.memref_slice %arg5[%run_scoped3A, %dma_wait3A_282] : memref<2x128xi32, #tpu.memory_space<vmem>> -> memref<1x128xi32, #tpu.memory_space<vmem>>
        %dma_wait3A_284 = tpu.memref_squeeze %dma_wait3A_283 : memref<1x128xi32, #tpu.memory_space<vmem>> -> memref<128xi32, #tpu.memory_space<vmem>>
        %dma_wait3A_285 = arith.constant 0 : i32
        %dma_wait3A_286 = arith.constant 0 : i32
        %dma_wait3A_287 = tpu.memref_slice %arg14[%dma_wait3A_285, %dma_wait3A_286] : memref<10000x128xf32, #tpu.memory_space<vmem_shared>> -> memref<10000x128xf32, #tpu.memory_space<vmem_shared>>
        tpu.wait_indirect_dma semaphore(%run_scoped3A_275 : memref<!tpu.dma_semaphore, #tpu.memory_space<semaphore_mem>>) src(%arg11 : memref<128x128xf32, #tpu.memory_space<vmem>>) dst(%dma_wait3A_287 : memref<10000x128xf32, #tpu.memory_space<vmem_shared>>)
        tpu.yield
      }) : () -> ()
      %add3A_141 = arith.constant 6 : i32
      %add3A_142 = arith.addi %add3A_133, %add3A_141 : i32
      %lt3A_143 = arith.constant 78 : i32
      %lt3A_144 = arith.cmpi slt, %add3A_142, %lt3A_143 : i32
      %convert_element_type3A_145 = arith.extui %lt3A_144 : i1 to i32
      %cond3A_146 = arith.constant 0 : i32
      %cond3A_147 = arith.cmpi ne, %convert_element_type3A_145, %cond3A_146 : i32
      scf.if %cond3A_147 {
        %add3A_275 = arith.constant 6 : i32
        %add3A_276 = arith.addi %add3A_133, %add3A_275 : i32
        %add3A_277 = arith.addi %mul3A_2, %add3A_276 : i32
        %mul3A_278 = arith.constant 128 : i32
        %mul3A_279 = arith.muli %add3A_277, %mul3A_278 : i32
        %dma_start3A_280 = arith.constant 0 : i32
        %dma_start3A_281 = tpu.memref_slice %arg3[%dma_start3A_280, %mul3A_279] : memref<2x320000xi32, #tpu.memory_space<hbm>> -> memref<2x128xi32, #tpu.memory_space<hbm>>
        %dma_start3A_282 = arith.constant 0 : i32
        %dma_start3A_283 = tpu.memref_slice %arg3[%dma_start3A_282, %mul3A_279] : memref<2x320000xi32, #tpu.memory_space<hbm>> -> memref<2x128xi32, #tpu.memory_space<hbm>>
        tpu.enqueue_dma source(%dma_start3A_283 : memref<2x128xi32, #tpu.memory_space<hbm>>) target(%arg5 : memref<2x128xi32, #tpu.memory_space<vmem>>) target_semaphore(%arg18 : memref<!tpu.dma_semaphore, #tpu.memory_space<semaphore_mem>>)
      } else {
      }
      %add3A_148 = arith.constant 3 : i32
      %add3A_149 = arith.addi %add3A_133, %add3A_148 : i32
      %lt3A_150 = arith.constant 78 : i32
      %lt3A_151 = arith.cmpi slt, %add3A_149, %lt3A_150 : i32
      %convert_element_type3A_152 = arith.extui %lt3A_151 : i1 to i32
      %cond3A_153 = arith.constant 0 : i32
      %cond3A_154 = arith.cmpi ne, %convert_element_type3A_152, %cond3A_153 : i32
      scf.if %cond3A_154 {
        %add3A_275 = arith.constant 3 : i32
        %add3A_276 = arith.addi %add3A_133, %add3A_275 : i32
        %add3A_277 = arith.addi %mul3A_2, %add3A_276 : i32
        %mul3A_278 = arith.constant 128 : i32
        %mul3A_279 = arith.muli %add3A_277, %mul3A_278 : i32
        %dma_wait3A_280 = arith.constant 0 : i32
        %dma_wait3A_281 = tpu.memref_slice %arg3[%dma_wait3A_280, %mul3A_279] : memref<2x320000xi32, #tpu.memory_space<hbm>> -> memref<2x128xi32, #tpu.memory_space<hbm>>
        %dma_wait3A_282 = arith.constant 0 : i32
        %dma_wait3A_283 = tpu.memref_slice %arg3[%dma_wait3A_282, %mul3A_279] : memref<2x320000xi32, #tpu.memory_space<hbm>> -> memref<2x128xi32, #tpu.memory_space<hbm>>
        tpu.wait_dma2 semaphore(%arg21 : memref<!tpu.dma_semaphore, #tpu.memory_space<semaphore_mem>>) src(%dma_wait3A_283 : memref<2x128xi32, #tpu.memory_space<hbm>>) dst(%arg8 : memref<2x128xi32, #tpu.memory_space<vmem>>)
        %dma_start3A_284 = arith.constant 0 : i32
        %dma_start3A_285 = arith.constant 0 : i32
        %dma_start3A_286 = tpu.memref_slice %arg8[%dma_start3A_284, %dma_start3A_285] : memref<2x128xi32, #tpu.memory_space<vmem>> -> memref<1x128xi32, #tpu.memory_space<vmem>>
        %dma_start3A_287 = tpu.memref_squeeze %dma_start3A_286 : memref<1x128xi32, #tpu.memory_space<vmem>> -> memref<128xi32, #tpu.memory_space<vmem>>
        %dma_start3A_288 = arith.constant 0 : i32
        %dma_start3A_289 = arith.constant 0 : i32
        %dma_start3A_290 = tpu.memref_slice %arg2[%dma_start3A_288, %dma_start3A_289] : memref<10000x128xf32, #tpu.memory_space<hbm>> -> memref<10000x128xf32, #tpu.memory_space<hbm>>
        tpu.enqueue_indirect_dma source(%dma_start3A_290 : memref<10000x128xf32, #tpu.memory_space<hbm>>) target(%arg11 : memref<128x128xf32, #tpu.memory_space<vmem>>) offsets(%dma_start3A_287 : memref<128xi32, #tpu.memory_space<vmem>>) semaphore(%arg15 : memref<!tpu.dma_semaphore, #tpu.memory_space<semaphore_mem>>)
      } else {
      }
      %add3A_155 = arith.constant 1 : i32
      %add3A_156 = arith.addi %mul3A_131, %add3A_155 : i32
      %dma_wait3A_157 = arith.constant 0 : i32
      %dma_wait3A_158 = arith.constant 0 : i32
      %dma_wait3A_159 = tpu.memref_slice %arg6[%dma_wait3A_157, %dma_wait3A_158] : memref<2x128xi32, #tpu.memory_space<vmem>> -> memref<1x128xi32, #tpu.memory_space<vmem>>
      %dma_wait3A_160 = tpu.memref_squeeze %dma_wait3A_159 : memref<1x128xi32, #tpu.memory_space<vmem>> -> memref<128xi32, #tpu.memory_space<vmem>>
      %dma_wait3A_161 = arith.constant 0 : i32
      %dma_wait3A_162 = arith.constant 0 : i32
      %dma_wait3A_163 = tpu.memref_slice %arg2[%dma_wait3A_161, %dma_wait3A_162] : memref<10000x128xf32, #tpu.memory_space<hbm>> -> memref<10000x128xf32, #tpu.memory_space<hbm>>
      tpu.wait_indirect_dma semaphore(%arg16 : memref<!tpu.dma_semaphore, #tpu.memory_space<semaphore_mem>>) src(%dma_wait3A_163 : memref<10000x128xf32, #tpu.memory_space<hbm>>) dst(%arg12 : memref<128x128xf32, #tpu.memory_space<vmem>>)
      %run_scoped3A_164 = arith.constant 1 : i32
      "tpu.region"() ({
        %run_scoped3A_275 = tpu.sem_alloc : memref<!tpu.dma_semaphore, #tpu.memory_space<semaphore_mem>>
        %dma_start3A_276 = arith.constant 0 : i32
        %dma_start3A_277 = tpu.memref_slice %arg6[%run_scoped3A_164, %dma_start3A_276] : memref<2x128xi32, #tpu.memory_space<vmem>> -> memref<1x128xi32, #tpu.memory_space<vmem>>
        %dma_start3A_278 = tpu.memref_squeeze %dma_start3A_277 : memref<1x128xi32, #tpu.memory_space<vmem>> -> memref<128xi32, #tpu.memory_space<vmem>>
        %dma_start3A_279 = arith.constant 0 : i32
        %dma_start3A_280 = arith.constant 0 : i32
        %dma_start3A_281 = tpu.memref_slice %arg14[%dma_start3A_279, %dma_start3A_280] : memref<10000x128xf32, #tpu.memory_space<vmem_shared>> -> memref<10000x128xf32, #tpu.memory_space<vmem_shared>>
        tpu.enqueue_indirect_dma source(%arg12 : memref<128x128xf32, #tpu.memory_space<vmem>>) target(%dma_start3A_281 : memref<10000x128xf32, #tpu.memory_space<vmem_shared>>) offsets(%dma_start3A_278 : memref<128xi32, #tpu.memory_space<vmem>>) semaphore(%run_scoped3A_275 : memref<!tpu.dma_semaphore, #tpu.memory_space<semaphore_mem>>) {add = true}
        %dma_wait3A_282 = arith.constant 0 : i32
        %dma_wait3A_283 = tpu.memref_slice %arg6[%run_scoped3A_164, %dma_wait3A_282] : memref<2x128xi32, #tpu.memory_space<vmem>> -> memref<1x128xi32, #tpu.memory_space<vmem>>
        %dma_wait3A_284 = tpu.memref_squeeze %dma_wait3A_283 : memref<1x128xi32, #tpu.memory_space<vmem>> -> memref<128xi32, #tpu.memory_space<vmem>>
        %dma_wait3A_285 = arith.constant 0 : i32
        %dma_wait3A_286 = arith.constant 0 : i32
        %dma_wait3A_287 = tpu.memref_slice %arg14[%dma_wait3A_285, %dma_wait3A_286] : memref<10000x128xf32, #tpu.memory_space<vmem_shared>> -> memref<10000x128xf32, #tpu.memory_space<vmem_shared>>
        tpu.wait_indirect_dma semaphore(%run_scoped3A_275 : memref<!tpu.dma_semaphore, #tpu.memory_space<semaphore_mem>>) src(%arg12 : memref<128x128xf32, #tpu.memory_space<vmem>>) dst(%dma_wait3A_287 : memref<10000x128xf32, #tpu.memory_space<vmem_shared>>)
        tpu.yield
      }) : () -> ()
      %add3A_165 = arith.constant 6 : i32
      %add3A_166 = arith.addi %add3A_156, %add3A_165 : i32
      %lt3A_167 = arith.constant 78 : i32
      %lt3A_168 = arith.cmpi slt, %add3A_166, %lt3A_167 : i32
      %convert_element_type3A_169 = arith.extui %lt3A_168 : i1 to i32
      %cond3A_170 = arith.constant 0 : i32
      %cond3A_171 = arith.cmpi ne, %convert_element_type3A_169, %cond3A_170 : i32
      scf.if %cond3A_171 {
        %add3A_275 = arith.constant 6 : i32
        %add3A_276 = arith.addi %add3A_156, %add3A_275 : i32
        %add3A_277 = arith.addi %mul3A_2, %add3A_276 : i32
        %mul3A_278 = arith.constant 128 : i32
        %mul3A_279 = arith.muli %add3A_277, %mul3A_278 : i32
        %dma_start3A_280 = arith.constant 0 : i32
        %dma_start3A_281 = tpu.memref_slice %arg3[%dma_start3A_280, %mul3A_279] : memref<2x320000xi32, #tpu.memory_space<hbm>> -> memref<2x128xi32, #tpu.memory_space<hbm>>
        %dma_start3A_282 = arith.constant 0 : i32
        %dma_start3A_283 = tpu.memref_slice %arg3[%dma_start3A_282, %mul3A_279] : memref<2x320000xi32, #tpu.memory_space<hbm>> -> memref<2x128xi32, #tpu.memory_space<hbm>>
        tpu.enqueue_dma source(%dma_start3A_283 : memref<2x128xi32, #tpu.memory_space<hbm>>) target(%arg6 : memref<2x128xi32, #tpu.memory_space<vmem>>) target_semaphore(%arg19 : memref<!tpu.dma_semaphore, #tpu.memory_space<semaphore_mem>>)
      } else {
      }
      %add3A_172 = arith.constant 3 : i32
      %add3A_173 = arith.addi %add3A_156, %add3A_172 : i32
      %lt3A_174 = arith.constant 78 : i32
      %lt3A_175 = arith.cmpi slt, %add3A_173, %lt3A_174 : i32
      %convert_element_type3A_176 = arith.extui %lt3A_175 : i1 to i32
      %cond3A_177 = arith.constant 0 : i32
      %cond3A_178 = arith.cmpi ne, %convert_element_type3A_176, %cond3A_177 : i32
      scf.if %cond3A_178 {
        %add3A_275 = arith.constant 3 : i32
        %add3A_276 = arith.addi %add3A_156, %add3A_275 : i32
        %add3A_277 = arith.addi %mul3A_2, %add3A_276 : i32
        %mul3A_278 = arith.constant 128 : i32
        %mul3A_279 = arith.muli %add3A_277, %mul3A_278 : i32
        %dma_wait3A_280 = arith.constant 0 : i32
        %dma_wait3A_281 = tpu.memref_slice %arg3[%dma_wait3A_280, %mul3A_279] : memref<2x320000xi32, #tpu.memory_space<hbm>> -> memref<2x128xi32, #tpu.memory_space<hbm>>
        %dma_wait3A_282 = arith.constant 0 : i32
        %dma_wait3A_283 = tpu.memref_slice %arg3[%dma_wait3A_282, %mul3A_279] : memref<2x320000xi32, #tpu.memory_space<hbm>> -> memref<2x128xi32, #tpu.memory_space<hbm>>
        tpu.wait_dma2 semaphore(%arg22 : memref<!tpu.dma_semaphore, #tpu.memory_space<semaphore_mem>>) src(%dma_wait3A_283 : memref<2x128xi32, #tpu.memory_space<hbm>>) dst(%arg9 : memref<2x128xi32, #tpu.memory_space<vmem>>)
        %dma_start3A_284 = arith.constant 0 : i32
        %dma_start3A_285 = arith.constant 0 : i32
        %dma_start3A_286 = tpu.memref_slice %arg9[%dma_start3A_284, %dma_start3A_285] : memref<2x128xi32, #tpu.memory_space<vmem>> -> memref<1x128xi32, #tpu.memory_space<vmem>>
        %dma_start3A_287 = tpu.memref_squeeze %dma_start3A_286 : memref<1x128xi32, #tpu.memory_space<vmem>> -> memref<128xi32, #tpu.memory_space<vmem>>
        %dma_start3A_288 = arith.constant 0 : i32
        %dma_start3A_289 = arith.constant 0 : i32
        %dma_start3A_290 = tpu.memref_slice %arg2[%dma_start3A_288, %dma_start3A_289] : memref<10000x128xf32, #tpu.memory_space<hbm>> -> memref<10000x128xf32, #tpu.memory_space<hbm>>
        tpu.enqueue_indirect_dma source(%dma_start3A_290 : memref<10000x128xf32, #tpu.memory_space<hbm>>) target(%arg12 : memref<128x128xf32, #tpu.memory_space<vmem>>) offsets(%dma_start3A_287 : memref<128xi32, #tpu.memory_space<vmem>>) semaphore(%arg16 : memref<!tpu.dma_semaphore, #tpu.memory_space<semaphore_mem>>)
      } else {
      }
      %add3A_179 = arith.constant 2 : i32
      %add3A_180 = arith.addi %mul3A_131, %add3A_179 : i32
      %dma_wait3A_181 = arith.constant 0 : i32
      %dma_wait3A_182 = arith.constant 0 : i32
      %dma_wait3A_183 = tpu.memref_slice %arg7[%dma_wait3A_181, %dma_wait3A_182] : memref<2x128xi32, #tpu.memory_space<vmem>> -> memref<1x128xi32, #tpu.memory_space<vmem>>
      %dma_wait3A_184 = tpu.memref_squeeze %dma_wait3A_183 : memref<1x128xi32, #tpu.memory_space<vmem>> -> memref<128xi32, #tpu.memory_space<vmem>>
      %dma_wait3A_185 = arith.constant 0 : i32
      %dma_wait3A_186 = arith.constant 0 : i32
      %dma_wait3A_187 = tpu.memref_slice %arg2[%dma_wait3A_185, %dma_wait3A_186] : memref<10000x128xf32, #tpu.memory_space<hbm>> -> memref<10000x128xf32, #tpu.memory_space<hbm>>
      tpu.wait_indirect_dma semaphore(%arg17 : memref<!tpu.dma_semaphore, #tpu.memory_space<semaphore_mem>>) src(%dma_wait3A_187 : memref<10000x128xf32, #tpu.memory_space<hbm>>) dst(%arg13 : memref<128x128xf32, #tpu.memory_space<vmem>>)
      %run_scoped3A_188 = arith.constant 1 : i32
      "tpu.region"() ({
        %run_scoped3A_275 = tpu.sem_alloc : memref<!tpu.dma_semaphore, #tpu.memory_space<semaphore_mem>>
        %dma_start3A_276 = arith.constant 0 : i32
        %dma_start3A_277 = tpu.memref_slice %arg7[%run_scoped3A_188, %dma_start3A_276] : memref<2x128xi32, #tpu.memory_space<vmem>> -> memref<1x128xi32, #tpu.memory_space<vmem>>
        %dma_start3A_278 = tpu.memref_squeeze %dma_start3A_277 : memref<1x128xi32, #tpu.memory_space<vmem>> -> memref<128xi32, #tpu.memory_space<vmem>>
        %dma_start3A_279 = arith.constant 0 : i32
        %dma_start3A_280 = arith.constant 0 : i32
        %dma_start3A_281 = tpu.memref_slice %arg14[%dma_start3A_279, %dma_start3A_280] : memref<10000x128xf32, #tpu.memory_space<vmem_shared>> -> memref<10000x128xf32, #tpu.memory_space<vmem_shared>>
        tpu.enqueue_indirect_dma source(%arg13 : memref<128x128xf32, #tpu.memory_space<vmem>>) target(%dma_start3A_281 : memref<10000x128xf32, #tpu.memory_space<vmem_shared>>) offsets(%dma_start3A_278 : memref<128xi32, #tpu.memory_space<vmem>>) semaphore(%run_scoped3A_275 : memref<!tpu.dma_semaphore, #tpu.memory_space<semaphore_mem>>) {add = true}
        %dma_wait3A_282 = arith.constant 0 : i32
        %dma_wait3A_283 = tpu.memref_slice %arg7[%run_scoped3A_188, %dma_wait3A_282] : memref<2x128xi32, #tpu.memory_space<vmem>> -> memref<1x128xi32, #tpu.memory_space<vmem>>
        %dma_wait3A_284 = tpu.memref_squeeze %dma_wait3A_283 : memref<1x128xi32, #tpu.memory_space<vmem>> -> memref<128xi32, #tpu.memory_space<vmem>>
        %dma_wait3A_285 = arith.constant 0 : i32
        %dma_wait3A_286 = arith.constant 0 : i32
        %dma_wait3A_287 = tpu.memref_slice %arg14[%dma_wait3A_285, %dma_wait3A_286] : memref<10000x128xf32, #tpu.memory_space<vmem_shared>> -> memref<10000x128xf32, #tpu.memory_space<vmem_shared>>
        tpu.wait_indirect_dma semaphore(%run_scoped3A_275 : memref<!tpu.dma_semaphore, #tpu.memory_space<semaphore_mem>>) src(%arg13 : memref<128x128xf32, #tpu.memory_space<vmem>>) dst(%dma_wait3A_287 : memref<10000x128xf32, #tpu.memory_space<vmem_shared>>)
        tpu.yield
      }) : () -> ()
      %add3A_189 = arith.constant 6 : i32
      %add3A_190 = arith.addi %add3A_180, %add3A_189 : i32
      %lt3A_191 = arith.constant 78 : i32
      %lt3A_192 = arith.cmpi slt, %add3A_190, %lt3A_191 : i32
      %convert_element_type3A_193 = arith.extui %lt3A_192 : i1 to i32
      %cond3A_194 = arith.constant 0 : i32
      %cond3A_195 = arith.cmpi ne, %convert_element_type3A_193, %cond3A_194 : i32
      scf.if %cond3A_195 {
        %add3A_275 = arith.constant 6 : i32
        %add3A_276 = arith.addi %add3A_180, %add3A_275 : i32
        %add3A_277 = arith.addi %mul3A_2, %add3A_276 : i32
        %mul3A_278 = arith.constant 128 : i32
        %mul3A_279 = arith.muli %add3A_277, %mul3A_278 : i32
        %dma_start3A_280 = arith.constant 0 : i32
        %dma_start3A_281 = tpu.memref_slice %arg3[%dma_start3A_280, %mul3A_279] : memref<2x320000xi32, #tpu.memory_space<hbm>> -> memref<2x128xi32, #tpu.memory_space<hbm>>
        %dma_start3A_282 = arith.constant 0 : i32
        %dma_start3A_283 = tpu.memref_slice %arg3[%dma_start3A_282, %mul3A_279] : memref<2x320000xi32, #tpu.memory_space<hbm>> -> memref<2x128xi32, #tpu.memory_space<hbm>>
        tpu.enqueue_dma source(%dma_start3A_283 : memref<2x128xi32, #tpu.memory_space<hbm>>) target(%arg7 : memref<2x128xi32, #tpu.memory_space<vmem>>) target_semaphore(%arg20 : memref<!tpu.dma_semaphore, #tpu.memory_space<semaphore_mem>>)
      } else {
      }
      %add3A_196 = arith.constant 3 : i32
      %add3A_197 = arith.addi %add3A_180, %add3A_196 : i32
      %lt3A_198 = arith.constant 78 : i32
      %lt3A_199 = arith.cmpi slt, %add3A_197, %lt3A_198 : i32
      %convert_element_type3A_200 = arith.extui %lt3A_199 : i1 to i32
      %cond3A_201 = arith.constant 0 : i32
      %cond3A_202 = arith.cmpi ne, %convert_element_type3A_200, %cond3A_201 : i32
      scf.if %cond3A_202 {
        %add3A_275 = arith.constant 3 : i32
        %add3A_276 = arith.addi %add3A_180, %add3A_275 : i32
        %add3A_277 = arith.addi %mul3A_2, %add3A_276 : i32
        %mul3A_278 = arith.constant 128 : i32
        %mul3A_279 = arith.muli %add3A_277, %mul3A_278 : i32
        %dma_wait3A_280 = arith.constant 0 : i32
        %dma_wait3A_281 = tpu.memref_slice %arg3[%dma_wait3A_280, %mul3A_279] : memref<2x320000xi32, #tpu.memory_space<hbm>> -> memref<2x128xi32, #tpu.memory_space<hbm>>
        %dma_wait3A_282 = arith.constant 0 : i32
        %dma_wait3A_283 = tpu.memref_slice %arg3[%dma_wait3A_282, %mul3A_279] : memref<2x320000xi32, #tpu.memory_space<hbm>> -> memref<2x128xi32, #tpu.memory_space<hbm>>
        tpu.wait_dma2 semaphore(%arg23 : memref<!tpu.dma_semaphore, #tpu.memory_space<semaphore_mem>>) src(%dma_wait3A_283 : memref<2x128xi32, #tpu.memory_space<hbm>>) dst(%arg10 : memref<2x128xi32, #tpu.memory_space<vmem>>)
        %dma_start3A_284 = arith.constant 0 : i32
        %dma_start3A_285 = arith.constant 0 : i32
        %dma_start3A_286 = tpu.memref_slice %arg10[%dma_start3A_284, %dma_start3A_285] : memref<2x128xi32, #tpu.memory_space<vmem>> -> memref<1x128xi32, #tpu.memory_space<vmem>>
        %dma_start3A_287 = tpu.memref_squeeze %dma_start3A_286 : memref<1x128xi32, #tpu.memory_space<vmem>> -> memref<128xi32, #tpu.memory_space<vmem>>
        %dma_start3A_288 = arith.constant 0 : i32
        %dma_start3A_289 = arith.constant 0 : i32
        %dma_start3A_290 = tpu.memref_slice %arg2[%dma_start3A_288, %dma_start3A_289] : memref<10000x128xf32, #tpu.memory_space<hbm>> -> memref<10000x128xf32, #tpu.memory_space<hbm>>
        tpu.enqueue_indirect_dma source(%dma_start3A_290 : memref<10000x128xf32, #tpu.memory_space<hbm>>) target(%arg13 : memref<128x128xf32, #tpu.memory_space<vmem>>) offsets(%dma_start3A_287 : memref<128xi32, #tpu.memory_space<vmem>>) semaphore(%arg17 : memref<!tpu.dma_semaphore, #tpu.memory_space<semaphore_mem>>)
      } else {
      }
      %add3A_203 = arith.constant 3 : i32
      %add3A_204 = arith.addi %mul3A_131, %add3A_203 : i32
      %dma_wait3A_205 = arith.constant 0 : i32
      %dma_wait3A_206 = arith.constant 0 : i32
      %dma_wait3A_207 = tpu.memref_slice %arg8[%dma_wait3A_205, %dma_wait3A_206] : memref<2x128xi32, #tpu.memory_space<vmem>> -> memref<1x128xi32, #tpu.memory_space<vmem>>
      %dma_wait3A_208 = tpu.memref_squeeze %dma_wait3A_207 : memref<1x128xi32, #tpu.memory_space<vmem>> -> memref<128xi32, #tpu.memory_space<vmem>>
      %dma_wait3A_209 = arith.constant 0 : i32
      %dma_wait3A_210 = arith.constant 0 : i32
      %dma_wait3A_211 = tpu.memref_slice %arg2[%dma_wait3A_209, %dma_wait3A_210] : memref<10000x128xf32, #tpu.memory_space<hbm>> -> memref<10000x128xf32, #tpu.memory_space<hbm>>
      tpu.wait_indirect_dma semaphore(%arg15 : memref<!tpu.dma_semaphore, #tpu.memory_space<semaphore_mem>>) src(%dma_wait3A_211 : memref<10000x128xf32, #tpu.memory_space<hbm>>) dst(%arg11 : memref<128x128xf32, #tpu.memory_space<vmem>>)
      %run_scoped3A_212 = arith.constant 1 : i32
      "tpu.region"() ({
        %run_scoped3A_275 = tpu.sem_alloc : memref<!tpu.dma_semaphore, #tpu.memory_space<semaphore_mem>>
        %dma_start3A_276 = arith.constant 0 : i32
        %dma_start3A_277 = tpu.memref_slice %arg8[%run_scoped3A_212, %dma_start3A_276] : memref<2x128xi32, #tpu.memory_space<vmem>> -> memref<1x128xi32, #tpu.memory_space<vmem>>
        %dma_start3A_278 = tpu.memref_squeeze %dma_start3A_277 : memref<1x128xi32, #tpu.memory_space<vmem>> -> memref<128xi32, #tpu.memory_space<vmem>>
        %dma_start3A_279 = arith.constant 0 : i32
        %dma_start3A_280 = arith.constant 0 : i32
        %dma_start3A_281 = tpu.memref_slice %arg14[%dma_start3A_279, %dma_start3A_280] : memref<10000x128xf32, #tpu.memory_space<vmem_shared>> -> memref<10000x128xf32, #tpu.memory_space<vmem_shared>>
        tpu.enqueue_indirect_dma source(%arg11 : memref<128x128xf32, #tpu.memory_space<vmem>>) target(%dma_start3A_281 : memref<10000x128xf32, #tpu.memory_space<vmem_shared>>) offsets(%dma_start3A_278 : memref<128xi32, #tpu.memory_space<vmem>>) semaphore(%run_scoped3A_275 : memref<!tpu.dma_semaphore, #tpu.memory_space<semaphore_mem>>) {add = true}
        %dma_wait3A_282 = arith.constant 0 : i32
        %dma_wait3A_283 = tpu.memref_slice %arg8[%run_scoped3A_212, %dma_wait3A_282] : memref<2x128xi32, #tpu.memory_space<vmem>> -> memref<1x128xi32, #tpu.memory_space<vmem>>
        %dma_wait3A_284 = tpu.memref_squeeze %dma_wait3A_283 : memref<1x128xi32, #tpu.memory_space<vmem>> -> memref<128xi32, #tpu.memory_space<vmem>>
        %dma_wait3A_285 = arith.constant 0 : i32
        %dma_wait3A_286 = arith.constant 0 : i32
        %dma_wait3A_287 = tpu.memref_slice %arg14[%dma_wait3A_285, %dma_wait3A_286] : memref<10000x128xf32, #tpu.memory_space<vmem_shared>> -> memref<10000x128xf32, #tpu.memory_space<vmem_shared>>
        tpu.wait_indirect_dma semaphore(%run_scoped3A_275 : memref<!tpu.dma_semaphore, #tpu.memory_space<semaphore_mem>>) src(%arg11 : memref<128x128xf32, #tpu.memory_space<vmem>>) dst(%dma_wait3A_287 : memref<10000x128xf32, #tpu.memory_space<vmem_shared>>)
        tpu.yield
      }) : () -> ()
      %add3A_213 = arith.constant 6 : i32
      %add3A_214 = arith.addi %add3A_204, %add3A_213 : i32
      %lt3A_215 = arith.constant 78 : i32
      %lt3A_216 = arith.cmpi slt, %add3A_214, %lt3A_215 : i32
      %convert_element_type3A_217 = arith.extui %lt3A_216 : i1 to i32
      %cond3A_218 = arith.constant 0 : i32
      %cond3A_219 = arith.cmpi ne, %convert_element_type3A_217, %cond3A_218 : i32
      scf.if %cond3A_219 {
        %add3A_275 = arith.constant 6 : i32
        %add3A_276 = arith.addi %add3A_204, %add3A_275 : i32
        %add3A_277 = arith.addi %mul3A_2, %add3A_276 : i32
        %mul3A_278 = arith.constant 128 : i32
        %mul3A_279 = arith.muli %add3A_277, %mul3A_278 : i32
        %dma_start3A_280 = arith.constant 0 : i32
        %dma_start3A_281 = tpu.memref_slice %arg3[%dma_start3A_280, %mul3A_279] : memref<2x320000xi32, #tpu.memory_space<hbm>> -> memref<2x128xi32, #tpu.memory_space<hbm>>
        %dma_start3A_282 = arith.constant 0 : i32
        %dma_start3A_283 = tpu.memref_slice %arg3[%dma_start3A_282, %mul3A_279] : memref<2x320000xi32, #tpu.memory_space<hbm>> -> memref<2x128xi32, #tpu.memory_space<hbm>>
        tpu.enqueue_dma source(%dma_start3A_283 : memref<2x128xi32, #tpu.memory_space<hbm>>) target(%arg8 : memref<2x128xi32, #tpu.memory_space<vmem>>) target_semaphore(%arg21 : memref<!tpu.dma_semaphore, #tpu.memory_space<semaphore_mem>>)
      } else {
      }
      %add3A_220 = arith.constant 3 : i32
      %add3A_221 = arith.addi %add3A_204, %add3A_220 : i32
      %lt3A_222 = arith.constant 78 : i32
      %lt3A_223 = arith.cmpi slt, %add3A_221, %lt3A_222 : i32
      %convert_element_type3A_224 = arith.extui %lt3A_223 : i1 to i32
      %cond3A_225 = arith.constant 0 : i32
      %cond3A_226 = arith.cmpi ne, %convert_element_type3A_224, %cond3A_225 : i32
      scf.if %cond3A_226 {
        %add3A_275 = arith.constant 3 : i32
        %add3A_276 = arith.addi %add3A_204, %add3A_275 : i32
        %add3A_277 = arith.addi %mul3A_2, %add3A_276 : i32
        %mul3A_278 = arith.constant 128 : i32
        %mul3A_279 = arith.muli %add3A_277, %mul3A_278 : i32
        %dma_wait3A_280 = arith.constant 0 : i32
        %dma_wait3A_281 = tpu.memref_slice %arg3[%dma_wait3A_280, %mul3A_279] : memref<2x320000xi32, #tpu.memory_space<hbm>> -> memref<2x128xi32, #tpu.memory_space<hbm>>
        %dma_wait3A_282 = arith.constant 0 : i32
        %dma_wait3A_283 = tpu.memref_slice %arg3[%dma_wait3A_282, %mul3A_279] : memref<2x320000xi32, #tpu.memory_space<hbm>> -> memref<2x128xi32, #tpu.memory_space<hbm>>
        tpu.wait_dma2 semaphore(%arg18 : memref<!tpu.dma_semaphore, #tpu.memory_space<semaphore_mem>>) src(%dma_wait3A_283 : memref<2x128xi32, #tpu.memory_space<hbm>>) dst(%arg5 : memref<2x128xi32, #tpu.memory_space<vmem>>)
        %dma_start3A_284 = arith.constant 0 : i32
        %dma_start3A_285 = arith.constant 0 : i32
        %dma_start3A_286 = tpu.memref_slice %arg5[%dma_start3A_284, %dma_start3A_285] : memref<2x128xi32, #tpu.memory_space<vmem>> -> memref<1x128xi32, #tpu.memory_space<vmem>>
        %dma_start3A_287 = tpu.memref_squeeze %dma_start3A_286 : memref<1x128xi32, #tpu.memory_space<vmem>> -> memref<128xi32, #tpu.memory_space<vmem>>
        %dma_start3A_288 = arith.constant 0 : i32
        %dma_start3A_289 = arith.constant 0 : i32
        %dma_start3A_290 = tpu.memref_slice %arg2[%dma_start3A_288, %dma_start3A_289] : memref<10000x128xf32, #tpu.memory_space<hbm>> -> memref<10000x128xf32, #tpu.memory_space<hbm>>
        tpu.enqueue_indirect_dma source(%dma_start3A_290 : memref<10000x128xf32, #tpu.memory_space<hbm>>) target(%arg11 : memref<128x128xf32, #tpu.memory_space<vmem>>) offsets(%dma_start3A_287 : memref<128xi32, #tpu.memory_space<vmem>>) semaphore(%arg15 : memref<!tpu.dma_semaphore, #tpu.memory_space<semaphore_mem>>)
      } else {
      }
      %add3A_227 = arith.constant 4 : i32
      %add3A_228 = arith.addi %mul3A_131, %add3A_227 : i32
      %dma_wait3A_229 = arith.constant 0 : i32
      %dma_wait3A_230 = arith.constant 0 : i32
      %dma_wait3A_231 = tpu.memref_slice %arg9[%dma_wait3A_229, %dma_wait3A_230] : memref<2x128xi32, #tpu.memory_space<vmem>> -> memref<1x128xi32, #tpu.memory_space<vmem>>
      %dma_wait3A_232 = tpu.memref_squeeze %dma_wait3A_231 : memref<1x128xi32, #tpu.memory_space<vmem>> -> memref<128xi32, #tpu.memory_space<vmem>>
      %dma_wait3A_233 = arith.constant 0 : i32
      %dma_wait3A_234 = arith.constant 0 : i32
      %dma_wait3A_235 = tpu.memref_slice %arg2[%dma_wait3A_233, %dma_wait3A_234] : memref<10000x128xf32, #tpu.memory_space<hbm>> -> memref<10000x128xf32, #tpu.memory_space<hbm>>
      tpu.wait_indirect_dma semaphore(%arg16 : memref<!tpu.dma_semaphore, #tpu.memory_space<semaphore_mem>>) src(%dma_wait3A_235 : memref<10000x128xf32, #tpu.memory_space<hbm>>) dst(%arg12 : memref<128x128xf32, #tpu.memory_space<vmem>>)
      %run_scoped3A_236 = arith.constant 1 : i32
      "tpu.region"() ({
        %run_scoped3A_275 = tpu.sem_alloc : memref<!tpu.dma_semaphore, #tpu.memory_space<semaphore_mem>>
        %dma_start3A_276 = arith.constant 0 : i32
        %dma_start3A_277 = tpu.memref_slice %arg9[%run_scoped3A_236, %dma_start3A_276] : memref<2x128xi32, #tpu.memory_space<vmem>> -> memref<1x128xi32, #tpu.memory_space<vmem>>
        %dma_start3A_278 = tpu.memref_squeeze %dma_start3A_277 : memref<1x128xi32, #tpu.memory_space<vmem>> -> memref<128xi32, #tpu.memory_space<vmem>>
        %dma_start3A_279 = arith.constant 0 : i32
        %dma_start3A_280 = arith.constant 0 : i32
        %dma_start3A_281 = tpu.memref_slice %arg14[%dma_start3A_279, %dma_start3A_280] : memref<10000x128xf32, #tpu.memory_space<vmem_shared>> -> memref<10000x128xf32, #tpu.memory_space<vmem_shared>>
        tpu.enqueue_indirect_dma source(%arg12 : memref<128x128xf32, #tpu.memory_space<vmem>>) target(%dma_start3A_281 : memref<10000x128xf32, #tpu.memory_space<vmem_shared>>) offsets(%dma_start3A_278 : memref<128xi32, #tpu.memory_space<vmem>>) semaphore(%run_scoped3A_275 : memref<!tpu.dma_semaphore, #tpu.memory_space<semaphore_mem>>) {add = true}
        %dma_wait3A_282 = arith.constant 0 : i32
        %dma_wait3A_283 = tpu.memref_slice %arg9[%run_scoped3A_236, %dma_wait3A_282] : memref<2x128xi32, #tpu.memory_space<vmem>> -> memref<1x128xi32, #tpu.memory_space<vmem>>
        %dma_wait3A_284 = tpu.memref_squeeze %dma_wait3A_283 : memref<1x128xi32, #tpu.memory_space<vmem>> -> memref<128xi32, #tpu.memory_space<vmem>>
        %dma_wait3A_285 = arith.constant 0 : i32
        %dma_wait3A_286 = arith.constant 0 : i32
        %dma_wait3A_287 = tpu.memref_slice %arg14[%dma_wait3A_285, %dma_wait3A_286] : memref<10000x128xf32, #tpu.memory_space<vmem_shared>> -> memref<10000x128xf32, #tpu.memory_space<vmem_shared>>
        tpu.wait_indirect_dma semaphore(%run_scoped3A_275 : memref<!tpu.dma_semaphore, #tpu.memory_space<semaphore_mem>>) src(%arg12 : memref<128x128xf32, #tpu.memory_space<vmem>>) dst(%dma_wait3A_287 : memref<10000x128xf32, #tpu.memory_space<vmem_shared>>)
        tpu.yield
      }) : () -> ()
      %add3A_237 = arith.constant 6 : i32
      %add3A_238 = arith.addi %add3A_228, %add3A_237 : i32
      %lt3A_239 = arith.constant 78 : i32
      %lt3A_240 = arith.cmpi slt, %add3A_238, %lt3A_239 : i32
      %convert_element_type3A_241 = arith.extui %lt3A_240 : i1 to i32
      %cond3A_242 = arith.constant 0 : i32
      %cond3A_243 = arith.cmpi ne, %convert_element_type3A_241, %cond3A_242 : i32
      scf.if %cond3A_243 {
        %add3A_275 = arith.constant 6 : i32
        %add3A_276 = arith.addi %add3A_228, %add3A_275 : i32
        %add3A_277 = arith.addi %mul3A_2, %add3A_276 : i32
        %mul3A_278 = arith.constant 128 : i32
        %mul3A_279 = arith.muli %add3A_277, %mul3A_278 : i32
        %dma_start3A_280 = arith.constant 0 : i32
        %dma_start3A_281 = tpu.memref_slice %arg3[%dma_start3A_280, %mul3A_279] : memref<2x320000xi32, #tpu.memory_space<hbm>> -> memref<2x128xi32, #tpu.memory_space<hbm>>
        %dma_start3A_282 = arith.constant 0 : i32
        %dma_start3A_283 = tpu.memref_slice %arg3[%dma_start3A_282, %mul3A_279] : memref<2x320000xi32, #tpu.memory_space<hbm>> -> memref<2x128xi32, #tpu.memory_space<hbm>>
        tpu.enqueue_dma source(%dma_start3A_283 : memref<2x128xi32, #tpu.memory_space<hbm>>) target(%arg9 : memref<2x128xi32, #tpu.memory_space<vmem>>) target_semaphore(%arg22 : memref<!tpu.dma_semaphore, #tpu.memory_space<semaphore_mem>>)
      } else {
      }
      %add3A_244 = arith.constant 3 : i32
      %add3A_245 = arith.addi %add3A_228, %add3A_244 : i32
      %lt3A_246 = arith.constant 78 : i32
      %lt3A_247 = arith.cmpi slt, %add3A_245, %lt3A_246 : i32
      %convert_element_type3A_248 = arith.extui %lt3A_247 : i1 to i32
      %cond3A_249 = arith.constant 0 : i32
      %cond3A_250 = arith.cmpi ne, %convert_element_type3A_248, %cond3A_249 : i32
      scf.if %cond3A_250 {
        %add3A_275 = arith.constant 3 : i32
        %add3A_276 = arith.addi %add3A_228, %add3A_275 : i32
        %add3A_277 = arith.addi %mul3A_2, %add3A_276 : i32
        %mul3A_278 = arith.constant 128 : i32
        %mul3A_279 = arith.muli %add3A_277, %mul3A_278 : i32
        %dma_wait3A_280 = arith.constant 0 : i32
        %dma_wait3A_281 = tpu.memref_slice %arg3[%dma_wait3A_280, %mul3A_279] : memref<2x320000xi32, #tpu.memory_space<hbm>> -> memref<2x128xi32, #tpu.memory_space<hbm>>
        %dma_wait3A_282 = arith.constant 0 : i32
        %dma_wait3A_283 = tpu.memref_slice %arg3[%dma_wait3A_282, %mul3A_279] : memref<2x320000xi32, #tpu.memory_space<hbm>> -> memref<2x128xi32, #tpu.memory_space<hbm>>
        tpu.wait_dma2 semaphore(%arg19 : memref<!tpu.dma_semaphore, #tpu.memory_space<semaphore_mem>>) src(%dma_wait3A_283 : memref<2x128xi32, #tpu.memory_space<hbm>>) dst(%arg6 : memref<2x128xi32, #tpu.memory_space<vmem>>)
        %dma_start3A_284 = arith.constant 0 : i32
        %dma_start3A_285 = arith.constant 0 : i32
        %dma_start3A_286 = tpu.memref_slice %arg6[%dma_start3A_284, %dma_start3A_285] : memref<2x128xi32, #tpu.memory_space<vmem>> -> memref<1x128xi32, #tpu.memory_space<vmem>>
        %dma_start3A_287 = tpu.memref_squeeze %dma_start3A_286 : memref<1x128xi32, #tpu.memory_space<vmem>> -> memref<128xi32, #tpu.memory_space<vmem>>
        %dma_start3A_288 = arith.constant 0 : i32
        %dma_start3A_289 = arith.constant 0 : i32
        %dma_start3A_290 = tpu.memref_slice %arg2[%dma_start3A_288, %dma_start3A_289] : memref<10000x128xf32, #tpu.memory_space<hbm>> -> memref<10000x128xf32, #tpu.memory_space<hbm>>
        tpu.enqueue_indirect_dma source(%dma_start3A_290 : memref<10000x128xf32, #tpu.memory_space<hbm>>) target(%arg12 : memref<128x128xf32, #tpu.memory_space<vmem>>) offsets(%dma_start3A_287 : memref<128xi32, #tpu.memory_space<vmem>>) semaphore(%arg16 : memref<!tpu.dma_semaphore, #tpu.memory_space<semaphore_mem>>)
      } else {
      }
      %add3A_251 = arith.constant 5 : i32
      %add3A_252 = arith.addi %mul3A_131, %add3A_251 : i32
      %dma_wait3A_253 = arith.constant 0 : i32
      %dma_wait3A_254 = arith.constant 0 : i32
      %dma_wait3A_255 = tpu.memref_slice %arg10[%dma_wait3A_253, %dma_wait3A_254] : memref<2x128xi32, #tpu.memory_space<vmem>> -> memref<1x128xi32, #tpu.memory_space<vmem>>
      %dma_wait3A_256 = tpu.memref_squeeze %dma_wait3A_255 : memref<1x128xi32, #tpu.memory_space<vmem>> -> memref<128xi32, #tpu.memory_space<vmem>>
      %dma_wait3A_257 = arith.constant 0 : i32
      %dma_wait3A_258 = arith.constant 0 : i32
      %dma_wait3A_259 = tpu.memref_slice %arg2[%dma_wait3A_257, %dma_wait3A_258] : memref<10000x128xf32, #tpu.memory_space<hbm>> -> memref<10000x128xf32, #tpu.memory_space<hbm>>
      tpu.wait_indirect_dma semaphore(%arg17 : memref<!tpu.dma_semaphore, #tpu.memory_space<semaphore_mem>>) src(%dma_wait3A_259 : memref<10000x128xf32, #tpu.memory_space<hbm>>) dst(%arg13 : memref<128x128xf32, #tpu.memory_space<vmem>>)
      %run_scoped3A_260 = arith.constant 1 : i32
      "tpu.region"() ({
        %run_scoped3A_275 = tpu.sem_alloc : memref<!tpu.dma_semaphore, #tpu.memory_space<semaphore_mem>>
        %dma_start3A_276 = arith.constant 0 : i32
        %dma_start3A_277 = tpu.memref_slice %arg10[%run_scoped3A_260, %dma_start3A_276] : memref<2x128xi32, #tpu.memory_space<vmem>> -> memref<1x128xi32, #tpu.memory_space<vmem>>
        %dma_start3A_278 = tpu.memref_squeeze %dma_start3A_277 : memref<1x128xi32, #tpu.memory_space<vmem>> -> memref<128xi32, #tpu.memory_space<vmem>>
        %dma_start3A_279 = arith.constant 0 : i32
        %dma_start3A_280 = arith.constant 0 : i32
        %dma_start3A_281 = tpu.memref_slice %arg14[%dma_start3A_279, %dma_start3A_280] : memref<10000x128xf32, #tpu.memory_space<vmem_shared>> -> memref<10000x128xf32, #tpu.memory_space<vmem_shared>>
        tpu.enqueue_indirect_dma source(%arg13 : memref<128x128xf32, #tpu.memory_space<vmem>>) target(%dma_start3A_281 : memref<10000x128xf32, #tpu.memory_space<vmem_shared>>) offsets(%dma_start3A_278 : memref<128xi32, #tpu.memory_space<vmem>>) semaphore(%run_scoped3A_275 : memref<!tpu.dma_semaphore, #tpu.memory_space<semaphore_mem>>) {add = true}
        %dma_wait3A_282 = arith.constant 0 : i32
        %dma_wait3A_283 = tpu.memref_slice %arg10[%run_scoped3A_260, %dma_wait3A_282] : memref<2x128xi32, #tpu.memory_space<vmem>> -> memref<1x128xi32, #tpu.memory_space<vmem>>
        %dma_wait3A_284 = tpu.memref_squeeze %dma_wait3A_283 : memref<1x128xi32, #tpu.memory_space<vmem>> -> memref<128xi32, #tpu.memory_space<vmem>>
        %dma_wait3A_285 = arith.constant 0 : i32
        %dma_wait3A_286 = arith.constant 0 : i32
        %dma_wait3A_287 = tpu.memref_slice %arg14[%dma_wait3A_285, %dma_wait3A_286] : memref<10000x128xf32, #tpu.memory_space<vmem_shared>> -> memref<10000x128xf32, #tpu.memory_space<vmem_shared>>
        tpu.wait_indirect_dma semaphore(%run_scoped3A_275 : memref<!tpu.dma_semaphore, #tpu.memory_space<semaphore_mem>>) src(%arg13 : memref<128x128xf32, #tpu.memory_space<vmem>>) dst(%dma_wait3A_287 : memref<10000x128xf32, #tpu.memory_space<vmem_shared>>)
        tpu.yield
      }) : () -> ()
      %add3A_261 = arith.constant 6 : i32
      %add3A_262 = arith.addi %add3A_252, %add3A_261 : i32
      %lt3A_263 = arith.constant 78 : i32
      %lt3A_264 = arith.cmpi slt, %add3A_262, %lt3A_263 : i32
      %convert_element_type3A_265 = arith.extui %lt3A_264 : i1 to i32
      %cond3A_266 = arith.constant 0 : i32
      %cond3A_267 = arith.cmpi ne, %convert_element_type3A_265, %cond3A_266 : i32
      scf.if %cond3A_267 {
        %add3A_275 = arith.constant 6 : i32
        %add3A_276 = arith.addi %add3A_252, %add3A_275 : i32
        %add3A_277 = arith.addi %mul3A_2, %add3A_276 : i32
        %mul3A_278 = arith.constant 128 : i32
        %mul3A_279 = arith.muli %add3A_277, %mul3A_278 : i32
        %dma_start3A_280 = arith.constant 0 : i32
        %dma_start3A_281 = tpu.memref_slice %arg3[%dma_start3A_280, %mul3A_279] : memref<2x320000xi32, #tpu.memory_space<hbm>> -> memref<2x128xi32, #tpu.memory_space<hbm>>
        %dma_start3A_282 = arith.constant 0 : i32
        %dma_start3A_283 = tpu.memref_slice %arg3[%dma_start3A_282, %mul3A_279] : memref<2x320000xi32, #tpu.memory_space<hbm>> -> memref<2x128xi32, #tpu.memory_space<hbm>>
        tpu.enqueue_dma source(%dma_start3A_283 : memref<2x128xi32, #tpu.memory_space<hbm>>) target(%arg10 : memref<2x128xi32, #tpu.memory_space<vmem>>) target_semaphore(%arg23 : memref<!tpu.dma_semaphore, #tpu.memory_space<semaphore_mem>>)
      } else {
      }
      %add3A_268 = arith.constant 3 : i32
      %add3A_269 = arith.addi %add3A_252, %add3A_268 : i32
      %lt3A_270 = arith.constant 78 : i32
      %lt3A_271 = arith.cmpi slt, %add3A_269, %lt3A_270 : i32
      %convert_element_type3A_272 = arith.extui %lt3A_271 : i1 to i32
      %cond3A_273 = arith.constant 0 : i32
      %cond3A_274 = arith.cmpi ne, %convert_element_type3A_272, %cond3A_273 : i32
      scf.if %cond3A_274 {
        %add3A_275 = arith.constant 3 : i32
        %add3A_276 = arith.addi %add3A_252, %add3A_275 : i32
        %add3A_277 = arith.addi %mul3A_2, %add3A_276 : i32
        %mul3A_278 = arith.constant 128 : i32
        %mul3A_279 = arith.muli %add3A_277, %mul3A_278 : i32
        %dma_wait3A_280 = arith.constant 0 : i32
        %dma_wait3A_281 = tpu.memref_slice %arg3[%dma_wait3A_280, %mul3A_279] : memref<2x320000xi32, #tpu.memory_space<hbm>> -> memref<2x128xi32, #tpu.memory_space<hbm>>
        %dma_wait3A_282 = arith.constant 0 : i32
        %dma_wait3A_283 = tpu.memref_slice %arg3[%dma_wait3A_282, %mul3A_279] : memref<2x320000xi32, #tpu.memory_space<hbm>> -> memref<2x128xi32, #tpu.memory_space<hbm>>
        tpu.wait_dma2 semaphore(%arg20 : memref<!tpu.dma_semaphore, #tpu.memory_space<semaphore_mem>>) src(%dma_wait3A_283 : memref<2x128xi32, #tpu.memory_space<hbm>>) dst(%arg7 : memref<2x128xi32, #tpu.memory_space<vmem>>)
        %dma_start3A_284 = arith.constant 0 : i32
        %dma_start3A_285 = arith.constant 0 : i32
        %dma_start3A_286 = tpu.memref_slice %arg7[%dma_start3A_284, %dma_start3A_285] : memref<2x128xi32, #tpu.memory_space<vmem>> -> memref<1x128xi32, #tpu.memory_space<vmem>>
        %dma_start3A_287 = tpu.memref_squeeze %dma_start3A_286 : memref<1x128xi32, #tpu.memory_space<vmem>> -> memref<128xi32, #tpu.memory_space<vmem>>
        %dma_start3A_288 = arith.constant 0 : i32
        %dma_start3A_289 = arith.constant 0 : i32
        %dma_start3A_290 = tpu.memref_slice %arg2[%dma_start3A_288, %dma_start3A_289] : memref<10000x128xf32, #tpu.memory_space<hbm>> -> memref<10000x128xf32, #tpu.memory_space<hbm>>
        tpu.enqueue_indirect_dma source(%dma_start3A_290 : memref<10000x128xf32, #tpu.memory_space<hbm>>) target(%arg13 : memref<128x128xf32, #tpu.memory_space<vmem>>) offsets(%dma_start3A_287 : memref<128xi32, #tpu.memory_space<vmem>>) semaphore(%arg17 : memref<!tpu.dma_semaphore, #tpu.memory_space<semaphore_mem>>)
      } else {
      }
    }
    %scan3A_112 = arith.constant 13 : i32
    %lt3A_113 = arith.constant 4 : i32
    %lt3A_114 = arith.cmpi slt, %add3A, %lt3A_113 : i32
    %convert_element_type3A_115 = arith.extui %lt3A_114 : i1 to i32
    %cond3A_116 = arith.constant 0 : i32
    %cond3A_117 = arith.cmpi ne, %convert_element_type3A_115, %cond3A_116 : i32
    scf.if %cond3A_117 {
      %add3A_129 = arith.constant 2496 : i32
      %add3A_130 = arith.addi %add3A_129, %add3A : i32
      %mul3A_131 = arith.constant 128 : i32
      %mul3A_132 = arith.muli %add3A_130, %mul3A_131 : i32
      "tpu.region"() ({
        %run_scoped3A_147 = tpu.sem_alloc : memref<!tpu.dma_semaphore, #tpu.memory_space<semaphore_mem>>
        %dma_start3A_148 = arith.constant 0 : i32
        %dma_start3A_149 = tpu.memref_slice %arg3[%dma_start3A_148, %mul3A_132] : memref<2x320000xi32, #tpu.memory_space<hbm>> -> memref<2x128xi32, #tpu.memory_space<hbm>>
        %dma_start3A_150 = arith.constant 0 : i32
        %dma_start3A_151 = tpu.memref_slice %arg3[%dma_start3A_150, %mul3A_132] : memref<2x320000xi32, #tpu.memory_space<hbm>> -> memref<2x128xi32, #tpu.memory_space<hbm>>
        tpu.enqueue_dma source(%dma_start3A_151 : memref<2x128xi32, #tpu.memory_space<hbm>>) target(%arg5 : memref<2x128xi32, #tpu.memory_space<vmem>>) target_semaphore(%run_scoped3A_147 : memref<!tpu.dma_semaphore, #tpu.memory_space<semaphore_mem>>)
        %dma_wait3A_152 = arith.constant 0 : i32
        %dma_wait3A_153 = tpu.memref_slice %arg3[%dma_wait3A_152, %mul3A_132] : memref<2x320000xi32, #tpu.memory_space<hbm>> -> memref<2x128xi32, #tpu.memory_space<hbm>>
        %dma_wait3A_154 = arith.constant 0 : i32
        %dma_wait3A_155 = tpu.memref_slice %arg3[%dma_wait3A_154, %mul3A_132] : memref<2x320000xi32, #tpu.memory_space<hbm>> -> memref<2x128xi32, #tpu.memory_space<hbm>>
        tpu.wait_dma2 semaphore(%run_scoped3A_147 : memref<!tpu.dma_semaphore, #tpu.memory_space<semaphore_mem>>) src(%dma_wait3A_155 : memref<2x128xi32, #tpu.memory_space<hbm>>) dst(%arg5 : memref<2x128xi32, #tpu.memory_space<vmem>>)
        tpu.yield
      }) : () -> ()
      %dma_start3A_133 = arith.constant 0 : i32
      %dma_start3A_134 = arith.constant 0 : i32
      %dma_start3A_135 = tpu.memref_slice %arg5[%dma_start3A_133, %dma_start3A_134] : memref<2x128xi32, #tpu.memory_space<vmem>> -> memref<1x128xi32, #tpu.memory_space<vmem>>
      %dma_start3A_136 = tpu.memref_squeeze %dma_start3A_135 : memref<1x128xi32, #tpu.memory_space<vmem>> -> memref<128xi32, #tpu.memory_space<vmem>>
      %dma_start3A_137 = arith.constant 0 : i32
      %dma_start3A_138 = arith.constant 0 : i32
      %dma_start3A_139 = tpu.memref_slice %arg2[%dma_start3A_137, %dma_start3A_138] : memref<10000x128xf32, #tpu.memory_space<hbm>> -> memref<10000x128xf32, #tpu.memory_space<hbm>>
      tpu.enqueue_indirect_dma source(%dma_start3A_139 : memref<10000x128xf32, #tpu.memory_space<hbm>>) target(%arg11 : memref<128x128xf32, #tpu.memory_space<vmem>>) offsets(%dma_start3A_136 : memref<128xi32, #tpu.memory_space<vmem>>) semaphore(%arg15 : memref<!tpu.dma_semaphore, #tpu.memory_space<semaphore_mem>>)
      %dma_wait3A_140 = arith.constant 0 : i32
      %dma_wait3A_141 = arith.constant 0 : i32
      %dma_wait3A_142 = tpu.memref_slice %arg5[%dma_wait3A_140, %dma_wait3A_141] : memref<2x128xi32, #tpu.memory_space<vmem>> -> memref<1x128xi32, #tpu.memory_space<vmem>>
      %dma_wait3A_143 = tpu.memref_squeeze %dma_wait3A_142 : memref<1x128xi32, #tpu.memory_space<vmem>> -> memref<128xi32, #tpu.memory_space<vmem>>
      %dma_wait3A_144 = arith.constant 0 : i32
      %dma_wait3A_145 = arith.constant 0 : i32
      %dma_wait3A_146 = tpu.memref_slice %arg2[%dma_wait3A_144, %dma_wait3A_145] : memref<10000x128xf32, #tpu.memory_space<hbm>> -> memref<10000x128xf32, #tpu.memory_space<hbm>>
      tpu.wait_indirect_dma semaphore(%arg15 : memref<!tpu.dma_semaphore, #tpu.memory_space<semaphore_mem>>) src(%dma_wait3A_146 : memref<10000x128xf32, #tpu.memory_space<hbm>>) dst(%arg11 : memref<128x128xf32, #tpu.memory_space<vmem>>)
      %run_scoped3A = arith.constant 1 : i32
      "tpu.region"() ({
        %run_scoped3A_147 = tpu.sem_alloc : memref<!tpu.dma_semaphore, #tpu.memory_space<semaphore_mem>>
        %dma_start3A_148 = arith.constant 0 : i32
        %dma_start3A_149 = tpu.memref_slice %arg5[%run_scoped3A, %dma_start3A_148] : memref<2x128xi32, #tpu.memory_space<vmem>> -> memref<1x128xi32, #tpu.memory_space<vmem>>
        %dma_start3A_150 = tpu.memref_squeeze %dma_start3A_149 : memref<1x128xi32, #tpu.memory_space<vmem>> -> memref<128xi32, #tpu.memory_space<vmem>>
        %dma_start3A_151 = arith.constant 0 : i32
        %dma_start3A_152 = arith.constant 0 : i32
        %dma_start3A_153 = tpu.memref_slice %arg14[%dma_start3A_151, %dma_start3A_152] : memref<10000x128xf32, #tpu.memory_space<vmem_shared>> -> memref<10000x128xf32, #tpu.memory_space<vmem_shared>>
        tpu.enqueue_indirect_dma source(%arg11 : memref<128x128xf32, #tpu.memory_space<vmem>>) target(%dma_start3A_153 : memref<10000x128xf32, #tpu.memory_space<vmem_shared>>) offsets(%dma_start3A_150 : memref<128xi32, #tpu.memory_space<vmem>>) semaphore(%run_scoped3A_147 : memref<!tpu.dma_semaphore, #tpu.memory_space<semaphore_mem>>) {add = true}
        %dma_wait3A_154 = arith.constant 0 : i32
        %dma_wait3A_155 = tpu.memref_slice %arg5[%run_scoped3A, %dma_wait3A_154] : memref<2x128xi32, #tpu.memory_space<vmem>> -> memref<1x128xi32, #tpu.memory_space<vmem>>
        %dma_wait3A_156 = tpu.memref_squeeze %dma_wait3A_155 : memref<1x128xi32, #tpu.memory_space<vmem>> -> memref<128xi32, #tpu.memory_space<vmem>>
        %dma_wait3A_157 = arith.constant 0 : i32
        %dma_wait3A_158 = arith.constant 0 : i32
        %dma_wait3A_159 = tpu.memref_slice %arg14[%dma_wait3A_157, %dma_wait3A_158] : memref<10000x128xf32, #tpu.memory_space<vmem_shared>> -> memref<10000x128xf32, #tpu.memory_space<vmem_shared>>
        tpu.wait_indirect_dma semaphore(%run_scoped3A_147 : memref<!tpu.dma_semaphore, #tpu.memory_space<semaphore_mem>>) src(%arg11 : memref<128x128xf32, #tpu.memory_space<vmem>>) dst(%dma_wait3A_159 : memref<10000x128xf32, #tpu.memory_space<vmem_shared>>)
        tpu.yield
      }) : () -> ()
    } else {
    }
    %barrier3A_118 = arith.constant 0 : index
    tpu.barrier barrier_id(%barrier3A_118)
    %lt3A_119 = arith.constant 15 : i32
    %lt3A_120 = arith.cmpi slt, %arg1, %lt3A_119 : i32
    %convert_element_type3A_121 = arith.extui %lt3A_120 : i1 to i32
    %cond3A_122 = arith.constant 0 : i32
    %cond3A_123 = arith.cmpi ne, %convert_element_type3A_121, %cond3A_122 : i32
    scf.if %cond3A_123 {
      "tpu.region"() ({
        %run_scoped3A = tpu.sem_alloc : memref<!tpu.dma_semaphore, #tpu.memory_space<semaphore_mem>>
        %dma_start3A_129 = arith.constant 0 : i32
        %dma_start3A_130 = tpu.memref_slice %arg4[%arg0, %mul3A_56, %dma_start3A_129] : memref<2x10000x128xf32, #tpu.memory_space<hbm>> -> memref<1x624x128xf32, #tpu.memory_space<hbm>>
        %dma_start3A_131 = tpu.memref_squeeze %dma_start3A_130 : memref<1x624x128xf32, #tpu.memory_space<hbm>> -> memref<624x128xf32, #tpu.memory_space<hbm>>
        %dma_start3A_132 = arith.constant 0 : i32
        %dma_start3A_133 = tpu.memref_slice %arg14[%mul3A_56, %dma_start3A_132] : memref<10000x128xf32, #tpu.memory_space<vmem_shared>> -> memref<624x128xf32, #tpu.memory_space<vmem_shared>>
        tpu.enqueue_dma source(%dma_start3A_133 : memref<624x128xf32, #tpu.memory_space<vmem_shared>>) target(%dma_start3A_131 : memref<624x128xf32, #tpu.memory_space<hbm>>) target_semaphore(%run_scoped3A : memref<!tpu.dma_semaphore, #tpu.memory_space<semaphore_mem>>)
        %dma_wait3A_134 = arith.constant 0 : i32
        %dma_wait3A_135 = tpu.memref_slice %arg4[%arg0, %mul3A_56, %dma_wait3A_134] : memref<2x10000x128xf32, #tpu.memory_space<hbm>> -> memref<1x624x128xf32, #tpu.memory_space<hbm>>
        %dma_wait3A_136 = tpu.memref_squeeze %dma_wait3A_135 : memref<1x624x128xf32, #tpu.memory_space<hbm>> -> memref<624x128xf32, #tpu.memory_space<hbm>>
        %dma_wait3A_137 = arith.constant 0 : i32
        %dma_wait3A_138 = tpu.memref_slice %arg14[%mul3A_56, %dma_wait3A_137] : memref<10000x128xf32, #tpu.memory_space<vmem_shared>> -> memref<624x128xf32, #tpu.memory_space<vmem_shared>>
        tpu.wait_dma2 semaphore(%run_scoped3A : memref<!tpu.dma_semaphore, #tpu.memory_space<semaphore_mem>>) src(%dma_wait3A_138 : memref<624x128xf32, #tpu.memory_space<vmem_shared>>) dst(%dma_wait3A_136 : memref<624x128xf32, #tpu.memory_space<hbm>>)
        tpu.yield
      }) : () -> ()
    } else {
    }
    %eq3A_124 = arith.constant 15 : i32
    %eq3A_125 = arith.cmpi eq, %arg1, %eq3A_124 : i32
    %convert_element_type3A_126 = arith.extui %eq3A_125 : i1 to i32
    %cond3A_127 = arith.constant 0 : i32
    %cond3A_128 = arith.cmpi ne, %convert_element_type3A_126, %cond3A_127 : i32
    scf.if %cond3A_128 {
      "tpu.region"() ({
        %run_scoped3A = tpu.sem_alloc : memref<!tpu.dma_semaphore, #tpu.memory_space<semaphore_mem>>
        %dma_start3A_129 = arith.constant 0 : i32
        %dma_start3A_130 = tpu.memref_slice %arg4[%arg0, %mul3A_56, %dma_start3A_129] : memref<2x10000x128xf32, #tpu.memory_space<hbm>> -> memref<1x640x128xf32, #tpu.memory_space<hbm>>
        %dma_start3A_131 = tpu.memref_squeeze %dma_start3A_130 : memref<1x640x128xf32, #tpu.memory_space<hbm>> -> memref<640x128xf32, #tpu.memory_space<hbm>>
        %dma_start3A_132 = arith.constant 0 : i32
        %dma_start3A_133 = tpu.memref_slice %arg14[%mul3A_56, %dma_start3A_132] : memref<10000x128xf32, #tpu.memory_space<vmem_shared>> -> memref<640x128xf32, #tpu.memory_space<vmem_shared>>
        tpu.enqueue_dma source(%dma_start3A_133 : memref<640x128xf32, #tpu.memory_space<vmem_shared>>) target(%dma_start3A_131 : memref<640x128xf32, #tpu.memory_space<hbm>>) target_semaphore(%run_scoped3A : memref<!tpu.dma_semaphore, #tpu.memory_space<semaphore_mem>>)
        %dma_wait3A_134 = arith.constant 0 : i32
        %dma_wait3A_135 = tpu.memref_slice %arg4[%arg0, %mul3A_56, %dma_wait3A_134] : memref<2x10000x128xf32, #tpu.memory_space<hbm>> -> memref<1x640x128xf32, #tpu.memory_space<hbm>>
        %dma_wait3A_136 = tpu.memref_squeeze %dma_wait3A_135 : memref<1x640x128xf32, #tpu.memory_space<hbm>> -> memref<640x128xf32, #tpu.memory_space<hbm>>
        %dma_wait3A_137 = arith.constant 0 : i32
        %dma_wait3A_138 = tpu.memref_slice %arg14[%mul3A_56, %dma_wait3A_137] : memref<10000x128xf32, #tpu.memory_space<vmem_shared>> -> memref<640x128xf32, #tpu.memory_space<vmem_shared>>
        tpu.wait_dma2 semaphore(%run_scoped3A : memref<!tpu.dma_semaphore, #tpu.memory_space<semaphore_mem>>) src(%dma_wait3A_138 : memref<640x128xf32, #tpu.memory_space<vmem_shared>>) dst(%dma_wait3A_136 : memref<640x128xf32, #tpu.memory_space<hbm>>)
        tpu.yield
      }) : () -> ()
    } else {
    }
    return
  }
}

#map = affine_map<(d0, d1) -> (0, 0)>
#map1 = affine_map<(d0, d1) -> (0, 0, 0)>
module attributes {stable_mosaic.version = 14 : i64} {
  func.func @seg_kernel(%arg0: i32, %arg1: i32, %arg2: memref<10000x128xf32, #tpu.memory_space<hbm>>, %arg3: memref<2x320000xi32, #tpu.memory_space<hbm>>, %arg4: memref<2x10000x128xf32, #tpu.memory_space<hbm>>, %arg5: memref<2x128xi32, #tpu.memory_space<vmem>>, %arg6: memref<2x128xi32, #tpu.memory_space<vmem>>, %arg7: memref<2x128xi32, #tpu.memory_space<vmem>>, %arg8: memref<2x128xi32, #tpu.memory_space<vmem>>, %arg9: memref<2x128xi32, #tpu.memory_space<vmem>>, %arg10: memref<2x128xi32, #tpu.memory_space<vmem>>, %arg11: memref<128x128xf32, #tpu.memory_space<vmem>>, %arg12: memref<128x128xf32, #tpu.memory_space<vmem>>, %arg13: memref<128x128xf32, #tpu.memory_space<vmem>>, %arg14: memref<10000x128xf32, #tpu.memory_space<vmem_shared>>, %arg15: memref<!tpu.dma_semaphore, #tpu.memory_space<semaphore_mem>>, %arg16: memref<!tpu.dma_semaphore, #tpu.memory_space<semaphore_mem>>, %arg17: memref<!tpu.dma_semaphore, #tpu.memory_space<semaphore_mem>>, %arg18: memref<!tpu.dma_semaphore, #tpu.memory_space<semaphore_mem>>, %arg19: memref<!tpu.dma_semaphore, #tpu.memory_space<semaphore_mem>>, %arg20: memref<!tpu.dma_semaphore, #tpu.memory_space<semaphore_mem>>, %arg21: memref<!tpu.dma_semaphore, #tpu.memory_space<semaphore_mem>>, %arg22: memref<!tpu.dma_semaphore, #tpu.memory_space<semaphore_mem>>, %arg23: memref<!tpu.dma_semaphore, #tpu.memory_space<semaphore_mem>>) attributes {dimension_semantics = [#tpu.dimension_semantics<core_parallel>, #tpu.dimension_semantics<subcore_parallel>], iteration_bounds = array<i64: 2, 16>, scalar_prefetch = 0 : i64, scratch_operands = 19 : i64, tpu.core_type = #tpu.core_type<sc_vector_subcore>, window_params = [{transform_indices = #map}, {transform_indices = #map}, {transform_indices = #map1}]} {
    %mul3A = arith.constant 16 : i32
    %mul3A_0 = arith.muli %arg0, %mul3A : i32
    %add3A = arith.addi %mul3A_0, %arg1 : i32
    %mul3A_1 = arith.constant 78 : i32
    %mul3A_2 = arith.muli %add3A, %mul3A_1 : i32
    %add3A_3 = arith.constant 0 : i32
    %add3A_4 = arith.addi %mul3A_2, %add3A_3 : i32
    %mul3A_5 = arith.constant 128 : i32
    %mul3A_6 = arith.muli %add3A_4, %mul3A_5 : i32
    %dma_start3A = arith.constant 0 : i32
    %dma_start3A_7 = tpu.memref_slice %arg3[%dma_start3A, %mul3A_6] : memref<2x320000xi32, #tpu.memory_space<hbm>> -> memref<2x128xi32, #tpu.memory_space<hbm>>
    %dma_start3A_8 = arith.constant 0 : i32
    %dma_start3A_9 = tpu.memref_slice %arg3[%dma_start3A_8, %mul3A_6] : memref<2x320000xi32, #tpu.memory_space<hbm>> -> memref<2x128xi32, #tpu.memory_space<hbm>>
    tpu.enqueue_dma source(%dma_start3A_9 : memref<2x128xi32, #tpu.memory_space<hbm>>) target(%arg5 : memref<2x128xi32, #tpu.memory_space<vmem>>) target_semaphore(%arg18 : memref<!tpu.dma_semaphore, #tpu.memory_space<semaphore_mem>>)
    %add3A_10 = arith.constant 1 : i32
    %add3A_11 = arith.addi %mul3A_2, %add3A_10 : i32
    %mul3A_12 = arith.constant 128 : i32
    %mul3A_13 = arith.muli %add3A_11, %mul3A_12 : i32
    %dma_start3A_14 = arith.constant 0 : i32
    %dma_start3A_15 = tpu.memref_slice %arg3[%dma_start3A_14, %mul3A_13] : memref<2x320000xi32, #tpu.memory_space<hbm>> -> memref<2x128xi32, #tpu.memory_space<hbm>>
    %dma_start3A_16 = arith.constant 0 : i32
    %dma_start3A_17 = tpu.memref_slice %arg3[%dma_start3A_16, %mul3A_13] : memref<2x320000xi32, #tpu.memory_space<hbm>> -> memref<2x128xi32, #tpu.memory_space<hbm>>
    tpu.enqueue_dma source(%dma_start3A_17 : memref<2x128xi32, #tpu.memory_space<hbm>>) target(%arg6 : memref<2x128xi32, #tpu.memory_space<vmem>>) target_semaphore(%arg19 : memref<!tpu.dma_semaphore, #tpu.memory_space<semaphore_mem>>)
    %add3A_18 = arith.constant 2 : i32
    %add3A_19 = arith.addi %mul3A_2, %add3A_18 : i32
    %mul3A_20 = arith.constant 128 : i32
    %mul3A_21 = arith.muli %add3A_19, %mul3A_20 : i32
    %dma_start3A_22 = arith.constant 0 : i32
    %dma_start3A_23 = tpu.memref_slice %arg3[%dma_start3A_22, %mul3A_21] : memref<2x320000xi32, #tpu.memory_space<hbm>> -> memref<2x128xi32, #tpu.memory_space<hbm>>
    %dma_start3A_24 = arith.constant 0 : i32
    %dma_start3A_25 = tpu.memref_slice %arg3[%dma_start3A_24, %mul3A_21] : memref<2x320000xi32, #tpu.memory_space<hbm>> -> memref<2x128xi32, #tpu.memory_space<hbm>>
    tpu.enqueue_dma source(%dma_start3A_25 : memref<2x128xi32, #tpu.memory_space<hbm>>) target(%arg7 : memref<2x128xi32, #tpu.memory_space<vmem>>) target_semaphore(%arg20 : memref<!tpu.dma_semaphore, #tpu.memory_space<semaphore_mem>>)
    %add3A_26 = arith.constant 3 : i32
    %add3A_27 = arith.addi %mul3A_2, %add3A_26 : i32
    %mul3A_28 = arith.constant 128 : i32
    %mul3A_29 = arith.muli %add3A_27, %mul3A_28 : i32
    %dma_start3A_30 = arith.constant 0 : i32
    %dma_start3A_31 = tpu.memref_slice %arg3[%dma_start3A_30, %mul3A_29] : memref<2x320000xi32, #tpu.memory_space<hbm>> -> memref<2x128xi32, #tpu.memory_space<hbm>>
    %dma_start3A_32 = arith.constant 0 : i32
    %dma_start3A_33 = tpu.memref_slice %arg3[%dma_start3A_32, %mul3A_29] : memref<2x320000xi32, #tpu.memory_space<hbm>> -> memref<2x128xi32, #tpu.memory_space<hbm>>
    tpu.enqueue_dma source(%dma_start3A_33 : memref<2x128xi32, #tpu.memory_space<hbm>>) target(%arg8 : memref<2x128xi32, #tpu.memory_space<vmem>>) target_semaphore(%arg21 : memref<!tpu.dma_semaphore, #tpu.memory_space<semaphore_mem>>)
    %add3A_34 = arith.constant 4 : i32
    %add3A_35 = arith.addi %mul3A_2, %add3A_34 : i32
    %mul3A_36 = arith.constant 128 : i32
    %mul3A_37 = arith.muli %add3A_35, %mul3A_36 : i32
    %dma_start3A_38 = arith.constant 0 : i32
    %dma_start3A_39 = tpu.memref_slice %arg3[%dma_start3A_38, %mul3A_37] : memref<2x320000xi32, #tpu.memory_space<hbm>> -> memref<2x128xi32, #tpu.memory_space<hbm>>
    %dma_start3A_40 = arith.constant 0 : i32
    %dma_start3A_41 = tpu.memref_slice %arg3[%dma_start3A_40, %mul3A_37] : memref<2x320000xi32, #tpu.memory_space<hbm>> -> memref<2x128xi32, #tpu.memory_space<hbm>>
    tpu.enqueue_dma source(%dma_start3A_41 : memref<2x128xi32, #tpu.memory_space<hbm>>) target(%arg9 : memref<2x128xi32, #tpu.memory_space<vmem>>) target_semaphore(%arg22 : memref<!tpu.dma_semaphore, #tpu.memory_space<semaphore_mem>>)
    %add3A_42 = arith.constant 5 : i32
    %add3A_43 = arith.addi %mul3A_2, %add3A_42 : i32
    %mul3A_44 = arith.constant 128 : i32
    %mul3A_45 = arith.muli %add3A_43, %mul3A_44 : i32
    %dma_start3A_46 = arith.constant 0 : i32
    %dma_start3A_47 = tpu.memref_slice %arg3[%dma_start3A_46, %mul3A_45] : memref<2x320000xi32, #tpu.memory_space<hbm>> -> memref<2x128xi32, #tpu.memory_space<hbm>>
    %dma_start3A_48 = arith.constant 0 : i32
    %dma_start3A_49 = tpu.memref_slice %arg3[%dma_start3A_48, %mul3A_45] : memref<2x320000xi32, #tpu.memory_space<hbm>> -> memref<2x128xi32, #tpu.memory_space<hbm>>
    tpu.enqueue_dma source(%dma_start3A_49 : memref<2x128xi32, #tpu.memory_space<hbm>>) target(%arg10 : memref<2x128xi32, #tpu.memory_space<vmem>>) target_semaphore(%arg23 : memref<!tpu.dma_semaphore, #tpu.memory_space<semaphore_mem>>)
    %scan3A = arith.constant 0 : i32
    %scan3A_50 = arith.constant 0 : i32
    %scan3A_51 = arith.constant 128 : i32
    %scan3A_52 = arith.addi %scan3A_50, %scan3A_51 : i32
    %scan3A_53 = arith.constant 1 : i32
    scf.for %scan3A_129 = %scan3A_50 to %scan3A_52 step %scan3A_53  : i32 {
      %broadcast_in_dim3A = arith.constant 0.000000e+00 : f32
      %broadcast_in_dim3A_130 = vector.broadcast %broadcast_in_dim3A : f32 to vector<16xf32>
      %swap3A = arith.index_cast %scan3A_129 : i32 to index
      %swap3A_131 = arith.constant 0 : index
      %swap3A_132 = tpu.vector_load %arg11[%swap3A, %swap3A_131] {strides = array<i32>} : memref<128x128xf32, #tpu.memory_space<vmem>>, vector<1x16xf32>,
      %swap3A_133 = vector.shape_cast %swap3A_132 : vector<1x16xf32> to vector<16xf32>
      %swap3A_134 = vector.shape_cast %broadcast_in_dim3A_130 : vector<16xf32> to vector<1x16xf32>
      tpu.vector_store %arg11[%swap3A, %swap3A_131], %swap3A_134 {strides = array<i32>} : memref<128x128xf32, #tpu.memory_space<vmem>>, vector<1x16xf32>,
      %broadcast_in_dim3A_135 = arith.constant 0.000000e+00 : f32
      %broadcast_in_dim3A_136 = vector.broadcast %broadcast_in_dim3A_135 : f32 to vector<16xf32>
      %swap3A_137 = arith.index_cast %scan3A_129 : i32 to index
      %swap3A_138 = arith.constant 16 : index
      %swap3A_139 = tpu.vector_load %arg11[%swap3A_137, %swap3A_138] {strides = array<i32>} : memref<128x128xf32, #tpu.memory_space<vmem>>, vector<1x16xf32>,
      %swap3A_140 = vector.shape_cast %swap3A_139 : vector<1x16xf32> to vector<16xf32>
      %swap3A_141 = vector.shape_cast %broadcast_in_dim3A_136 : vector<16xf32> to vector<1x16xf32>
      tpu.vector_store %arg11[%swap3A_137, %swap3A_138], %swap3A_141 {strides = array<i32>} : memref<128x128xf32, #tpu.memory_space<vmem>>, vector<1x16xf32>,
      %broadcast_in_dim3A_142 = arith.constant 0.000000e+00 : f32
      %broadcast_in_dim3A_143 = vector.broadcast %broadcast_in_dim3A_142 : f32 to vector<16xf32>
      %swap3A_144 = arith.index_cast %scan3A_129 : i32 to index
      %swap3A_145 = arith.constant 32 : index
      %swap3A_146 = tpu.vector_load %arg11[%swap3A_144, %swap3A_145] {strides = array<i32>} : memref<128x128xf32, #tpu.memory_space<vmem>>, vector<1x16xf32>,
      %swap3A_147 = vector.shape_cast %swap3A_146 : vector<1x16xf32> to vector<16xf32>
      %swap3A_148 = vector.shape_cast %broadcast_in_dim3A_143 : vector<16xf32> to vector<1x16xf32>
      tpu.vector_store %arg11[%swap3A_144, %swap3A_145], %swap3A_148 {strides = array<i32>} : memref<128x128xf32, #tpu.memory_space<vmem>>, vector<1x16xf32>,
      %broadcast_in_dim3A_149 = arith.constant 0.000000e+00 : f32
      %broadcast_in_dim3A_150 = vector.broadcast %broadcast_in_dim3A_149 : f32 to vector<16xf32>
      %swap3A_151 = arith.index_cast %scan3A_129 : i32 to index
      %swap3A_152 = arith.constant 48 : index
      %swap3A_153 = tpu.vector_load %arg11[%swap3A_151, %swap3A_152] {strides = array<i32>} : memref<128x128xf32, #tpu.memory_space<vmem>>, vector<1x16xf32>,
      %swap3A_154 = vector.shape_cast %swap3A_153 : vector<1x16xf32> to vector<16xf32>
      %swap3A_155 = vector.shape_cast %broadcast_in_dim3A_150 : vector<16xf32> to vector<1x16xf32>
      tpu.vector_store %arg11[%swap3A_151, %swap3A_152], %swap3A_155 {strides = array<i32>} : memref<128x128xf32, #tpu.memory_space<vmem>>, vector<1x16xf32>,
      %broadcast_in_dim3A_156 = arith.constant 0.000000e+00 : f32
      %broadcast_in_dim3A_157 = vector.broadcast %broadcast_in_dim3A_156 : f32 to vector<16xf32>
      %swap3A_158 = arith.index_cast %scan3A_129 : i32 to index
      %swap3A_159 = arith.constant 64 : index
      %swap3A_160 = tpu.vector_load %arg11[%swap3A_158, %swap3A_159] {strides = array<i32>} : memref<128x128xf32, #tpu.memory_space<vmem>>, vector<1x16xf32>,
      %swap3A_161 = vector.shape_cast %swap3A_160 : vector<1x16xf32> to vector<16xf32>
      %swap3A_162 = vector.shape_cast %broadcast_in_dim3A_157 : vector<16xf32> to vector<1x16xf32>
      tpu.vector_store %arg11[%swap3A_158, %swap3A_159], %swap3A_162 {strides = array<i32>} : memref<128x128xf32, #tpu.memory_space<vmem>>, vector<1x16xf32>,
      %broadcast_in_dim3A_163 = arith.constant 0.000000e+00 : f32
      %broadcast_in_dim3A_164 = vector.broadcast %broadcast_in_dim3A_163 : f32 to vector<16xf32>
      %swap3A_165 = arith.index_cast %scan3A_129 : i32 to index
      %swap3A_166 = arith.constant 80 : index
      %swap3A_167 = tpu.vector_load %arg11[%swap3A_165, %swap3A_166] {strides = array<i32>} : memref<128x128xf32, #tpu.memory_space<vmem>>, vector<1x16xf32>,
      %swap3A_168 = vector.shape_cast %swap3A_167 : vector<1x16xf32> to vector<16xf32>
      %swap3A_169 = vector.shape_cast %broadcast_in_dim3A_164 : vector<16xf32> to vector<1x16xf32>
      tpu.vector_store %arg11[%swap3A_165, %swap3A_166], %swap3A_169 {strides = array<i32>} : memref<128x128xf32, #tpu.memory_space<vmem>>, vector<1x16xf32>,
      %broadcast_in_dim3A_170 = arith.constant 0.000000e+00 : f32
      %broadcast_in_dim3A_171 = vector.broadcast %broadcast_in_dim3A_170 : f32 to vector<16xf32>
      %swap3A_172 = arith.index_cast %scan3A_129 : i32 to index
      %swap3A_173 = arith.constant 96 : index
      %swap3A_174 = tpu.vector_load %arg11[%swap3A_172, %swap3A_173] {strides = array<i32>} : memref<128x128xf32, #tpu.memory_space<vmem>>, vector<1x16xf32>,
      %swap3A_175 = vector.shape_cast %swap3A_174 : vector<1x16xf32> to vector<16xf32>
      %swap3A_176 = vector.shape_cast %broadcast_in_dim3A_171 : vector<16xf32> to vector<1x16xf32>
      tpu.vector_store %arg11[%swap3A_172, %swap3A_173], %swap3A_176 {strides = array<i32>} : memref<128x128xf32, #tpu.memory_space<vmem>>, vector<1x16xf32>,
      %broadcast_in_dim3A_177 = arith.constant 0.000000e+00 : f32
      %broadcast_in_dim3A_178 = vector.broadcast %broadcast_in_dim3A_177 : f32 to vector<16xf32>
      %swap3A_179 = arith.index_cast %scan3A_129 : i32 to index
      %swap3A_180 = arith.constant 112 : index
      %swap3A_181 = tpu.vector_load %arg11[%swap3A_179, %swap3A_180] {strides = array<i32>} : memref<128x128xf32, #tpu.memory_space<vmem>>, vector<1x16xf32>,
      %swap3A_182 = vector.shape_cast %swap3A_181 : vector<1x16xf32> to vector<16xf32>
      %swap3A_183 = vector.shape_cast %broadcast_in_dim3A_178 : vector<16xf32> to vector<1x16xf32>
      tpu.vector_store %arg11[%swap3A_179, %swap3A_180], %swap3A_183 {strides = array<i32>} : memref<128x128xf32, #tpu.memory_space<vmem>>, vector<1x16xf32>,
    }
    %scan3A_54 = arith.constant 128 : i32
    %mul3A_55 = arith.constant 624 : i32
    %mul3A_56 = arith.muli %arg1, %mul3A_55 : i32
    %lt3A = arith.constant 15 : i32
    %lt3A_57 = arith.cmpi slt, %arg1, %lt3A : i32
    %convert_element_type3A = arith.extui %lt3A_57 : i1 to i32
    %cond3A = arith.constant 0 : i32
    %cond3A_58 = arith.cmpi ne, %convert_element_type3A, %cond3A : i32
    scf.if %cond3A_58 {
      %add3A_129 = arith.constant 0 : i32
      %add3A_130 = arith.addi %mul3A_56, %add3A_129 : i32
      %dma_start3A_131 = arith.constant 0 : i32
      %dma_start3A_132 = arith.constant 0 : i32
      %dma_start3A_133 = tpu.memref_slice %arg11[%dma_start3A_131, %dma_start3A_132] : memref<128x128xf32, #tpu.memory_space<vmem>> -> memref<104x128xf32, #tpu.memory_space<vmem>>
      %dma_start3A_134 = arith.constant 0 : i32
      %dma_start3A_135 = tpu.memref_slice %arg14[%add3A_130, %dma_start3A_134] : memref<10000x128xf32, #tpu.memory_space<vmem_shared>> -> memref<104x128xf32, #tpu.memory_space<vmem_shared>>
      %dma_start3A_136 = arith.constant 0 : i32
      %dma_start3A_137 = tpu.memref_slice %arg14[%add3A_130, %dma_start3A_136] : memref<10000x128xf32, #tpu.memory_space<vmem_shared>> -> memref<104x128xf32, #tpu.memory_space<vmem_shared>>
      %dma_start3A_138 = arith.constant 0 : i32
      %dma_start3A_139 = arith.constant 0 : i32
      %dma_start3A_140 = tpu.memref_slice %arg11[%dma_start3A_138, %dma_start3A_139] : memref<128x128xf32, #tpu.memory_space<vmem>> -> memref<104x128xf32, #tpu.memory_space<vmem>>
      tpu.enqueue_dma source(%dma_start3A_140 : memref<104x128xf32, #tpu.memory_space<vmem>>) target(%dma_start3A_137 : memref<104x128xf32, #tpu.memory_space<vmem_shared>>) target_semaphore(%arg15 : memref<!tpu.dma_semaphore, #tpu.memory_space<semaphore_mem>>)
      %add3A_141 = arith.constant 104 : i32
      %add3A_142 = arith.addi %mul3A_56, %add3A_141 : i32
      %dma_start3A_143 = arith.constant 0 : i32
      %dma_start3A_144 = arith.constant 0 : i32
      %dma_start3A_145 = tpu.memref_slice %arg11[%dma_start3A_143, %dma_start3A_144] : memref<128x128xf32, #tpu.memory_space<vmem>> -> memref<104x128xf32, #tpu.memory_space<vmem>>
      %dma_start3A_146 = arith.constant 0 : i32
      %dma_start3A_147 = tpu.memref_slice %arg14[%add3A_142, %dma_start3A_146] : memref<10000x128xf32, #tpu.memory_space<vmem_shared>> -> memref<104x128xf32, #tpu.memory_space<vmem_shared>>
      %dma_start3A_148 = arith.constant 0 : i32
      %dma_start3A_149 = tpu.memref_slice %arg14[%add3A_142, %dma_start3A_148] : memref<10000x128xf32, #tpu.memory_space<vmem_shared>> -> memref<104x128xf32, #tpu.memory_space<vmem_shared>>
      %dma_start3A_150 = arith.constant 0 : i32
      %dma_start3A_151 = arith.constant 0 : i32
      %dma_start3A_152 = tpu.memref_slice %arg11[%dma_start3A_150, %dma_start3A_151] : memref<128x128xf32, #tpu.memory_space<vmem>> -> memref<104x128xf32, #tpu.memory_space<vmem>>
      tpu.enqueue_dma source(%dma_start3A_152 : memref<104x128xf32, #tpu.memory_space<vmem>>) target(%dma_start3A_149 : memref<104x128xf32, #tpu.memory_space<vmem_shared>>) target_semaphore(%arg15 : memref<!tpu.dma_semaphore, #tpu.memory_space<semaphore_mem>>)
      %add3A_153 = arith.constant 208 : i32
      %add3A_154 = arith.addi %mul3A_56, %add3A_153 : i32
      %dma_start3A_155 = arith.constant 0 : i32
      %dma_start3A_156 = arith.constant 0 : i32
      %dma_start3A_157 = tpu.memref_slice %arg11[%dma_start3A_155, %dma_start3A_156] : memref<128x128xf32, #tpu.memory_space<vmem>> -> memref<104x128xf32, #tpu.memory_space<vmem>>
      %dma_start3A_158 = arith.constant 0 : i32
      %dma_start3A_159 = tpu.memref_slice %arg14[%add3A_154, %dma_start3A_158] : memref<10000x128xf32, #tpu.memory_space<vmem_shared>> -> memref<104x128xf32, #tpu.memory_space<vmem_shared>>
      %dma_start3A_160 = arith.constant 0 : i32
      %dma_start3A_161 = tpu.memref_slice %arg14[%add3A_154, %dma_start3A_160] : memref<10000x128xf32, #tpu.memory_space<vmem_shared>> -> memref<104x128xf32, #tpu.memory_space<vmem_shared>>
      %dma_start3A_162 = arith.constant 0 : i32
      %dma_start3A_163 = arith.constant 0 : i32
      %dma_start3A_164 = tpu.memref_slice %arg11[%dma_start3A_162, %dma_start3A_163] : memref<128x128xf32, #tpu.memory_space<vmem>> -> memref<104x128xf32, #tpu.memory_space<vmem>>
      tpu.enqueue_dma source(%dma_start3A_164 : memref<104x128xf32, #tpu.memory_space<vmem>>) target(%dma_start3A_161 : memref<104x128xf32, #tpu.memory_space<vmem_shared>>) target_semaphore(%arg15 : memref<!tpu.dma_semaphore, #tpu.memory_space<semaphore_mem>>)
      %add3A_165 = arith.constant 312 : i32
      %add3A_166 = arith.addi %mul3A_56, %add3A_165 : i32
      %dma_start3A_167 = arith.constant 0 : i32
      %dma_start3A_168 = arith.constant 0 : i32
      %dma_start3A_169 = tpu.memref_slice %arg11[%dma_start3A_167, %dma_start3A_168] : memref<128x128xf32, #tpu.memory_space<vmem>> -> memref<104x128xf32, #tpu.memory_space<vmem>>
      %dma_start3A_170 = arith.constant 0 : i32
      %dma_start3A_171 = tpu.memref_slice %arg14[%add3A_166, %dma_start3A_170] : memref<10000x128xf32, #tpu.memory_space<vmem_shared>> -> memref<104x128xf32, #tpu.memory_space<vmem_shared>>
      %dma_start3A_172 = arith.constant 0 : i32
      %dma_start3A_173 = tpu.memref_slice %arg14[%add3A_166, %dma_start3A_172] : memref<10000x128xf32, #tpu.memory_space<vmem_shared>> -> memref<104x128xf32, #tpu.memory_space<vmem_shared>>
      %dma_start3A_174 = arith.constant 0 : i32
      %dma_start3A_175 = arith.constant 0 : i32
      %dma_start3A_176 = tpu.memref_slice %arg11[%dma_start3A_174, %dma_start3A_175] : memref<128x128xf32, #tpu.memory_space<vmem>> -> memref<104x128xf32, #tpu.memory_space<vmem>>
      tpu.enqueue_dma source(%dma_start3A_176 : memref<104x128xf32, #tpu.memory_space<vmem>>) target(%dma_start3A_173 : memref<104x128xf32, #tpu.memory_space<vmem_shared>>) target_semaphore(%arg15 : memref<!tpu.dma_semaphore, #tpu.memory_space<semaphore_mem>>)
      %add3A_177 = arith.constant 416 : i32
      %add3A_178 = arith.addi %mul3A_56, %add3A_177 : i32
      %dma_start3A_179 = arith.constant 0 : i32
      %dma_start3A_180 = arith.constant 0 : i32
      %dma_start3A_181 = tpu.memref_slice %arg11[%dma_start3A_179, %dma_start3A_180] : memref<128x128xf32, #tpu.memory_space<vmem>> -> memref<104x128xf32, #tpu.memory_space<vmem>>
      %dma_start3A_182 = arith.constant 0 : i32
      %dma_start3A_183 = tpu.memref_slice %arg14[%add3A_178, %dma_start3A_182] : memref<10000x128xf32, #tpu.memory_space<vmem_shared>> -> memref<104x128xf32, #tpu.memory_space<vmem_shared>>
      %dma_start3A_184 = arith.constant 0 : i32
      %dma_start3A_185 = tpu.memref_slice %arg14[%add3A_178, %dma_start3A_184] : memref<10000x128xf32, #tpu.memory_space<vmem_shared>> -> memref<104x128xf32, #tpu.memory_space<vmem_shared>>
      %dma_start3A_186 = arith.constant 0 : i32
      %dma_start3A_187 = arith.constant 0 : i32
      %dma_start3A_188 = tpu.memref_slice %arg11[%dma_start3A_186, %dma_start3A_187] : memref<128x128xf32, #tpu.memory_space<vmem>> -> memref<104x128xf32, #tpu.memory_space<vmem>>
      tpu.enqueue_dma source(%dma_start3A_188 : memref<104x128xf32, #tpu.memory_space<vmem>>) target(%dma_start3A_185 : memref<104x128xf32, #tpu.memory_space<vmem_shared>>) target_semaphore(%arg15 : memref<!tpu.dma_semaphore, #tpu.memory_space<semaphore_mem>>)
      %add3A_189 = arith.constant 520 : i32
      %add3A_190 = arith.addi %mul3A_56, %add3A_189 : i32
      %dma_start3A_191 = arith.constant 0 : i32
      %dma_start3A_192 = arith.constant 0 : i32
      %dma_start3A_193 = tpu.memref_slice %arg11[%dma_start3A_191, %dma_start3A_192] : memref<128x128xf32, #tpu.memory_space<vmem>> -> memref<104x128xf32, #tpu.memory_space<vmem>>
      %dma_start3A_194 = arith.constant 0 : i32
      %dma_start3A_195 = tpu.memref_slice %arg14[%add3A_190, %dma_start3A_194] : memref<10000x128xf32, #tpu.memory_space<vmem_shared>> -> memref<104x128xf32, #tpu.memory_space<vmem_shared>>
      %dma_start3A_196 = arith.constant 0 : i32
      %dma_start3A_197 = tpu.memref_slice %arg14[%add3A_190, %dma_start3A_196] : memref<10000x128xf32, #tpu.memory_space<vmem_shared>> -> memref<104x128xf32, #tpu.memory_space<vmem_shared>>
      %dma_start3A_198 = arith.constant 0 : i32
      %dma_start3A_199 = arith.constant 0 : i32
      %dma_start3A_200 = tpu.memref_slice %arg11[%dma_start3A_198, %dma_start3A_199] : memref<128x128xf32, #tpu.memory_space<vmem>> -> memref<104x128xf32, #tpu.memory_space<vmem>>
      tpu.enqueue_dma source(%dma_start3A_200 : memref<104x128xf32, #tpu.memory_space<vmem>>) target(%dma_start3A_197 : memref<104x128xf32, #tpu.memory_space<vmem_shared>>) target_semaphore(%arg15 : memref<!tpu.dma_semaphore, #tpu.memory_space<semaphore_mem>>)
      %dma_wait3A_201 = arith.constant 0 : i32
      %dma_wait3A_202 = arith.constant 0 : i32
      %dma_wait3A_203 = tpu.memref_slice %arg11[%dma_wait3A_201, %dma_wait3A_202] : memref<128x128xf32, #tpu.memory_space<vmem>> -> memref<104x128xf32, #tpu.memory_space<vmem>>
      %dma_wait3A_204 = arith.constant 0 : i32
      %dma_wait3A_205 = tpu.memref_slice %arg14[%mul3A_56, %dma_wait3A_204] : memref<10000x128xf32, #tpu.memory_space<vmem_shared>> -> memref<104x128xf32, #tpu.memory_space<vmem_shared>>
      %dma_wait3A_206 = arith.constant 0 : i32
      %dma_wait3A_207 = tpu.memref_slice %arg14[%mul3A_56, %dma_wait3A_206] : memref<10000x128xf32, #tpu.memory_space<vmem_shared>> -> memref<104x128xf32, #tpu.memory_space<vmem_shared>>
      %dma_wait3A_208 = arith.constant 0 : i32
      %dma_wait3A_209 = arith.constant 0 : i32
      %dma_wait3A_210 = tpu.memref_slice %arg11[%dma_wait3A_208, %dma_wait3A_209] : memref<128x128xf32, #tpu.memory_space<vmem>> -> memref<104x128xf32, #tpu.memory_space<vmem>>
      tpu.wait_dma2 semaphore(%arg15 : memref<!tpu.dma_semaphore, #tpu.memory_space<semaphore_mem>>) src(%dma_wait3A_210 : memref<104x128xf32, #tpu.memory_space<vmem>>) dst(%dma_wait3A_207 : memref<104x128xf32, #tpu.memory_space<vmem_shared>>)
      %dma_wait3A_211 = arith.constant 0 : i32
      %dma_wait3A_212 = arith.constant 0 : i32
      %dma_wait3A_213 = tpu.memref_slice %arg11[%dma_wait3A_211, %dma_wait3A_212] : memref<128x128xf32, #tpu.memory_space<vmem>> -> memref<104x128xf32, #tpu.memory_space<vmem>>
      %dma_wait3A_214 = arith.constant 0 : i32
      %dma_wait3A_215 = tpu.memref_slice %arg14[%mul3A_56, %dma_wait3A_214] : memref<10000x128xf32, #tpu.memory_space<vmem_shared>> -> memref<104x128xf32, #tpu.memory_space<vmem_shared>>
      %dma_wait3A_216 = arith.constant 0 : i32
      %dma_wait3A_217 = tpu.memref_slice %arg14[%mul3A_56, %dma_wait3A_216] : memref<10000x128xf32, #tpu.memory_space<vmem_shared>> -> memref<104x128xf32, #tpu.memory_space<vmem_shared>>
      %dma_wait3A_218 = arith.constant 0 : i32
      %dma_wait3A_219 = arith.constant 0 : i32
      %dma_wait3A_220 = tpu.memref_slice %arg11[%dma_wait3A_218, %dma_wait3A_219] : memref<128x128xf32, #tpu.memory_space<vmem>> -> memref<104x128xf32, #tpu.memory_space<vmem>>
      tpu.wait_dma2 semaphore(%arg15 : memref<!tpu.dma_semaphore, #tpu.memory_space<semaphore_mem>>) src(%dma_wait3A_220 : memref<104x128xf32, #tpu.memory_space<vmem>>) dst(%dma_wait3A_217 : memref<104x128xf32, #tpu.memory_space<vmem_shared>>)
      %dma_wait3A_221 = arith.constant 0 : i32
      %dma_wait3A_222 = arith.constant 0 : i32
      %dma_wait3A_223 = tpu.memref_slice %arg11[%dma_wait3A_221, %dma_wait3A_222] : memref<128x128xf32, #tpu.memory_space<vmem>> -> memref<104x128xf32, #tpu.memory_space<vmem>>
      %dma_wait3A_224 = arith.constant 0 : i32
      %dma_wait3A_225 = tpu.memref_slice %arg14[%mul3A_56, %dma_wait3A_224] : memref<10000x128xf32, #tpu.memory_space<vmem_shared>> -> memref<104x128xf32, #tpu.memory_space<vmem_shared>>
      %dma_wait3A_226 = arith.constant 0 : i32
      %dma_wait3A_227 = tpu.memref_slice %arg14[%mul3A_56, %dma_wait3A_226] : memref<10000x128xf32, #tpu.memory_space<vmem_shared>> -> memref<104x128xf32, #tpu.memory_space<vmem_shared>>
      %dma_wait3A_228 = arith.constant 0 : i32
      %dma_wait3A_229 = arith.constant 0 : i32
      %dma_wait3A_230 = tpu.memref_slice %arg11[%dma_wait3A_228, %dma_wait3A_229] : memref<128x128xf32, #tpu.memory_space<vmem>> -> memref<104x128xf32, #tpu.memory_space<vmem>>
      tpu.wait_dma2 semaphore(%arg15 : memref<!tpu.dma_semaphore, #tpu.memory_space<semaphore_mem>>) src(%dma_wait3A_230 : memref<104x128xf32, #tpu.memory_space<vmem>>) dst(%dma_wait3A_227 : memref<104x128xf32, #tpu.memory_space<vmem_shared>>)
      %dma_wait3A_231 = arith.constant 0 : i32
      %dma_wait3A_232 = arith.constant 0 : i32
      %dma_wait3A_233 = tpu.memref_slice %arg11[%dma_wait3A_231, %dma_wait3A_232] : memref<128x128xf32, #tpu.memory_space<vmem>> -> memref<104x128xf32, #tpu.memory_space<vmem>>
      %dma_wait3A_234 = arith.constant 0 : i32
      %dma_wait3A_235 = tpu.memref_slice %arg14[%mul3A_56, %dma_wait3A_234] : memref<10000x128xf32, #tpu.memory_space<vmem_shared>> -> memref<104x128xf32, #tpu.memory_space<vmem_shared>>
      %dma_wait3A_236 = arith.constant 0 : i32
      %dma_wait3A_237 = tpu.memref_slice %arg14[%mul3A_56, %dma_wait3A_236] : memref<10000x128xf32, #tpu.memory_space<vmem_shared>> -> memref<104x128xf32, #tpu.memory_space<vmem_shared>>
      %dma_wait3A_238 = arith.constant 0 : i32
      %dma_wait3A_239 = arith.constant 0 : i32
      %dma_wait3A_240 = tpu.memref_slice %arg11[%dma_wait3A_238, %dma_wait3A_239] : memref<128x128xf32, #tpu.memory_space<vmem>> -> memref<104x128xf32, #tpu.memory_space<vmem>>
      tpu.wait_dma2 semaphore(%arg15 : memref<!tpu.dma_semaphore, #tpu.memory_space<semaphore_mem>>) src(%dma_wait3A_240 : memref<104x128xf32, #tpu.memory_space<vmem>>) dst(%dma_wait3A_237 : memref<104x128xf32, #tpu.memory_space<vmem_shared>>)
      %dma_wait3A_241 = arith.constant 0 : i32
      %dma_wait3A_242 = arith.constant 0 : i32
      %dma_wait3A_243 = tpu.memref_slice %arg11[%dma_wait3A_241, %dma_wait3A_242] : memref<128x128xf32, #tpu.memory_space<vmem>> -> memref<104x128xf32, #tpu.memory_space<vmem>>
      %dma_wait3A_244 = arith.constant 0 : i32
      %dma_wait3A_245 = tpu.memref_slice %arg14[%mul3A_56, %dma_wait3A_244] : memref<10000x128xf32, #tpu.memory_space<vmem_shared>> -> memref<104x128xf32, #tpu.memory_space<vmem_shared>>
      %dma_wait3A_246 = arith.constant 0 : i32
      %dma_wait3A_247 = tpu.memref_slice %arg14[%mul3A_56, %dma_wait3A_246] : memref<10000x128xf32, #tpu.memory_space<vmem_shared>> -> memref<104x128xf32, #tpu.memory_space<vmem_shared>>
      %dma_wait3A_248 = arith.constant 0 : i32
      %dma_wait3A_249 = arith.constant 0 : i32
      %dma_wait3A_250 = tpu.memref_slice %arg11[%dma_wait3A_248, %dma_wait3A_249] : memref<128x128xf32, #tpu.memory_space<vmem>> -> memref<104x128xf32, #tpu.memory_space<vmem>>
      tpu.wait_dma2 semaphore(%arg15 : memref<!tpu.dma_semaphore, #tpu.memory_space<semaphore_mem>>) src(%dma_wait3A_250 : memref<104x128xf32, #tpu.memory_space<vmem>>) dst(%dma_wait3A_247 : memref<104x128xf32, #tpu.memory_space<vmem_shared>>)
      %dma_wait3A_251 = arith.constant 0 : i32
      %dma_wait3A_252 = arith.constant 0 : i32
      %dma_wait3A_253 = tpu.memref_slice %arg11[%dma_wait3A_251, %dma_wait3A_252] : memref<128x128xf32, #tpu.memory_space<vmem>> -> memref<104x128xf32, #tpu.memory_space<vmem>>
      %dma_wait3A_254 = arith.constant 0 : i32
      %dma_wait3A_255 = tpu.memref_slice %arg14[%mul3A_56, %dma_wait3A_254] : memref<10000x128xf32, #tpu.memory_space<vmem_shared>> -> memref<104x128xf32, #tpu.memory_space<vmem_shared>>
      %dma_wait3A_256 = arith.constant 0 : i32
      %dma_wait3A_257 = tpu.memref_slice %arg14[%mul3A_56, %dma_wait3A_256] : memref<10000x128xf32, #tpu.memory_space<vmem_shared>> -> memref<104x128xf32, #tpu.memory_space<vmem_shared>>
      %dma_wait3A_258 = arith.constant 0 : i32
      %dma_wait3A_259 = arith.constant 0 : i32
      %dma_wait3A_260 = tpu.memref_slice %arg11[%dma_wait3A_258, %dma_wait3A_259] : memref<128x128xf32, #tpu.memory_space<vmem>> -> memref<104x128xf32, #tpu.memory_space<vmem>>
      tpu.wait_dma2 semaphore(%arg15 : memref<!tpu.dma_semaphore, #tpu.memory_space<semaphore_mem>>) src(%dma_wait3A_260 : memref<104x128xf32, #tpu.memory_space<vmem>>) dst(%dma_wait3A_257 : memref<104x128xf32, #tpu.memory_space<vmem_shared>>)
    } else {
    }
    %eq3A = arith.constant 15 : i32
    %eq3A_59 = arith.cmpi eq, %arg1, %eq3A : i32
    %convert_element_type3A_60 = arith.extui %eq3A_59 : i1 to i32
    %cond3A_61 = arith.constant 0 : i32
    %cond3A_62 = arith.cmpi ne, %convert_element_type3A_60, %cond3A_61 : i32
    scf.if %cond3A_62 {
      %add3A_129 = arith.constant 0 : i32
      %add3A_130 = arith.addi %mul3A_56, %add3A_129 : i32
      %dma_start3A_131 = arith.constant 0 : i32
      %dma_start3A_132 = arith.constant 0 : i32
      %dma_start3A_133 = tpu.memref_slice %arg11[%dma_start3A_131, %dma_start3A_132] : memref<128x128xf32, #tpu.memory_space<vmem>> -> memref<128x128xf32, #tpu.memory_space<vmem>>
      %dma_start3A_134 = arith.constant 0 : i32
      %dma_start3A_135 = tpu.memref_slice %arg14[%add3A_130, %dma_start3A_134] : memref<10000x128xf32, #tpu.memory_space<vmem_shared>> -> memref<128x128xf32, #tpu.memory_space<vmem_shared>>
      %dma_start3A_136 = arith.constant 0 : i32
      %dma_start3A_137 = tpu.memref_slice %arg14[%add3A_130, %dma_start3A_136] : memref<10000x128xf32, #tpu.memory_space<vmem_shared>> -> memref<128x128xf32, #tpu.memory_space<vmem_shared>>
      %dma_start3A_138 = arith.constant 0 : i32
      %dma_start3A_139 = arith.constant 0 : i32
      %dma_start3A_140 = tpu.memref_slice %arg11[%dma_start3A_138, %dma_start3A_139] : memref<128x128xf32, #tpu.memory_space<vmem>> -> memref<128x128xf32, #tpu.memory_space<vmem>>
      tpu.enqueue_dma source(%dma_start3A_140 : memref<128x128xf32, #tpu.memory_space<vmem>>) target(%dma_start3A_137 : memref<128x128xf32, #tpu.memory_space<vmem_shared>>) target_semaphore(%arg15 : memref<!tpu.dma_semaphore, #tpu.memory_space<semaphore_mem>>)
      %add3A_141 = arith.constant 128 : i32
      %add3A_142 = arith.addi %mul3A_56, %add3A_141 : i32
      %dma_start3A_143 = arith.constant 0 : i32
      %dma_start3A_144 = arith.constant 0 : i32
      %dma_start3A_145 = tpu.memref_slice %arg11[%dma_start3A_143, %dma_start3A_144] : memref<128x128xf32, #tpu.memory_space<vmem>> -> memref<128x128xf32, #tpu.memory_space<vmem>>
      %dma_start3A_146 = arith.constant 0 : i32
      %dma_start3A_147 = tpu.memref_slice %arg14[%add3A_142, %dma_start3A_146] : memref<10000x128xf32, #tpu.memory_space<vmem_shared>> -> memref<128x128xf32, #tpu.memory_space<vmem_shared>>
      %dma_start3A_148 = arith.constant 0 : i32
      %dma_start3A_149 = tpu.memref_slice %arg14[%add3A_142, %dma_start3A_148] : memref<10000x128xf32, #tpu.memory_space<vmem_shared>> -> memref<128x128xf32, #tpu.memory_space<vmem_shared>>
      %dma_start3A_150 = arith.constant 0 : i32
      %dma_start3A_151 = arith.constant 0 : i32
      %dma_start3A_152 = tpu.memref_slice %arg11[%dma_start3A_150, %dma_start3A_151] : memref<128x128xf32, #tpu.memory_space<vmem>> -> memref<128x128xf32, #tpu.memory_space<vmem>>
      tpu.enqueue_dma source(%dma_start3A_152 : memref<128x128xf32, #tpu.memory_space<vmem>>) target(%dma_start3A_149 : memref<128x128xf32, #tpu.memory_space<vmem_shared>>) target_semaphore(%arg15 : memref<!tpu.dma_semaphore, #tpu.memory_space<semaphore_mem>>)
      %add3A_153 = arith.constant 256 : i32
      %add3A_154 = arith.addi %mul3A_56, %add3A_153 : i32
      %dma_start3A_155 = arith.constant 0 : i32
      %dma_start3A_156 = arith.constant 0 : i32
      %dma_start3A_157 = tpu.memref_slice %arg11[%dma_start3A_155, %dma_start3A_156] : memref<128x128xf32, #tpu.memory_space<vmem>> -> memref<128x128xf32, #tpu.memory_space<vmem>>
      %dma_start3A_158 = arith.constant 0 : i32
      %dma_start3A_159 = tpu.memref_slice %arg14[%add3A_154, %dma_start3A_158] : memref<10000x128xf32, #tpu.memory_space<vmem_shared>> -> memref<128x128xf32, #tpu.memory_space<vmem_shared>>
      %dma_start3A_160 = arith.constant 0 : i32
      %dma_start3A_161 = tpu.memref_slice %arg14[%add3A_154, %dma_start3A_160] : memref<10000x128xf32, #tpu.memory_space<vmem_shared>> -> memref<128x128xf32, #tpu.memory_space<vmem_shared>>
      %dma_start3A_162 = arith.constant 0 : i32
      %dma_start3A_163 = arith.constant 0 : i32
      %dma_start3A_164 = tpu.memref_slice %arg11[%dma_start3A_162, %dma_start3A_163] : memref<128x128xf32, #tpu.memory_space<vmem>> -> memref<128x128xf32, #tpu.memory_space<vmem>>
      tpu.enqueue_dma source(%dma_start3A_164 : memref<128x128xf32, #tpu.memory_space<vmem>>) target(%dma_start3A_161 : memref<128x128xf32, #tpu.memory_space<vmem_shared>>) target_semaphore(%arg15 : memref<!tpu.dma_semaphore, #tpu.memory_space<semaphore_mem>>)
      %add3A_165 = arith.constant 384 : i32
      %add3A_166 = arith.addi %mul3A_56, %add3A_165 : i32
      %dma_start3A_167 = arith.constant 0 : i32
      %dma_start3A_168 = arith.constant 0 : i32
      %dma_start3A_169 = tpu.memref_slice %arg11[%dma_start3A_167, %dma_start3A_168] : memref<128x128xf32, #tpu.memory_space<vmem>> -> memref<128x128xf32, #tpu.memory_space<vmem>>
      %dma_start3A_170 = arith.constant 0 : i32
      %dma_start3A_171 = tpu.memref_slice %arg14[%add3A_166, %dma_start3A_170] : memref<10000x128xf32, #tpu.memory_space<vmem_shared>> -> memref<128x128xf32, #tpu.memory_space<vmem_shared>>
      %dma_start3A_172 = arith.constant 0 : i32
      %dma_start3A_173 = tpu.memref_slice %arg14[%add3A_166, %dma_start3A_172] : memref<10000x128xf32, #tpu.memory_space<vmem_shared>> -> memref<128x128xf32, #tpu.memory_space<vmem_shared>>
      %dma_start3A_174 = arith.constant 0 : i32
      %dma_start3A_175 = arith.constant 0 : i32
      %dma_start3A_176 = tpu.memref_slice %arg11[%dma_start3A_174, %dma_start3A_175] : memref<128x128xf32, #tpu.memory_space<vmem>> -> memref<128x128xf32, #tpu.memory_space<vmem>>
      tpu.enqueue_dma source(%dma_start3A_176 : memref<128x128xf32, #tpu.memory_space<vmem>>) target(%dma_start3A_173 : memref<128x128xf32, #tpu.memory_space<vmem_shared>>) target_semaphore(%arg15 : memref<!tpu.dma_semaphore, #tpu.memory_space<semaphore_mem>>)
      %add3A_177 = arith.constant 512 : i32
      %add3A_178 = arith.addi %mul3A_56, %add3A_177 : i32
      %dma_start3A_179 = arith.constant 0 : i32
      %dma_start3A_180 = arith.constant 0 : i32
      %dma_start3A_181 = tpu.memref_slice %arg11[%dma_start3A_179, %dma_start3A_180] : memref<128x128xf32, #tpu.memory_space<vmem>> -> memref<128x128xf32, #tpu.memory_space<vmem>>
      %dma_start3A_182 = arith.constant 0 : i32
      %dma_start3A_183 = tpu.memref_slice %arg14[%add3A_178, %dma_start3A_182] : memref<10000x128xf32, #tpu.memory_space<vmem_shared>> -> memref<128x128xf32, #tpu.memory_space<vmem_shared>>
      %dma_start3A_184 = arith.constant 0 : i32
      %dma_start3A_185 = tpu.memref_slice %arg14[%add3A_178, %dma_start3A_184] : memref<10000x128xf32, #tpu.memory_space<vmem_shared>> -> memref<128x128xf32, #tpu.memory_space<vmem_shared>>
      %dma_start3A_186 = arith.constant 0 : i32
      %dma_start3A_187 = arith.constant 0 : i32
      %dma_start3A_188 = tpu.memref_slice %arg11[%dma_start3A_186, %dma_start3A_187] : memref<128x128xf32, #tpu.memory_space<vmem>> -> memref<128x128xf32, #tpu.memory_space<vmem>>
      tpu.enqueue_dma source(%dma_start3A_188 : memref<128x128xf32, #tpu.memory_space<vmem>>) target(%dma_start3A_185 : memref<128x128xf32, #tpu.memory_space<vmem_shared>>) target_semaphore(%arg15 : memref<!tpu.dma_semaphore, #tpu.memory_space<semaphore_mem>>)
      %dma_wait3A_189 = arith.constant 0 : i32
      %dma_wait3A_190 = arith.constant 0 : i32
      %dma_wait3A_191 = tpu.memref_slice %arg11[%dma_wait3A_189, %dma_wait3A_190] : memref<128x128xf32, #tpu.memory_space<vmem>> -> memref<128x128xf32, #tpu.memory_space<vmem>>
      %dma_wait3A_192 = arith.constant 0 : i32
      %dma_wait3A_193 = tpu.memref_slice %arg14[%mul3A_56, %dma_wait3A_192] : memref<10000x128xf32, #tpu.memory_space<vmem_shared>> -> memref<128x128xf32, #tpu.memory_space<vmem_shared>>
      %dma_wait3A_194 = arith.constant 0 : i32
      %dma_wait3A_195 = tpu.memref_slice %arg14[%mul3A_56, %dma_wait3A_194] : memref<10000x128xf32, #tpu.memory_space<vmem_shared>> -> memref<128x128xf32, #tpu.memory_space<vmem_shared>>
      %dma_wait3A_196 = arith.constant 0 : i32
      %dma_wait3A_197 = arith.constant 0 : i32
      %dma_wait3A_198 = tpu.memref_slice %arg11[%dma_wait3A_196, %dma_wait3A_197] : memref<128x128xf32, #tpu.memory_space<vmem>> -> memref<128x128xf32, #tpu.memory_space<vmem>>
      tpu.wait_dma2 semaphore(%arg15 : memref<!tpu.dma_semaphore, #tpu.memory_space<semaphore_mem>>) src(%dma_wait3A_198 : memref<128x128xf32, #tpu.memory_space<vmem>>) dst(%dma_wait3A_195 : memref<128x128xf32, #tpu.memory_space<vmem_shared>>)
      %dma_wait3A_199 = arith.constant 0 : i32
      %dma_wait3A_200 = arith.constant 0 : i32
      %dma_wait3A_201 = tpu.memref_slice %arg11[%dma_wait3A_199, %dma_wait3A_200] : memref<128x128xf32, #tpu.memory_space<vmem>> -> memref<128x128xf32, #tpu.memory_space<vmem>>
      %dma_wait3A_202 = arith.constant 0 : i32
      %dma_wait3A_203 = tpu.memref_slice %arg14[%mul3A_56, %dma_wait3A_202] : memref<10000x128xf32, #tpu.memory_space<vmem_shared>> -> memref<128x128xf32, #tpu.memory_space<vmem_shared>>
      %dma_wait3A_204 = arith.constant 0 : i32
      %dma_wait3A_205 = tpu.memref_slice %arg14[%mul3A_56, %dma_wait3A_204] : memref<10000x128xf32, #tpu.memory_space<vmem_shared>> -> memref<128x128xf32, #tpu.memory_space<vmem_shared>>
      %dma_wait3A_206 = arith.constant 0 : i32
      %dma_wait3A_207 = arith.constant 0 : i32
      %dma_wait3A_208 = tpu.memref_slice %arg11[%dma_wait3A_206, %dma_wait3A_207] : memref<128x128xf32, #tpu.memory_space<vmem>> -> memref<128x128xf32, #tpu.memory_space<vmem>>
      tpu.wait_dma2 semaphore(%arg15 : memref<!tpu.dma_semaphore, #tpu.memory_space<semaphore_mem>>) src(%dma_wait3A_208 : memref<128x128xf32, #tpu.memory_space<vmem>>) dst(%dma_wait3A_205 : memref<128x128xf32, #tpu.memory_space<vmem_shared>>)
      %dma_wait3A_209 = arith.constant 0 : i32
      %dma_wait3A_210 = arith.constant 0 : i32
      %dma_wait3A_211 = tpu.memref_slice %arg11[%dma_wait3A_209, %dma_wait3A_210] : memref<128x128xf32, #tpu.memory_space<vmem>> -> memref<128x128xf32, #tpu.memory_space<vmem>>
      %dma_wait3A_212 = arith.constant 0 : i32
      %dma_wait3A_213 = tpu.memref_slice %arg14[%mul3A_56, %dma_wait3A_212] : memref<10000x128xf32, #tpu.memory_space<vmem_shared>> -> memref<128x128xf32, #tpu.memory_space<vmem_shared>>
      %dma_wait3A_214 = arith.constant 0 : i32
      %dma_wait3A_215 = tpu.memref_slice %arg14[%mul3A_56, %dma_wait3A_214] : memref<10000x128xf32, #tpu.memory_space<vmem_shared>> -> memref<128x128xf32, #tpu.memory_space<vmem_shared>>
      %dma_wait3A_216 = arith.constant 0 : i32
      %dma_wait3A_217 = arith.constant 0 : i32
      %dma_wait3A_218 = tpu.memref_slice %arg11[%dma_wait3A_216, %dma_wait3A_217] : memref<128x128xf32, #tpu.memory_space<vmem>> -> memref<128x128xf32, #tpu.memory_space<vmem>>
      tpu.wait_dma2 semaphore(%arg15 : memref<!tpu.dma_semaphore, #tpu.memory_space<semaphore_mem>>) src(%dma_wait3A_218 : memref<128x128xf32, #tpu.memory_space<vmem>>) dst(%dma_wait3A_215 : memref<128x128xf32, #tpu.memory_space<vmem_shared>>)
      %dma_wait3A_219 = arith.constant 0 : i32
      %dma_wait3A_220 = arith.constant 0 : i32
      %dma_wait3A_221 = tpu.memref_slice %arg11[%dma_wait3A_219, %dma_wait3A_220] : memref<128x128xf32, #tpu.memory_space<vmem>> -> memref<128x128xf32, #tpu.memory_space<vmem>>
      %dma_wait3A_222 = arith.constant 0 : i32
      %dma_wait3A_223 = tpu.memref_slice %arg14[%mul3A_56, %dma_wait3A_222] : memref<10000x128xf32, #tpu.memory_space<vmem_shared>> -> memref<128x128xf32, #tpu.memory_space<vmem_shared>>
      %dma_wait3A_224 = arith.constant 0 : i32
      %dma_wait3A_225 = tpu.memref_slice %arg14[%mul3A_56, %dma_wait3A_224] : memref<10000x128xf32, #tpu.memory_space<vmem_shared>> -> memref<128x128xf32, #tpu.memory_space<vmem_shared>>
      %dma_wait3A_226 = arith.constant 0 : i32
      %dma_wait3A_227 = arith.constant 0 : i32
      %dma_wait3A_228 = tpu.memref_slice %arg11[%dma_wait3A_226, %dma_wait3A_227] : memref<128x128xf32, #tpu.memory_space<vmem>> -> memref<128x128xf32, #tpu.memory_space<vmem>>
      tpu.wait_dma2 semaphore(%arg15 : memref<!tpu.dma_semaphore, #tpu.memory_space<semaphore_mem>>) src(%dma_wait3A_228 : memref<128x128xf32, #tpu.memory_space<vmem>>) dst(%dma_wait3A_225 : memref<128x128xf32, #tpu.memory_space<vmem_shared>>)
      %dma_wait3A_229 = arith.constant 0 : i32
      %dma_wait3A_230 = arith.constant 0 : i32
      %dma_wait3A_231 = tpu.memref_slice %arg11[%dma_wait3A_229, %dma_wait3A_230] : memref<128x128xf32, #tpu.memory_space<vmem>> -> memref<128x128xf32, #tpu.memory_space<vmem>>
      %dma_wait3A_232 = arith.constant 0 : i32
      %dma_wait3A_233 = tpu.memref_slice %arg14[%mul3A_56, %dma_wait3A_232] : memref<10000x128xf32, #tpu.memory_space<vmem_shared>> -> memref<128x128xf32, #tpu.memory_space<vmem_shared>>
      %dma_wait3A_234 = arith.constant 0 : i32
      %dma_wait3A_235 = tpu.memref_slice %arg14[%mul3A_56, %dma_wait3A_234] : memref<10000x128xf32, #tpu.memory_space<vmem_shared>> -> memref<128x128xf32, #tpu.memory_space<vmem_shared>>
      %dma_wait3A_236 = arith.constant 0 : i32
      %dma_wait3A_237 = arith.constant 0 : i32
      %dma_wait3A_238 = tpu.memref_slice %arg11[%dma_wait3A_236, %dma_wait3A_237] : memref<128x128xf32, #tpu.memory_space<vmem>> -> memref<128x128xf32, #tpu.memory_space<vmem>>
      tpu.wait_dma2 semaphore(%arg15 : memref<!tpu.dma_semaphore, #tpu.memory_space<semaphore_mem>>) src(%dma_wait3A_238 : memref<128x128xf32, #tpu.memory_space<vmem>>) dst(%dma_wait3A_235 : memref<128x128xf32, #tpu.memory_space<vmem_shared>>)
    } else {
    }
    %add3A_63 = arith.constant 0 : i32
    %add3A_64 = arith.addi %mul3A_2, %add3A_63 : i32
    %mul3A_65 = arith.constant 128 : i32
    %mul3A_66 = arith.muli %add3A_64, %mul3A_65 : i32
    %dma_wait3A = arith.constant 0 : i32
    %dma_wait3A_67 = tpu.memref_slice %arg3[%dma_wait3A, %mul3A_66] : memref<2x320000xi32, #tpu.memory_space<hbm>> -> memref<2x128xi32, #tpu.memory_space<hbm>>
    %dma_wait3A_68 = arith.constant 0 : i32
    %dma_wait3A_69 = tpu.memref_slice %arg3[%dma_wait3A_68, %mul3A_66] : memref<2x320000xi32, #tpu.memory_space<hbm>> -> memref<2x128xi32, #tpu.memory_space<hbm>>
    tpu.wait_dma2 semaphore(%arg18 : memref<!tpu.dma_semaphore, #tpu.memory_space<semaphore_mem>>) src(%dma_wait3A_69 : memref<2x128xi32, #tpu.memory_space<hbm>>) dst(%arg5 : memref<2x128xi32, #tpu.memory_space<vmem>>)
    %dma_start3A_70 = arith.constant 0 : i32
    %dma_start3A_71 = arith.constant 0 : i32
    %dma_start3A_72 = tpu.memref_slice %arg5[%dma_start3A_70, %dma_start3A_71] : memref<2x128xi32, #tpu.memory_space<vmem>> -> memref<1x128xi32, #tpu.memory_space<vmem>>
    %dma_start3A_73 = tpu.memref_squeeze %dma_start3A_72 : memref<1x128xi32, #tpu.memory_space<vmem>> -> memref<128xi32, #tpu.memory_space<vmem>>
    %dma_start3A_74 = arith.constant 0 : i32
    %dma_start3A_75 = arith.constant 0 : i32
    %dma_start3A_76 = tpu.memref_slice %arg2[%dma_start3A_74, %dma_start3A_75] : memref<10000x128xf32, #tpu.memory_space<hbm>> -> memref<10000x128xf32, #tpu.memory_space<hbm>>
    tpu.enqueue_indirect_dma source(%dma_start3A_76 : memref<10000x128xf32, #tpu.memory_space<hbm>>) target(%arg11 : memref<128x128xf32, #tpu.memory_space<vmem>>) offsets(%dma_start3A_73 : memref<128xi32, #tpu.memory_space<vmem>>) semaphore(%arg15 : memref<!tpu.dma_semaphore, #tpu.memory_space<semaphore_mem>>)
    %add3A_77 = arith.constant 1 : i32
    %add3A_78 = arith.addi %mul3A_2, %add3A_77 : i32
    %mul3A_79 = arith.constant 128 : i32
    %mul3A_80 = arith.muli %add3A_78, %mul3A_79 : i32
    %dma_wait3A_81 = arith.constant 0 : i32
    %dma_wait3A_82 = tpu.memref_slice %arg3[%dma_wait3A_81, %mul3A_80] : memref<2x320000xi32, #tpu.memory_space<hbm>> -> memref<2x128xi32, #tpu.memory_space<hbm>>
    %dma_wait3A_83 = arith.constant 0 : i32
    %dma_wait3A_84 = tpu.memref_slice %arg3[%dma_wait3A_83, %mul3A_80] : memref<2x320000xi32, #tpu.memory_space<hbm>> -> memref<2x128xi32, #tpu.memory_space<hbm>>
    tpu.wait_dma2 semaphore(%arg19 : memref<!tpu.dma_semaphore, #tpu.memory_space<semaphore_mem>>) src(%dma_wait3A_84 : memref<2x128xi32, #tpu.memory_space<hbm>>) dst(%arg6 : memref<2x128xi32, #tpu.memory_space<vmem>>)
    %dma_start3A_85 = arith.constant 0 : i32
    %dma_start3A_86 = arith.constant 0 : i32
    %dma_start3A_87 = tpu.memref_slice %arg6[%dma_start3A_85, %dma_start3A_86] : memref<2x128xi32, #tpu.memory_space<vmem>> -> memref<1x128xi32, #tpu.memory_space<vmem>>
    %dma_start3A_88 = tpu.memref_squeeze %dma_start3A_87 : memref<1x128xi32, #tpu.memory_space<vmem>> -> memref<128xi32, #tpu.memory_space<vmem>>
    %dma_start3A_89 = arith.constant 0 : i32
    %dma_start3A_90 = arith.constant 0 : i32
    %dma_start3A_91 = tpu.memref_slice %arg2[%dma_start3A_89, %dma_start3A_90] : memref<10000x128xf32, #tpu.memory_space<hbm>> -> memref<10000x128xf32, #tpu.memory_space<hbm>>
    tpu.enqueue_indirect_dma source(%dma_start3A_91 : memref<10000x128xf32, #tpu.memory_space<hbm>>) target(%arg12 : memref<128x128xf32, #tpu.memory_space<vmem>>) offsets(%dma_start3A_88 : memref<128xi32, #tpu.memory_space<vmem>>) semaphore(%arg16 : memref<!tpu.dma_semaphore, #tpu.memory_space<semaphore_mem>>)
    %add3A_92 = arith.constant 2 : i32
    %add3A_93 = arith.addi %mul3A_2, %add3A_92 : i32
    %mul3A_94 = arith.constant 128 : i32
    %mul3A_95 = arith.muli %add3A_93, %mul3A_94 : i32
    %dma_wait3A_96 = arith.constant 0 : i32
    %dma_wait3A_97 = tpu.memref_slice %arg3[%dma_wait3A_96, %mul3A_95] : memref<2x320000xi32, #tpu.memory_space<hbm>> -> memref<2x128xi32, #tpu.memory_space<hbm>>
    %dma_wait3A_98 = arith.constant 0 : i32
    %dma_wait3A_99 = tpu.memref_slice %arg3[%dma_wait3A_98, %mul3A_95] : memref<2x320000xi32, #tpu.memory_space<hbm>> -> memref<2x128xi32, #tpu.memory_space<hbm>>
    tpu.wait_dma2 semaphore(%arg20 : memref<!tpu.dma_semaphore, #tpu.memory_space<semaphore_mem>>) src(%dma_wait3A_99 : memref<2x128xi32, #tpu.memory_space<hbm>>) dst(%arg7 : memref<2x128xi32, #tpu.memory_space<vmem>>)
    %dma_start3A_100 = arith.constant 0 : i32
    %dma_start3A_101 = arith.constant 0 : i32
    %dma_start3A_102 = tpu.memref_slice %arg7[%dma_start3A_100, %dma_start3A_101] : memref<2x128xi32, #tpu.memory_space<vmem>> -> memref<1x128xi32, #tpu.memory_space<vmem>>
    %dma_start3A_103 = tpu.memref_squeeze %dma_start3A_102 : memref<1x128xi32, #tpu.memory_space<vmem>> -> memref<128xi32, #tpu.memory_space<vmem>>
    %dma_start3A_104 = arith.constant 0 : i32
    %dma_start3A_105 = arith.constant 0 : i32
    %dma_start3A_106 = tpu.memref_slice %arg2[%dma_start3A_104, %dma_start3A_105] : memref<10000x128xf32, #tpu.memory_space<hbm>> -> memref<10000x128xf32, #tpu.memory_space<hbm>>
    tpu.enqueue_indirect_dma source(%dma_start3A_106 : memref<10000x128xf32, #tpu.memory_space<hbm>>) target(%arg13 : memref<128x128xf32, #tpu.memory_space<vmem>>) offsets(%dma_start3A_103 : memref<128xi32, #tpu.memory_space<vmem>>) semaphore(%arg17 : memref<!tpu.dma_semaphore, #tpu.memory_space<semaphore_mem>>)
    %barrier3A = arith.constant 0 : index
    tpu.barrier barrier_id(%barrier3A)
    %scan3A_107 = arith.constant 0 : i32
    %scan3A_108 = arith.constant 0 : i32
    %scan3A_109 = arith.constant 13 : i32
    %scan3A_110 = arith.addi %scan3A_108, %scan3A_109 : i32
    %scan3A_111 = arith.constant 1 : i32
    scf.for %scan3A_129 = %scan3A_108 to %scan3A_110 step %scan3A_111  : i32 {
      %mul3A_130 = arith.constant 6 : i32
      %mul3A_131 = arith.muli %scan3A_129, %mul3A_130 : i32
      %add3A_132 = arith.constant 0 : i32
      %add3A_133 = arith.addi %mul3A_131, %add3A_132 : i32
      %dma_wait3A_134 = arith.constant 0 : i32
      %dma_wait3A_135 = arith.constant 0 : i32
      %dma_wait3A_136 = tpu.memref_slice %arg5[%dma_wait3A_134, %dma_wait3A_135] : memref<2x128xi32, #tpu.memory_space<vmem>> -> memref<1x128xi32, #tpu.memory_space<vmem>>
      %dma_wait3A_137 = tpu.memref_squeeze %dma_wait3A_136 : memref<1x128xi32, #tpu.memory_space<vmem>> -> memref<128xi32, #tpu.memory_space<vmem>>
      %dma_wait3A_138 = arith.constant 0 : i32
      %dma_wait3A_139 = arith.constant 0 : i32
      %dma_wait3A_140 = tpu.memref_slice %arg2[%dma_wait3A_138, %dma_wait3A_139] : memref<10000x128xf32, #tpu.memory_space<hbm>> -> memref<10000x128xf32, #tpu.memory_space<hbm>>
      tpu.wait_indirect_dma semaphore(%arg15 : memref<!tpu.dma_semaphore, #tpu.memory_space<semaphore_mem>>) src(%dma_wait3A_140 : memref<10000x128xf32, #tpu.memory_space<hbm>>) dst(%arg11 : memref<128x128xf32, #tpu.memory_space<vmem>>)
      %run_scoped3A = arith.constant 1 : i32
      "tpu.region"() ({
        %run_scoped3A_275 = tpu.sem_alloc : memref<!tpu.dma_semaphore, #tpu.memory_space<semaphore_mem>>
        %dma_start3A_276 = arith.constant 0 : i32
        %dma_start3A_277 = tpu.memref_slice %arg5[%run_scoped3A, %dma_start3A_276] : memref<2x128xi32, #tpu.memory_space<vmem>> -> memref<1x128xi32, #tpu.memory_space<vmem>>
        %dma_start3A_278 = tpu.memref_squeeze %dma_start3A_277 : memref<1x128xi32, #tpu.memory_space<vmem>> -> memref<128xi32, #tpu.memory_space<vmem>>
        %dma_start3A_279 = arith.constant 0 : i32
        %dma_start3A_280 = arith.constant 0 : i32
        %dma_start3A_281 = tpu.memref_slice %arg14[%dma_start3A_279, %dma_start3A_280] : memref<10000x128xf32, #tpu.memory_space<vmem_shared>> -> memref<10000x128xf32, #tpu.memory_space<vmem_shared>>
        tpu.enqueue_indirect_dma source(%arg11 : memref<128x128xf32, #tpu.memory_space<vmem>>) target(%dma_start3A_281 : memref<10000x128xf32, #tpu.memory_space<vmem_shared>>) offsets(%dma_start3A_278 : memref<128xi32, #tpu.memory_space<vmem>>) semaphore(%run_scoped3A_275 : memref<!tpu.dma_semaphore, #tpu.memory_space<semaphore_mem>>) {add = true}
        %dma_wait3A_282 = arith.constant 0 : i32
        %dma_wait3A_283 = tpu.memref_slice %arg5[%run_scoped3A, %dma_wait3A_282] : memref<2x128xi32, #tpu.memory_space<vmem>> -> memref<1x128xi32, #tpu.memory_space<vmem>>
        %dma_wait3A_284 = tpu.memref_squeeze %dma_wait3A_283 : memref<1x128xi32, #tpu.memory_space<vmem>> -> memref<128xi32, #tpu.memory_space<vmem>>
        %dma_wait3A_285 = arith.constant 0 : i32
        %dma_wait3A_286 = arith.constant 0 : i32
        %dma_wait3A_287 = tpu.memref_slice %arg14[%dma_wait3A_285, %dma_wait3A_286] : memref<10000x128xf32, #tpu.memory_space<vmem_shared>> -> memref<10000x128xf32, #tpu.memory_space<vmem_shared>>
        tpu.wait_indirect_dma semaphore(%run_scoped3A_275 : memref<!tpu.dma_semaphore, #tpu.memory_space<semaphore_mem>>) src(%arg11 : memref<128x128xf32, #tpu.memory_space<vmem>>) dst(%dma_wait3A_287 : memref<10000x128xf32, #tpu.memory_space<vmem_shared>>)
        tpu.yield
      }) : () -> ()
      %add3A_141 = arith.constant 6 : i32
      %add3A_142 = arith.addi %add3A_133, %add3A_141 : i32
      %lt3A_143 = arith.constant 78 : i32
      %lt3A_144 = arith.cmpi slt, %add3A_142, %lt3A_143 : i32
      %convert_element_type3A_145 = arith.extui %lt3A_144 : i1 to i32
      %cond3A_146 = arith.constant 0 : i32
      %cond3A_147 = arith.cmpi ne, %convert_element_type3A_145, %cond3A_146 : i32
      scf.if %cond3A_147 {
        %add3A_275 = arith.constant 6 : i32
        %add3A_276 = arith.addi %add3A_133, %add3A_275 : i32
        %add3A_277 = arith.addi %mul3A_2, %add3A_276 : i32
        %mul3A_278 = arith.constant 128 : i32
        %mul3A_279 = arith.muli %add3A_277, %mul3A_278 : i32
        %dma_start3A_280 = arith.constant 0 : i32
        %dma_start3A_281 = tpu.memref_slice %arg3[%dma_start3A_280, %mul3A_279] : memref<2x320000xi32, #tpu.memory_space<hbm>> -> memref<2x128xi32, #tpu.memory_space<hbm>>
        %dma_start3A_282 = arith.constant 0 : i32
        %dma_start3A_283 = tpu.memref_slice %arg3[%dma_start3A_282, %mul3A_279] : memref<2x320000xi32, #tpu.memory_space<hbm>> -> memref<2x128xi32, #tpu.memory_space<hbm>>
        tpu.enqueue_dma source(%dma_start3A_283 : memref<2x128xi32, #tpu.memory_space<hbm>>) target(%arg5 : memref<2x128xi32, #tpu.memory_space<vmem>>) target_semaphore(%arg18 : memref<!tpu.dma_semaphore, #tpu.memory_space<semaphore_mem>>)
      } else {
      }
      %add3A_148 = arith.constant 3 : i32
      %add3A_149 = arith.addi %add3A_133, %add3A_148 : i32
      %lt3A_150 = arith.constant 78 : i32
      %lt3A_151 = arith.cmpi slt, %add3A_149, %lt3A_150 : i32
      %convert_element_type3A_152 = arith.extui %lt3A_151 : i1 to i32
      %cond3A_153 = arith.constant 0 : i32
      %cond3A_154 = arith.cmpi ne, %convert_element_type3A_152, %cond3A_153 : i32
      scf.if %cond3A_154 {
        %add3A_275 = arith.constant 3 : i32
        %add3A_276 = arith.addi %add3A_133, %add3A_275 : i32
        %add3A_277 = arith.addi %mul3A_2, %add3A_276 : i32
        %mul3A_278 = arith.constant 128 : i32
        %mul3A_279 = arith.muli %add3A_277, %mul3A_278 : i32
        %dma_wait3A_280 = arith.constant 0 : i32
        %dma_wait3A_281 = tpu.memref_slice %arg3[%dma_wait3A_280, %mul3A_279] : memref<2x320000xi32, #tpu.memory_space<hbm>> -> memref<2x128xi32, #tpu.memory_space<hbm>>
        %dma_wait3A_282 = arith.constant 0 : i32
        %dma_wait3A_283 = tpu.memref_slice %arg3[%dma_wait3A_282, %mul3A_279] : memref<2x320000xi32, #tpu.memory_space<hbm>> -> memref<2x128xi32, #tpu.memory_space<hbm>>
        tpu.wait_dma2 semaphore(%arg21 : memref<!tpu.dma_semaphore, #tpu.memory_space<semaphore_mem>>) src(%dma_wait3A_283 : memref<2x128xi32, #tpu.memory_space<hbm>>) dst(%arg8 : memref<2x128xi32, #tpu.memory_space<vmem>>)
        %dma_start3A_284 = arith.constant 0 : i32
        %dma_start3A_285 = arith.constant 0 : i32
        %dma_start3A_286 = tpu.memref_slice %arg8[%dma_start3A_284, %dma_start3A_285] : memref<2x128xi32, #tpu.memory_space<vmem>> -> memref<1x128xi32, #tpu.memory_space<vmem>>
        %dma_start3A_287 = tpu.memref_squeeze %dma_start3A_286 : memref<1x128xi32, #tpu.memory_space<vmem>> -> memref<128xi32, #tpu.memory_space<vmem>>
        %dma_start3A_288 = arith.constant 0 : i32
        %dma_start3A_289 = arith.constant 0 : i32
        %dma_start3A_290 = tpu.memref_slice %arg2[%dma_start3A_288, %dma_start3A_289] : memref<10000x128xf32, #tpu.memory_space<hbm>> -> memref<10000x128xf32, #tpu.memory_space<hbm>>
        tpu.enqueue_indirect_dma source(%dma_start3A_290 : memref<10000x128xf32, #tpu.memory_space<hbm>>) target(%arg11 : memref<128x128xf32, #tpu.memory_space<vmem>>) offsets(%dma_start3A_287 : memref<128xi32, #tpu.memory_space<vmem>>) semaphore(%arg15 : memref<!tpu.dma_semaphore, #tpu.memory_space<semaphore_mem>>)
      } else {
      }
      %add3A_155 = arith.constant 1 : i32
      %add3A_156 = arith.addi %mul3A_131, %add3A_155 : i32
      %dma_wait3A_157 = arith.constant 0 : i32
      %dma_wait3A_158 = arith.constant 0 : i32
      %dma_wait3A_159 = tpu.memref_slice %arg6[%dma_wait3A_157, %dma_wait3A_158] : memref<2x128xi32, #tpu.memory_space<vmem>> -> memref<1x128xi32, #tpu.memory_space<vmem>>
      %dma_wait3A_160 = tpu.memref_squeeze %dma_wait3A_159 : memref<1x128xi32, #tpu.memory_space<vmem>> -> memref<128xi32, #tpu.memory_space<vmem>>
      %dma_wait3A_161 = arith.constant 0 : i32
      %dma_wait3A_162 = arith.constant 0 : i32
      %dma_wait3A_163 = tpu.memref_slice %arg2[%dma_wait3A_161, %dma_wait3A_162] : memref<10000x128xf32, #tpu.memory_space<hbm>> -> memref<10000x128xf32, #tpu.memory_space<hbm>>
      tpu.wait_indirect_dma semaphore(%arg16 : memref<!tpu.dma_semaphore, #tpu.memory_space<semaphore_mem>>) src(%dma_wait3A_163 : memref<10000x128xf32, #tpu.memory_space<hbm>>) dst(%arg12 : memref<128x128xf32, #tpu.memory_space<vmem>>)
      %run_scoped3A_164 = arith.constant 1 : i32
      "tpu.region"() ({
        %run_scoped3A_275 = tpu.sem_alloc : memref<!tpu.dma_semaphore, #tpu.memory_space<semaphore_mem>>
        %dma_start3A_276 = arith.constant 0 : i32
        %dma_start3A_277 = tpu.memref_slice %arg6[%run_scoped3A_164, %dma_start3A_276] : memref<2x128xi32, #tpu.memory_space<vmem>> -> memref<1x128xi32, #tpu.memory_space<vmem>>
        %dma_start3A_278 = tpu.memref_squeeze %dma_start3A_277 : memref<1x128xi32, #tpu.memory_space<vmem>> -> memref<128xi32, #tpu.memory_space<vmem>>
        %dma_start3A_279 = arith.constant 0 : i32
        %dma_start3A_280 = arith.constant 0 : i32
        %dma_start3A_281 = tpu.memref_slice %arg14[%dma_start3A_279, %dma_start3A_280] : memref<10000x128xf32, #tpu.memory_space<vmem_shared>> -> memref<10000x128xf32, #tpu.memory_space<vmem_shared>>
        tpu.enqueue_indirect_dma source(%arg12 : memref<128x128xf32, #tpu.memory_space<vmem>>) target(%dma_start3A_281 : memref<10000x128xf32, #tpu.memory_space<vmem_shared>>) offsets(%dma_start3A_278 : memref<128xi32, #tpu.memory_space<vmem>>) semaphore(%run_scoped3A_275 : memref<!tpu.dma_semaphore, #tpu.memory_space<semaphore_mem>>) {add = true}
        %dma_wait3A_282 = arith.constant 0 : i32
        %dma_wait3A_283 = tpu.memref_slice %arg6[%run_scoped3A_164, %dma_wait3A_282] : memref<2x128xi32, #tpu.memory_space<vmem>> -> memref<1x128xi32, #tpu.memory_space<vmem>>
        %dma_wait3A_284 = tpu.memref_squeeze %dma_wait3A_283 : memref<1x128xi32, #tpu.memory_space<vmem>> -> memref<128xi32, #tpu.memory_space<vmem>>
        %dma_wait3A_285 = arith.constant 0 : i32
        %dma_wait3A_286 = arith.constant 0 : i32
        %dma_wait3A_287 = tpu.memref_slice %arg14[%dma_wait3A_285, %dma_wait3A_286] : memref<10000x128xf32, #tpu.memory_space<vmem_shared>> -> memref<10000x128xf32, #tpu.memory_space<vmem_shared>>
        tpu.wait_indirect_dma semaphore(%run_scoped3A_275 : memref<!tpu.dma_semaphore, #tpu.memory_space<semaphore_mem>>) src(%arg12 : memref<128x128xf32, #tpu.memory_space<vmem>>) dst(%dma_wait3A_287 : memref<10000x128xf32, #tpu.memory_space<vmem_shared>>)
        tpu.yield
      }) : () -> ()
      %add3A_165 = arith.constant 6 : i32
      %add3A_166 = arith.addi %add3A_156, %add3A_165 : i32
      %lt3A_167 = arith.constant 78 : i32
      %lt3A_168 = arith.cmpi slt, %add3A_166, %lt3A_167 : i32
      %convert_element_type3A_169 = arith.extui %lt3A_168 : i1 to i32
      %cond3A_170 = arith.constant 0 : i32
      %cond3A_171 = arith.cmpi ne, %convert_element_type3A_169, %cond3A_170 : i32
      scf.if %cond3A_171 {
        %add3A_275 = arith.constant 6 : i32
        %add3A_276 = arith.addi %add3A_156, %add3A_275 : i32
        %add3A_277 = arith.addi %mul3A_2, %add3A_276 : i32
        %mul3A_278 = arith.constant 128 : i32
        %mul3A_279 = arith.muli %add3A_277, %mul3A_278 : i32
        %dma_start3A_280 = arith.constant 0 : i32
        %dma_start3A_281 = tpu.memref_slice %arg3[%dma_start3A_280, %mul3A_279] : memref<2x320000xi32, #tpu.memory_space<hbm>> -> memref<2x128xi32, #tpu.memory_space<hbm>>
        %dma_start3A_282 = arith.constant 0 : i32
        %dma_start3A_283 = tpu.memref_slice %arg3[%dma_start3A_282, %mul3A_279] : memref<2x320000xi32, #tpu.memory_space<hbm>> -> memref<2x128xi32, #tpu.memory_space<hbm>>
        tpu.enqueue_dma source(%dma_start3A_283 : memref<2x128xi32, #tpu.memory_space<hbm>>) target(%arg6 : memref<2x128xi32, #tpu.memory_space<vmem>>) target_semaphore(%arg19 : memref<!tpu.dma_semaphore, #tpu.memory_space<semaphore_mem>>)
      } else {
      }
      %add3A_172 = arith.constant 3 : i32
      %add3A_173 = arith.addi %add3A_156, %add3A_172 : i32
      %lt3A_174 = arith.constant 78 : i32
      %lt3A_175 = arith.cmpi slt, %add3A_173, %lt3A_174 : i32
      %convert_element_type3A_176 = arith.extui %lt3A_175 : i1 to i32
      %cond3A_177 = arith.constant 0 : i32
      %cond3A_178 = arith.cmpi ne, %convert_element_type3A_176, %cond3A_177 : i32
      scf.if %cond3A_178 {
        %add3A_275 = arith.constant 3 : i32
        %add3A_276 = arith.addi %add3A_156, %add3A_275 : i32
        %add3A_277 = arith.addi %mul3A_2, %add3A_276 : i32
        %mul3A_278 = arith.constant 128 : i32
        %mul3A_279 = arith.muli %add3A_277, %mul3A_278 : i32
        %dma_wait3A_280 = arith.constant 0 : i32
        %dma_wait3A_281 = tpu.memref_slice %arg3[%dma_wait3A_280, %mul3A_279] : memref<2x320000xi32, #tpu.memory_space<hbm>> -> memref<2x128xi32, #tpu.memory_space<hbm>>
        %dma_wait3A_282 = arith.constant 0 : i32
        %dma_wait3A_283 = tpu.memref_slice %arg3[%dma_wait3A_282, %mul3A_279] : memref<2x320000xi32, #tpu.memory_space<hbm>> -> memref<2x128xi32, #tpu.memory_space<hbm>>
        tpu.wait_dma2 semaphore(%arg22 : memref<!tpu.dma_semaphore, #tpu.memory_space<semaphore_mem>>) src(%dma_wait3A_283 : memref<2x128xi32, #tpu.memory_space<hbm>>) dst(%arg9 : memref<2x128xi32, #tpu.memory_space<vmem>>)
        %dma_start3A_284 = arith.constant 0 : i32
        %dma_start3A_285 = arith.constant 0 : i32
        %dma_start3A_286 = tpu.memref_slice %arg9[%dma_start3A_284, %dma_start3A_285] : memref<2x128xi32, #tpu.memory_space<vmem>> -> memref<1x128xi32, #tpu.memory_space<vmem>>
        %dma_start3A_287 = tpu.memref_squeeze %dma_start3A_286 : memref<1x128xi32, #tpu.memory_space<vmem>> -> memref<128xi32, #tpu.memory_space<vmem>>
        %dma_start3A_288 = arith.constant 0 : i32
        %dma_start3A_289 = arith.constant 0 : i32
        %dma_start3A_290 = tpu.memref_slice %arg2[%dma_start3A_288, %dma_start3A_289] : memref<10000x128xf32, #tpu.memory_space<hbm>> -> memref<10000x128xf32, #tpu.memory_space<hbm>>
        tpu.enqueue_indirect_dma source(%dma_start3A_290 : memref<10000x128xf32, #tpu.memory_space<hbm>>) target(%arg12 : memref<128x128xf32, #tpu.memory_space<vmem>>) offsets(%dma_start3A_287 : memref<128xi32, #tpu.memory_space<vmem>>) semaphore(%arg16 : memref<!tpu.dma_semaphore, #tpu.memory_space<semaphore_mem>>)
      } else {
      }
      %add3A_179 = arith.constant 2 : i32
      %add3A_180 = arith.addi %mul3A_131, %add3A_179 : i32
      %dma_wait3A_181 = arith.constant 0 : i32
      %dma_wait3A_182 = arith.constant 0 : i32
      %dma_wait3A_183 = tpu.memref_slice %arg7[%dma_wait3A_181, %dma_wait3A_182] : memref<2x128xi32, #tpu.memory_space<vmem>> -> memref<1x128xi32, #tpu.memory_space<vmem>>
      %dma_wait3A_184 = tpu.memref_squeeze %dma_wait3A_183 : memref<1x128xi32, #tpu.memory_space<vmem>> -> memref<128xi32, #tpu.memory_space<vmem>>
      %dma_wait3A_185 = arith.constant 0 : i32
      %dma_wait3A_186 = arith.constant 0 : i32
      %dma_wait3A_187 = tpu.memref_slice %arg2[%dma_wait3A_185, %dma_wait3A_186] : memref<10000x128xf32, #tpu.memory_space<hbm>> -> memref<10000x128xf32, #tpu.memory_space<hbm>>
      tpu.wait_indirect_dma semaphore(%arg17 : memref<!tpu.dma_semaphore, #tpu.memory_space<semaphore_mem>>) src(%dma_wait3A_187 : memref<10000x128xf32, #tpu.memory_space<hbm>>) dst(%arg13 : memref<128x128xf32, #tpu.memory_space<vmem>>)
      %run_scoped3A_188 = arith.constant 1 : i32
      "tpu.region"() ({
        %run_scoped3A_275 = tpu.sem_alloc : memref<!tpu.dma_semaphore, #tpu.memory_space<semaphore_mem>>
        %dma_start3A_276 = arith.constant 0 : i32
        %dma_start3A_277 = tpu.memref_slice %arg7[%run_scoped3A_188, %dma_start3A_276] : memref<2x128xi32, #tpu.memory_space<vmem>> -> memref<1x128xi32, #tpu.memory_space<vmem>>
        %dma_start3A_278 = tpu.memref_squeeze %dma_start3A_277 : memref<1x128xi32, #tpu.memory_space<vmem>> -> memref<128xi32, #tpu.memory_space<vmem>>
        %dma_start3A_279 = arith.constant 0 : i32
        %dma_start3A_280 = arith.constant 0 : i32
        %dma_start3A_281 = tpu.memref_slice %arg14[%dma_start3A_279, %dma_start3A_280] : memref<10000x128xf32, #tpu.memory_space<vmem_shared>> -> memref<10000x128xf32, #tpu.memory_space<vmem_shared>>
        tpu.enqueue_indirect_dma source(%arg13 : memref<128x128xf32, #tpu.memory_space<vmem>>) target(%dma_start3A_281 : memref<10000x128xf32, #tpu.memory_space<vmem_shared>>) offsets(%dma_start3A_278 : memref<128xi32, #tpu.memory_space<vmem>>) semaphore(%run_scoped3A_275 : memref<!tpu.dma_semaphore, #tpu.memory_space<semaphore_mem>>) {add = true}
        %dma_wait3A_282 = arith.constant 0 : i32
        %dma_wait3A_283 = tpu.memref_slice %arg7[%run_scoped3A_188, %dma_wait3A_282] : memref<2x128xi32, #tpu.memory_space<vmem>> -> memref<1x128xi32, #tpu.memory_space<vmem>>
        %dma_wait3A_284 = tpu.memref_squeeze %dma_wait3A_283 : memref<1x128xi32, #tpu.memory_space<vmem>> -> memref<128xi32, #tpu.memory_space<vmem>>
        %dma_wait3A_285 = arith.constant 0 : i32
        %dma_wait3A_286 = arith.constant 0 : i32
        %dma_wait3A_287 = tpu.memref_slice %arg14[%dma_wait3A_285, %dma_wait3A_286] : memref<10000x128xf32, #tpu.memory_space<vmem_shared>> -> memref<10000x128xf32, #tpu.memory_space<vmem_shared>>
        tpu.wait_indirect_dma semaphore(%run_scoped3A_275 : memref<!tpu.dma_semaphore, #tpu.memory_space<semaphore_mem>>) src(%arg13 : memref<128x128xf32, #tpu.memory_space<vmem>>) dst(%dma_wait3A_287 : memref<10000x128xf32, #tpu.memory_space<vmem_shared>>)
        tpu.yield
      }) : () -> ()
      %add3A_189 = arith.constant 6 : i32
      %add3A_190 = arith.addi %add3A_180, %add3A_189 : i32
      %lt3A_191 = arith.constant 78 : i32
      %lt3A_192 = arith.cmpi slt, %add3A_190, %lt3A_191 : i32
      %convert_element_type3A_193 = arith.extui %lt3A_192 : i1 to i32
      %cond3A_194 = arith.constant 0 : i32
      %cond3A_195 = arith.cmpi ne, %convert_element_type3A_193, %cond3A_194 : i32
      scf.if %cond3A_195 {
        %add3A_275 = arith.constant 6 : i32
        %add3A_276 = arith.addi %add3A_180, %add3A_275 : i32
        %add3A_277 = arith.addi %mul3A_2, %add3A_276 : i32
        %mul3A_278 = arith.constant 128 : i32
        %mul3A_279 = arith.muli %add3A_277, %mul3A_278 : i32
        %dma_start3A_280 = arith.constant 0 : i32
        %dma_start3A_281 = tpu.memref_slice %arg3[%dma_start3A_280, %mul3A_279] : memref<2x320000xi32, #tpu.memory_space<hbm>> -> memref<2x128xi32, #tpu.memory_space<hbm>>
        %dma_start3A_282 = arith.constant 0 : i32
        %dma_start3A_283 = tpu.memref_slice %arg3[%dma_start3A_282, %mul3A_279] : memref<2x320000xi32, #tpu.memory_space<hbm>> -> memref<2x128xi32, #tpu.memory_space<hbm>>
        tpu.enqueue_dma source(%dma_start3A_283 : memref<2x128xi32, #tpu.memory_space<hbm>>) target(%arg7 : memref<2x128xi32, #tpu.memory_space<vmem>>) target_semaphore(%arg20 : memref<!tpu.dma_semaphore, #tpu.memory_space<semaphore_mem>>)
      } else {
      }
      %add3A_196 = arith.constant 3 : i32
      %add3A_197 = arith.addi %add3A_180, %add3A_196 : i32
      %lt3A_198 = arith.constant 78 : i32
      %lt3A_199 = arith.cmpi slt, %add3A_197, %lt3A_198 : i32
      %convert_element_type3A_200 = arith.extui %lt3A_199 : i1 to i32
      %cond3A_201 = arith.constant 0 : i32
      %cond3A_202 = arith.cmpi ne, %convert_element_type3A_200, %cond3A_201 : i32
      scf.if %cond3A_202 {
        %add3A_275 = arith.constant 3 : i32
        %add3A_276 = arith.addi %add3A_180, %add3A_275 : i32
        %add3A_277 = arith.addi %mul3A_2, %add3A_276 : i32
        %mul3A_278 = arith.constant 128 : i32
        %mul3A_279 = arith.muli %add3A_277, %mul3A_278 : i32
        %dma_wait3A_280 = arith.constant 0 : i32
        %dma_wait3A_281 = tpu.memref_slice %arg3[%dma_wait3A_280, %mul3A_279] : memref<2x320000xi32, #tpu.memory_space<hbm>> -> memref<2x128xi32, #tpu.memory_space<hbm>>
        %dma_wait3A_282 = arith.constant 0 : i32
        %dma_wait3A_283 = tpu.memref_slice %arg3[%dma_wait3A_282, %mul3A_279] : memref<2x320000xi32, #tpu.memory_space<hbm>> -> memref<2x128xi32, #tpu.memory_space<hbm>>
        tpu.wait_dma2 semaphore(%arg23 : memref<!tpu.dma_semaphore, #tpu.memory_space<semaphore_mem>>) src(%dma_wait3A_283 : memref<2x128xi32, #tpu.memory_space<hbm>>) dst(%arg10 : memref<2x128xi32, #tpu.memory_space<vmem>>)
        %dma_start3A_284 = arith.constant 0 : i32
        %dma_start3A_285 = arith.constant 0 : i32
        %dma_start3A_286 = tpu.memref_slice %arg10[%dma_start3A_284, %dma_start3A_285] : memref<2x128xi32, #tpu.memory_space<vmem>> -> memref<1x128xi32, #tpu.memory_space<vmem>>
        %dma_start3A_287 = tpu.memref_squeeze %dma_start3A_286 : memref<1x128xi32, #tpu.memory_space<vmem>> -> memref<128xi32, #tpu.memory_space<vmem>>
        %dma_start3A_288 = arith.constant 0 : i32
        %dma_start3A_289 = arith.constant 0 : i32
        %dma_start3A_290 = tpu.memref_slice %arg2[%dma_start3A_288, %dma_start3A_289] : memref<10000x128xf32, #tpu.memory_space<hbm>> -> memref<10000x128xf32, #tpu.memory_space<hbm>>
        tpu.enqueue_indirect_dma source(%dma_start3A_290 : memref<10000x128xf32, #tpu.memory_space<hbm>>) target(%arg13 : memref<128x128xf32, #tpu.memory_space<vmem>>) offsets(%dma_start3A_287 : memref<128xi32, #tpu.memory_space<vmem>>) semaphore(%arg17 : memref<!tpu.dma_semaphore, #tpu.memory_space<semaphore_mem>>)
      } else {
      }
      %add3A_203 = arith.constant 3 : i32
      %add3A_204 = arith.addi %mul3A_131, %add3A_203 : i32
      %dma_wait3A_205 = arith.constant 0 : i32
      %dma_wait3A_206 = arith.constant 0 : i32
      %dma_wait3A_207 = tpu.memref_slice %arg8[%dma_wait3A_205, %dma_wait3A_206] : memref<2x128xi32, #tpu.memory_space<vmem>> -> memref<1x128xi32, #tpu.memory_space<vmem>>
      %dma_wait3A_208 = tpu.memref_squeeze %dma_wait3A_207 : memref<1x128xi32, #tpu.memory_space<vmem>> -> memref<128xi32, #tpu.memory_space<vmem>>
      %dma_wait3A_209 = arith.constant 0 : i32
      %dma_wait3A_210 = arith.constant 0 : i32
      %dma_wait3A_211 = tpu.memref_slice %arg2[%dma_wait3A_209, %dma_wait3A_210] : memref<10000x128xf32, #tpu.memory_space<hbm>> -> memref<10000x128xf32, #tpu.memory_space<hbm>>
      tpu.wait_indirect_dma semaphore(%arg15 : memref<!tpu.dma_semaphore, #tpu.memory_space<semaphore_mem>>) src(%dma_wait3A_211 : memref<10000x128xf32, #tpu.memory_space<hbm>>) dst(%arg11 : memref<128x128xf32, #tpu.memory_space<vmem>>)
      %run_scoped3A_212 = arith.constant 1 : i32
      "tpu.region"() ({
        %run_scoped3A_275 = tpu.sem_alloc : memref<!tpu.dma_semaphore, #tpu.memory_space<semaphore_mem>>
        %dma_start3A_276 = arith.constant 0 : i32
        %dma_start3A_277 = tpu.memref_slice %arg8[%run_scoped3A_212, %dma_start3A_276] : memref<2x128xi32, #tpu.memory_space<vmem>> -> memref<1x128xi32, #tpu.memory_space<vmem>>
        %dma_start3A_278 = tpu.memref_squeeze %dma_start3A_277 : memref<1x128xi32, #tpu.memory_space<vmem>> -> memref<128xi32, #tpu.memory_space<vmem>>
        %dma_start3A_279 = arith.constant 0 : i32
        %dma_start3A_280 = arith.constant 0 : i32
        %dma_start3A_281 = tpu.memref_slice %arg14[%dma_start3A_279, %dma_start3A_280] : memref<10000x128xf32, #tpu.memory_space<vmem_shared>> -> memref<10000x128xf32, #tpu.memory_space<vmem_shared>>
        tpu.enqueue_indirect_dma source(%arg11 : memref<128x128xf32, #tpu.memory_space<vmem>>) target(%dma_start3A_281 : memref<10000x128xf32, #tpu.memory_space<vmem_shared>>) offsets(%dma_start3A_278 : memref<128xi32, #tpu.memory_space<vmem>>) semaphore(%run_scoped3A_275 : memref<!tpu.dma_semaphore, #tpu.memory_space<semaphore_mem>>) {add = true}
        %dma_wait3A_282 = arith.constant 0 : i32
        %dma_wait3A_283 = tpu.memref_slice %arg8[%run_scoped3A_212, %dma_wait3A_282] : memref<2x128xi32, #tpu.memory_space<vmem>> -> memref<1x128xi32, #tpu.memory_space<vmem>>
        %dma_wait3A_284 = tpu.memref_squeeze %dma_wait3A_283 : memref<1x128xi32, #tpu.memory_space<vmem>> -> memref<128xi32, #tpu.memory_space<vmem>>
        %dma_wait3A_285 = arith.constant 0 : i32
        %dma_wait3A_286 = arith.constant 0 : i32
        %dma_wait3A_287 = tpu.memref_slice %arg14[%dma_wait3A_285, %dma_wait3A_286] : memref<10000x128xf32, #tpu.memory_space<vmem_shared>> -> memref<10000x128xf32, #tpu.memory_space<vmem_shared>>
        tpu.wait_indirect_dma semaphore(%run_scoped3A_275 : memref<!tpu.dma_semaphore, #tpu.memory_space<semaphore_mem>>) src(%arg11 : memref<128x128xf32, #tpu.memory_space<vmem>>) dst(%dma_wait3A_287 : memref<10000x128xf32, #tpu.memory_space<vmem_shared>>)
        tpu.yield
      }) : () -> ()
      %add3A_213 = arith.constant 6 : i32
      %add3A_214 = arith.addi %add3A_204, %add3A_213 : i32
      %lt3A_215 = arith.constant 78 : i32
      %lt3A_216 = arith.cmpi slt, %add3A_214, %lt3A_215 : i32
      %convert_element_type3A_217 = arith.extui %lt3A_216 : i1 to i32
      %cond3A_218 = arith.constant 0 : i32
      %cond3A_219 = arith.cmpi ne, %convert_element_type3A_217, %cond3A_218 : i32
      scf.if %cond3A_219 {
        %add3A_275 = arith.constant 6 : i32
        %add3A_276 = arith.addi %add3A_204, %add3A_275 : i32
        %add3A_277 = arith.addi %mul3A_2, %add3A_276 : i32
        %mul3A_278 = arith.constant 128 : i32
        %mul3A_279 = arith.muli %add3A_277, %mul3A_278 : i32
        %dma_start3A_280 = arith.constant 0 : i32
        %dma_start3A_281 = tpu.memref_slice %arg3[%dma_start3A_280, %mul3A_279] : memref<2x320000xi32, #tpu.memory_space<hbm>> -> memref<2x128xi32, #tpu.memory_space<hbm>>
        %dma_start3A_282 = arith.constant 0 : i32
        %dma_start3A_283 = tpu.memref_slice %arg3[%dma_start3A_282, %mul3A_279] : memref<2x320000xi32, #tpu.memory_space<hbm>> -> memref<2x128xi32, #tpu.memory_space<hbm>>
        tpu.enqueue_dma source(%dma_start3A_283 : memref<2x128xi32, #tpu.memory_space<hbm>>) target(%arg8 : memref<2x128xi32, #tpu.memory_space<vmem>>) target_semaphore(%arg21 : memref<!tpu.dma_semaphore, #tpu.memory_space<semaphore_mem>>)
      } else {
      }
      %add3A_220 = arith.constant 3 : i32
      %add3A_221 = arith.addi %add3A_204, %add3A_220 : i32
      %lt3A_222 = arith.constant 78 : i32
      %lt3A_223 = arith.cmpi slt, %add3A_221, %lt3A_222 : i32
      %convert_element_type3A_224 = arith.extui %lt3A_223 : i1 to i32
      %cond3A_225 = arith.constant 0 : i32
      %cond3A_226 = arith.cmpi ne, %convert_element_type3A_224, %cond3A_225 : i32
      scf.if %cond3A_226 {
        %add3A_275 = arith.constant 3 : i32
        %add3A_276 = arith.addi %add3A_204, %add3A_275 : i32
        %add3A_277 = arith.addi %mul3A_2, %add3A_276 : i32
        %mul3A_278 = arith.constant 128 : i32
        %mul3A_279 = arith.muli %add3A_277, %mul3A_278 : i32
        %dma_wait3A_280 = arith.constant 0 : i32
        %dma_wait3A_281 = tpu.memref_slice %arg3[%dma_wait3A_280, %mul3A_279] : memref<2x320000xi32, #tpu.memory_space<hbm>> -> memref<2x128xi32, #tpu.memory_space<hbm>>
        %dma_wait3A_282 = arith.constant 0 : i32
        %dma_wait3A_283 = tpu.memref_slice %arg3[%dma_wait3A_282, %mul3A_279] : memref<2x320000xi32, #tpu.memory_space<hbm>> -> memref<2x128xi32, #tpu.memory_space<hbm>>
        tpu.wait_dma2 semaphore(%arg18 : memref<!tpu.dma_semaphore, #tpu.memory_space<semaphore_mem>>) src(%dma_wait3A_283 : memref<2x128xi32, #tpu.memory_space<hbm>>) dst(%arg5 : memref<2x128xi32, #tpu.memory_space<vmem>>)
        %dma_start3A_284 = arith.constant 0 : i32
        %dma_start3A_285 = arith.constant 0 : i32
        %dma_start3A_286 = tpu.memref_slice %arg5[%dma_start3A_284, %dma_start3A_285] : memref<2x128xi32, #tpu.memory_space<vmem>> -> memref<1x128xi32, #tpu.memory_space<vmem>>
        %dma_start3A_287 = tpu.memref_squeeze %dma_start3A_286 : memref<1x128xi32, #tpu.memory_space<vmem>> -> memref<128xi32, #tpu.memory_space<vmem>>
        %dma_start3A_288 = arith.constant 0 : i32
        %dma_start3A_289 = arith.constant 0 : i32
        %dma_start3A_290 = tpu.memref_slice %arg2[%dma_start3A_288, %dma_start3A_289] : memref<10000x128xf32, #tpu.memory_space<hbm>> -> memref<10000x128xf32, #tpu.memory_space<hbm>>
        tpu.enqueue_indirect_dma source(%dma_start3A_290 : memref<10000x128xf32, #tpu.memory_space<hbm>>) target(%arg11 : memref<128x128xf32, #tpu.memory_space<vmem>>) offsets(%dma_start3A_287 : memref<128xi32, #tpu.memory_space<vmem>>) semaphore(%arg15 : memref<!tpu.dma_semaphore, #tpu.memory_space<semaphore_mem>>)
      } else {
      }
      %add3A_227 = arith.constant 4 : i32
      %add3A_228 = arith.addi %mul3A_131, %add3A_227 : i32
      %dma_wait3A_229 = arith.constant 0 : i32
      %dma_wait3A_230 = arith.constant 0 : i32
      %dma_wait3A_231 = tpu.memref_slice %arg9[%dma_wait3A_229, %dma_wait3A_230] : memref<2x128xi32, #tpu.memory_space<vmem>> -> memref<1x128xi32, #tpu.memory_space<vmem>>
      %dma_wait3A_232 = tpu.memref_squeeze %dma_wait3A_231 : memref<1x128xi32, #tpu.memory_space<vmem>> -> memref<128xi32, #tpu.memory_space<vmem>>
      %dma_wait3A_233 = arith.constant 0 : i32
      %dma_wait3A_234 = arith.constant 0 : i32
      %dma_wait3A_235 = tpu.memref_slice %arg2[%dma_wait3A_233, %dma_wait3A_234] : memref<10000x128xf32, #tpu.memory_space<hbm>> -> memref<10000x128xf32, #tpu.memory_space<hbm>>
      tpu.wait_indirect_dma semaphore(%arg16 : memref<!tpu.dma_semaphore, #tpu.memory_space<semaphore_mem>>) src(%dma_wait3A_235 : memref<10000x128xf32, #tpu.memory_space<hbm>>) dst(%arg12 : memref<128x128xf32, #tpu.memory_space<vmem>>)
      %run_scoped3A_236 = arith.constant 1 : i32
      "tpu.region"() ({
        %run_scoped3A_275 = tpu.sem_alloc : memref<!tpu.dma_semaphore, #tpu.memory_space<semaphore_mem>>
        %dma_start3A_276 = arith.constant 0 : i32
        %dma_start3A_277 = tpu.memref_slice %arg9[%run_scoped3A_236, %dma_start3A_276] : memref<2x128xi32, #tpu.memory_space<vmem>> -> memref<1x128xi32, #tpu.memory_space<vmem>>
        %dma_start3A_278 = tpu.memref_squeeze %dma_start3A_277 : memref<1x128xi32, #tpu.memory_space<vmem>> -> memref<128xi32, #tpu.memory_space<vmem>>
        %dma_start3A_279 = arith.constant 0 : i32
        %dma_start3A_280 = arith.constant 0 : i32
        %dma_start3A_281 = tpu.memref_slice %arg14[%dma_start3A_279, %dma_start3A_280] : memref<10000x128xf32, #tpu.memory_space<vmem_shared>> -> memref<10000x128xf32, #tpu.memory_space<vmem_shared>>
        tpu.enqueue_indirect_dma source(%arg12 : memref<128x128xf32, #tpu.memory_space<vmem>>) target(%dma_start3A_281 : memref<10000x128xf32, #tpu.memory_space<vmem_shared>>) offsets(%dma_start3A_278 : memref<128xi32, #tpu.memory_space<vmem>>) semaphore(%run_scoped3A_275 : memref<!tpu.dma_semaphore, #tpu.memory_space<semaphore_mem>>) {add = true}
        %dma_wait3A_282 = arith.constant 0 : i32
        %dma_wait3A_283 = tpu.memref_slice %arg9[%run_scoped3A_236, %dma_wait3A_282] : memref<2x128xi32, #tpu.memory_space<vmem>> -> memref<1x128xi32, #tpu.memory_space<vmem>>
        %dma_wait3A_284 = tpu.memref_squeeze %dma_wait3A_283 : memref<1x128xi32, #tpu.memory_space<vmem>> -> memref<128xi32, #tpu.memory_space<vmem>>
        %dma_wait3A_285 = arith.constant 0 : i32
        %dma_wait3A_286 = arith.constant 0 : i32
        %dma_wait3A_287 = tpu.memref_slice %arg14[%dma_wait3A_285, %dma_wait3A_286] : memref<10000x128xf32, #tpu.memory_space<vmem_shared>> -> memref<10000x128xf32, #tpu.memory_space<vmem_shared>>
        tpu.wait_indirect_dma semaphore(%run_scoped3A_275 : memref<!tpu.dma_semaphore, #tpu.memory_space<semaphore_mem>>) src(%arg12 : memref<128x128xf32, #tpu.memory_space<vmem>>) dst(%dma_wait3A_287 : memref<10000x128xf32, #tpu.memory_space<vmem_shared>>)
        tpu.yield
      }) : () -> ()
      %add3A_237 = arith.constant 6 : i32
      %add3A_238 = arith.addi %add3A_228, %add3A_237 : i32
      %lt3A_239 = arith.constant 78 : i32
      %lt3A_240 = arith.cmpi slt, %add3A_238, %lt3A_239 : i32
      %convert_element_type3A_241 = arith.extui %lt3A_240 : i1 to i32
      %cond3A_242 = arith.constant 0 : i32
      %cond3A_243 = arith.cmpi ne, %convert_element_type3A_241, %cond3A_242 : i32
      scf.if %cond3A_243 {
        %add3A_275 = arith.constant 6 : i32
        %add3A_276 = arith.addi %add3A_228, %add3A_275 : i32
        %add3A_277 = arith.addi %mul3A_2, %add3A_276 : i32
        %mul3A_278 = arith.constant 128 : i32
        %mul3A_279 = arith.muli %add3A_277, %mul3A_278 : i32
        %dma_start3A_280 = arith.constant 0 : i32
        %dma_start3A_281 = tpu.memref_slice %arg3[%dma_start3A_280, %mul3A_279] : memref<2x320000xi32, #tpu.memory_space<hbm>> -> memref<2x128xi32, #tpu.memory_space<hbm>>
        %dma_start3A_282 = arith.constant 0 : i32
        %dma_start3A_283 = tpu.memref_slice %arg3[%dma_start3A_282, %mul3A_279] : memref<2x320000xi32, #tpu.memory_space<hbm>> -> memref<2x128xi32, #tpu.memory_space<hbm>>
        tpu.enqueue_dma source(%dma_start3A_283 : memref<2x128xi32, #tpu.memory_space<hbm>>) target(%arg9 : memref<2x128xi32, #tpu.memory_space<vmem>>) target_semaphore(%arg22 : memref<!tpu.dma_semaphore, #tpu.memory_space<semaphore_mem>>)
      } else {
      }
      %add3A_244 = arith.constant 3 : i32
      %add3A_245 = arith.addi %add3A_228, %add3A_244 : i32
      %lt3A_246 = arith.constant 78 : i32
      %lt3A_247 = arith.cmpi slt, %add3A_245, %lt3A_246 : i32
      %convert_element_type3A_248 = arith.extui %lt3A_247 : i1 to i32
      %cond3A_249 = arith.constant 0 : i32
      %cond3A_250 = arith.cmpi ne, %convert_element_type3A_248, %cond3A_249 : i32
      scf.if %cond3A_250 {
        %add3A_275 = arith.constant 3 : i32
        %add3A_276 = arith.addi %add3A_228, %add3A_275 : i32
        %add3A_277 = arith.addi %mul3A_2, %add3A_276 : i32
        %mul3A_278 = arith.constant 128 : i32
        %mul3A_279 = arith.muli %add3A_277, %mul3A_278 : i32
        %dma_wait3A_280 = arith.constant 0 : i32
        %dma_wait3A_281 = tpu.memref_slice %arg3[%dma_wait3A_280, %mul3A_279] : memref<2x320000xi32, #tpu.memory_space<hbm>> -> memref<2x128xi32, #tpu.memory_space<hbm>>
        %dma_wait3A_282 = arith.constant 0 : i32
        %dma_wait3A_283 = tpu.memref_slice %arg3[%dma_wait3A_282, %mul3A_279] : memref<2x320000xi32, #tpu.memory_space<hbm>> -> memref<2x128xi32, #tpu.memory_space<hbm>>
        tpu.wait_dma2 semaphore(%arg19 : memref<!tpu.dma_semaphore, #tpu.memory_space<semaphore_mem>>) src(%dma_wait3A_283 : memref<2x128xi32, #tpu.memory_space<hbm>>) dst(%arg6 : memref<2x128xi32, #tpu.memory_space<vmem>>)
        %dma_start3A_284 = arith.constant 0 : i32
        %dma_start3A_285 = arith.constant 0 : i32
        %dma_start3A_286 = tpu.memref_slice %arg6[%dma_start3A_284, %dma_start3A_285] : memref<2x128xi32, #tpu.memory_space<vmem>> -> memref<1x128xi32, #tpu.memory_space<vmem>>
        %dma_start3A_287 = tpu.memref_squeeze %dma_start3A_286 : memref<1x128xi32, #tpu.memory_space<vmem>> -> memref<128xi32, #tpu.memory_space<vmem>>
        %dma_start3A_288 = arith.constant 0 : i32
        %dma_start3A_289 = arith.constant 0 : i32
        %dma_start3A_290 = tpu.memref_slice %arg2[%dma_start3A_288, %dma_start3A_289] : memref<10000x128xf32, #tpu.memory_space<hbm>> -> memref<10000x128xf32, #tpu.memory_space<hbm>>
        tpu.enqueue_indirect_dma source(%dma_start3A_290 : memref<10000x128xf32, #tpu.memory_space<hbm>>) target(%arg12 : memref<128x128xf32, #tpu.memory_space<vmem>>) offsets(%dma_start3A_287 : memref<128xi32, #tpu.memory_space<vmem>>) semaphore(%arg16 : memref<!tpu.dma_semaphore, #tpu.memory_space<semaphore_mem>>)
      } else {
      }
      %add3A_251 = arith.constant 5 : i32
      %add3A_252 = arith.addi %mul3A_131, %add3A_251 : i32
      %dma_wait3A_253 = arith.constant 0 : i32
      %dma_wait3A_254 = arith.constant 0 : i32
      %dma_wait3A_255 = tpu.memref_slice %arg10[%dma_wait3A_253, %dma_wait3A_254] : memref<2x128xi32, #tpu.memory_space<vmem>> -> memref<1x128xi32, #tpu.memory_space<vmem>>
      %dma_wait3A_256 = tpu.memref_squeeze %dma_wait3A_255 : memref<1x128xi32, #tpu.memory_space<vmem>> -> memref<128xi32, #tpu.memory_space<vmem>>
      %dma_wait3A_257 = arith.constant 0 : i32
      %dma_wait3A_258 = arith.constant 0 : i32
      %dma_wait3A_259 = tpu.memref_slice %arg2[%dma_wait3A_257, %dma_wait3A_258] : memref<10000x128xf32, #tpu.memory_space<hbm>> -> memref<10000x128xf32, #tpu.memory_space<hbm>>
      tpu.wait_indirect_dma semaphore(%arg17 : memref<!tpu.dma_semaphore, #tpu.memory_space<semaphore_mem>>) src(%dma_wait3A_259 : memref<10000x128xf32, #tpu.memory_space<hbm>>) dst(%arg13 : memref<128x128xf32, #tpu.memory_space<vmem>>)
      %run_scoped3A_260 = arith.constant 1 : i32
      "tpu.region"() ({
        %run_scoped3A_275 = tpu.sem_alloc : memref<!tpu.dma_semaphore, #tpu.memory_space<semaphore_mem>>
        %dma_start3A_276 = arith.constant 0 : i32
        %dma_start3A_277 = tpu.memref_slice %arg10[%run_scoped3A_260, %dma_start3A_276] : memref<2x128xi32, #tpu.memory_space<vmem>> -> memref<1x128xi32, #tpu.memory_space<vmem>>
        %dma_start3A_278 = tpu.memref_squeeze %dma_start3A_277 : memref<1x128xi32, #tpu.memory_space<vmem>> -> memref<128xi32, #tpu.memory_space<vmem>>
        %dma_start3A_279 = arith.constant 0 : i32
        %dma_start3A_280 = arith.constant 0 : i32
        %dma_start3A_281 = tpu.memref_slice %arg14[%dma_start3A_279, %dma_start3A_280] : memref<10000x128xf32, #tpu.memory_space<vmem_shared>> -> memref<10000x128xf32, #tpu.memory_space<vmem_shared>>
        tpu.enqueue_indirect_dma source(%arg13 : memref<128x128xf32, #tpu.memory_space<vmem>>) target(%dma_start3A_281 : memref<10000x128xf32, #tpu.memory_space<vmem_shared>>) offsets(%dma_start3A_278 : memref<128xi32, #tpu.memory_space<vmem>>) semaphore(%run_scoped3A_275 : memref<!tpu.dma_semaphore, #tpu.memory_space<semaphore_mem>>) {add = true}
        %dma_wait3A_282 = arith.constant 0 : i32
        %dma_wait3A_283 = tpu.memref_slice %arg10[%run_scoped3A_260, %dma_wait3A_282] : memref<2x128xi32, #tpu.memory_space<vmem>> -> memref<1x128xi32, #tpu.memory_space<vmem>>
        %dma_wait3A_284 = tpu.memref_squeeze %dma_wait3A_283 : memref<1x128xi32, #tpu.memory_space<vmem>> -> memref<128xi32, #tpu.memory_space<vmem>>
        %dma_wait3A_285 = arith.constant 0 : i32
        %dma_wait3A_286 = arith.constant 0 : i32
        %dma_wait3A_287 = tpu.memref_slice %arg14[%dma_wait3A_285, %dma_wait3A_286] : memref<10000x128xf32, #tpu.memory_space<vmem_shared>> -> memref<10000x128xf32, #tpu.memory_space<vmem_shared>>
        tpu.wait_indirect_dma semaphore(%run_scoped3A_275 : memref<!tpu.dma_semaphore, #tpu.memory_space<semaphore_mem>>) src(%arg13 : memref<128x128xf32, #tpu.memory_space<vmem>>) dst(%dma_wait3A_287 : memref<10000x128xf32, #tpu.memory_space<vmem_shared>>)
        tpu.yield
      }) : () -> ()
      %add3A_261 = arith.constant 6 : i32
      %add3A_262 = arith.addi %add3A_252, %add3A_261 : i32
      %lt3A_263 = arith.constant 78 : i32
      %lt3A_264 = arith.cmpi slt, %add3A_262, %lt3A_263 : i32
      %convert_element_type3A_265 = arith.extui %lt3A_264 : i1 to i32
      %cond3A_266 = arith.constant 0 : i32
      %cond3A_267 = arith.cmpi ne, %convert_element_type3A_265, %cond3A_266 : i32
      scf.if %cond3A_267 {
        %add3A_275 = arith.constant 6 : i32
        %add3A_276 = arith.addi %add3A_252, %add3A_275 : i32
        %add3A_277 = arith.addi %mul3A_2, %add3A_276 : i32
        %mul3A_278 = arith.constant 128 : i32
        %mul3A_279 = arith.muli %add3A_277, %mul3A_278 : i32
        %dma_start3A_280 = arith.constant 0 : i32
        %dma_start3A_281 = tpu.memref_slice %arg3[%dma_start3A_280, %mul3A_279] : memref<2x320000xi32, #tpu.memory_space<hbm>> -> memref<2x128xi32, #tpu.memory_space<hbm>>
        %dma_start3A_282 = arith.constant 0 : i32
        %dma_start3A_283 = tpu.memref_slice %arg3[%dma_start3A_282, %mul3A_279] : memref<2x320000xi32, #tpu.memory_space<hbm>> -> memref<2x128xi32, #tpu.memory_space<hbm>>
        tpu.enqueue_dma source(%dma_start3A_283 : memref<2x128xi32, #tpu.memory_space<hbm>>) target(%arg10 : memref<2x128xi32, #tpu.memory_space<vmem>>) target_semaphore(%arg23 : memref<!tpu.dma_semaphore, #tpu.memory_space<semaphore_mem>>)
      } else {
      }
      %add3A_268 = arith.constant 3 : i32
      %add3A_269 = arith.addi %add3A_252, %add3A_268 : i32
      %lt3A_270 = arith.constant 78 : i32
      %lt3A_271 = arith.cmpi slt, %add3A_269, %lt3A_270 : i32
      %convert_element_type3A_272 = arith.extui %lt3A_271 : i1 to i32
      %cond3A_273 = arith.constant 0 : i32
      %cond3A_274 = arith.cmpi ne, %convert_element_type3A_272, %cond3A_273 : i32
      scf.if %cond3A_274 {
        %add3A_275 = arith.constant 3 : i32
        %add3A_276 = arith.addi %add3A_252, %add3A_275 : i32
        %add3A_277 = arith.addi %mul3A_2, %add3A_276 : i32
        %mul3A_278 = arith.constant 128 : i32
        %mul3A_279 = arith.muli %add3A_277, %mul3A_278 : i32
        %dma_wait3A_280 = arith.constant 0 : i32
        %dma_wait3A_281 = tpu.memref_slice %arg3[%dma_wait3A_280, %mul3A_279] : memref<2x320000xi32, #tpu.memory_space<hbm>> -> memref<2x128xi32, #tpu.memory_space<hbm>>
        %dma_wait3A_282 = arith.constant 0 : i32
        %dma_wait3A_283 = tpu.memref_slice %arg3[%dma_wait3A_282, %mul3A_279] : memref<2x320000xi32, #tpu.memory_space<hbm>> -> memref<2x128xi32, #tpu.memory_space<hbm>>
        tpu.wait_dma2 semaphore(%arg20 : memref<!tpu.dma_semaphore, #tpu.memory_space<semaphore_mem>>) src(%dma_wait3A_283 : memref<2x128xi32, #tpu.memory_space<hbm>>) dst(%arg7 : memref<2x128xi32, #tpu.memory_space<vmem>>)
        %dma_start3A_284 = arith.constant 0 : i32
        %dma_start3A_285 = arith.constant 0 : i32
        %dma_start3A_286 = tpu.memref_slice %arg7[%dma_start3A_284, %dma_start3A_285] : memref<2x128xi32, #tpu.memory_space<vmem>> -> memref<1x128xi32, #tpu.memory_space<vmem>>
        %dma_start3A_287 = tpu.memref_squeeze %dma_start3A_286 : memref<1x128xi32, #tpu.memory_space<vmem>> -> memref<128xi32, #tpu.memory_space<vmem>>
        %dma_start3A_288 = arith.constant 0 : i32
        %dma_start3A_289 = arith.constant 0 : i32
        %dma_start3A_290 = tpu.memref_slice %arg2[%dma_start3A_288, %dma_start3A_289] : memref<10000x128xf32, #tpu.memory_space<hbm>> -> memref<10000x128xf32, #tpu.memory_space<hbm>>
        tpu.enqueue_indirect_dma source(%dma_start3A_290 : memref<10000x128xf32, #tpu.memory_space<hbm>>) target(%arg13 : memref<128x128xf32, #tpu.memory_space<vmem>>) offsets(%dma_start3A_287 : memref<128xi32, #tpu.memory_space<vmem>>) semaphore(%arg17 : memref<!tpu.dma_semaphore, #tpu.memory_space<semaphore_mem>>)
      } else {
      }
    }
    %scan3A_112 = arith.constant 13 : i32
    %lt3A_113 = arith.constant 4 : i32
    %lt3A_114 = arith.cmpi slt, %add3A, %lt3A_113 : i32
    %convert_element_type3A_115 = arith.extui %lt3A_114 : i1 to i32
    %cond3A_116 = arith.constant 0 : i32
    %cond3A_117 = arith.cmpi ne, %convert_element_type3A_115, %cond3A_116 : i32
    scf.if %cond3A_117 {
      %add3A_129 = arith.constant 2496 : i32
      %add3A_130 = arith.addi %add3A_129, %add3A : i32
      %mul3A_131 = arith.constant 128 : i32
      %mul3A_132 = arith.muli %add3A_130, %mul3A_131 : i32
      "tpu.region"() ({
        %run_scoped3A_147 = tpu.sem_alloc : memref<!tpu.dma_semaphore, #tpu.memory_space<semaphore_mem>>
        %dma_start3A_148 = arith.constant 0 : i32
        %dma_start3A_149 = tpu.memref_slice %arg3[%dma_start3A_148, %mul3A_132] : memref<2x320000xi32, #tpu.memory_space<hbm>> -> memref<2x128xi32, #tpu.memory_space<hbm>>
        %dma_start3A_150 = arith.constant 0 : i32
        %dma_start3A_151 = tpu.memref_slice %arg3[%dma_start3A_150, %mul3A_132] : memref<2x320000xi32, #tpu.memory_space<hbm>> -> memref<2x128xi32, #tpu.memory_space<hbm>>
        tpu.enqueue_dma source(%dma_start3A_151 : memref<2x128xi32, #tpu.memory_space<hbm>>) target(%arg5 : memref<2x128xi32, #tpu.memory_space<vmem>>) target_semaphore(%run_scoped3A_147 : memref<!tpu.dma_semaphore, #tpu.memory_space<semaphore_mem>>)
        %dma_wait3A_152 = arith.constant 0 : i32
        %dma_wait3A_153 = tpu.memref_slice %arg3[%dma_wait3A_152, %mul3A_132] : memref<2x320000xi32, #tpu.memory_space<hbm>> -> memref<2x128xi32, #tpu.memory_space<hbm>>
        %dma_wait3A_154 = arith.constant 0 : i32
        %dma_wait3A_155 = tpu.memref_slice %arg3[%dma_wait3A_154, %mul3A_132] : memref<2x320000xi32, #tpu.memory_space<hbm>> -> memref<2x128xi32, #tpu.memory_space<hbm>>
        tpu.wait_dma2 semaphore(%run_scoped3A_147 : memref<!tpu.dma_semaphore, #tpu.memory_space<semaphore_mem>>) src(%dma_wait3A_155 : memref<2x128xi32, #tpu.memory_space<hbm>>) dst(%arg5 : memref<2x128xi32, #tpu.memory_space<vmem>>)
        tpu.yield
      }) : () -> ()
      %dma_start3A_133 = arith.constant 0 : i32
      %dma_start3A_134 = arith.constant 0 : i32
      %dma_start3A_135 = tpu.memref_slice %arg5[%dma_start3A_133, %dma_start3A_134] : memref<2x128xi32, #tpu.memory_space<vmem>> -> memref<1x128xi32, #tpu.memory_space<vmem>>
      %dma_start3A_136 = tpu.memref_squeeze %dma_start3A_135 : memref<1x128xi32, #tpu.memory_space<vmem>> -> memref<128xi32, #tpu.memory_space<vmem>>
      %dma_start3A_137 = arith.constant 0 : i32
      %dma_start3A_138 = arith.constant 0 : i32
      %dma_start3A_139 = tpu.memref_slice %arg2[%dma_start3A_137, %dma_start3A_138] : memref<10000x128xf32, #tpu.memory_space<hbm>> -> memref<10000x128xf32, #tpu.memory_space<hbm>>
      tpu.enqueue_indirect_dma source(%dma_start3A_139 : memref<10000x128xf32, #tpu.memory_space<hbm>>) target(%arg11 : memref<128x128xf32, #tpu.memory_space<vmem>>) offsets(%dma_start3A_136 : memref<128xi32, #tpu.memory_space<vmem>>) semaphore(%arg15 : memref<!tpu.dma_semaphore, #tpu.memory_space<semaphore_mem>>)
      %dma_wait3A_140 = arith.constant 0 : i32
      %dma_wait3A_141 = arith.constant 0 : i32
      %dma_wait3A_142 = tpu.memref_slice %arg5[%dma_wait3A_140, %dma_wait3A_141] : memref<2x128xi32, #tpu.memory_space<vmem>> -> memref<1x128xi32, #tpu.memory_space<vmem>>
      %dma_wait3A_143 = tpu.memref_squeeze %dma_wait3A_142 : memref<1x128xi32, #tpu.memory_space<vmem>> -> memref<128xi32, #tpu.memory_space<vmem>>
      %dma_wait3A_144 = arith.constant 0 : i32
      %dma_wait3A_145 = arith.constant 0 : i32
      %dma_wait3A_146 = tpu.memref_slice %arg2[%dma_wait3A_144, %dma_wait3A_145] : memref<10000x128xf32, #tpu.memory_space<hbm>> -> memref<10000x128xf32, #tpu.memory_space<hbm>>
      tpu.wait_indirect_dma semaphore(%arg15 : memref<!tpu.dma_semaphore, #tpu.memory_space<semaphore_mem>>) src(%dma_wait3A_146 : memref<10000x128xf32, #tpu.memory_space<hbm>>) dst(%arg11 : memref<128x128xf32, #tpu.memory_space<vmem>>)
      %run_scoped3A = arith.constant 1 : i32
      "tpu.region"() ({
        %run_scoped3A_147 = tpu.sem_alloc : memref<!tpu.dma_semaphore, #tpu.memory_space<semaphore_mem>>
        %dma_start3A_148 = arith.constant 0 : i32
        %dma_start3A_149 = tpu.memref_slice %arg5[%run_scoped3A, %dma_start3A_148] : memref<2x128xi32, #tpu.memory_space<vmem>> -> memref<1x128xi32, #tpu.memory_space<vmem>>
        %dma_start3A_150 = tpu.memref_squeeze %dma_start3A_149 : memref<1x128xi32, #tpu.memory_space<vmem>> -> memref<128xi32, #tpu.memory_space<vmem>>
        %dma_start3A_151 = arith.constant 0 : i32
        %dma_start3A_152 = arith.constant 0 : i32
        %dma_start3A_153 = tpu.memref_slice %arg14[%dma_start3A_151, %dma_start3A_152] : memref<10000x128xf32, #tpu.memory_space<vmem_shared>> -> memref<10000x128xf32, #tpu.memory_space<vmem_shared>>
        tpu.enqueue_indirect_dma source(%arg11 : memref<128x128xf32, #tpu.memory_space<vmem>>) target(%dma_start3A_153 : memref<10000x128xf32, #tpu.memory_space<vmem_shared>>) offsets(%dma_start3A_150 : memref<128xi32, #tpu.memory_space<vmem>>) semaphore(%run_scoped3A_147 : memref<!tpu.dma_semaphore, #tpu.memory_space<semaphore_mem>>) {add = true}
        %dma_wait3A_154 = arith.constant 0 : i32
        %dma_wait3A_155 = tpu.memref_slice %arg5[%run_scoped3A, %dma_wait3A_154] : memref<2x128xi32, #tpu.memory_space<vmem>> -> memref<1x128xi32, #tpu.memory_space<vmem>>
        %dma_wait3A_156 = tpu.memref_squeeze %dma_wait3A_155 : memref<1x128xi32, #tpu.memory_space<vmem>> -> memref<128xi32, #tpu.memory_space<vmem>>
        %dma_wait3A_157 = arith.constant 0 : i32
        %dma_wait3A_158 = arith.constant 0 : i32
        %dma_wait3A_159 = tpu.memref_slice %arg14[%dma_wait3A_157, %dma_wait3A_158] : memref<10000x128xf32, #tpu.memory_space<vmem_shared>> -> memref<10000x128xf32, #tpu.memory_space<vmem_shared>>
        tpu.wait_indirect_dma semaphore(%run_scoped3A_147 : memref<!tpu.dma_semaphore, #tpu.memory_space<semaphore_mem>>) src(%arg11 : memref<128x128xf32, #tpu.memory_space<vmem>>) dst(%dma_wait3A_159 : memref<10000x128xf32, #tpu.memory_space<vmem_shared>>)
        tpu.yield
      }) : () -> ()
    } else {
    }
    %barrier3A_118 = arith.constant 0 : index
    tpu.barrier barrier_id(%barrier3A_118)
    %lt3A_119 = arith.constant 15 : i32
    %lt3A_120 = arith.cmpi slt, %arg1, %lt3A_119 : i32
    %convert_element_type3A_121 = arith.extui %lt3A_120 : i1 to i32
    %cond3A_122 = arith.constant 0 : i32
    %cond3A_123 = arith.cmpi ne, %convert_element_type3A_121, %cond3A_122 : i32
    scf.if %cond3A_123 {
      "tpu.region"() ({
        %run_scoped3A = tpu.sem_alloc : memref<!tpu.dma_semaphore, #tpu.memory_space<semaphore_mem>>
        %dma_start3A_129 = arith.constant 0 : i32
        %dma_start3A_130 = tpu.memref_slice %arg4[%arg0, %mul3A_56, %dma_start3A_129] : memref<2x10000x128xf32, #tpu.memory_space<hbm>> -> memref<1x624x128xf32, #tpu.memory_space<hbm>>
        %dma_start3A_131 = tpu.memref_squeeze %dma_start3A_130 : memref<1x624x128xf32, #tpu.memory_space<hbm>> -> memref<624x128xf32, #tpu.memory_space<hbm>>
        %dma_start3A_132 = arith.constant 0 : i32
        %dma_start3A_133 = tpu.memref_slice %arg14[%mul3A_56, %dma_start3A_132] : memref<10000x128xf32, #tpu.memory_space<vmem_shared>> -> memref<624x128xf32, #tpu.memory_space<vmem_shared>>
        tpu.enqueue_dma source(%dma_start3A_133 : memref<624x128xf32, #tpu.memory_space<vmem_shared>>) target(%dma_start3A_131 : memref<624x128xf32, #tpu.memory_space<hbm>>) target_semaphore(%run_scoped3A : memref<!tpu.dma_semaphore, #tpu.memory_space<semaphore_mem>>)
        %dma_wait3A_134 = arith.constant 0 : i32
        %dma_wait3A_135 = tpu.memref_slice %arg4[%arg0, %mul3A_56, %dma_wait3A_134] : memref<2x10000x128xf32, #tpu.memory_space<hbm>> -> memref<1x624x128xf32, #tpu.memory_space<hbm>>
        %dma_wait3A_136 = tpu.memref_squeeze %dma_wait3A_135 : memref<1x624x128xf32, #tpu.memory_space<hbm>> -> memref<624x128xf32, #tpu.memory_space<hbm>>
        %dma_wait3A_137 = arith.constant 0 : i32
        %dma_wait3A_138 = tpu.memref_slice %arg14[%mul3A_56, %dma_wait3A_137] : memref<10000x128xf32, #tpu.memory_space<vmem_shared>> -> memref<624x128xf32, #tpu.memory_space<vmem_shared>>
        tpu.wait_dma2 semaphore(%run_scoped3A : memref<!tpu.dma_semaphore, #tpu.memory_space<semaphore_mem>>) src(%dma_wait3A_138 : memref<624x128xf32, #tpu.memory_space<vmem_shared>>) dst(%dma_wait3A_136 : memref<624x128xf32, #tpu.memory_space<hbm>>)
        tpu.yield
      }) : () -> ()
    } else {
    }
    %eq3A_124 = arith.constant 15 : i32
    %eq3A_125 = arith.cmpi eq, %arg1, %eq3A_124 : i32
    %convert_element_type3A_126 = arith.extui %eq3A_125 : i1 to i32
    %cond3A_127 = arith.constant 0 : i32
    %cond3A_128 = arith.cmpi ne, %convert_element_type3A_126, %cond3A_127 : i32
    scf.if %cond3A_128 {
      "tpu.region"() ({
        %run_scoped3A = tpu.sem_alloc : memref<!tpu.dma_semaphore, #tpu.memory_space<semaphore_mem>>
        %dma_start3A_129 = arith.constant 0 : i32
        %dma_start3A_130 = tpu.memref_slice %arg4[%arg0, %mul3A_56, %dma_start3A_129] : memref<2x10000x128xf32, #tpu.memory_space<hbm>> -> memref<1x640x128xf32, #tpu.memory_space<hbm>>
        %dma_start3A_131 = tpu.memref_squeeze %dma_start3A_130 : memref<1x640x128xf32, #tpu.memory_space<hbm>> -> memref<640x128xf32, #tpu.memory_space<hbm>>
        %dma_start3A_132 = arith.constant 0 : i32
        %dma_start3A_133 = tpu.memref_slice %arg14[%mul3A_56, %dma_start3A_132] : memref<10000x128xf32, #tpu.memory_space<vmem_shared>> -> memref<640x128xf32, #tpu.memory_space<vmem_shared>>
        tpu.enqueue_dma source(%dma_start3A_133 : memref<640x128xf32, #tpu.memory_space<vmem_shared>>) target(%dma_start3A_131 : memref<640x128xf32, #tpu.memory_space<hbm>>) target_semaphore(%run_scoped3A : memref<!tpu.dma_semaphore, #tpu.memory_space<semaphore_mem>>)
        %dma_wait3A_134 = arith.constant 0 : i32
        %dma_wait3A_135 = tpu.memref_slice %arg4[%arg0, %mul3A_56, %dma_wait3A_134] : memref<2x10000x128xf32, #tpu.memory_space<hbm>> -> memref<1x640x128xf32, #tpu.memory_space<hbm>>
        %dma_wait3A_136 = tpu.memref_squeeze %dma_wait3A_135 : memref<1x640x128xf32, #tpu.memory_space<hbm>> -> memref<640x128xf32, #tpu.memory_space<hbm>>
        %dma_wait3A_137 = arith.constant 0 : i32
        %dma_wait3A_138 = tpu.memref_slice %arg14[%mul3A_56, %dma_wait3A_137] : memref<10000x128xf32, #tpu.memory_space<vmem_shared>> -> memref<640x128xf32, #tpu.memory_space<vmem_shared>>
        tpu.wait_dma2 semaphore(%run_scoped3A : memref<!tpu.dma_semaphore, #tpu.memory_space<semaphore_mem>>) src(%dma_wait3A_138 : memref<640x128xf32, #tpu.memory_space<vmem_shared>>) dst(%dma_wait3A_136 : memref<640x128xf32, #tpu.memory_space<hbm>>)
        tpu.yield
      }) : () -> ()
    } else {
    }
    return
  }
}

#map = affine_map<(d0, d1) -> (0, 0)>
#map1 = affine_map<(d0, d1) -> (0, 0, 0)>
module attributes {stable_mosaic.version = 14 : i64} {
  func.func @seg_kernel(%arg0: i32, %arg1: i32, %arg2: memref<10000x128xf32, #tpu.memory_space<hbm>>, %arg3: memref<2x320000xi32, #tpu.memory_space<hbm>>, %arg4: memref<2x10000x128xf32, #tpu.memory_space<hbm>>, %arg5: memref<2x128xi32, #tpu.memory_space<vmem>>, %arg6: memref<2x128xi32, #tpu.memory_space<vmem>>, %arg7: memref<2x128xi32, #tpu.memory_space<vmem>>, %arg8: memref<2x128xi32, #tpu.memory_space<vmem>>, %arg9: memref<2x128xi32, #tpu.memory_space<vmem>>, %arg10: memref<2x128xi32, #tpu.memory_space<vmem>>, %arg11: memref<128x128xf32, #tpu.memory_space<vmem>>, %arg12: memref<128x128xf32, #tpu.memory_space<vmem>>, %arg13: memref<128x128xf32, #tpu.memory_space<vmem>>, %arg14: memref<10000x128xf32, #tpu.memory_space<vmem_shared>>, %arg15: memref<!tpu.dma_semaphore, #tpu.memory_space<semaphore_mem>>, %arg16: memref<!tpu.dma_semaphore, #tpu.memory_space<semaphore_mem>>, %arg17: memref<!tpu.dma_semaphore, #tpu.memory_space<semaphore_mem>>, %arg18: memref<!tpu.dma_semaphore, #tpu.memory_space<semaphore_mem>>, %arg19: memref<!tpu.dma_semaphore, #tpu.memory_space<semaphore_mem>>, %arg20: memref<!tpu.dma_semaphore, #tpu.memory_space<semaphore_mem>>, %arg21: memref<!tpu.dma_semaphore, #tpu.memory_space<semaphore_mem>>, %arg22: memref<!tpu.dma_semaphore, #tpu.memory_space<semaphore_mem>>, %arg23: memref<!tpu.dma_semaphore, #tpu.memory_space<semaphore_mem>>) attributes {dimension_semantics = [#tpu.dimension_semantics<core_parallel>, #tpu.dimension_semantics<subcore_parallel>], iteration_bounds = array<i64: 2, 16>, scalar_prefetch = 0 : i64, scratch_operands = 19 : i64, tpu.core_type = #tpu.core_type<sc_vector_subcore>, window_params = [{transform_indices = #map}, {transform_indices = #map}, {transform_indices = #map1}]} {
    %mul3A = arith.constant 16 : i32
    %mul3A_0 = arith.muli %arg0, %mul3A : i32
    %add3A = arith.addi %mul3A_0, %arg1 : i32
    %mul3A_1 = arith.constant 78 : i32
    %mul3A_2 = arith.muli %add3A, %mul3A_1 : i32
    %add3A_3 = arith.constant 0 : i32
    %add3A_4 = arith.addi %mul3A_2, %add3A_3 : i32
    %mul3A_5 = arith.constant 128 : i32
    %mul3A_6 = arith.muli %add3A_4, %mul3A_5 : i32
    %dma_start3A = arith.constant 0 : i32
    %dma_start3A_7 = tpu.memref_slice %arg3[%dma_start3A, %mul3A_6] : memref<2x320000xi32, #tpu.memory_space<hbm>> -> memref<2x128xi32, #tpu.memory_space<hbm>>
    %dma_start3A_8 = arith.constant 0 : i32
    %dma_start3A_9 = tpu.memref_slice %arg3[%dma_start3A_8, %mul3A_6] : memref<2x320000xi32, #tpu.memory_space<hbm>> -> memref<2x128xi32, #tpu.memory_space<hbm>>
    tpu.enqueue_dma source(%dma_start3A_9 : memref<2x128xi32, #tpu.memory_space<hbm>>) target(%arg5 : memref<2x128xi32, #tpu.memory_space<vmem>>) target_semaphore(%arg18 : memref<!tpu.dma_semaphore, #tpu.memory_space<semaphore_mem>>)
    %add3A_10 = arith.constant 1 : i32
    %add3A_11 = arith.addi %mul3A_2, %add3A_10 : i32
    %mul3A_12 = arith.constant 128 : i32
    %mul3A_13 = arith.muli %add3A_11, %mul3A_12 : i32
    %dma_start3A_14 = arith.constant 0 : i32
    %dma_start3A_15 = tpu.memref_slice %arg3[%dma_start3A_14, %mul3A_13] : memref<2x320000xi32, #tpu.memory_space<hbm>> -> memref<2x128xi32, #tpu.memory_space<hbm>>
    %dma_start3A_16 = arith.constant 0 : i32
    %dma_start3A_17 = tpu.memref_slice %arg3[%dma_start3A_16, %mul3A_13] : memref<2x320000xi32, #tpu.memory_space<hbm>> -> memref<2x128xi32, #tpu.memory_space<hbm>>
    tpu.enqueue_dma source(%dma_start3A_17 : memref<2x128xi32, #tpu.memory_space<hbm>>) target(%arg6 : memref<2x128xi32, #tpu.memory_space<vmem>>) target_semaphore(%arg19 : memref<!tpu.dma_semaphore, #tpu.memory_space<semaphore_mem>>)
    %add3A_18 = arith.constant 2 : i32
    %add3A_19 = arith.addi %mul3A_2, %add3A_18 : i32
    %mul3A_20 = arith.constant 128 : i32
    %mul3A_21 = arith.muli %add3A_19, %mul3A_20 : i32
    %dma_start3A_22 = arith.constant 0 : i32
    %dma_start3A_23 = tpu.memref_slice %arg3[%dma_start3A_22, %mul3A_21] : memref<2x320000xi32, #tpu.memory_space<hbm>> -> memref<2x128xi32, #tpu.memory_space<hbm>>
    %dma_start3A_24 = arith.constant 0 : i32
    %dma_start3A_25 = tpu.memref_slice %arg3[%dma_start3A_24, %mul3A_21] : memref<2x320000xi32, #tpu.memory_space<hbm>> -> memref<2x128xi32, #tpu.memory_space<hbm>>
    tpu.enqueue_dma source(%dma_start3A_25 : memref<2x128xi32, #tpu.memory_space<hbm>>) target(%arg7 : memref<2x128xi32, #tpu.memory_space<vmem>>) target_semaphore(%arg20 : memref<!tpu.dma_semaphore, #tpu.memory_space<semaphore_mem>>)
    %add3A_26 = arith.constant 3 : i32
    %add3A_27 = arith.addi %mul3A_2, %add3A_26 : i32
    %mul3A_28 = arith.constant 128 : i32
    %mul3A_29 = arith.muli %add3A_27, %mul3A_28 : i32
    %dma_start3A_30 = arith.constant 0 : i32
    %dma_start3A_31 = tpu.memref_slice %arg3[%dma_start3A_30, %mul3A_29] : memref<2x320000xi32, #tpu.memory_space<hbm>> -> memref<2x128xi32, #tpu.memory_space<hbm>>
    %dma_start3A_32 = arith.constant 0 : i32
    %dma_start3A_33 = tpu.memref_slice %arg3[%dma_start3A_32, %mul3A_29] : memref<2x320000xi32, #tpu.memory_space<hbm>> -> memref<2x128xi32, #tpu.memory_space<hbm>>
    tpu.enqueue_dma source(%dma_start3A_33 : memref<2x128xi32, #tpu.memory_space<hbm>>) target(%arg8 : memref<2x128xi32, #tpu.memory_space<vmem>>) target_semaphore(%arg21 : memref<!tpu.dma_semaphore, #tpu.memory_space<semaphore_mem>>)
    %add3A_34 = arith.constant 4 : i32
    %add3A_35 = arith.addi %mul3A_2, %add3A_34 : i32
    %mul3A_36 = arith.constant 128 : i32
    %mul3A_37 = arith.muli %add3A_35, %mul3A_36 : i32
    %dma_start3A_38 = arith.constant 0 : i32
    %dma_start3A_39 = tpu.memref_slice %arg3[%dma_start3A_38, %mul3A_37] : memref<2x320000xi32, #tpu.memory_space<hbm>> -> memref<2x128xi32, #tpu.memory_space<hbm>>
    %dma_start3A_40 = arith.constant 0 : i32
    %dma_start3A_41 = tpu.memref_slice %arg3[%dma_start3A_40, %mul3A_37] : memref<2x320000xi32, #tpu.memory_space<hbm>> -> memref<2x128xi32, #tpu.memory_space<hbm>>
    tpu.enqueue_dma source(%dma_start3A_41 : memref<2x128xi32, #tpu.memory_space<hbm>>) target(%arg9 : memref<2x128xi32, #tpu.memory_space<vmem>>) target_semaphore(%arg22 : memref<!tpu.dma_semaphore, #tpu.memory_space<semaphore_mem>>)
    %add3A_42 = arith.constant 5 : i32
    %add3A_43 = arith.addi %mul3A_2, %add3A_42 : i32
    %mul3A_44 = arith.constant 128 : i32
    %mul3A_45 = arith.muli %add3A_43, %mul3A_44 : i32
    %dma_start3A_46 = arith.constant 0 : i32
    %dma_start3A_47 = tpu.memref_slice %arg3[%dma_start3A_46, %mul3A_45] : memref<2x320000xi32, #tpu.memory_space<hbm>> -> memref<2x128xi32, #tpu.memory_space<hbm>>
    %dma_start3A_48 = arith.constant 0 : i32
    %dma_start3A_49 = tpu.memref_slice %arg3[%dma_start3A_48, %mul3A_45] : memref<2x320000xi32, #tpu.memory_space<hbm>> -> memref<2x128xi32, #tpu.memory_space<hbm>>
    tpu.enqueue_dma source(%dma_start3A_49 : memref<2x128xi32, #tpu.memory_space<hbm>>) target(%arg10 : memref<2x128xi32, #tpu.memory_space<vmem>>) target_semaphore(%arg23 : memref<!tpu.dma_semaphore, #tpu.memory_space<semaphore_mem>>)
    %scan3A = arith.constant 0 : i32
    %scan3A_50 = arith.constant 0 : i32
    %scan3A_51 = arith.constant 128 : i32
    %scan3A_52 = arith.addi %scan3A_50, %scan3A_51 : i32
    %scan3A_53 = arith.constant 1 : i32
    scf.for %scan3A_129 = %scan3A_50 to %scan3A_52 step %scan3A_53  : i32 {
      %broadcast_in_dim3A = arith.constant 0.000000e+00 : f32
      %broadcast_in_dim3A_130 = vector.broadcast %broadcast_in_dim3A : f32 to vector<16xf32>
      %swap3A = arith.index_cast %scan3A_129 : i32 to index
      %swap3A_131 = arith.constant 0 : index
      %swap3A_132 = tpu.vector_load %arg11[%swap3A, %swap3A_131] {strides = array<i32>} : memref<128x128xf32, #tpu.memory_space<vmem>>, vector<1x16xf32>,
      %swap3A_133 = vector.shape_cast %swap3A_132 : vector<1x16xf32> to vector<16xf32>
      %swap3A_134 = vector.shape_cast %broadcast_in_dim3A_130 : vector<16xf32> to vector<1x16xf32>
      tpu.vector_store %arg11[%swap3A, %swap3A_131], %swap3A_134 {strides = array<i32>} : memref<128x128xf32, #tpu.memory_space<vmem>>, vector<1x16xf32>,
      %broadcast_in_dim3A_135 = arith.constant 0.000000e+00 : f32
      %broadcast_in_dim3A_136 = vector.broadcast %broadcast_in_dim3A_135 : f32 to vector<16xf32>
      %swap3A_137 = arith.index_cast %scan3A_129 : i32 to index
      %swap3A_138 = arith.constant 16 : index
      %swap3A_139 = tpu.vector_load %arg11[%swap3A_137, %swap3A_138] {strides = array<i32>} : memref<128x128xf32, #tpu.memory_space<vmem>>, vector<1x16xf32>,
      %swap3A_140 = vector.shape_cast %swap3A_139 : vector<1x16xf32> to vector<16xf32>
      %swap3A_141 = vector.shape_cast %broadcast_in_dim3A_136 : vector<16xf32> to vector<1x16xf32>
      tpu.vector_store %arg11[%swap3A_137, %swap3A_138], %swap3A_141 {strides = array<i32>} : memref<128x128xf32, #tpu.memory_space<vmem>>, vector<1x16xf32>,
      %broadcast_in_dim3A_142 = arith.constant 0.000000e+00 : f32
      %broadcast_in_dim3A_143 = vector.broadcast %broadcast_in_dim3A_142 : f32 to vector<16xf32>
      %swap3A_144 = arith.index_cast %scan3A_129 : i32 to index
      %swap3A_145 = arith.constant 32 : index
      %swap3A_146 = tpu.vector_load %arg11[%swap3A_144, %swap3A_145] {strides = array<i32>} : memref<128x128xf32, #tpu.memory_space<vmem>>, vector<1x16xf32>,
      %swap3A_147 = vector.shape_cast %swap3A_146 : vector<1x16xf32> to vector<16xf32>
      %swap3A_148 = vector.shape_cast %broadcast_in_dim3A_143 : vector<16xf32> to vector<1x16xf32>
      tpu.vector_store %arg11[%swap3A_144, %swap3A_145], %swap3A_148 {strides = array<i32>} : memref<128x128xf32, #tpu.memory_space<vmem>>, vector<1x16xf32>,
      %broadcast_in_dim3A_149 = arith.constant 0.000000e+00 : f32
      %broadcast_in_dim3A_150 = vector.broadcast %broadcast_in_dim3A_149 : f32 to vector<16xf32>
      %swap3A_151 = arith.index_cast %scan3A_129 : i32 to index
      %swap3A_152 = arith.constant 48 : index
      %swap3A_153 = tpu.vector_load %arg11[%swap3A_151, %swap3A_152] {strides = array<i32>} : memref<128x128xf32, #tpu.memory_space<vmem>>, vector<1x16xf32>,
      %swap3A_154 = vector.shape_cast %swap3A_153 : vector<1x16xf32> to vector<16xf32>
      %swap3A_155 = vector.shape_cast %broadcast_in_dim3A_150 : vector<16xf32> to vector<1x16xf32>
      tpu.vector_store %arg11[%swap3A_151, %swap3A_152], %swap3A_155 {strides = array<i32>} : memref<128x128xf32, #tpu.memory_space<vmem>>, vector<1x16xf32>,
      %broadcast_in_dim3A_156 = arith.constant 0.000000e+00 : f32
      %broadcast_in_dim3A_157 = vector.broadcast %broadcast_in_dim3A_156 : f32 to vector<16xf32>
      %swap3A_158 = arith.index_cast %scan3A_129 : i32 to index
      %swap3A_159 = arith.constant 64 : index
      %swap3A_160 = tpu.vector_load %arg11[%swap3A_158, %swap3A_159] {strides = array<i32>} : memref<128x128xf32, #tpu.memory_space<vmem>>, vector<1x16xf32>,
      %swap3A_161 = vector.shape_cast %swap3A_160 : vector<1x16xf32> to vector<16xf32>
      %swap3A_162 = vector.shape_cast %broadcast_in_dim3A_157 : vector<16xf32> to vector<1x16xf32>
      tpu.vector_store %arg11[%swap3A_158, %swap3A_159], %swap3A_162 {strides = array<i32>} : memref<128x128xf32, #tpu.memory_space<vmem>>, vector<1x16xf32>,
      %broadcast_in_dim3A_163 = arith.constant 0.000000e+00 : f32
      %broadcast_in_dim3A_164 = vector.broadcast %broadcast_in_dim3A_163 : f32 to vector<16xf32>
      %swap3A_165 = arith.index_cast %scan3A_129 : i32 to index
      %swap3A_166 = arith.constant 80 : index
      %swap3A_167 = tpu.vector_load %arg11[%swap3A_165, %swap3A_166] {strides = array<i32>} : memref<128x128xf32, #tpu.memory_space<vmem>>, vector<1x16xf32>,
      %swap3A_168 = vector.shape_cast %swap3A_167 : vector<1x16xf32> to vector<16xf32>
      %swap3A_169 = vector.shape_cast %broadcast_in_dim3A_164 : vector<16xf32> to vector<1x16xf32>
      tpu.vector_store %arg11[%swap3A_165, %swap3A_166], %swap3A_169 {strides = array<i32>} : memref<128x128xf32, #tpu.memory_space<vmem>>, vector<1x16xf32>,
      %broadcast_in_dim3A_170 = arith.constant 0.000000e+00 : f32
      %broadcast_in_dim3A_171 = vector.broadcast %broadcast_in_dim3A_170 : f32 to vector<16xf32>
      %swap3A_172 = arith.index_cast %scan3A_129 : i32 to index
      %swap3A_173 = arith.constant 96 : index
      %swap3A_174 = tpu.vector_load %arg11[%swap3A_172, %swap3A_173] {strides = array<i32>} : memref<128x128xf32, #tpu.memory_space<vmem>>, vector<1x16xf32>,
      %swap3A_175 = vector.shape_cast %swap3A_174 : vector<1x16xf32> to vector<16xf32>
      %swap3A_176 = vector.shape_cast %broadcast_in_dim3A_171 : vector<16xf32> to vector<1x16xf32>
      tpu.vector_store %arg11[%swap3A_172, %swap3A_173], %swap3A_176 {strides = array<i32>} : memref<128x128xf32, #tpu.memory_space<vmem>>, vector<1x16xf32>,
      %broadcast_in_dim3A_177 = arith.constant 0.000000e+00 : f32
      %broadcast_in_dim3A_178 = vector.broadcast %broadcast_in_dim3A_177 : f32 to vector<16xf32>
      %swap3A_179 = arith.index_cast %scan3A_129 : i32 to index
      %swap3A_180 = arith.constant 112 : index
      %swap3A_181 = tpu.vector_load %arg11[%swap3A_179, %swap3A_180] {strides = array<i32>} : memref<128x128xf32, #tpu.memory_space<vmem>>, vector<1x16xf32>,
      %swap3A_182 = vector.shape_cast %swap3A_181 : vector<1x16xf32> to vector<16xf32>
      %swap3A_183 = vector.shape_cast %broadcast_in_dim3A_178 : vector<16xf32> to vector<1x16xf32>
      tpu.vector_store %arg11[%swap3A_179, %swap3A_180], %swap3A_183 {strides = array<i32>} : memref<128x128xf32, #tpu.memory_space<vmem>>, vector<1x16xf32>,
    }
    %scan3A_54 = arith.constant 128 : i32
    %mul3A_55 = arith.constant 624 : i32
    %mul3A_56 = arith.muli %arg1, %mul3A_55 : i32
    %lt3A = arith.constant 15 : i32
    %lt3A_57 = arith.cmpi slt, %arg1, %lt3A : i32
    %convert_element_type3A = arith.extui %lt3A_57 : i1 to i32
    %cond3A = arith.constant 0 : i32
    %cond3A_58 = arith.cmpi ne, %convert_element_type3A, %cond3A : i32
    scf.if %cond3A_58 {
      %add3A_129 = arith.constant 0 : i32
      %add3A_130 = arith.addi %mul3A_56, %add3A_129 : i32
      %dma_start3A_131 = arith.constant 0 : i32
      %dma_start3A_132 = arith.constant 0 : i32
      %dma_start3A_133 = tpu.memref_slice %arg11[%dma_start3A_131, %dma_start3A_132] : memref<128x128xf32, #tpu.memory_space<vmem>> -> memref<104x128xf32, #tpu.memory_space<vmem>>
      %dma_start3A_134 = arith.constant 0 : i32
      %dma_start3A_135 = tpu.memref_slice %arg14[%add3A_130, %dma_start3A_134] : memref<10000x128xf32, #tpu.memory_space<vmem_shared>> -> memref<104x128xf32, #tpu.memory_space<vmem_shared>>
      %dma_start3A_136 = arith.constant 0 : i32
      %dma_start3A_137 = tpu.memref_slice %arg14[%add3A_130, %dma_start3A_136] : memref<10000x128xf32, #tpu.memory_space<vmem_shared>> -> memref<104x128xf32, #tpu.memory_space<vmem_shared>>
      %dma_start3A_138 = arith.constant 0 : i32
      %dma_start3A_139 = arith.constant 0 : i32
      %dma_start3A_140 = tpu.memref_slice %arg11[%dma_start3A_138, %dma_start3A_139] : memref<128x128xf32, #tpu.memory_space<vmem>> -> memref<104x128xf32, #tpu.memory_space<vmem>>
      tpu.enqueue_dma source(%dma_start3A_140 : memref<104x128xf32, #tpu.memory_space<vmem>>) target(%dma_start3A_137 : memref<104x128xf32, #tpu.memory_space<vmem_shared>>) target_semaphore(%arg15 : memref<!tpu.dma_semaphore, #tpu.memory_space<semaphore_mem>>)
      %add3A_141 = arith.constant 104 : i32
      %add3A_142 = arith.addi %mul3A_56, %add3A_141 : i32
      %dma_start3A_143 = arith.constant 0 : i32
      %dma_start3A_144 = arith.constant 0 : i32
      %dma_start3A_145 = tpu.memref_slice %arg11[%dma_start3A_143, %dma_start3A_144] : memref<128x128xf32, #tpu.memory_space<vmem>> -> memref<104x128xf32, #tpu.memory_space<vmem>>
      %dma_start3A_146 = arith.constant 0 : i32
      %dma_start3A_147 = tpu.memref_slice %arg14[%add3A_142, %dma_start3A_146] : memref<10000x128xf32, #tpu.memory_space<vmem_shared>> -> memref<104x128xf32, #tpu.memory_space<vmem_shared>>
      %dma_start3A_148 = arith.constant 0 : i32
      %dma_start3A_149 = tpu.memref_slice %arg14[%add3A_142, %dma_start3A_148] : memref<10000x128xf32, #tpu.memory_space<vmem_shared>> -> memref<104x128xf32, #tpu.memory_space<vmem_shared>>
      %dma_start3A_150 = arith.constant 0 : i32
      %dma_start3A_151 = arith.constant 0 : i32
      %dma_start3A_152 = tpu.memref_slice %arg11[%dma_start3A_150, %dma_start3A_151] : memref<128x128xf32, #tpu.memory_space<vmem>> -> memref<104x128xf32, #tpu.memory_space<vmem>>
      tpu.enqueue_dma source(%dma_start3A_152 : memref<104x128xf32, #tpu.memory_space<vmem>>) target(%dma_start3A_149 : memref<104x128xf32, #tpu.memory_space<vmem_shared>>) target_semaphore(%arg15 : memref<!tpu.dma_semaphore, #tpu.memory_space<semaphore_mem>>)
      %add3A_153 = arith.constant 208 : i32
      %add3A_154 = arith.addi %mul3A_56, %add3A_153 : i32
      %dma_start3A_155 = arith.constant 0 : i32
      %dma_start3A_156 = arith.constant 0 : i32
      %dma_start3A_157 = tpu.memref_slice %arg11[%dma_start3A_155, %dma_start3A_156] : memref<128x128xf32, #tpu.memory_space<vmem>> -> memref<104x128xf32, #tpu.memory_space<vmem>>
      %dma_start3A_158 = arith.constant 0 : i32
      %dma_start3A_159 = tpu.memref_slice %arg14[%add3A_154, %dma_start3A_158] : memref<10000x128xf32, #tpu.memory_space<vmem_shared>> -> memref<104x128xf32, #tpu.memory_space<vmem_shared>>
      %dma_start3A_160 = arith.constant 0 : i32
      %dma_start3A_161 = tpu.memref_slice %arg14[%add3A_154, %dma_start3A_160] : memref<10000x128xf32, #tpu.memory_space<vmem_shared>> -> memref<104x128xf32, #tpu.memory_space<vmem_shared>>
      %dma_start3A_162 = arith.constant 0 : i32
      %dma_start3A_163 = arith.constant 0 : i32
      %dma_start3A_164 = tpu.memref_slice %arg11[%dma_start3A_162, %dma_start3A_163] : memref<128x128xf32, #tpu.memory_space<vmem>> -> memref<104x128xf32, #tpu.memory_space<vmem>>
      tpu.enqueue_dma source(%dma_start3A_164 : memref<104x128xf32, #tpu.memory_space<vmem>>) target(%dma_start3A_161 : memref<104x128xf32, #tpu.memory_space<vmem_shared>>) target_semaphore(%arg15 : memref<!tpu.dma_semaphore, #tpu.memory_space<semaphore_mem>>)
      %add3A_165 = arith.constant 312 : i32
      %add3A_166 = arith.addi %mul3A_56, %add3A_165 : i32
      %dma_start3A_167 = arith.constant 0 : i32
      %dma_start3A_168 = arith.constant 0 : i32
      %dma_start3A_169 = tpu.memref_slice %arg11[%dma_start3A_167, %dma_start3A_168] : memref<128x128xf32, #tpu.memory_space<vmem>> -> memref<104x128xf32, #tpu.memory_space<vmem>>
      %dma_start3A_170 = arith.constant 0 : i32
      %dma_start3A_171 = tpu.memref_slice %arg14[%add3A_166, %dma_start3A_170] : memref<10000x128xf32, #tpu.memory_space<vmem_shared>> -> memref<104x128xf32, #tpu.memory_space<vmem_shared>>
      %dma_start3A_172 = arith.constant 0 : i32
      %dma_start3A_173 = tpu.memref_slice %arg14[%add3A_166, %dma_start3A_172] : memref<10000x128xf32, #tpu.memory_space<vmem_shared>> -> memref<104x128xf32, #tpu.memory_space<vmem_shared>>
      %dma_start3A_174 = arith.constant 0 : i32
      %dma_start3A_175 = arith.constant 0 : i32
      %dma_start3A_176 = tpu.memref_slice %arg11[%dma_start3A_174, %dma_start3A_175] : memref<128x128xf32, #tpu.memory_space<vmem>> -> memref<104x128xf32, #tpu.memory_space<vmem>>
      tpu.enqueue_dma source(%dma_start3A_176 : memref<104x128xf32, #tpu.memory_space<vmem>>) target(%dma_start3A_173 : memref<104x128xf32, #tpu.memory_space<vmem_shared>>) target_semaphore(%arg15 : memref<!tpu.dma_semaphore, #tpu.memory_space<semaphore_mem>>)
      %add3A_177 = arith.constant 416 : i32
      %add3A_178 = arith.addi %mul3A_56, %add3A_177 : i32
      %dma_start3A_179 = arith.constant 0 : i32
      %dma_start3A_180 = arith.constant 0 : i32
      %dma_start3A_181 = tpu.memref_slice %arg11[%dma_start3A_179, %dma_start3A_180] : memref<128x128xf32, #tpu.memory_space<vmem>> -> memref<104x128xf32, #tpu.memory_space<vmem>>
      %dma_start3A_182 = arith.constant 0 : i32
      %dma_start3A_183 = tpu.memref_slice %arg14[%add3A_178, %dma_start3A_182] : memref<10000x128xf32, #tpu.memory_space<vmem_shared>> -> memref<104x128xf32, #tpu.memory_space<vmem_shared>>
      %dma_start3A_184 = arith.constant 0 : i32
      %dma_start3A_185 = tpu.memref_slice %arg14[%add3A_178, %dma_start3A_184] : memref<10000x128xf32, #tpu.memory_space<vmem_shared>> -> memref<104x128xf32, #tpu.memory_space<vmem_shared>>
      %dma_start3A_186 = arith.constant 0 : i32
      %dma_start3A_187 = arith.constant 0 : i32
      %dma_start3A_188 = tpu.memref_slice %arg11[%dma_start3A_186, %dma_start3A_187] : memref<128x128xf32, #tpu.memory_space<vmem>> -> memref<104x128xf32, #tpu.memory_space<vmem>>
      tpu.enqueue_dma source(%dma_start3A_188 : memref<104x128xf32, #tpu.memory_space<vmem>>) target(%dma_start3A_185 : memref<104x128xf32, #tpu.memory_space<vmem_shared>>) target_semaphore(%arg15 : memref<!tpu.dma_semaphore, #tpu.memory_space<semaphore_mem>>)
      %add3A_189 = arith.constant 520 : i32
      %add3A_190 = arith.addi %mul3A_56, %add3A_189 : i32
      %dma_start3A_191 = arith.constant 0 : i32
      %dma_start3A_192 = arith.constant 0 : i32
      %dma_start3A_193 = tpu.memref_slice %arg11[%dma_start3A_191, %dma_start3A_192] : memref<128x128xf32, #tpu.memory_space<vmem>> -> memref<104x128xf32, #tpu.memory_space<vmem>>
      %dma_start3A_194 = arith.constant 0 : i32
      %dma_start3A_195 = tpu.memref_slice %arg14[%add3A_190, %dma_start3A_194] : memref<10000x128xf32, #tpu.memory_space<vmem_shared>> -> memref<104x128xf32, #tpu.memory_space<vmem_shared>>
      %dma_start3A_196 = arith.constant 0 : i32
      %dma_start3A_197 = tpu.memref_slice %arg14[%add3A_190, %dma_start3A_196] : memref<10000x128xf32, #tpu.memory_space<vmem_shared>> -> memref<104x128xf32, #tpu.memory_space<vmem_shared>>
      %dma_start3A_198 = arith.constant 0 : i32
      %dma_start3A_199 = arith.constant 0 : i32
      %dma_start3A_200 = tpu.memref_slice %arg11[%dma_start3A_198, %dma_start3A_199] : memref<128x128xf32, #tpu.memory_space<vmem>> -> memref<104x128xf32, #tpu.memory_space<vmem>>
      tpu.enqueue_dma source(%dma_start3A_200 : memref<104x128xf32, #tpu.memory_space<vmem>>) target(%dma_start3A_197 : memref<104x128xf32, #tpu.memory_space<vmem_shared>>) target_semaphore(%arg15 : memref<!tpu.dma_semaphore, #tpu.memory_space<semaphore_mem>>)
      %dma_wait3A_201 = arith.constant 0 : i32
      %dma_wait3A_202 = arith.constant 0 : i32
      %dma_wait3A_203 = tpu.memref_slice %arg11[%dma_wait3A_201, %dma_wait3A_202] : memref<128x128xf32, #tpu.memory_space<vmem>> -> memref<104x128xf32, #tpu.memory_space<vmem>>
      %dma_wait3A_204 = arith.constant 0 : i32
      %dma_wait3A_205 = tpu.memref_slice %arg14[%mul3A_56, %dma_wait3A_204] : memref<10000x128xf32, #tpu.memory_space<vmem_shared>> -> memref<104x128xf32, #tpu.memory_space<vmem_shared>>
      %dma_wait3A_206 = arith.constant 0 : i32
      %dma_wait3A_207 = tpu.memref_slice %arg14[%mul3A_56, %dma_wait3A_206] : memref<10000x128xf32, #tpu.memory_space<vmem_shared>> -> memref<104x128xf32, #tpu.memory_space<vmem_shared>>
      %dma_wait3A_208 = arith.constant 0 : i32
      %dma_wait3A_209 = arith.constant 0 : i32
      %dma_wait3A_210 = tpu.memref_slice %arg11[%dma_wait3A_208, %dma_wait3A_209] : memref<128x128xf32, #tpu.memory_space<vmem>> -> memref<104x128xf32, #tpu.memory_space<vmem>>
      tpu.wait_dma2 semaphore(%arg15 : memref<!tpu.dma_semaphore, #tpu.memory_space<semaphore_mem>>) src(%dma_wait3A_210 : memref<104x128xf32, #tpu.memory_space<vmem>>) dst(%dma_wait3A_207 : memref<104x128xf32, #tpu.memory_space<vmem_shared>>)
      %dma_wait3A_211 = arith.constant 0 : i32
      %dma_wait3A_212 = arith.constant 0 : i32
      %dma_wait3A_213 = tpu.memref_slice %arg11[%dma_wait3A_211, %dma_wait3A_212] : memref<128x128xf32, #tpu.memory_space<vmem>> -> memref<104x128xf32, #tpu.memory_space<vmem>>
      %dma_wait3A_214 = arith.constant 0 : i32
      %dma_wait3A_215 = tpu.memref_slice %arg14[%mul3A_56, %dma_wait3A_214] : memref<10000x128xf32, #tpu.memory_space<vmem_shared>> -> memref<104x128xf32, #tpu.memory_space<vmem_shared>>
      %dma_wait3A_216 = arith.constant 0 : i32
      %dma_wait3A_217 = tpu.memref_slice %arg14[%mul3A_56, %dma_wait3A_216] : memref<10000x128xf32, #tpu.memory_space<vmem_shared>> -> memref<104x128xf32, #tpu.memory_space<vmem_shared>>
      %dma_wait3A_218 = arith.constant 0 : i32
      %dma_wait3A_219 = arith.constant 0 : i32
      %dma_wait3A_220 = tpu.memref_slice %arg11[%dma_wait3A_218, %dma_wait3A_219] : memref<128x128xf32, #tpu.memory_space<vmem>> -> memref<104x128xf32, #tpu.memory_space<vmem>>
      tpu.wait_dma2 semaphore(%arg15 : memref<!tpu.dma_semaphore, #tpu.memory_space<semaphore_mem>>) src(%dma_wait3A_220 : memref<104x128xf32, #tpu.memory_space<vmem>>) dst(%dma_wait3A_217 : memref<104x128xf32, #tpu.memory_space<vmem_shared>>)
      %dma_wait3A_221 = arith.constant 0 : i32
      %dma_wait3A_222 = arith.constant 0 : i32
      %dma_wait3A_223 = tpu.memref_slice %arg11[%dma_wait3A_221, %dma_wait3A_222] : memref<128x128xf32, #tpu.memory_space<vmem>> -> memref<104x128xf32, #tpu.memory_space<vmem>>
      %dma_wait3A_224 = arith.constant 0 : i32
      %dma_wait3A_225 = tpu.memref_slice %arg14[%mul3A_56, %dma_wait3A_224] : memref<10000x128xf32, #tpu.memory_space<vmem_shared>> -> memref<104x128xf32, #tpu.memory_space<vmem_shared>>
      %dma_wait3A_226 = arith.constant 0 : i32
      %dma_wait3A_227 = tpu.memref_slice %arg14[%mul3A_56, %dma_wait3A_226] : memref<10000x128xf32, #tpu.memory_space<vmem_shared>> -> memref<104x128xf32, #tpu.memory_space<vmem_shared>>
      %dma_wait3A_228 = arith.constant 0 : i32
      %dma_wait3A_229 = arith.constant 0 : i32
      %dma_wait3A_230 = tpu.memref_slice %arg11[%dma_wait3A_228, %dma_wait3A_229] : memref<128x128xf32, #tpu.memory_space<vmem>> -> memref<104x128xf32, #tpu.memory_space<vmem>>
      tpu.wait_dma2 semaphore(%arg15 : memref<!tpu.dma_semaphore, #tpu.memory_space<semaphore_mem>>) src(%dma_wait3A_230 : memref<104x128xf32, #tpu.memory_space<vmem>>) dst(%dma_wait3A_227 : memref<104x128xf32, #tpu.memory_space<vmem_shared>>)
      %dma_wait3A_231 = arith.constant 0 : i32
      %dma_wait3A_232 = arith.constant 0 : i32
      %dma_wait3A_233 = tpu.memref_slice %arg11[%dma_wait3A_231, %dma_wait3A_232] : memref<128x128xf32, #tpu.memory_space<vmem>> -> memref<104x128xf32, #tpu.memory_space<vmem>>
      %dma_wait3A_234 = arith.constant 0 : i32
      %dma_wait3A_235 = tpu.memref_slice %arg14[%mul3A_56, %dma_wait3A_234] : memref<10000x128xf32, #tpu.memory_space<vmem_shared>> -> memref<104x128xf32, #tpu.memory_space<vmem_shared>>
      %dma_wait3A_236 = arith.constant 0 : i32
      %dma_wait3A_237 = tpu.memref_slice %arg14[%mul3A_56, %dma_wait3A_236] : memref<10000x128xf32, #tpu.memory_space<vmem_shared>> -> memref<104x128xf32, #tpu.memory_space<vmem_shared>>
      %dma_wait3A_238 = arith.constant 0 : i32
      %dma_wait3A_239 = arith.constant 0 : i32
      %dma_wait3A_240 = tpu.memref_slice %arg11[%dma_wait3A_238, %dma_wait3A_239] : memref<128x128xf32, #tpu.memory_space<vmem>> -> memref<104x128xf32, #tpu.memory_space<vmem>>
      tpu.wait_dma2 semaphore(%arg15 : memref<!tpu.dma_semaphore, #tpu.memory_space<semaphore_mem>>) src(%dma_wait3A_240 : memref<104x128xf32, #tpu.memory_space<vmem>>) dst(%dma_wait3A_237 : memref<104x128xf32, #tpu.memory_space<vmem_shared>>)
      %dma_wait3A_241 = arith.constant 0 : i32
      %dma_wait3A_242 = arith.constant 0 : i32
      %dma_wait3A_243 = tpu.memref_slice %arg11[%dma_wait3A_241, %dma_wait3A_242] : memref<128x128xf32, #tpu.memory_space<vmem>> -> memref<104x128xf32, #tpu.memory_space<vmem>>
      %dma_wait3A_244 = arith.constant 0 : i32
      %dma_wait3A_245 = tpu.memref_slice %arg14[%mul3A_56, %dma_wait3A_244] : memref<10000x128xf32, #tpu.memory_space<vmem_shared>> -> memref<104x128xf32, #tpu.memory_space<vmem_shared>>
      %dma_wait3A_246 = arith.constant 0 : i32
      %dma_wait3A_247 = tpu.memref_slice %arg14[%mul3A_56, %dma_wait3A_246] : memref<10000x128xf32, #tpu.memory_space<vmem_shared>> -> memref<104x128xf32, #tpu.memory_space<vmem_shared>>
      %dma_wait3A_248 = arith.constant 0 : i32
      %dma_wait3A_249 = arith.constant 0 : i32
      %dma_wait3A_250 = tpu.memref_slice %arg11[%dma_wait3A_248, %dma_wait3A_249] : memref<128x128xf32, #tpu.memory_space<vmem>> -> memref<104x128xf32, #tpu.memory_space<vmem>>
      tpu.wait_dma2 semaphore(%arg15 : memref<!tpu.dma_semaphore, #tpu.memory_space<semaphore_mem>>) src(%dma_wait3A_250 : memref<104x128xf32, #tpu.memory_space<vmem>>) dst(%dma_wait3A_247 : memref<104x128xf32, #tpu.memory_space<vmem_shared>>)
      %dma_wait3A_251 = arith.constant 0 : i32
      %dma_wait3A_252 = arith.constant 0 : i32
      %dma_wait3A_253 = tpu.memref_slice %arg11[%dma_wait3A_251, %dma_wait3A_252] : memref<128x128xf32, #tpu.memory_space<vmem>> -> memref<104x128xf32, #tpu.memory_space<vmem>>
      %dma_wait3A_254 = arith.constant 0 : i32
      %dma_wait3A_255 = tpu.memref_slice %arg14[%mul3A_56, %dma_wait3A_254] : memref<10000x128xf32, #tpu.memory_space<vmem_shared>> -> memref<104x128xf32, #tpu.memory_space<vmem_shared>>
      %dma_wait3A_256 = arith.constant 0 : i32
      %dma_wait3A_257 = tpu.memref_slice %arg14[%mul3A_56, %dma_wait3A_256] : memref<10000x128xf32, #tpu.memory_space<vmem_shared>> -> memref<104x128xf32, #tpu.memory_space<vmem_shared>>
      %dma_wait3A_258 = arith.constant 0 : i32
      %dma_wait3A_259 = arith.constant 0 : i32
      %dma_wait3A_260 = tpu.memref_slice %arg11[%dma_wait3A_258, %dma_wait3A_259] : memref<128x128xf32, #tpu.memory_space<vmem>> -> memref<104x128xf32, #tpu.memory_space<vmem>>
      tpu.wait_dma2 semaphore(%arg15 : memref<!tpu.dma_semaphore, #tpu.memory_space<semaphore_mem>>) src(%dma_wait3A_260 : memref<104x128xf32, #tpu.memory_space<vmem>>) dst(%dma_wait3A_257 : memref<104x128xf32, #tpu.memory_space<vmem_shared>>)
    } else {
    }
    %eq3A = arith.constant 15 : i32
    %eq3A_59 = arith.cmpi eq, %arg1, %eq3A : i32
    %convert_element_type3A_60 = arith.extui %eq3A_59 : i1 to i32
    %cond3A_61 = arith.constant 0 : i32
    %cond3A_62 = arith.cmpi ne, %convert_element_type3A_60, %cond3A_61 : i32
    scf.if %cond3A_62 {
      %add3A_129 = arith.constant 0 : i32
      %add3A_130 = arith.addi %mul3A_56, %add3A_129 : i32
      %dma_start3A_131 = arith.constant 0 : i32
      %dma_start3A_132 = arith.constant 0 : i32
      %dma_start3A_133 = tpu.memref_slice %arg11[%dma_start3A_131, %dma_start3A_132] : memref<128x128xf32, #tpu.memory_space<vmem>> -> memref<128x128xf32, #tpu.memory_space<vmem>>
      %dma_start3A_134 = arith.constant 0 : i32
      %dma_start3A_135 = tpu.memref_slice %arg14[%add3A_130, %dma_start3A_134] : memref<10000x128xf32, #tpu.memory_space<vmem_shared>> -> memref<128x128xf32, #tpu.memory_space<vmem_shared>>
      %dma_start3A_136 = arith.constant 0 : i32
      %dma_start3A_137 = tpu.memref_slice %arg14[%add3A_130, %dma_start3A_136] : memref<10000x128xf32, #tpu.memory_space<vmem_shared>> -> memref<128x128xf32, #tpu.memory_space<vmem_shared>>
      %dma_start3A_138 = arith.constant 0 : i32
      %dma_start3A_139 = arith.constant 0 : i32
      %dma_start3A_140 = tpu.memref_slice %arg11[%dma_start3A_138, %dma_start3A_139] : memref<128x128xf32, #tpu.memory_space<vmem>> -> memref<128x128xf32, #tpu.memory_space<vmem>>
      tpu.enqueue_dma source(%dma_start3A_140 : memref<128x128xf32, #tpu.memory_space<vmem>>) target(%dma_start3A_137 : memref<128x128xf32, #tpu.memory_space<vmem_shared>>) target_semaphore(%arg15 : memref<!tpu.dma_semaphore, #tpu.memory_space<semaphore_mem>>)
      %add3A_141 = arith.constant 128 : i32
      %add3A_142 = arith.addi %mul3A_56, %add3A_141 : i32
      %dma_start3A_143 = arith.constant 0 : i32
      %dma_start3A_144 = arith.constant 0 : i32
      %dma_start3A_145 = tpu.memref_slice %arg11[%dma_start3A_143, %dma_start3A_144] : memref<128x128xf32, #tpu.memory_space<vmem>> -> memref<128x128xf32, #tpu.memory_space<vmem>>
      %dma_start3A_146 = arith.constant 0 : i32
      %dma_start3A_147 = tpu.memref_slice %arg14[%add3A_142, %dma_start3A_146] : memref<10000x128xf32, #tpu.memory_space<vmem_shared>> -> memref<128x128xf32, #tpu.memory_space<vmem_shared>>
      %dma_start3A_148 = arith.constant 0 : i32
      %dma_start3A_149 = tpu.memref_slice %arg14[%add3A_142, %dma_start3A_148] : memref<10000x128xf32, #tpu.memory_space<vmem_shared>> -> memref<128x128xf32, #tpu.memory_space<vmem_shared>>
      %dma_start3A_150 = arith.constant 0 : i32
      %dma_start3A_151 = arith.constant 0 : i32
      %dma_start3A_152 = tpu.memref_slice %arg11[%dma_start3A_150, %dma_start3A_151] : memref<128x128xf32, #tpu.memory_space<vmem>> -> memref<128x128xf32, #tpu.memory_space<vmem>>
      tpu.enqueue_dma source(%dma_start3A_152 : memref<128x128xf32, #tpu.memory_space<vmem>>) target(%dma_start3A_149 : memref<128x128xf32, #tpu.memory_space<vmem_shared>>) target_semaphore(%arg15 : memref<!tpu.dma_semaphore, #tpu.memory_space<semaphore_mem>>)
      %add3A_153 = arith.constant 256 : i32
      %add3A_154 = arith.addi %mul3A_56, %add3A_153 : i32
      %dma_start3A_155 = arith.constant 0 : i32
      %dma_start3A_156 = arith.constant 0 : i32
      %dma_start3A_157 = tpu.memref_slice %arg11[%dma_start3A_155, %dma_start3A_156] : memref<128x128xf32, #tpu.memory_space<vmem>> -> memref<128x128xf32, #tpu.memory_space<vmem>>
      %dma_start3A_158 = arith.constant 0 : i32
      %dma_start3A_159 = tpu.memref_slice %arg14[%add3A_154, %dma_start3A_158] : memref<10000x128xf32, #tpu.memory_space<vmem_shared>> -> memref<128x128xf32, #tpu.memory_space<vmem_shared>>
      %dma_start3A_160 = arith.constant 0 : i32
      %dma_start3A_161 = tpu.memref_slice %arg14[%add3A_154, %dma_start3A_160] : memref<10000x128xf32, #tpu.memory_space<vmem_shared>> -> memref<128x128xf32, #tpu.memory_space<vmem_shared>>
      %dma_start3A_162 = arith.constant 0 : i32
      %dma_start3A_163 = arith.constant 0 : i32
      %dma_start3A_164 = tpu.memref_slice %arg11[%dma_start3A_162, %dma_start3A_163] : memref<128x128xf32, #tpu.memory_space<vmem>> -> memref<128x128xf32, #tpu.memory_space<vmem>>
      tpu.enqueue_dma source(%dma_start3A_164 : memref<128x128xf32, #tpu.memory_space<vmem>>) target(%dma_start3A_161 : memref<128x128xf32, #tpu.memory_space<vmem_shared>>) target_semaphore(%arg15 : memref<!tpu.dma_semaphore, #tpu.memory_space<semaphore_mem>>)
      %add3A_165 = arith.constant 384 : i32
      %add3A_166 = arith.addi %mul3A_56, %add3A_165 : i32
      %dma_start3A_167 = arith.constant 0 : i32
      %dma_start3A_168 = arith.constant 0 : i32
      %dma_start3A_169 = tpu.memref_slice %arg11[%dma_start3A_167, %dma_start3A_168] : memref<128x128xf32, #tpu.memory_space<vmem>> -> memref<128x128xf32, #tpu.memory_space<vmem>>
      %dma_start3A_170 = arith.constant 0 : i32
      %dma_start3A_171 = tpu.memref_slice %arg14[%add3A_166, %dma_start3A_170] : memref<10000x128xf32, #tpu.memory_space<vmem_shared>> -> memref<128x128xf32, #tpu.memory_space<vmem_shared>>
      %dma_start3A_172 = arith.constant 0 : i32
      %dma_start3A_173 = tpu.memref_slice %arg14[%add3A_166, %dma_start3A_172] : memref<10000x128xf32, #tpu.memory_space<vmem_shared>> -> memref<128x128xf32, #tpu.memory_space<vmem_shared>>
      %dma_start3A_174 = arith.constant 0 : i32
      %dma_start3A_175 = arith.constant 0 : i32
      %dma_start3A_176 = tpu.memref_slice %arg11[%dma_start3A_174, %dma_start3A_175] : memref<128x128xf32, #tpu.memory_space<vmem>> -> memref<128x128xf32, #tpu.memory_space<vmem>>
      tpu.enqueue_dma source(%dma_start3A_176 : memref<128x128xf32, #tpu.memory_space<vmem>>) target(%dma_start3A_173 : memref<128x128xf32, #tpu.memory_space<vmem_shared>>) target_semaphore(%arg15 : memref<!tpu.dma_semaphore, #tpu.memory_space<semaphore_mem>>)
      %add3A_177 = arith.constant 512 : i32
      %add3A_178 = arith.addi %mul3A_56, %add3A_177 : i32
      %dma_start3A_179 = arith.constant 0 : i32
      %dma_start3A_180 = arith.constant 0 : i32
      %dma_start3A_181 = tpu.memref_slice %arg11[%dma_start3A_179, %dma_start3A_180] : memref<128x128xf32, #tpu.memory_space<vmem>> -> memref<128x128xf32, #tpu.memory_space<vmem>>
      %dma_start3A_182 = arith.constant 0 : i32
      %dma_start3A_183 = tpu.memref_slice %arg14[%add3A_178, %dma_start3A_182] : memref<10000x128xf32, #tpu.memory_space<vmem_shared>> -> memref<128x128xf32, #tpu.memory_space<vmem_shared>>
      %dma_start3A_184 = arith.constant 0 : i32
      %dma_start3A_185 = tpu.memref_slice %arg14[%add3A_178, %dma_start3A_184] : memref<10000x128xf32, #tpu.memory_space<vmem_shared>> -> memref<128x128xf32, #tpu.memory_space<vmem_shared>>
      %dma_start3A_186 = arith.constant 0 : i32
      %dma_start3A_187 = arith.constant 0 : i32
      %dma_start3A_188 = tpu.memref_slice %arg11[%dma_start3A_186, %dma_start3A_187] : memref<128x128xf32, #tpu.memory_space<vmem>> -> memref<128x128xf32, #tpu.memory_space<vmem>>
      tpu.enqueue_dma source(%dma_start3A_188 : memref<128x128xf32, #tpu.memory_space<vmem>>) target(%dma_start3A_185 : memref<128x128xf32, #tpu.memory_space<vmem_shared>>) target_semaphore(%arg15 : memref<!tpu.dma_semaphore, #tpu.memory_space<semaphore_mem>>)
      %dma_wait3A_189 = arith.constant 0 : i32
      %dma_wait3A_190 = arith.constant 0 : i32
      %dma_wait3A_191 = tpu.memref_slice %arg11[%dma_wait3A_189, %dma_wait3A_190] : memref<128x128xf32, #tpu.memory_space<vmem>> -> memref<128x128xf32, #tpu.memory_space<vmem>>
      %dma_wait3A_192 = arith.constant 0 : i32
      %dma_wait3A_193 = tpu.memref_slice %arg14[%mul3A_56, %dma_wait3A_192] : memref<10000x128xf32, #tpu.memory_space<vmem_shared>> -> memref<128x128xf32, #tpu.memory_space<vmem_shared>>
      %dma_wait3A_194 = arith.constant 0 : i32
      %dma_wait3A_195 = tpu.memref_slice %arg14[%mul3A_56, %dma_wait3A_194] : memref<10000x128xf32, #tpu.memory_space<vmem_shared>> -> memref<128x128xf32, #tpu.memory_space<vmem_shared>>
      %dma_wait3A_196 = arith.constant 0 : i32
      %dma_wait3A_197 = arith.constant 0 : i32
      %dma_wait3A_198 = tpu.memref_slice %arg11[%dma_wait3A_196, %dma_wait3A_197] : memref<128x128xf32, #tpu.memory_space<vmem>> -> memref<128x128xf32, #tpu.memory_space<vmem>>
      tpu.wait_dma2 semaphore(%arg15 : memref<!tpu.dma_semaphore, #tpu.memory_space<semaphore_mem>>) src(%dma_wait3A_198 : memref<128x128xf32, #tpu.memory_space<vmem>>) dst(%dma_wait3A_195 : memref<128x128xf32, #tpu.memory_space<vmem_shared>>)
      %dma_wait3A_199 = arith.constant 0 : i32
      %dma_wait3A_200 = arith.constant 0 : i32
      %dma_wait3A_201 = tpu.memref_slice %arg11[%dma_wait3A_199, %dma_wait3A_200] : memref<128x128xf32, #tpu.memory_space<vmem>> -> memref<128x128xf32, #tpu.memory_space<vmem>>
      %dma_wait3A_202 = arith.constant 0 : i32
      %dma_wait3A_203 = tpu.memref_slice %arg14[%mul3A_56, %dma_wait3A_202] : memref<10000x128xf32, #tpu.memory_space<vmem_shared>> -> memref<128x128xf32, #tpu.memory_space<vmem_shared>>
      %dma_wait3A_204 = arith.constant 0 : i32
      %dma_wait3A_205 = tpu.memref_slice %arg14[%mul3A_56, %dma_wait3A_204] : memref<10000x128xf32, #tpu.memory_space<vmem_shared>> -> memref<128x128xf32, #tpu.memory_space<vmem_shared>>
      %dma_wait3A_206 = arith.constant 0 : i32
      %dma_wait3A_207 = arith.constant 0 : i32
      %dma_wait3A_208 = tpu.memref_slice %arg11[%dma_wait3A_206, %dma_wait3A_207] : memref<128x128xf32, #tpu.memory_space<vmem>> -> memref<128x128xf32, #tpu.memory_space<vmem>>
      tpu.wait_dma2 semaphore(%arg15 : memref<!tpu.dma_semaphore, #tpu.memory_space<semaphore_mem>>) src(%dma_wait3A_208 : memref<128x128xf32, #tpu.memory_space<vmem>>) dst(%dma_wait3A_205 : memref<128x128xf32, #tpu.memory_space<vmem_shared>>)
      %dma_wait3A_209 = arith.constant 0 : i32
      %dma_wait3A_210 = arith.constant 0 : i32
      %dma_wait3A_211 = tpu.memref_slice %arg11[%dma_wait3A_209, %dma_wait3A_210] : memref<128x128xf32, #tpu.memory_space<vmem>> -> memref<128x128xf32, #tpu.memory_space<vmem>>
      %dma_wait3A_212 = arith.constant 0 : i32
      %dma_wait3A_213 = tpu.memref_slice %arg14[%mul3A_56, %dma_wait3A_212] : memref<10000x128xf32, #tpu.memory_space<vmem_shared>> -> memref<128x128xf32, #tpu.memory_space<vmem_shared>>
      %dma_wait3A_214 = arith.constant 0 : i32
      %dma_wait3A_215 = tpu.memref_slice %arg14[%mul3A_56, %dma_wait3A_214] : memref<10000x128xf32, #tpu.memory_space<vmem_shared>> -> memref<128x128xf32, #tpu.memory_space<vmem_shared>>
      %dma_wait3A_216 = arith.constant 0 : i32
      %dma_wait3A_217 = arith.constant 0 : i32
      %dma_wait3A_218 = tpu.memref_slice %arg11[%dma_wait3A_216, %dma_wait3A_217] : memref<128x128xf32, #tpu.memory_space<vmem>> -> memref<128x128xf32, #tpu.memory_space<vmem>>
      tpu.wait_dma2 semaphore(%arg15 : memref<!tpu.dma_semaphore, #tpu.memory_space<semaphore_mem>>) src(%dma_wait3A_218 : memref<128x128xf32, #tpu.memory_space<vmem>>) dst(%dma_wait3A_215 : memref<128x128xf32, #tpu.memory_space<vmem_shared>>)
      %dma_wait3A_219 = arith.constant 0 : i32
      %dma_wait3A_220 = arith.constant 0 : i32
      %dma_wait3A_221 = tpu.memref_slice %arg11[%dma_wait3A_219, %dma_wait3A_220] : memref<128x128xf32, #tpu.memory_space<vmem>> -> memref<128x128xf32, #tpu.memory_space<vmem>>
      %dma_wait3A_222 = arith.constant 0 : i32
      %dma_wait3A_223 = tpu.memref_slice %arg14[%mul3A_56, %dma_wait3A_222] : memref<10000x128xf32, #tpu.memory_space<vmem_shared>> -> memref<128x128xf32, #tpu.memory_space<vmem_shared>>
      %dma_wait3A_224 = arith.constant 0 : i32
      %dma_wait3A_225 = tpu.memref_slice %arg14[%mul3A_56, %dma_wait3A_224] : memref<10000x128xf32, #tpu.memory_space<vmem_shared>> -> memref<128x128xf32, #tpu.memory_space<vmem_shared>>
      %dma_wait3A_226 = arith.constant 0 : i32
      %dma_wait3A_227 = arith.constant 0 : i32
      %dma_wait3A_228 = tpu.memref_slice %arg11[%dma_wait3A_226, %dma_wait3A_227] : memref<128x128xf32, #tpu.memory_space<vmem>> -> memref<128x128xf32, #tpu.memory_space<vmem>>
      tpu.wait_dma2 semaphore(%arg15 : memref<!tpu.dma_semaphore, #tpu.memory_space<semaphore_mem>>) src(%dma_wait3A_228 : memref<128x128xf32, #tpu.memory_space<vmem>>) dst(%dma_wait3A_225 : memref<128x128xf32, #tpu.memory_space<vmem_shared>>)
      %dma_wait3A_229 = arith.constant 0 : i32
      %dma_wait3A_230 = arith.constant 0 : i32
      %dma_wait3A_231 = tpu.memref_slice %arg11[%dma_wait3A_229, %dma_wait3A_230] : memref<128x128xf32, #tpu.memory_space<vmem>> -> memref<128x128xf32, #tpu.memory_space<vmem>>
      %dma_wait3A_232 = arith.constant 0 : i32
      %dma_wait3A_233 = tpu.memref_slice %arg14[%mul3A_56, %dma_wait3A_232] : memref<10000x128xf32, #tpu.memory_space<vmem_shared>> -> memref<128x128xf32, #tpu.memory_space<vmem_shared>>
      %dma_wait3A_234 = arith.constant 0 : i32
      %dma_wait3A_235 = tpu.memref_slice %arg14[%mul3A_56, %dma_wait3A_234] : memref<10000x128xf32, #tpu.memory_space<vmem_shared>> -> memref<128x128xf32, #tpu.memory_space<vmem_shared>>
      %dma_wait3A_236 = arith.constant 0 : i32
      %dma_wait3A_237 = arith.constant 0 : i32
      %dma_wait3A_238 = tpu.memref_slice %arg11[%dma_wait3A_236, %dma_wait3A_237] : memref<128x128xf32, #tpu.memory_space<vmem>> -> memref<128x128xf32, #tpu.memory_space<vmem>>
      tpu.wait_dma2 semaphore(%arg15 : memref<!tpu.dma_semaphore, #tpu.memory_space<semaphore_mem>>) src(%dma_wait3A_238 : memref<128x128xf32, #tpu.memory_space<vmem>>) dst(%dma_wait3A_235 : memref<128x128xf32, #tpu.memory_space<vmem_shared>>)
    } else {
    }
    %add3A_63 = arith.constant 0 : i32
    %add3A_64 = arith.addi %mul3A_2, %add3A_63 : i32
    %mul3A_65 = arith.constant 128 : i32
    %mul3A_66 = arith.muli %add3A_64, %mul3A_65 : i32
    %dma_wait3A = arith.constant 0 : i32
    %dma_wait3A_67 = tpu.memref_slice %arg3[%dma_wait3A, %mul3A_66] : memref<2x320000xi32, #tpu.memory_space<hbm>> -> memref<2x128xi32, #tpu.memory_space<hbm>>
    %dma_wait3A_68 = arith.constant 0 : i32
    %dma_wait3A_69 = tpu.memref_slice %arg3[%dma_wait3A_68, %mul3A_66] : memref<2x320000xi32, #tpu.memory_space<hbm>> -> memref<2x128xi32, #tpu.memory_space<hbm>>
    tpu.wait_dma2 semaphore(%arg18 : memref<!tpu.dma_semaphore, #tpu.memory_space<semaphore_mem>>) src(%dma_wait3A_69 : memref<2x128xi32, #tpu.memory_space<hbm>>) dst(%arg5 : memref<2x128xi32, #tpu.memory_space<vmem>>)
    %dma_start3A_70 = arith.constant 0 : i32
    %dma_start3A_71 = arith.constant 0 : i32
    %dma_start3A_72 = tpu.memref_slice %arg5[%dma_start3A_70, %dma_start3A_71] : memref<2x128xi32, #tpu.memory_space<vmem>> -> memref<1x128xi32, #tpu.memory_space<vmem>>
    %dma_start3A_73 = tpu.memref_squeeze %dma_start3A_72 : memref<1x128xi32, #tpu.memory_space<vmem>> -> memref<128xi32, #tpu.memory_space<vmem>>
    %dma_start3A_74 = arith.constant 0 : i32
    %dma_start3A_75 = arith.constant 0 : i32
    %dma_start3A_76 = tpu.memref_slice %arg2[%dma_start3A_74, %dma_start3A_75] : memref<10000x128xf32, #tpu.memory_space<hbm>> -> memref<10000x128xf32, #tpu.memory_space<hbm>>
    tpu.enqueue_indirect_dma source(%dma_start3A_76 : memref<10000x128xf32, #tpu.memory_space<hbm>>) target(%arg11 : memref<128x128xf32, #tpu.memory_space<vmem>>) offsets(%dma_start3A_73 : memref<128xi32, #tpu.memory_space<vmem>>) semaphore(%arg15 : memref<!tpu.dma_semaphore, #tpu.memory_space<semaphore_mem>>)
    %add3A_77 = arith.constant 1 : i32
    %add3A_78 = arith.addi %mul3A_2, %add3A_77 : i32
    %mul3A_79 = arith.constant 128 : i32
    %mul3A_80 = arith.muli %add3A_78, %mul3A_79 : i32
    %dma_wait3A_81 = arith.constant 0 : i32
    %dma_wait3A_82 = tpu.memref_slice %arg3[%dma_wait3A_81, %mul3A_80] : memref<2x320000xi32, #tpu.memory_space<hbm>> -> memref<2x128xi32, #tpu.memory_space<hbm>>
    %dma_wait3A_83 = arith.constant 0 : i32
    %dma_wait3A_84 = tpu.memref_slice %arg3[%dma_wait3A_83, %mul3A_80] : memref<2x320000xi32, #tpu.memory_space<hbm>> -> memref<2x128xi32, #tpu.memory_space<hbm>>
    tpu.wait_dma2 semaphore(%arg19 : memref<!tpu.dma_semaphore, #tpu.memory_space<semaphore_mem>>) src(%dma_wait3A_84 : memref<2x128xi32, #tpu.memory_space<hbm>>) dst(%arg6 : memref<2x128xi32, #tpu.memory_space<vmem>>)
    %dma_start3A_85 = arith.constant 0 : i32
    %dma_start3A_86 = arith.constant 0 : i32
    %dma_start3A_87 = tpu.memref_slice %arg6[%dma_start3A_85, %dma_start3A_86] : memref<2x128xi32, #tpu.memory_space<vmem>> -> memref<1x128xi32, #tpu.memory_space<vmem>>
    %dma_start3A_88 = tpu.memref_squeeze %dma_start3A_87 : memref<1x128xi32, #tpu.memory_space<vmem>> -> memref<128xi32, #tpu.memory_space<vmem>>
    %dma_start3A_89 = arith.constant 0 : i32
    %dma_start3A_90 = arith.constant 0 : i32
    %dma_start3A_91 = tpu.memref_slice %arg2[%dma_start3A_89, %dma_start3A_90] : memref<10000x128xf32, #tpu.memory_space<hbm>> -> memref<10000x128xf32, #tpu.memory_space<hbm>>
    tpu.enqueue_indirect_dma source(%dma_start3A_91 : memref<10000x128xf32, #tpu.memory_space<hbm>>) target(%arg12 : memref<128x128xf32, #tpu.memory_space<vmem>>) offsets(%dma_start3A_88 : memref<128xi32, #tpu.memory_space<vmem>>) semaphore(%arg16 : memref<!tpu.dma_semaphore, #tpu.memory_space<semaphore_mem>>)
    %add3A_92 = arith.constant 2 : i32
    %add3A_93 = arith.addi %mul3A_2, %add3A_92 : i32
    %mul3A_94 = arith.constant 128 : i32
    %mul3A_95 = arith.muli %add3A_93, %mul3A_94 : i32
    %dma_wait3A_96 = arith.constant 0 : i32
    %dma_wait3A_97 = tpu.memref_slice %arg3[%dma_wait3A_96, %mul3A_95] : memref<2x320000xi32, #tpu.memory_space<hbm>> -> memref<2x128xi32, #tpu.memory_space<hbm>>
    %dma_wait3A_98 = arith.constant 0 : i32
    %dma_wait3A_99 = tpu.memref_slice %arg3[%dma_wait3A_98, %mul3A_95] : memref<2x320000xi32, #tpu.memory_space<hbm>> -> memref<2x128xi32, #tpu.memory_space<hbm>>
    tpu.wait_dma2 semaphore(%arg20 : memref<!tpu.dma_semaphore, #tpu.memory_space<semaphore_mem>>) src(%dma_wait3A_99 : memref<2x128xi32, #tpu.memory_space<hbm>>) dst(%arg7 : memref<2x128xi32, #tpu.memory_space<vmem>>)
    %dma_start3A_100 = arith.constant 0 : i32
    %dma_start3A_101 = arith.constant 0 : i32
    %dma_start3A_102 = tpu.memref_slice %arg7[%dma_start3A_100, %dma_start3A_101] : memref<2x128xi32, #tpu.memory_space<vmem>> -> memref<1x128xi32, #tpu.memory_space<vmem>>
    %dma_start3A_103 = tpu.memref_squeeze %dma_start3A_102 : memref<1x128xi32, #tpu.memory_space<vmem>> -> memref<128xi32, #tpu.memory_space<vmem>>
    %dma_start3A_104 = arith.constant 0 : i32
    %dma_start3A_105 = arith.constant 0 : i32
    %dma_start3A_106 = tpu.memref_slice %arg2[%dma_start3A_104, %dma_start3A_105] : memref<10000x128xf32, #tpu.memory_space<hbm>> -> memref<10000x128xf32, #tpu.memory_space<hbm>>
    tpu.enqueue_indirect_dma source(%dma_start3A_106 : memref<10000x128xf32, #tpu.memory_space<hbm>>) target(%arg13 : memref<128x128xf32, #tpu.memory_space<vmem>>) offsets(%dma_start3A_103 : memref<128xi32, #tpu.memory_space<vmem>>) semaphore(%arg17 : memref<!tpu.dma_semaphore, #tpu.memory_space<semaphore_mem>>)
    %barrier3A = arith.constant 0 : index
    tpu.barrier barrier_id(%barrier3A)
    %scan3A_107 = arith.constant 0 : i32
    %scan3A_108 = arith.constant 0 : i32
    %scan3A_109 = arith.constant 13 : i32
    %scan3A_110 = arith.addi %scan3A_108, %scan3A_109 : i32
    %scan3A_111 = arith.constant 1 : i32
    scf.for %scan3A_129 = %scan3A_108 to %scan3A_110 step %scan3A_111  : i32 {
      %mul3A_130 = arith.constant 6 : i32
      %mul3A_131 = arith.muli %scan3A_129, %mul3A_130 : i32
      %add3A_132 = arith.constant 0 : i32
      %add3A_133 = arith.addi %mul3A_131, %add3A_132 : i32
      %dma_wait3A_134 = arith.constant 0 : i32
      %dma_wait3A_135 = arith.constant 0 : i32
      %dma_wait3A_136 = tpu.memref_slice %arg5[%dma_wait3A_134, %dma_wait3A_135] : memref<2x128xi32, #tpu.memory_space<vmem>> -> memref<1x128xi32, #tpu.memory_space<vmem>>
      %dma_wait3A_137 = tpu.memref_squeeze %dma_wait3A_136 : memref<1x128xi32, #tpu.memory_space<vmem>> -> memref<128xi32, #tpu.memory_space<vmem>>
      %dma_wait3A_138 = arith.constant 0 : i32
      %dma_wait3A_139 = arith.constant 0 : i32
      %dma_wait3A_140 = tpu.memref_slice %arg2[%dma_wait3A_138, %dma_wait3A_139] : memref<10000x128xf32, #tpu.memory_space<hbm>> -> memref<10000x128xf32, #tpu.memory_space<hbm>>
      tpu.wait_indirect_dma semaphore(%arg15 : memref<!tpu.dma_semaphore, #tpu.memory_space<semaphore_mem>>) src(%dma_wait3A_140 : memref<10000x128xf32, #tpu.memory_space<hbm>>) dst(%arg11 : memref<128x128xf32, #tpu.memory_space<vmem>>)
      %run_scoped3A = arith.constant 1 : i32
      "tpu.region"() ({
        %run_scoped3A_275 = tpu.sem_alloc : memref<!tpu.dma_semaphore, #tpu.memory_space<semaphore_mem>>
        %dma_start3A_276 = arith.constant 0 : i32
        %dma_start3A_277 = tpu.memref_slice %arg5[%run_scoped3A, %dma_start3A_276] : memref<2x128xi32, #tpu.memory_space<vmem>> -> memref<1x128xi32, #tpu.memory_space<vmem>>
        %dma_start3A_278 = tpu.memref_squeeze %dma_start3A_277 : memref<1x128xi32, #tpu.memory_space<vmem>> -> memref<128xi32, #tpu.memory_space<vmem>>
        %dma_start3A_279 = arith.constant 0 : i32
        %dma_start3A_280 = arith.constant 0 : i32
        %dma_start3A_281 = tpu.memref_slice %arg14[%dma_start3A_279, %dma_start3A_280] : memref<10000x128xf32, #tpu.memory_space<vmem_shared>> -> memref<10000x128xf32, #tpu.memory_space<vmem_shared>>
        tpu.enqueue_indirect_dma source(%arg11 : memref<128x128xf32, #tpu.memory_space<vmem>>) target(%dma_start3A_281 : memref<10000x128xf32, #tpu.memory_space<vmem_shared>>) offsets(%dma_start3A_278 : memref<128xi32, #tpu.memory_space<vmem>>) semaphore(%run_scoped3A_275 : memref<!tpu.dma_semaphore, #tpu.memory_space<semaphore_mem>>) {add = true}
        %dma_wait3A_282 = arith.constant 0 : i32
        %dma_wait3A_283 = tpu.memref_slice %arg5[%run_scoped3A, %dma_wait3A_282] : memref<2x128xi32, #tpu.memory_space<vmem>> -> memref<1x128xi32, #tpu.memory_space<vmem>>
        %dma_wait3A_284 = tpu.memref_squeeze %dma_wait3A_283 : memref<1x128xi32, #tpu.memory_space<vmem>> -> memref<128xi32, #tpu.memory_space<vmem>>
        %dma_wait3A_285 = arith.constant 0 : i32
        %dma_wait3A_286 = arith.constant 0 : i32
        %dma_wait3A_287 = tpu.memref_slice %arg14[%dma_wait3A_285, %dma_wait3A_286] : memref<10000x128xf32, #tpu.memory_space<vmem_shared>> -> memref<10000x128xf32, #tpu.memory_space<vmem_shared>>
        tpu.wait_indirect_dma semaphore(%run_scoped3A_275 : memref<!tpu.dma_semaphore, #tpu.memory_space<semaphore_mem>>) src(%arg11 : memref<128x128xf32, #tpu.memory_space<vmem>>) dst(%dma_wait3A_287 : memref<10000x128xf32, #tpu.memory_space<vmem_shared>>)
        tpu.yield
      }) : () -> ()
      %add3A_141 = arith.constant 6 : i32
      %add3A_142 = arith.addi %add3A_133, %add3A_141 : i32
      %lt3A_143 = arith.constant 78 : i32
      %lt3A_144 = arith.cmpi slt, %add3A_142, %lt3A_143 : i32
      %convert_element_type3A_145 = arith.extui %lt3A_144 : i1 to i32
      %cond3A_146 = arith.constant 0 : i32
      %cond3A_147 = arith.cmpi ne, %convert_element_type3A_145, %cond3A_146 : i32
      scf.if %cond3A_147 {
        %add3A_275 = arith.constant 6 : i32
        %add3A_276 = arith.addi %add3A_133, %add3A_275 : i32
        %add3A_277 = arith.addi %mul3A_2, %add3A_276 : i32
        %mul3A_278 = arith.constant 128 : i32
        %mul3A_279 = arith.muli %add3A_277, %mul3A_278 : i32
        %dma_start3A_280 = arith.constant 0 : i32
        %dma_start3A_281 = tpu.memref_slice %arg3[%dma_start3A_280, %mul3A_279] : memref<2x320000xi32, #tpu.memory_space<hbm>> -> memref<2x128xi32, #tpu.memory_space<hbm>>
        %dma_start3A_282 = arith.constant 0 : i32
        %dma_start3A_283 = tpu.memref_slice %arg3[%dma_start3A_282, %mul3A_279] : memref<2x320000xi32, #tpu.memory_space<hbm>> -> memref<2x128xi32, #tpu.memory_space<hbm>>
        tpu.enqueue_dma source(%dma_start3A_283 : memref<2x128xi32, #tpu.memory_space<hbm>>) target(%arg5 : memref<2x128xi32, #tpu.memory_space<vmem>>) target_semaphore(%arg18 : memref<!tpu.dma_semaphore, #tpu.memory_space<semaphore_mem>>)
      } else {
      }
      %add3A_148 = arith.constant 3 : i32
      %add3A_149 = arith.addi %add3A_133, %add3A_148 : i32
      %lt3A_150 = arith.constant 78 : i32
      %lt3A_151 = arith.cmpi slt, %add3A_149, %lt3A_150 : i32
      %convert_element_type3A_152 = arith.extui %lt3A_151 : i1 to i32
      %cond3A_153 = arith.constant 0 : i32
      %cond3A_154 = arith.cmpi ne, %convert_element_type3A_152, %cond3A_153 : i32
      scf.if %cond3A_154 {
        %add3A_275 = arith.constant 3 : i32
        %add3A_276 = arith.addi %add3A_133, %add3A_275 : i32
        %add3A_277 = arith.addi %mul3A_2, %add3A_276 : i32
        %mul3A_278 = arith.constant 128 : i32
        %mul3A_279 = arith.muli %add3A_277, %mul3A_278 : i32
        %dma_wait3A_280 = arith.constant 0 : i32
        %dma_wait3A_281 = tpu.memref_slice %arg3[%dma_wait3A_280, %mul3A_279] : memref<2x320000xi32, #tpu.memory_space<hbm>> -> memref<2x128xi32, #tpu.memory_space<hbm>>
        %dma_wait3A_282 = arith.constant 0 : i32
        %dma_wait3A_283 = tpu.memref_slice %arg3[%dma_wait3A_282, %mul3A_279] : memref<2x320000xi32, #tpu.memory_space<hbm>> -> memref<2x128xi32, #tpu.memory_space<hbm>>
        tpu.wait_dma2 semaphore(%arg21 : memref<!tpu.dma_semaphore, #tpu.memory_space<semaphore_mem>>) src(%dma_wait3A_283 : memref<2x128xi32, #tpu.memory_space<hbm>>) dst(%arg8 : memref<2x128xi32, #tpu.memory_space<vmem>>)
        %dma_start3A_284 = arith.constant 0 : i32
        %dma_start3A_285 = arith.constant 0 : i32
        %dma_start3A_286 = tpu.memref_slice %arg8[%dma_start3A_284, %dma_start3A_285] : memref<2x128xi32, #tpu.memory_space<vmem>> -> memref<1x128xi32, #tpu.memory_space<vmem>>
        %dma_start3A_287 = tpu.memref_squeeze %dma_start3A_286 : memref<1x128xi32, #tpu.memory_space<vmem>> -> memref<128xi32, #tpu.memory_space<vmem>>
        %dma_start3A_288 = arith.constant 0 : i32
        %dma_start3A_289 = arith.constant 0 : i32
        %dma_start3A_290 = tpu.memref_slice %arg2[%dma_start3A_288, %dma_start3A_289] : memref<10000x128xf32, #tpu.memory_space<hbm>> -> memref<10000x128xf32, #tpu.memory_space<hbm>>
        tpu.enqueue_indirect_dma source(%dma_start3A_290 : memref<10000x128xf32, #tpu.memory_space<hbm>>) target(%arg11 : memref<128x128xf32, #tpu.memory_space<vmem>>) offsets(%dma_start3A_287 : memref<128xi32, #tpu.memory_space<vmem>>) semaphore(%arg15 : memref<!tpu.dma_semaphore, #tpu.memory_space<semaphore_mem>>)
      } else {
      }
      %add3A_155 = arith.constant 1 : i32
      %add3A_156 = arith.addi %mul3A_131, %add3A_155 : i32
      %dma_wait3A_157 = arith.constant 0 : i32
      %dma_wait3A_158 = arith.constant 0 : i32
      %dma_wait3A_159 = tpu.memref_slice %arg6[%dma_wait3A_157, %dma_wait3A_158] : memref<2x128xi32, #tpu.memory_space<vmem>> -> memref<1x128xi32, #tpu.memory_space<vmem>>
      %dma_wait3A_160 = tpu.memref_squeeze %dma_wait3A_159 : memref<1x128xi32, #tpu.memory_space<vmem>> -> memref<128xi32, #tpu.memory_space<vmem>>
      %dma_wait3A_161 = arith.constant 0 : i32
      %dma_wait3A_162 = arith.constant 0 : i32
      %dma_wait3A_163 = tpu.memref_slice %arg2[%dma_wait3A_161, %dma_wait3A_162] : memref<10000x128xf32, #tpu.memory_space<hbm>> -> memref<10000x128xf32, #tpu.memory_space<hbm>>
      tpu.wait_indirect_dma semaphore(%arg16 : memref<!tpu.dma_semaphore, #tpu.memory_space<semaphore_mem>>) src(%dma_wait3A_163 : memref<10000x128xf32, #tpu.memory_space<hbm>>) dst(%arg12 : memref<128x128xf32, #tpu.memory_space<vmem>>)
      %run_scoped3A_164 = arith.constant 1 : i32
      "tpu.region"() ({
        %run_scoped3A_275 = tpu.sem_alloc : memref<!tpu.dma_semaphore, #tpu.memory_space<semaphore_mem>>
        %dma_start3A_276 = arith.constant 0 : i32
        %dma_start3A_277 = tpu.memref_slice %arg6[%run_scoped3A_164, %dma_start3A_276] : memref<2x128xi32, #tpu.memory_space<vmem>> -> memref<1x128xi32, #tpu.memory_space<vmem>>
        %dma_start3A_278 = tpu.memref_squeeze %dma_start3A_277 : memref<1x128xi32, #tpu.memory_space<vmem>> -> memref<128xi32, #tpu.memory_space<vmem>>
        %dma_start3A_279 = arith.constant 0 : i32
        %dma_start3A_280 = arith.constant 0 : i32
        %dma_start3A_281 = tpu.memref_slice %arg14[%dma_start3A_279, %dma_start3A_280] : memref<10000x128xf32, #tpu.memory_space<vmem_shared>> -> memref<10000x128xf32, #tpu.memory_space<vmem_shared>>
        tpu.enqueue_indirect_dma source(%arg12 : memref<128x128xf32, #tpu.memory_space<vmem>>) target(%dma_start3A_281 : memref<10000x128xf32, #tpu.memory_space<vmem_shared>>) offsets(%dma_start3A_278 : memref<128xi32, #tpu.memory_space<vmem>>) semaphore(%run_scoped3A_275 : memref<!tpu.dma_semaphore, #tpu.memory_space<semaphore_mem>>) {add = true}
        %dma_wait3A_282 = arith.constant 0 : i32
        %dma_wait3A_283 = tpu.memref_slice %arg6[%run_scoped3A_164, %dma_wait3A_282] : memref<2x128xi32, #tpu.memory_space<vmem>> -> memref<1x128xi32, #tpu.memory_space<vmem>>
        %dma_wait3A_284 = tpu.memref_squeeze %dma_wait3A_283 : memref<1x128xi32, #tpu.memory_space<vmem>> -> memref<128xi32, #tpu.memory_space<vmem>>
        %dma_wait3A_285 = arith.constant 0 : i32
        %dma_wait3A_286 = arith.constant 0 : i32
        %dma_wait3A_287 = tpu.memref_slice %arg14[%dma_wait3A_285, %dma_wait3A_286] : memref<10000x128xf32, #tpu.memory_space<vmem_shared>> -> memref<10000x128xf32, #tpu.memory_space<vmem_shared>>
        tpu.wait_indirect_dma semaphore(%run_scoped3A_275 : memref<!tpu.dma_semaphore, #tpu.memory_space<semaphore_mem>>) src(%arg12 : memref<128x128xf32, #tpu.memory_space<vmem>>) dst(%dma_wait3A_287 : memref<10000x128xf32, #tpu.memory_space<vmem_shared>>)
        tpu.yield
      }) : () -> ()
      %add3A_165 = arith.constant 6 : i32
      %add3A_166 = arith.addi %add3A_156, %add3A_165 : i32
      %lt3A_167 = arith.constant 78 : i32
      %lt3A_168 = arith.cmpi slt, %add3A_166, %lt3A_167 : i32
      %convert_element_type3A_169 = arith.extui %lt3A_168 : i1 to i32
      %cond3A_170 = arith.constant 0 : i32
      %cond3A_171 = arith.cmpi ne, %convert_element_type3A_169, %cond3A_170 : i32
      scf.if %cond3A_171 {
        %add3A_275 = arith.constant 6 : i32
        %add3A_276 = arith.addi %add3A_156, %add3A_275 : i32
        %add3A_277 = arith.addi %mul3A_2, %add3A_276 : i32
        %mul3A_278 = arith.constant 128 : i32
        %mul3A_279 = arith.muli %add3A_277, %mul3A_278 : i32
        %dma_start3A_280 = arith.constant 0 : i32
        %dma_start3A_281 = tpu.memref_slice %arg3[%dma_start3A_280, %mul3A_279] : memref<2x320000xi32, #tpu.memory_space<hbm>> -> memref<2x128xi32, #tpu.memory_space<hbm>>
        %dma_start3A_282 = arith.constant 0 : i32
        %dma_start3A_283 = tpu.memref_slice %arg3[%dma_start3A_282, %mul3A_279] : memref<2x320000xi32, #tpu.memory_space<hbm>> -> memref<2x128xi32, #tpu.memory_space<hbm>>
        tpu.enqueue_dma source(%dma_start3A_283 : memref<2x128xi32, #tpu.memory_space<hbm>>) target(%arg6 : memref<2x128xi32, #tpu.memory_space<vmem>>) target_semaphore(%arg19 : memref<!tpu.dma_semaphore, #tpu.memory_space<semaphore_mem>>)
      } else {
      }
      %add3A_172 = arith.constant 3 : i32
      %add3A_173 = arith.addi %add3A_156, %add3A_172 : i32
      %lt3A_174 = arith.constant 78 : i32
      %lt3A_175 = arith.cmpi slt, %add3A_173, %lt3A_174 : i32
      %convert_element_type3A_176 = arith.extui %lt3A_175 : i1 to i32
      %cond3A_177 = arith.constant 0 : i32
      %cond3A_178 = arith.cmpi ne, %convert_element_type3A_176, %cond3A_177 : i32
      scf.if %cond3A_178 {
        %add3A_275 = arith.constant 3 : i32
        %add3A_276 = arith.addi %add3A_156, %add3A_275 : i32
        %add3A_277 = arith.addi %mul3A_2, %add3A_276 : i32
        %mul3A_278 = arith.constant 128 : i32
        %mul3A_279 = arith.muli %add3A_277, %mul3A_278 : i32
        %dma_wait3A_280 = arith.constant 0 : i32
        %dma_wait3A_281 = tpu.memref_slice %arg3[%dma_wait3A_280, %mul3A_279] : memref<2x320000xi32, #tpu.memory_space<hbm>> -> memref<2x128xi32, #tpu.memory_space<hbm>>
        %dma_wait3A_282 = arith.constant 0 : i32
        %dma_wait3A_283 = tpu.memref_slice %arg3[%dma_wait3A_282, %mul3A_279] : memref<2x320000xi32, #tpu.memory_space<hbm>> -> memref<2x128xi32, #tpu.memory_space<hbm>>
        tpu.wait_dma2 semaphore(%arg22 : memref<!tpu.dma_semaphore, #tpu.memory_space<semaphore_mem>>) src(%dma_wait3A_283 : memref<2x128xi32, #tpu.memory_space<hbm>>) dst(%arg9 : memref<2x128xi32, #tpu.memory_space<vmem>>)
        %dma_start3A_284 = arith.constant 0 : i32
        %dma_start3A_285 = arith.constant 0 : i32
        %dma_start3A_286 = tpu.memref_slice %arg9[%dma_start3A_284, %dma_start3A_285] : memref<2x128xi32, #tpu.memory_space<vmem>> -> memref<1x128xi32, #tpu.memory_space<vmem>>
        %dma_start3A_287 = tpu.memref_squeeze %dma_start3A_286 : memref<1x128xi32, #tpu.memory_space<vmem>> -> memref<128xi32, #tpu.memory_space<vmem>>
        %dma_start3A_288 = arith.constant 0 : i32
        %dma_start3A_289 = arith.constant 0 : i32
        %dma_start3A_290 = tpu.memref_slice %arg2[%dma_start3A_288, %dma_start3A_289] : memref<10000x128xf32, #tpu.memory_space<hbm>> -> memref<10000x128xf32, #tpu.memory_space<hbm>>
        tpu.enqueue_indirect_dma source(%dma_start3A_290 : memref<10000x128xf32, #tpu.memory_space<hbm>>) target(%arg12 : memref<128x128xf32, #tpu.memory_space<vmem>>) offsets(%dma_start3A_287 : memref<128xi32, #tpu.memory_space<vmem>>) semaphore(%arg16 : memref<!tpu.dma_semaphore, #tpu.memory_space<semaphore_mem>>)
      } else {
      }
      %add3A_179 = arith.constant 2 : i32
      %add3A_180 = arith.addi %mul3A_131, %add3A_179 : i32
      %dma_wait3A_181 = arith.constant 0 : i32
      %dma_wait3A_182 = arith.constant 0 : i32
      %dma_wait3A_183 = tpu.memref_slice %arg7[%dma_wait3A_181, %dma_wait3A_182] : memref<2x128xi32, #tpu.memory_space<vmem>> -> memref<1x128xi32, #tpu.memory_space<vmem>>
      %dma_wait3A_184 = tpu.memref_squeeze %dma_wait3A_183 : memref<1x128xi32, #tpu.memory_space<vmem>> -> memref<128xi32, #tpu.memory_space<vmem>>
      %dma_wait3A_185 = arith.constant 0 : i32
      %dma_wait3A_186 = arith.constant 0 : i32
      %dma_wait3A_187 = tpu.memref_slice %arg2[%dma_wait3A_185, %dma_wait3A_186] : memref<10000x128xf32, #tpu.memory_space<hbm>> -> memref<10000x128xf32, #tpu.memory_space<hbm>>
      tpu.wait_indirect_dma semaphore(%arg17 : memref<!tpu.dma_semaphore, #tpu.memory_space<semaphore_mem>>) src(%dma_wait3A_187 : memref<10000x128xf32, #tpu.memory_space<hbm>>) dst(%arg13 : memref<128x128xf32, #tpu.memory_space<vmem>>)
      %run_scoped3A_188 = arith.constant 1 : i32
      "tpu.region"() ({
        %run_scoped3A_275 = tpu.sem_alloc : memref<!tpu.dma_semaphore, #tpu.memory_space<semaphore_mem>>
        %dma_start3A_276 = arith.constant 0 : i32
        %dma_start3A_277 = tpu.memref_slice %arg7[%run_scoped3A_188, %dma_start3A_276] : memref<2x128xi32, #tpu.memory_space<vmem>> -> memref<1x128xi32, #tpu.memory_space<vmem>>
        %dma_start3A_278 = tpu.memref_squeeze %dma_start3A_277 : memref<1x128xi32, #tpu.memory_space<vmem>> -> memref<128xi32, #tpu.memory_space<vmem>>
        %dma_start3A_279 = arith.constant 0 : i32
        %dma_start3A_280 = arith.constant 0 : i32
        %dma_start3A_281 = tpu.memref_slice %arg14[%dma_start3A_279, %dma_start3A_280] : memref<10000x128xf32, #tpu.memory_space<vmem_shared>> -> memref<10000x128xf32, #tpu.memory_space<vmem_shared>>
        tpu.enqueue_indirect_dma source(%arg13 : memref<128x128xf32, #tpu.memory_space<vmem>>) target(%dma_start3A_281 : memref<10000x128xf32, #tpu.memory_space<vmem_shared>>) offsets(%dma_start3A_278 : memref<128xi32, #tpu.memory_space<vmem>>) semaphore(%run_scoped3A_275 : memref<!tpu.dma_semaphore, #tpu.memory_space<semaphore_mem>>) {add = true}
        %dma_wait3A_282 = arith.constant 0 : i32
        %dma_wait3A_283 = tpu.memref_slice %arg7[%run_scoped3A_188, %dma_wait3A_282] : memref<2x128xi32, #tpu.memory_space<vmem>> -> memref<1x128xi32, #tpu.memory_space<vmem>>
        %dma_wait3A_284 = tpu.memref_squeeze %dma_wait3A_283 : memref<1x128xi32, #tpu.memory_space<vmem>> -> memref<128xi32, #tpu.memory_space<vmem>>
        %dma_wait3A_285 = arith.constant 0 : i32
        %dma_wait3A_286 = arith.constant 0 : i32
        %dma_wait3A_287 = tpu.memref_slice %arg14[%dma_wait3A_285, %dma_wait3A_286] : memref<10000x128xf32, #tpu.memory_space<vmem_shared>> -> memref<10000x128xf32, #tpu.memory_space<vmem_shared>>
        tpu.wait_indirect_dma semaphore(%run_scoped3A_275 : memref<!tpu.dma_semaphore, #tpu.memory_space<semaphore_mem>>) src(%arg13 : memref<128x128xf32, #tpu.memory_space<vmem>>) dst(%dma_wait3A_287 : memref<10000x128xf32, #tpu.memory_space<vmem_shared>>)
        tpu.yield
      }) : () -> ()
      %add3A_189 = arith.constant 6 : i32
      %add3A_190 = arith.addi %add3A_180, %add3A_189 : i32
      %lt3A_191 = arith.constant 78 : i32
      %lt3A_192 = arith.cmpi slt, %add3A_190, %lt3A_191 : i32
      %convert_element_type3A_193 = arith.extui %lt3A_192 : i1 to i32
      %cond3A_194 = arith.constant 0 : i32
      %cond3A_195 = arith.cmpi ne, %convert_element_type3A_193, %cond3A_194 : i32
      scf.if %cond3A_195 {
        %add3A_275 = arith.constant 6 : i32
        %add3A_276 = arith.addi %add3A_180, %add3A_275 : i32
        %add3A_277 = arith.addi %mul3A_2, %add3A_276 : i32
        %mul3A_278 = arith.constant 128 : i32
        %mul3A_279 = arith.muli %add3A_277, %mul3A_278 : i32
        %dma_start3A_280 = arith.constant 0 : i32
        %dma_start3A_281 = tpu.memref_slice %arg3[%dma_start3A_280, %mul3A_279] : memref<2x320000xi32, #tpu.memory_space<hbm>> -> memref<2x128xi32, #tpu.memory_space<hbm>>
        %dma_start3A_282 = arith.constant 0 : i32
        %dma_start3A_283 = tpu.memref_slice %arg3[%dma_start3A_282, %mul3A_279] : memref<2x320000xi32, #tpu.memory_space<hbm>> -> memref<2x128xi32, #tpu.memory_space<hbm>>
        tpu.enqueue_dma source(%dma_start3A_283 : memref<2x128xi32, #tpu.memory_space<hbm>>) target(%arg7 : memref<2x128xi32, #tpu.memory_space<vmem>>) target_semaphore(%arg20 : memref<!tpu.dma_semaphore, #tpu.memory_space<semaphore_mem>>)
      } else {
      }
      %add3A_196 = arith.constant 3 : i32
      %add3A_197 = arith.addi %add3A_180, %add3A_196 : i32
      %lt3A_198 = arith.constant 78 : i32
      %lt3A_199 = arith.cmpi slt, %add3A_197, %lt3A_198 : i32
      %convert_element_type3A_200 = arith.extui %lt3A_199 : i1 to i32
      %cond3A_201 = arith.constant 0 : i32
      %cond3A_202 = arith.cmpi ne, %convert_element_type3A_200, %cond3A_201 : i32
      scf.if %cond3A_202 {
        %add3A_275 = arith.constant 3 : i32
        %add3A_276 = arith.addi %add3A_180, %add3A_275 : i32
        %add3A_277 = arith.addi %mul3A_2, %add3A_276 : i32
        %mul3A_278 = arith.constant 128 : i32
        %mul3A_279 = arith.muli %add3A_277, %mul3A_278 : i32
        %dma_wait3A_280 = arith.constant 0 : i32
        %dma_wait3A_281 = tpu.memref_slice %arg3[%dma_wait3A_280, %mul3A_279] : memref<2x320000xi32, #tpu.memory_space<hbm>> -> memref<2x128xi32, #tpu.memory_space<hbm>>
        %dma_wait3A_282 = arith.constant 0 : i32
        %dma_wait3A_283 = tpu.memref_slice %arg3[%dma_wait3A_282, %mul3A_279] : memref<2x320000xi32, #tpu.memory_space<hbm>> -> memref<2x128xi32, #tpu.memory_space<hbm>>
        tpu.wait_dma2 semaphore(%arg23 : memref<!tpu.dma_semaphore, #tpu.memory_space<semaphore_mem>>) src(%dma_wait3A_283 : memref<2x128xi32, #tpu.memory_space<hbm>>) dst(%arg10 : memref<2x128xi32, #tpu.memory_space<vmem>>)
        %dma_start3A_284 = arith.constant 0 : i32
        %dma_start3A_285 = arith.constant 0 : i32
        %dma_start3A_286 = tpu.memref_slice %arg10[%dma_start3A_284, %dma_start3A_285] : memref<2x128xi32, #tpu.memory_space<vmem>> -> memref<1x128xi32, #tpu.memory_space<vmem>>
        %dma_start3A_287 = tpu.memref_squeeze %dma_start3A_286 : memref<1x128xi32, #tpu.memory_space<vmem>> -> memref<128xi32, #tpu.memory_space<vmem>>
        %dma_start3A_288 = arith.constant 0 : i32
        %dma_start3A_289 = arith.constant 0 : i32
        %dma_start3A_290 = tpu.memref_slice %arg2[%dma_start3A_288, %dma_start3A_289] : memref<10000x128xf32, #tpu.memory_space<hbm>> -> memref<10000x128xf32, #tpu.memory_space<hbm>>
        tpu.enqueue_indirect_dma source(%dma_start3A_290 : memref<10000x128xf32, #tpu.memory_space<hbm>>) target(%arg13 : memref<128x128xf32, #tpu.memory_space<vmem>>) offsets(%dma_start3A_287 : memref<128xi32, #tpu.memory_space<vmem>>) semaphore(%arg17 : memref<!tpu.dma_semaphore, #tpu.memory_space<semaphore_mem>>)
      } else {
      }
      %add3A_203 = arith.constant 3 : i32
      %add3A_204 = arith.addi %mul3A_131, %add3A_203 : i32
      %dma_wait3A_205 = arith.constant 0 : i32
      %dma_wait3A_206 = arith.constant 0 : i32
      %dma_wait3A_207 = tpu.memref_slice %arg8[%dma_wait3A_205, %dma_wait3A_206] : memref<2x128xi32, #tpu.memory_space<vmem>> -> memref<1x128xi32, #tpu.memory_space<vmem>>
      %dma_wait3A_208 = tpu.memref_squeeze %dma_wait3A_207 : memref<1x128xi32, #tpu.memory_space<vmem>> -> memref<128xi32, #tpu.memory_space<vmem>>
      %dma_wait3A_209 = arith.constant 0 : i32
      %dma_wait3A_210 = arith.constant 0 : i32
      %dma_wait3A_211 = tpu.memref_slice %arg2[%dma_wait3A_209, %dma_wait3A_210] : memref<10000x128xf32, #tpu.memory_space<hbm>> -> memref<10000x128xf32, #tpu.memory_space<hbm>>
      tpu.wait_indirect_dma semaphore(%arg15 : memref<!tpu.dma_semaphore, #tpu.memory_space<semaphore_mem>>) src(%dma_wait3A_211 : memref<10000x128xf32, #tpu.memory_space<hbm>>) dst(%arg11 : memref<128x128xf32, #tpu.memory_space<vmem>>)
      %run_scoped3A_212 = arith.constant 1 : i32
      "tpu.region"() ({
        %run_scoped3A_275 = tpu.sem_alloc : memref<!tpu.dma_semaphore, #tpu.memory_space<semaphore_mem>>
        %dma_start3A_276 = arith.constant 0 : i32
        %dma_start3A_277 = tpu.memref_slice %arg8[%run_scoped3A_212, %dma_start3A_276] : memref<2x128xi32, #tpu.memory_space<vmem>> -> memref<1x128xi32, #tpu.memory_space<vmem>>
        %dma_start3A_278 = tpu.memref_squeeze %dma_start3A_277 : memref<1x128xi32, #tpu.memory_space<vmem>> -> memref<128xi32, #tpu.memory_space<vmem>>
        %dma_start3A_279 = arith.constant 0 : i32
        %dma_start3A_280 = arith.constant 0 : i32
        %dma_start3A_281 = tpu.memref_slice %arg14[%dma_start3A_279, %dma_start3A_280] : memref<10000x128xf32, #tpu.memory_space<vmem_shared>> -> memref<10000x128xf32, #tpu.memory_space<vmem_shared>>
        tpu.enqueue_indirect_dma source(%arg11 : memref<128x128xf32, #tpu.memory_space<vmem>>) target(%dma_start3A_281 : memref<10000x128xf32, #tpu.memory_space<vmem_shared>>) offsets(%dma_start3A_278 : memref<128xi32, #tpu.memory_space<vmem>>) semaphore(%run_scoped3A_275 : memref<!tpu.dma_semaphore, #tpu.memory_space<semaphore_mem>>) {add = true}
        %dma_wait3A_282 = arith.constant 0 : i32
        %dma_wait3A_283 = tpu.memref_slice %arg8[%run_scoped3A_212, %dma_wait3A_282] : memref<2x128xi32, #tpu.memory_space<vmem>> -> memref<1x128xi32, #tpu.memory_space<vmem>>
        %dma_wait3A_284 = tpu.memref_squeeze %dma_wait3A_283 : memref<1x128xi32, #tpu.memory_space<vmem>> -> memref<128xi32, #tpu.memory_space<vmem>>
        %dma_wait3A_285 = arith.constant 0 : i32
        %dma_wait3A_286 = arith.constant 0 : i32
        %dma_wait3A_287 = tpu.memref_slice %arg14[%dma_wait3A_285, %dma_wait3A_286] : memref<10000x128xf32, #tpu.memory_space<vmem_shared>> -> memref<10000x128xf32, #tpu.memory_space<vmem_shared>>
        tpu.wait_indirect_dma semaphore(%run_scoped3A_275 : memref<!tpu.dma_semaphore, #tpu.memory_space<semaphore_mem>>) src(%arg11 : memref<128x128xf32, #tpu.memory_space<vmem>>) dst(%dma_wait3A_287 : memref<10000x128xf32, #tpu.memory_space<vmem_shared>>)
        tpu.yield
      }) : () -> ()
      %add3A_213 = arith.constant 6 : i32
      %add3A_214 = arith.addi %add3A_204, %add3A_213 : i32
      %lt3A_215 = arith.constant 78 : i32
      %lt3A_216 = arith.cmpi slt, %add3A_214, %lt3A_215 : i32
      %convert_element_type3A_217 = arith.extui %lt3A_216 : i1 to i32
      %cond3A_218 = arith.constant 0 : i32
      %cond3A_219 = arith.cmpi ne, %convert_element_type3A_217, %cond3A_218 : i32
      scf.if %cond3A_219 {
        %add3A_275 = arith.constant 6 : i32
        %add3A_276 = arith.addi %add3A_204, %add3A_275 : i32
        %add3A_277 = arith.addi %mul3A_2, %add3A_276 : i32
        %mul3A_278 = arith.constant 128 : i32
        %mul3A_279 = arith.muli %add3A_277, %mul3A_278 : i32
        %dma_start3A_280 = arith.constant 0 : i32
        %dma_start3A_281 = tpu.memref_slice %arg3[%dma_start3A_280, %mul3A_279] : memref<2x320000xi32, #tpu.memory_space<hbm>> -> memref<2x128xi32, #tpu.memory_space<hbm>>
        %dma_start3A_282 = arith.constant 0 : i32
        %dma_start3A_283 = tpu.memref_slice %arg3[%dma_start3A_282, %mul3A_279] : memref<2x320000xi32, #tpu.memory_space<hbm>> -> memref<2x128xi32, #tpu.memory_space<hbm>>
        tpu.enqueue_dma source(%dma_start3A_283 : memref<2x128xi32, #tpu.memory_space<hbm>>) target(%arg8 : memref<2x128xi32, #tpu.memory_space<vmem>>) target_semaphore(%arg21 : memref<!tpu.dma_semaphore, #tpu.memory_space<semaphore_mem>>)
      } else {
      }
      %add3A_220 = arith.constant 3 : i32
      %add3A_221 = arith.addi %add3A_204, %add3A_220 : i32
      %lt3A_222 = arith.constant 78 : i32
      %lt3A_223 = arith.cmpi slt, %add3A_221, %lt3A_222 : i32
      %convert_element_type3A_224 = arith.extui %lt3A_223 : i1 to i32
      %cond3A_225 = arith.constant 0 : i32
      %cond3A_226 = arith.cmpi ne, %convert_element_type3A_224, %cond3A_225 : i32
      scf.if %cond3A_226 {
        %add3A_275 = arith.constant 3 : i32
        %add3A_276 = arith.addi %add3A_204, %add3A_275 : i32
        %add3A_277 = arith.addi %mul3A_2, %add3A_276 : i32
        %mul3A_278 = arith.constant 128 : i32
        %mul3A_279 = arith.muli %add3A_277, %mul3A_278 : i32
        %dma_wait3A_280 = arith.constant 0 : i32
        %dma_wait3A_281 = tpu.memref_slice %arg3[%dma_wait3A_280, %mul3A_279] : memref<2x320000xi32, #tpu.memory_space<hbm>> -> memref<2x128xi32, #tpu.memory_space<hbm>>
        %dma_wait3A_282 = arith.constant 0 : i32
        %dma_wait3A_283 = tpu.memref_slice %arg3[%dma_wait3A_282, %mul3A_279] : memref<2x320000xi32, #tpu.memory_space<hbm>> -> memref<2x128xi32, #tpu.memory_space<hbm>>
        tpu.wait_dma2 semaphore(%arg18 : memref<!tpu.dma_semaphore, #tpu.memory_space<semaphore_mem>>) src(%dma_wait3A_283 : memref<2x128xi32, #tpu.memory_space<hbm>>) dst(%arg5 : memref<2x128xi32, #tpu.memory_space<vmem>>)
        %dma_start3A_284 = arith.constant 0 : i32
        %dma_start3A_285 = arith.constant 0 : i32
        %dma_start3A_286 = tpu.memref_slice %arg5[%dma_start3A_284, %dma_start3A_285] : memref<2x128xi32, #tpu.memory_space<vmem>> -> memref<1x128xi32, #tpu.memory_space<vmem>>
        %dma_start3A_287 = tpu.memref_squeeze %dma_start3A_286 : memref<1x128xi32, #tpu.memory_space<vmem>> -> memref<128xi32, #tpu.memory_space<vmem>>
        %dma_start3A_288 = arith.constant 0 : i32
        %dma_start3A_289 = arith.constant 0 : i32
        %dma_start3A_290 = tpu.memref_slice %arg2[%dma_start3A_288, %dma_start3A_289] : memref<10000x128xf32, #tpu.memory_space<hbm>> -> memref<10000x128xf32, #tpu.memory_space<hbm>>
        tpu.enqueue_indirect_dma source(%dma_start3A_290 : memref<10000x128xf32, #tpu.memory_space<hbm>>) target(%arg11 : memref<128x128xf32, #tpu.memory_space<vmem>>) offsets(%dma_start3A_287 : memref<128xi32, #tpu.memory_space<vmem>>) semaphore(%arg15 : memref<!tpu.dma_semaphore, #tpu.memory_space<semaphore_mem>>)
      } else {
      }
      %add3A_227 = arith.constant 4 : i32
      %add3A_228 = arith.addi %mul3A_131, %add3A_227 : i32
      %dma_wait3A_229 = arith.constant 0 : i32
      %dma_wait3A_230 = arith.constant 0 : i32
      %dma_wait3A_231 = tpu.memref_slice %arg9[%dma_wait3A_229, %dma_wait3A_230] : memref<2x128xi32, #tpu.memory_space<vmem>> -> memref<1x128xi32, #tpu.memory_space<vmem>>
      %dma_wait3A_232 = tpu.memref_squeeze %dma_wait3A_231 : memref<1x128xi32, #tpu.memory_space<vmem>> -> memref<128xi32, #tpu.memory_space<vmem>>
      %dma_wait3A_233 = arith.constant 0 : i32
      %dma_wait3A_234 = arith.constant 0 : i32
      %dma_wait3A_235 = tpu.memref_slice %arg2[%dma_wait3A_233, %dma_wait3A_234] : memref<10000x128xf32, #tpu.memory_space<hbm>> -> memref<10000x128xf32, #tpu.memory_space<hbm>>
      tpu.wait_indirect_dma semaphore(%arg16 : memref<!tpu.dma_semaphore, #tpu.memory_space<semaphore_mem>>) src(%dma_wait3A_235 : memref<10000x128xf32, #tpu.memory_space<hbm>>) dst(%arg12 : memref<128x128xf32, #tpu.memory_space<vmem>>)
      %run_scoped3A_236 = arith.constant 1 : i32
      "tpu.region"() ({
        %run_scoped3A_275 = tpu.sem_alloc : memref<!tpu.dma_semaphore, #tpu.memory_space<semaphore_mem>>
        %dma_start3A_276 = arith.constant 0 : i32
        %dma_start3A_277 = tpu.memref_slice %arg9[%run_scoped3A_236, %dma_start3A_276] : memref<2x128xi32, #tpu.memory_space<vmem>> -> memref<1x128xi32, #tpu.memory_space<vmem>>
        %dma_start3A_278 = tpu.memref_squeeze %dma_start3A_277 : memref<1x128xi32, #tpu.memory_space<vmem>> -> memref<128xi32, #tpu.memory_space<vmem>>
        %dma_start3A_279 = arith.constant 0 : i32
        %dma_start3A_280 = arith.constant 0 : i32
        %dma_start3A_281 = tpu.memref_slice %arg14[%dma_start3A_279, %dma_start3A_280] : memref<10000x128xf32, #tpu.memory_space<vmem_shared>> -> memref<10000x128xf32, #tpu.memory_space<vmem_shared>>
        tpu.enqueue_indirect_dma source(%arg12 : memref<128x128xf32, #tpu.memory_space<vmem>>) target(%dma_start3A_281 : memref<10000x128xf32, #tpu.memory_space<vmem_shared>>) offsets(%dma_start3A_278 : memref<128xi32, #tpu.memory_space<vmem>>) semaphore(%run_scoped3A_275 : memref<!tpu.dma_semaphore, #tpu.memory_space<semaphore_mem>>) {add = true}
        %dma_wait3A_282 = arith.constant 0 : i32
        %dma_wait3A_283 = tpu.memref_slice %arg9[%run_scoped3A_236, %dma_wait3A_282] : memref<2x128xi32, #tpu.memory_space<vmem>> -> memref<1x128xi32, #tpu.memory_space<vmem>>
        %dma_wait3A_284 = tpu.memref_squeeze %dma_wait3A_283 : memref<1x128xi32, #tpu.memory_space<vmem>> -> memref<128xi32, #tpu.memory_space<vmem>>
        %dma_wait3A_285 = arith.constant 0 : i32
        %dma_wait3A_286 = arith.constant 0 : i32
        %dma_wait3A_287 = tpu.memref_slice %arg14[%dma_wait3A_285, %dma_wait3A_286] : memref<10000x128xf32, #tpu.memory_space<vmem_shared>> -> memref<10000x128xf32, #tpu.memory_space<vmem_shared>>
        tpu.wait_indirect_dma semaphore(%run_scoped3A_275 : memref<!tpu.dma_semaphore, #tpu.memory_space<semaphore_mem>>) src(%arg12 : memref<128x128xf32, #tpu.memory_space<vmem>>) dst(%dma_wait3A_287 : memref<10000x128xf32, #tpu.memory_space<vmem_shared>>)
        tpu.yield
      }) : () -> ()
      %add3A_237 = arith.constant 6 : i32
      %add3A_238 = arith.addi %add3A_228, %add3A_237 : i32
      %lt3A_239 = arith.constant 78 : i32
      %lt3A_240 = arith.cmpi slt, %add3A_238, %lt3A_239 : i32
      %convert_element_type3A_241 = arith.extui %lt3A_240 : i1 to i32
      %cond3A_242 = arith.constant 0 : i32
      %cond3A_243 = arith.cmpi ne, %convert_element_type3A_241, %cond3A_242 : i32
      scf.if %cond3A_243 {
        %add3A_275 = arith.constant 6 : i32
        %add3A_276 = arith.addi %add3A_228, %add3A_275 : i32
        %add3A_277 = arith.addi %mul3A_2, %add3A_276 : i32
        %mul3A_278 = arith.constant 128 : i32
        %mul3A_279 = arith.muli %add3A_277, %mul3A_278 : i32
        %dma_start3A_280 = arith.constant 0 : i32
        %dma_start3A_281 = tpu.memref_slice %arg3[%dma_start3A_280, %mul3A_279] : memref<2x320000xi32, #tpu.memory_space<hbm>> -> memref<2x128xi32, #tpu.memory_space<hbm>>
        %dma_start3A_282 = arith.constant 0 : i32
        %dma_start3A_283 = tpu.memref_slice %arg3[%dma_start3A_282, %mul3A_279] : memref<2x320000xi32, #tpu.memory_space<hbm>> -> memref<2x128xi32, #tpu.memory_space<hbm>>
        tpu.enqueue_dma source(%dma_start3A_283 : memref<2x128xi32, #tpu.memory_space<hbm>>) target(%arg9 : memref<2x128xi32, #tpu.memory_space<vmem>>) target_semaphore(%arg22 : memref<!tpu.dma_semaphore, #tpu.memory_space<semaphore_mem>>)
      } else {
      }
      %add3A_244 = arith.constant 3 : i32
      %add3A_245 = arith.addi %add3A_228, %add3A_244 : i32
      %lt3A_246 = arith.constant 78 : i32
      %lt3A_247 = arith.cmpi slt, %add3A_245, %lt3A_246 : i32
      %convert_element_type3A_248 = arith.extui %lt3A_247 : i1 to i32
      %cond3A_249 = arith.constant 0 : i32
      %cond3A_250 = arith.cmpi ne, %convert_element_type3A_248, %cond3A_249 : i32
      scf.if %cond3A_250 {
        %add3A_275 = arith.constant 3 : i32
        %add3A_276 = arith.addi %add3A_228, %add3A_275 : i32
        %add3A_277 = arith.addi %mul3A_2, %add3A_276 : i32
        %mul3A_278 = arith.constant 128 : i32
        %mul3A_279 = arith.muli %add3A_277, %mul3A_278 : i32
        %dma_wait3A_280 = arith.constant 0 : i32
        %dma_wait3A_281 = tpu.memref_slice %arg3[%dma_wait3A_280, %mul3A_279] : memref<2x320000xi32, #tpu.memory_space<hbm>> -> memref<2x128xi32, #tpu.memory_space<hbm>>
        %dma_wait3A_282 = arith.constant 0 : i32
        %dma_wait3A_283 = tpu.memref_slice %arg3[%dma_wait3A_282, %mul3A_279] : memref<2x320000xi32, #tpu.memory_space<hbm>> -> memref<2x128xi32, #tpu.memory_space<hbm>>
        tpu.wait_dma2 semaphore(%arg19 : memref<!tpu.dma_semaphore, #tpu.memory_space<semaphore_mem>>) src(%dma_wait3A_283 : memref<2x128xi32, #tpu.memory_space<hbm>>) dst(%arg6 : memref<2x128xi32, #tpu.memory_space<vmem>>)
        %dma_start3A_284 = arith.constant 0 : i32
        %dma_start3A_285 = arith.constant 0 : i32
        %dma_start3A_286 = tpu.memref_slice %arg6[%dma_start3A_284, %dma_start3A_285] : memref<2x128xi32, #tpu.memory_space<vmem>> -> memref<1x128xi32, #tpu.memory_space<vmem>>
        %dma_start3A_287 = tpu.memref_squeeze %dma_start3A_286 : memref<1x128xi32, #tpu.memory_space<vmem>> -> memref<128xi32, #tpu.memory_space<vmem>>
        %dma_start3A_288 = arith.constant 0 : i32
        %dma_start3A_289 = arith.constant 0 : i32
        %dma_start3A_290 = tpu.memref_slice %arg2[%dma_start3A_288, %dma_start3A_289] : memref<10000x128xf32, #tpu.memory_space<hbm>> -> memref<10000x128xf32, #tpu.memory_space<hbm>>
        tpu.enqueue_indirect_dma source(%dma_start3A_290 : memref<10000x128xf32, #tpu.memory_space<hbm>>) target(%arg12 : memref<128x128xf32, #tpu.memory_space<vmem>>) offsets(%dma_start3A_287 : memref<128xi32, #tpu.memory_space<vmem>>) semaphore(%arg16 : memref<!tpu.dma_semaphore, #tpu.memory_space<semaphore_mem>>)
      } else {
      }
      %add3A_251 = arith.constant 5 : i32
      %add3A_252 = arith.addi %mul3A_131, %add3A_251 : i32
      %dma_wait3A_253 = arith.constant 0 : i32
      %dma_wait3A_254 = arith.constant 0 : i32
      %dma_wait3A_255 = tpu.memref_slice %arg10[%dma_wait3A_253, %dma_wait3A_254] : memref<2x128xi32, #tpu.memory_space<vmem>> -> memref<1x128xi32, #tpu.memory_space<vmem>>
      %dma_wait3A_256 = tpu.memref_squeeze %dma_wait3A_255 : memref<1x128xi32, #tpu.memory_space<vmem>> -> memref<128xi32, #tpu.memory_space<vmem>>
      %dma_wait3A_257 = arith.constant 0 : i32
      %dma_wait3A_258 = arith.constant 0 : i32
      %dma_wait3A_259 = tpu.memref_slice %arg2[%dma_wait3A_257, %dma_wait3A_258] : memref<10000x128xf32, #tpu.memory_space<hbm>> -> memref<10000x128xf32, #tpu.memory_space<hbm>>
      tpu.wait_indirect_dma semaphore(%arg17 : memref<!tpu.dma_semaphore, #tpu.memory_space<semaphore_mem>>) src(%dma_wait3A_259 : memref<10000x128xf32, #tpu.memory_space<hbm>>) dst(%arg13 : memref<128x128xf32, #tpu.memory_space<vmem>>)
      %run_scoped3A_260 = arith.constant 1 : i32
      "tpu.region"() ({
        %run_scoped3A_275 = tpu.sem_alloc : memref<!tpu.dma_semaphore, #tpu.memory_space<semaphore_mem>>
        %dma_start3A_276 = arith.constant 0 : i32
        %dma_start3A_277 = tpu.memref_slice %arg10[%run_scoped3A_260, %dma_start3A_276] : memref<2x128xi32, #tpu.memory_space<vmem>> -> memref<1x128xi32, #tpu.memory_space<vmem>>
        %dma_start3A_278 = tpu.memref_squeeze %dma_start3A_277 : memref<1x128xi32, #tpu.memory_space<vmem>> -> memref<128xi32, #tpu.memory_space<vmem>>
        %dma_start3A_279 = arith.constant 0 : i32
        %dma_start3A_280 = arith.constant 0 : i32
        %dma_start3A_281 = tpu.memref_slice %arg14[%dma_start3A_279, %dma_start3A_280] : memref<10000x128xf32, #tpu.memory_space<vmem_shared>> -> memref<10000x128xf32, #tpu.memory_space<vmem_shared>>
        tpu.enqueue_indirect_dma source(%arg13 : memref<128x128xf32, #tpu.memory_space<vmem>>) target(%dma_start3A_281 : memref<10000x128xf32, #tpu.memory_space<vmem_shared>>) offsets(%dma_start3A_278 : memref<128xi32, #tpu.memory_space<vmem>>) semaphore(%run_scoped3A_275 : memref<!tpu.dma_semaphore, #tpu.memory_space<semaphore_mem>>) {add = true}
        %dma_wait3A_282 = arith.constant 0 : i32
        %dma_wait3A_283 = tpu.memref_slice %arg10[%run_scoped3A_260, %dma_wait3A_282] : memref<2x128xi32, #tpu.memory_space<vmem>> -> memref<1x128xi32, #tpu.memory_space<vmem>>
        %dma_wait3A_284 = tpu.memref_squeeze %dma_wait3A_283 : memref<1x128xi32, #tpu.memory_space<vmem>> -> memref<128xi32, #tpu.memory_space<vmem>>
        %dma_wait3A_285 = arith.constant 0 : i32
        %dma_wait3A_286 = arith.constant 0 : i32
        %dma_wait3A_287 = tpu.memref_slice %arg14[%dma_wait3A_285, %dma_wait3A_286] : memref<10000x128xf32, #tpu.memory_space<vmem_shared>> -> memref<10000x128xf32, #tpu.memory_space<vmem_shared>>
        tpu.wait_indirect_dma semaphore(%run_scoped3A_275 : memref<!tpu.dma_semaphore, #tpu.memory_space<semaphore_mem>>) src(%arg13 : memref<128x128xf32, #tpu.memory_space<vmem>>) dst(%dma_wait3A_287 : memref<10000x128xf32, #tpu.memory_space<vmem_shared>>)
        tpu.yield
      }) : () -> ()
      %add3A_261 = arith.constant 6 : i32
      %add3A_262 = arith.addi %add3A_252, %add3A_261 : i32
      %lt3A_263 = arith.constant 78 : i32
      %lt3A_264 = arith.cmpi slt, %add3A_262, %lt3A_263 : i32
      %convert_element_type3A_265 = arith.extui %lt3A_264 : i1 to i32
      %cond3A_266 = arith.constant 0 : i32
      %cond3A_267 = arith.cmpi ne, %convert_element_type3A_265, %cond3A_266 : i32
      scf.if %cond3A_267 {
        %add3A_275 = arith.constant 6 : i32
        %add3A_276 = arith.addi %add3A_252, %add3A_275 : i32
        %add3A_277 = arith.addi %mul3A_2, %add3A_276 : i32
        %mul3A_278 = arith.constant 128 : i32
        %mul3A_279 = arith.muli %add3A_277, %mul3A_278 : i32
        %dma_start3A_280 = arith.constant 0 : i32
        %dma_start3A_281 = tpu.memref_slice %arg3[%dma_start3A_280, %mul3A_279] : memref<2x320000xi32, #tpu.memory_space<hbm>> -> memref<2x128xi32, #tpu.memory_space<hbm>>
        %dma_start3A_282 = arith.constant 0 : i32
        %dma_start3A_283 = tpu.memref_slice %arg3[%dma_start3A_282, %mul3A_279] : memref<2x320000xi32, #tpu.memory_space<hbm>> -> memref<2x128xi32, #tpu.memory_space<hbm>>
        tpu.enqueue_dma source(%dma_start3A_283 : memref<2x128xi32, #tpu.memory_space<hbm>>) target(%arg10 : memref<2x128xi32, #tpu.memory_space<vmem>>) target_semaphore(%arg23 : memref<!tpu.dma_semaphore, #tpu.memory_space<semaphore_mem>>)
      } else {
      }
      %add3A_268 = arith.constant 3 : i32
      %add3A_269 = arith.addi %add3A_252, %add3A_268 : i32
      %lt3A_270 = arith.constant 78 : i32
      %lt3A_271 = arith.cmpi slt, %add3A_269, %lt3A_270 : i32
      %convert_element_type3A_272 = arith.extui %lt3A_271 : i1 to i32
      %cond3A_273 = arith.constant 0 : i32
      %cond3A_274 = arith.cmpi ne, %convert_element_type3A_272, %cond3A_273 : i32
      scf.if %cond3A_274 {
        %add3A_275 = arith.constant 3 : i32
        %add3A_276 = arith.addi %add3A_252, %add3A_275 : i32
        %add3A_277 = arith.addi %mul3A_2, %add3A_276 : i32
        %mul3A_278 = arith.constant 128 : i32
        %mul3A_279 = arith.muli %add3A_277, %mul3A_278 : i32
        %dma_wait3A_280 = arith.constant 0 : i32
        %dma_wait3A_281 = tpu.memref_slice %arg3[%dma_wait3A_280, %mul3A_279] : memref<2x320000xi32, #tpu.memory_space<hbm>> -> memref<2x128xi32, #tpu.memory_space<hbm>>
        %dma_wait3A_282 = arith.constant 0 : i32
        %dma_wait3A_283 = tpu.memref_slice %arg3[%dma_wait3A_282, %mul3A_279] : memref<2x320000xi32, #tpu.memory_space<hbm>> -> memref<2x128xi32, #tpu.memory_space<hbm>>
        tpu.wait_dma2 semaphore(%arg20 : memref<!tpu.dma_semaphore, #tpu.memory_space<semaphore_mem>>) src(%dma_wait3A_283 : memref<2x128xi32, #tpu.memory_space<hbm>>) dst(%arg7 : memref<2x128xi32, #tpu.memory_space<vmem>>)
        %dma_start3A_284 = arith.constant 0 : i32
        %dma_start3A_285 = arith.constant 0 : i32
        %dma_start3A_286 = tpu.memref_slice %arg7[%dma_start3A_284, %dma_start3A_285] : memref<2x128xi32, #tpu.memory_space<vmem>> -> memref<1x128xi32, #tpu.memory_space<vmem>>
        %dma_start3A_287 = tpu.memref_squeeze %dma_start3A_286 : memref<1x128xi32, #tpu.memory_space<vmem>> -> memref<128xi32, #tpu.memory_space<vmem>>
        %dma_start3A_288 = arith.constant 0 : i32
        %dma_start3A_289 = arith.constant 0 : i32
        %dma_start3A_290 = tpu.memref_slice %arg2[%dma_start3A_288, %dma_start3A_289] : memref<10000x128xf32, #tpu.memory_space<hbm>> -> memref<10000x128xf32, #tpu.memory_space<hbm>>
        tpu.enqueue_indirect_dma source(%dma_start3A_290 : memref<10000x128xf32, #tpu.memory_space<hbm>>) target(%arg13 : memref<128x128xf32, #tpu.memory_space<vmem>>) offsets(%dma_start3A_287 : memref<128xi32, #tpu.memory_space<vmem>>) semaphore(%arg17 : memref<!tpu.dma_semaphore, #tpu.memory_space<semaphore_mem>>)
      } else {
      }
    }
    %scan3A_112 = arith.constant 13 : i32
    %lt3A_113 = arith.constant 4 : i32
    %lt3A_114 = arith.cmpi slt, %add3A, %lt3A_113 : i32
    %convert_element_type3A_115 = arith.extui %lt3A_114 : i1 to i32
    %cond3A_116 = arith.constant 0 : i32
    %cond3A_117 = arith.cmpi ne, %convert_element_type3A_115, %cond3A_116 : i32
    scf.if %cond3A_117 {
      %add3A_129 = arith.constant 2496 : i32
      %add3A_130 = arith.addi %add3A_129, %add3A : i32
      %mul3A_131 = arith.constant 128 : i32
      %mul3A_132 = arith.muli %add3A_130, %mul3A_131 : i32
      "tpu.region"() ({
        %run_scoped3A_147 = tpu.sem_alloc : memref<!tpu.dma_semaphore, #tpu.memory_space<semaphore_mem>>
        %dma_start3A_148 = arith.constant 0 : i32
        %dma_start3A_149 = tpu.memref_slice %arg3[%dma_start3A_148, %mul3A_132] : memref<2x320000xi32, #tpu.memory_space<hbm>> -> memref<2x128xi32, #tpu.memory_space<hbm>>
        %dma_start3A_150 = arith.constant 0 : i32
        %dma_start3A_151 = tpu.memref_slice %arg3[%dma_start3A_150, %mul3A_132] : memref<2x320000xi32, #tpu.memory_space<hbm>> -> memref<2x128xi32, #tpu.memory_space<hbm>>
        tpu.enqueue_dma source(%dma_start3A_151 : memref<2x128xi32, #tpu.memory_space<hbm>>) target(%arg5 : memref<2x128xi32, #tpu.memory_space<vmem>>) target_semaphore(%run_scoped3A_147 : memref<!tpu.dma_semaphore, #tpu.memory_space<semaphore_mem>>)
        %dma_wait3A_152 = arith.constant 0 : i32
        %dma_wait3A_153 = tpu.memref_slice %arg3[%dma_wait3A_152, %mul3A_132] : memref<2x320000xi32, #tpu.memory_space<hbm>> -> memref<2x128xi32, #tpu.memory_space<hbm>>
        %dma_wait3A_154 = arith.constant 0 : i32
        %dma_wait3A_155 = tpu.memref_slice %arg3[%dma_wait3A_154, %mul3A_132] : memref<2x320000xi32, #tpu.memory_space<hbm>> -> memref<2x128xi32, #tpu.memory_space<hbm>>
        tpu.wait_dma2 semaphore(%run_scoped3A_147 : memref<!tpu.dma_semaphore, #tpu.memory_space<semaphore_mem>>) src(%dma_wait3A_155 : memref<2x128xi32, #tpu.memory_space<hbm>>) dst(%arg5 : memref<2x128xi32, #tpu.memory_space<vmem>>)
        tpu.yield
      }) : () -> ()
      %dma_start3A_133 = arith.constant 0 : i32
      %dma_start3A_134 = arith.constant 0 : i32
      %dma_start3A_135 = tpu.memref_slice %arg5[%dma_start3A_133, %dma_start3A_134] : memref<2x128xi32, #tpu.memory_space<vmem>> -> memref<1x128xi32, #tpu.memory_space<vmem>>
      %dma_start3A_136 = tpu.memref_squeeze %dma_start3A_135 : memref<1x128xi32, #tpu.memory_space<vmem>> -> memref<128xi32, #tpu.memory_space<vmem>>
      %dma_start3A_137 = arith.constant 0 : i32
      %dma_start3A_138 = arith.constant 0 : i32
      %dma_start3A_139 = tpu.memref_slice %arg2[%dma_start3A_137, %dma_start3A_138] : memref<10000x128xf32, #tpu.memory_space<hbm>> -> memref<10000x128xf32, #tpu.memory_space<hbm>>
      tpu.enqueue_indirect_dma source(%dma_start3A_139 : memref<10000x128xf32, #tpu.memory_space<hbm>>) target(%arg11 : memref<128x128xf32, #tpu.memory_space<vmem>>) offsets(%dma_start3A_136 : memref<128xi32, #tpu.memory_space<vmem>>) semaphore(%arg15 : memref<!tpu.dma_semaphore, #tpu.memory_space<semaphore_mem>>)
      %dma_wait3A_140 = arith.constant 0 : i32
      %dma_wait3A_141 = arith.constant 0 : i32
      %dma_wait3A_142 = tpu.memref_slice %arg5[%dma_wait3A_140, %dma_wait3A_141] : memref<2x128xi32, #tpu.memory_space<vmem>> -> memref<1x128xi32, #tpu.memory_space<vmem>>
      %dma_wait3A_143 = tpu.memref_squeeze %dma_wait3A_142 : memref<1x128xi32, #tpu.memory_space<vmem>> -> memref<128xi32, #tpu.memory_space<vmem>>
      %dma_wait3A_144 = arith.constant 0 : i32
      %dma_wait3A_145 = arith.constant 0 : i32
      %dma_wait3A_146 = tpu.memref_slice %arg2[%dma_wait3A_144, %dma_wait3A_145] : memref<10000x128xf32, #tpu.memory_space<hbm>> -> memref<10000x128xf32, #tpu.memory_space<hbm>>
      tpu.wait_indirect_dma semaphore(%arg15 : memref<!tpu.dma_semaphore, #tpu.memory_space<semaphore_mem>>) src(%dma_wait3A_146 : memref<10000x128xf32, #tpu.memory_space<hbm>>) dst(%arg11 : memref<128x128xf32, #tpu.memory_space<vmem>>)
      %run_scoped3A = arith.constant 1 : i32
      "tpu.region"() ({
        %run_scoped3A_147 = tpu.sem_alloc : memref<!tpu.dma_semaphore, #tpu.memory_space<semaphore_mem>>
        %dma_start3A_148 = arith.constant 0 : i32
        %dma_start3A_149 = tpu.memref_slice %arg5[%run_scoped3A, %dma_start3A_148] : memref<2x128xi32, #tpu.memory_space<vmem>> -> memref<1x128xi32, #tpu.memory_space<vmem>>
        %dma_start3A_150 = tpu.memref_squeeze %dma_start3A_149 : memref<1x128xi32, #tpu.memory_space<vmem>> -> memref<128xi32, #tpu.memory_space<vmem>>
        %dma_start3A_151 = arith.constant 0 : i32
        %dma_start3A_152 = arith.constant 0 : i32
        %dma_start3A_153 = tpu.memref_slice %arg14[%dma_start3A_151, %dma_start3A_152] : memref<10000x128xf32, #tpu.memory_space<vmem_shared>> -> memref<10000x128xf32, #tpu.memory_space<vmem_shared>>
        tpu.enqueue_indirect_dma source(%arg11 : memref<128x128xf32, #tpu.memory_space<vmem>>) target(%dma_start3A_153 : memref<10000x128xf32, #tpu.memory_space<vmem_shared>>) offsets(%dma_start3A_150 : memref<128xi32, #tpu.memory_space<vmem>>) semaphore(%run_scoped3A_147 : memref<!tpu.dma_semaphore, #tpu.memory_space<semaphore_mem>>) {add = true}
        %dma_wait3A_154 = arith.constant 0 : i32
        %dma_wait3A_155 = tpu.memref_slice %arg5[%run_scoped3A, %dma_wait3A_154] : memref<2x128xi32, #tpu.memory_space<vmem>> -> memref<1x128xi32, #tpu.memory_space<vmem>>
        %dma_wait3A_156 = tpu.memref_squeeze %dma_wait3A_155 : memref<1x128xi32, #tpu.memory_space<vmem>> -> memref<128xi32, #tpu.memory_space<vmem>>
        %dma_wait3A_157 = arith.constant 0 : i32
        %dma_wait3A_158 = arith.constant 0 : i32
        %dma_wait3A_159 = tpu.memref_slice %arg14[%dma_wait3A_157, %dma_wait3A_158] : memref<10000x128xf32, #tpu.memory_space<vmem_shared>> -> memref<10000x128xf32, #tpu.memory_space<vmem_shared>>
        tpu.wait_indirect_dma semaphore(%run_scoped3A_147 : memref<!tpu.dma_semaphore, #tpu.memory_space<semaphore_mem>>) src(%arg11 : memref<128x128xf32, #tpu.memory_space<vmem>>) dst(%dma_wait3A_159 : memref<10000x128xf32, #tpu.memory_space<vmem_shared>>)
        tpu.yield
      }) : () -> ()
    } else {
    }
    %barrier3A_118 = arith.constant 0 : index
    tpu.barrier barrier_id(%barrier3A_118)
    %lt3A_119 = arith.constant 15 : i32
    %lt3A_120 = arith.cmpi slt, %arg1, %lt3A_119 : i32
    %convert_element_type3A_121 = arith.extui %lt3A_120 : i1 to i32
    %cond3A_122 = arith.constant 0 : i32
    %cond3A_123 = arith.cmpi ne, %convert_element_type3A_121, %cond3A_122 : i32
    scf.if %cond3A_123 {
      "tpu.region"() ({
        %run_scoped3A = tpu.sem_alloc : memref<!tpu.dma_semaphore, #tpu.memory_space<semaphore_mem>>
        %dma_start3A_129 = arith.constant 0 : i32
        %dma_start3A_130 = tpu.memref_slice %arg4[%arg0, %mul3A_56, %dma_start3A_129] : memref<2x10000x128xf32, #tpu.memory_space<hbm>> -> memref<1x624x128xf32, #tpu.memory_space<hbm>>
        %dma_start3A_131 = tpu.memref_squeeze %dma_start3A_130 : memref<1x624x128xf32, #tpu.memory_space<hbm>> -> memref<624x128xf32, #tpu.memory_space<hbm>>
        %dma_start3A_132 = arith.constant 0 : i32
        %dma_start3A_133 = tpu.memref_slice %arg14[%mul3A_56, %dma_start3A_132] : memref<10000x128xf32, #tpu.memory_space<vmem_shared>> -> memref<624x128xf32, #tpu.memory_space<vmem_shared>>
        tpu.enqueue_dma source(%dma_start3A_133 : memref<624x128xf32, #tpu.memory_space<vmem_shared>>) target(%dma_start3A_131 : memref<624x128xf32, #tpu.memory_space<hbm>>) target_semaphore(%run_scoped3A : memref<!tpu.dma_semaphore, #tpu.memory_space<semaphore_mem>>)
        %dma_wait3A_134 = arith.constant 0 : i32
        %dma_wait3A_135 = tpu.memref_slice %arg4[%arg0, %mul3A_56, %dma_wait3A_134] : memref<2x10000x128xf32, #tpu.memory_space<hbm>> -> memref<1x624x128xf32, #tpu.memory_space<hbm>>
        %dma_wait3A_136 = tpu.memref_squeeze %dma_wait3A_135 : memref<1x624x128xf32, #tpu.memory_space<hbm>> -> memref<624x128xf32, #tpu.memory_space<hbm>>
        %dma_wait3A_137 = arith.constant 0 : i32
        %dma_wait3A_138 = tpu.memref_slice %arg14[%mul3A_56, %dma_wait3A_137] : memref<10000x128xf32, #tpu.memory_space<vmem_shared>> -> memref<624x128xf32, #tpu.memory_space<vmem_shared>>
        tpu.wait_dma2 semaphore(%run_scoped3A : memref<!tpu.dma_semaphore, #tpu.memory_space<semaphore_mem>>) src(%dma_wait3A_138 : memref<624x128xf32, #tpu.memory_space<vmem_shared>>) dst(%dma_wait3A_136 : memref<624x128xf32, #tpu.memory_space<hbm>>)
        tpu.yield
      }) : () -> ()
    } else {
    }
    %eq3A_124 = arith.constant 15 : i32
    %eq3A_125 = arith.cmpi eq, %arg1, %eq3A_124 : i32
    %convert_element_type3A_126 = arith.extui %eq3A_125 : i1 to i32
    %cond3A_127 = arith.constant 0 : i32
    %cond3A_128 = arith.cmpi ne, %convert_element_type3A_126, %cond3A_127 : i32
    scf.if %cond3A_128 {
      "tpu.region"() ({
        %run_scoped3A = tpu.sem_alloc : memref<!tpu.dma_semaphore, #tpu.memory_space<semaphore_mem>>
        %dma_start3A_129 = arith.constant 0 : i32
        %dma_start3A_130 = tpu.memref_slice %arg4[%arg0, %mul3A_56, %dma_start3A_129] : memref<2x10000x128xf32, #tpu.memory_space<hbm>> -> memref<1x640x128xf32, #tpu.memory_space<hbm>>
        %dma_start3A_131 = tpu.memref_squeeze %dma_start3A_130 : memref<1x640x128xf32, #tpu.memory_space<hbm>> -> memref<640x128xf32, #tpu.memory_space<hbm>>
        %dma_start3A_132 = arith.constant 0 : i32
        %dma_start3A_133 = tpu.memref_slice %arg14[%mul3A_56, %dma_start3A_132] : memref<10000x128xf32, #tpu.memory_space<vmem_shared>> -> memref<640x128xf32, #tpu.memory_space<vmem_shared>>
        tpu.enqueue_dma source(%dma_start3A_133 : memref<640x128xf32, #tpu.memory_space<vmem_shared>>) target(%dma_start3A_131 : memref<640x128xf32, #tpu.memory_space<hbm>>) target_semaphore(%run_scoped3A : memref<!tpu.dma_semaphore, #tpu.memory_space<semaphore_mem>>)
        %dma_wait3A_134 = arith.constant 0 : i32
        %dma_wait3A_135 = tpu.memref_slice %arg4[%arg0, %mul3A_56, %dma_wait3A_134] : memref<2x10000x128xf32, #tpu.memory_space<hbm>> -> memref<1x640x128xf32, #tpu.memory_space<hbm>>
        %dma_wait3A_136 = tpu.memref_squeeze %dma_wait3A_135 : memref<1x640x128xf32, #tpu.memory_space<hbm>> -> memref<640x128xf32, #tpu.memory_space<hbm>>
        %dma_wait3A_137 = arith.constant 0 : i32
        %dma_wait3A_138 = tpu.memref_slice %arg14[%mul3A_56, %dma_wait3A_137] : memref<10000x128xf32, #tpu.memory_space<vmem_shared>> -> memref<640x128xf32, #tpu.memory_space<vmem_shared>>
        tpu.wait_dma2 semaphore(%run_scoped3A : memref<!tpu.dma_semaphore, #tpu.memory_space<semaphore_mem>>) src(%dma_wait3A_138 : memref<640x128xf32, #tpu.memory_space<vmem_shared>>) dst(%dma_wait3A_136 : memref<640x128xf32, #tpu.memory_space<hbm>>)
        tpu.yield
      }) : () -> ()
    } else {
    }
    return
  }
}

module attributes {stable_mosaic.version = 14 : i64} {
  func.func @body(%arg0: i32, %arg1: memref<2000x128xf32, #tpu.memory_space<vmem>>, %arg2: memref<2x2000x128xf32, #tpu.memory_space<vmem>>, %arg3: memref<128x128xf32, #tpu.memory_space<vmem>>, %arg4: memref<1x128xf32, #tpu.memory_space<vmem>>, %arg5: memref<128x128xf32, #tpu.memory_space<vmem>>, %arg6: memref<1x128xf32, #tpu.memory_space<vmem>>, %arg7: memref<2000x128xf32, #tpu.memory_space<vmem>>) attributes {dimension_semantics = [#tpu.dimension_semantics<arbitrary>], iteration_bounds = array<i64: 5>, scalar_prefetch = 0 : i64, scratch_operands = 0 : i64, tpu.core_type = #tpu.core_type<tc>, window_params = [{transform_indices = @transform_0, window_bounds = array<i64: 2000, 128>}, {transform_indices = @transform_1, window_bounds = array<i64: 2, 2000, 128>}, {pipeline_mode = #tpu.pipeline_mode<synchronous>, transform_indices = @transform_2, window_bounds = array<i64: 128, 128>}, {pipeline_mode = #tpu.pipeline_mode<synchronous>, transform_indices = @transform_3, window_bounds = array<i64: 1, 128>}, {pipeline_mode = #tpu.pipeline_mode<synchronous>, transform_indices = @transform_4, window_bounds = array<i64: 128, 128>}, {pipeline_mode = #tpu.pipeline_mode<synchronous>, transform_indices = @transform_5, window_bounds = array<i64: 1, 128>}, {transform_indices = @transform_6, window_bounds = array<i64: 2000, 128>}]} {
    %get3A = arith.constant 0 : index
    %get3A_0 = arith.constant 0 : index
    %get3A_1 = vector.load %arg1[%get3A, %get3A_0] : memref<2000x128xf32, #tpu.memory_space<vmem>>, vector<2000x128xf32>
    %get3A_2 = arith.constant 0 : index
    %get3A_3 = arith.constant 0 : index
    %get3A_4 = arith.constant 0 : index
    %get3A_5 = vector.load %arg2[%get3A_2, %get3A_3, %get3A_4] : memref<2x2000x128xf32, #tpu.memory_space<vmem>>, vector<1x2000x128xf32>
    %get3A_6 = vector.shape_cast %get3A_5 : vector<1x2000x128xf32> to vector<2000x128xf32>
    %add3A = arith.addf %get3A_1, %get3A_6 : vector<2000x128xf32>
    %get3A_7 = arith.constant 1 : index
    %get3A_8 = arith.constant 0 : index
    %get3A_9 = arith.constant 0 : index
    %get3A_10 = vector.load %arg2[%get3A_7, %get3A_8, %get3A_9] : memref<2x2000x128xf32, #tpu.memory_space<vmem>>, vector<1x2000x128xf32>
    %get3A_11 = vector.shape_cast %get3A_10 : vector<1x2000x128xf32> to vector<2000x128xf32>
    %add3A_12 = arith.addf %add3A, %get3A_11 : vector<2000x128xf32>
    %get3A_13 = arith.constant 0 : index
    %get3A_14 = arith.constant 0 : index
    %get3A_15 = vector.load %arg3[%get3A_13, %get3A_14] : memref<128x128xf32, #tpu.memory_space<vmem>>, vector<128x128xf32>
    %dot_general3A = arith.constant dense<0.000000e+00> : vector<2000x128xf32>
    %dot_general3A_16 = tpu.matmul %add3A_12, %get3A_15, %dot_general3A {dimension_numbers = #tpu.dot_dimension_numbers<[1], [0], [0], [1], [0, 0, 1, 1], [], []>, transpose_lhs_hint = false} : vector<2000x128xf32>, vector<128x128xf32>, vector<2000x128xf32> -> vector<2000x128xf32>
    %get3A_17 = arith.constant 0 : index
    %get3A_18 = arith.constant 0 : index
    %get3A_19 = vector.load %arg4[%get3A_17, %get3A_18] : memref<1x128xf32, #tpu.memory_space<vmem>>, vector<1x128xf32>
    %add3A_20 = vector.broadcast %get3A_19 : vector<1x128xf32> to vector<2000x128xf32>
    %add3A_21 = arith.addf %dot_general3A_16, %add3A_20 : vector<2000x128xf32>
    %max3A = arith.constant 0.000000e+00 : f32
    %max3A_22 = vector.broadcast %max3A : f32 to vector<2000x128xf32>
    %max3A_23 = arith.maximumf %add3A_21, %max3A_22 : vector<2000x128xf32>
    %get3A_24 = arith.constant 0 : index
    %get3A_25 = arith.constant 0 : index
    %get3A_26 = vector.load %arg5[%get3A_24, %get3A_25] : memref<128x128xf32, #tpu.memory_space<vmem>>, vector<128x128xf32>
    %dot_general3A_27 = arith.constant dense<0.000000e+00> : vector<2000x128xf32>
    %dot_general3A_28 = tpu.matmul %max3A_23, %get3A_26, %dot_general3A_27 {dimension_numbers = #tpu.dot_dimension_numbers<[1], [0], [0], [1], [0, 0, 1, 1], [], []>, transpose_lhs_hint = false} : vector<2000x128xf32>, vector<128x128xf32>, vector<2000x128xf32> -> vector<2000x128xf32>
    %get3A_29 = arith.constant 0 : index
    %get3A_30 = arith.constant 0 : index
    %get3A_31 = vector.load %arg6[%get3A_29, %get3A_30] : memref<1x128xf32, #tpu.memory_space<vmem>>, vector<1x128xf32>
    %add3A_32 = vector.broadcast %get3A_31 : vector<1x128xf32> to vector<2000x128xf32>
    %add3A_33 = arith.addf %dot_general3A_28, %add3A_32 : vector<2000x128xf32>
    %max3A_34 = arith.constant 0.000000e+00 : f32
    %max3A_35 = vector.broadcast %max3A_34 : f32 to vector<2000x128xf32>
    %max3A_36 = arith.maximumf %add3A_33, %max3A_35 : vector<2000x128xf32>
    %swap3A = arith.constant 0 : index
    %swap3A_37 = arith.constant 0 : index
    %swap3A_38 = vector.load %arg7[%swap3A, %swap3A_37] : memref<2000x128xf32, #tpu.memory_space<vmem>>, vector<2000x128xf32>
    tpu.vector_store %arg7[%swap3A, %swap3A_37], %max3A_36 {strides = array<i32>} : memref<2000x128xf32, #tpu.memory_space<vmem>>, vector<2000x128xf32>,
    return
  }
  func.func @transform_0(%arg0: i32) -> (i32, i32) {
    %c0_i32 = arith.constant 0 : i32
    %c0_i32_0 = arith.constant 0 : i32
    return %arg0, %c0_i32 : i32, i32
  }
  func.func @transform_1(%arg0: i32) -> (i32, i32, i32) {
    %c0_i32 = arith.constant 0 : i32
    %c0_i32_0 = arith.constant 0 : i32
    %c0_i32_1 = arith.constant 0 : i32
    return %c0_i32, %arg0, %c0_i32_0 : i32, i32, i32
  }
  func.func @transform_2(%arg0: i32) -> (i32, i32) {
    %c0_i32 = arith.constant 0 : i32
    %c0_i32_0 = arith.constant 0 : i32
    %c0_i32_1 = arith.constant 0 : i32
    return %c0_i32, %c0_i32_0 : i32, i32
  }
  func.func @transform_3(%arg0: i32) -> (i32, i32) {
    %c0_i32 = arith.constant 0 : i32
    %c0_i32_0 = arith.constant 0 : i32
    %c0_i32_1 = arith.constant 0 : i32
    return %c0_i32, %c0_i32_0 : i32, i32
  }
  func.func @transform_4(%arg0: i32) -> (i32, i32) {
    %c0_i32 = arith.constant 0 : i32
    %c0_i32_0 = arith.constant 0 : i32
    %c0_i32_1 = arith.constant 0 : i32
    return %c0_i32, %c0_i32_0 : i32, i32
  }
  func.func @transform_5(%arg0: i32) -> (i32, i32) {
    %c0_i32 = arith.constant 0 : i32
    %c0_i32_0 = arith.constant 0 : i32
    %c0_i32_1 = arith.constant 0 : i32
    return %c0_i32, %c0_i32_0 : i32, i32
  }
  func.func @transform_6(%arg0: i32) -> (i32, i32) {
    %c0_i32 = arith.constant 0 : i32
    %c0_i32_0 = arith.constant 0 : i32
    return %arg0, %c0_i32 : i32, i32
  }
}

module attributes {stable_mosaic.version = 14 : i64} {
  func.func @body(%arg0: i32, %arg1: memref<2000x128xf32, #tpu.memory_space<vmem>>, %arg2: memref<128x128xf32, #tpu.memory_space<vmem>>, %arg3: memref<1x128xf32, #tpu.memory_space<vmem>>, %arg4: memref<128x128xf32, #tpu.memory_space<vmem>>, %arg5: memref<1x128xf32, #tpu.memory_space<vmem>>, %arg6: memref<2000x128xf32, #tpu.memory_space<vmem>>) attributes {dimension_semantics = [#tpu.dimension_semantics<arbitrary>], iteration_bounds = array<i64: 5>, scalar_prefetch = 0 : i64, scratch_operands = 0 : i64, tpu.core_type = #tpu.core_type<tc>, window_params = [{transform_indices = @transform_0, window_bounds = array<i64: 2000, 128>}, {pipeline_mode = #tpu.pipeline_mode<synchronous>, transform_indices = @transform_1, window_bounds = array<i64: 128, 128>}, {pipeline_mode = #tpu.pipeline_mode<synchronous>, transform_indices = @transform_2, window_bounds = array<i64: 1, 128>}, {pipeline_mode = #tpu.pipeline_mode<synchronous>, transform_indices = @transform_3, window_bounds = array<i64: 128, 128>}, {pipeline_mode = #tpu.pipeline_mode<synchronous>, transform_indices = @transform_4, window_bounds = array<i64: 1, 128>}, {transform_indices = @transform_5, window_bounds = array<i64: 2000, 128>}]} {
    %get3A = arith.constant 0 : index
    %get3A_0 = arith.constant 0 : index
    %get3A_1 = vector.load %arg1[%get3A, %get3A_0] : memref<2000x128xf32, #tpu.memory_space<vmem>>, vector<2000x128xf32>
    %get3A_2 = arith.constant 0 : index
    %get3A_3 = arith.constant 0 : index
    %get3A_4 = vector.load %arg2[%get3A_2, %get3A_3] : memref<128x128xf32, #tpu.memory_space<vmem>>, vector<128x128xf32>
    %dot_general3A = arith.constant dense<0.000000e+00> : vector<2000x128xf32>
    %dot_general3A_5 = tpu.matmul %get3A_1, %get3A_4, %dot_general3A {dimension_numbers = #tpu.dot_dimension_numbers<[1], [0], [0], [1], [0, 0, 1, 1], [], []>, transpose_lhs_hint = false} : vector<2000x128xf32>, vector<128x128xf32>, vector<2000x128xf32> -> vector<2000x128xf32>
    %get3A_6 = arith.constant 0 : index
    %get3A_7 = arith.constant 0 : index
    %get3A_8 = vector.load %arg3[%get3A_6, %get3A_7] : memref<1x128xf32, #tpu.memory_space<vmem>>, vector<1x128xf32>
    %add3A = vector.broadcast %get3A_8 : vector<1x128xf32> to vector<2000x128xf32>
    %add3A_9 = arith.addf %dot_general3A_5, %add3A : vector<2000x128xf32>
    %max3A = arith.constant 0.000000e+00 : f32
    %max3A_10 = vector.broadcast %max3A : f32 to vector<2000x128xf32>
    %max3A_11 = arith.maximumf %add3A_9, %max3A_10 : vector<2000x128xf32>
    %get3A_12 = arith.constant 0 : index
    %get3A_13 = arith.constant 0 : index
    %get3A_14 = vector.load %arg4[%get3A_12, %get3A_13] : memref<128x128xf32, #tpu.memory_space<vmem>>, vector<128x128xf32>
    %dot_general3A_15 = arith.constant dense<0.000000e+00> : vector<2000x128xf32>
    %dot_general3A_16 = tpu.matmul %max3A_11, %get3A_14, %dot_general3A_15 {dimension_numbers = #tpu.dot_dimension_numbers<[1], [0], [0], [1], [0, 0, 1, 1], [], []>, transpose_lhs_hint = false} : vector<2000x128xf32>, vector<128x128xf32>, vector<2000x128xf32> -> vector<2000x128xf32>
    %get3A_17 = arith.constant 0 : index
    %get3A_18 = arith.constant 0 : index
    %get3A_19 = vector.load %arg5[%get3A_17, %get3A_18] : memref<1x128xf32, #tpu.memory_space<vmem>>, vector<1x128xf32>
    %add3A_20 = vector.broadcast %get3A_19 : vector<1x128xf32> to vector<2000x128xf32>
    %add3A_21 = arith.addf %dot_general3A_16, %add3A_20 : vector<2000x128xf32>
    %swap3A = arith.constant 0 : index
    %swap3A_22 = arith.constant 0 : index
    %swap3A_23 = vector.load %arg6[%swap3A, %swap3A_22] : memref<2000x128xf32, #tpu.memory_space<vmem>>, vector<2000x128xf32>
    tpu.vector_store %arg6[%swap3A, %swap3A_22], %add3A_21 {strides = array<i32>} : memref<2000x128xf32, #tpu.memory_space<vmem>>, vector<2000x128xf32>,
    return
  }
  func.func @transform_0(%arg0: i32) -> (i32, i32) {
    %c0_i32 = arith.constant 0 : i32
    %c0_i32_0 = arith.constant 0 : i32
    return %arg0, %c0_i32 : i32, i32
  }
  func.func @transform_1(%arg0: i32) -> (i32, i32) {
    %c0_i32 = arith.constant 0 : i32
    %c0_i32_0 = arith.constant 0 : i32
    %c0_i32_1 = arith.constant 0 : i32
    return %c0_i32, %c0_i32_0 : i32, i32
  }
  func.func @transform_2(%arg0: i32) -> (i32, i32) {
    %c0_i32 = arith.constant 0 : i32
    %c0_i32_0 = arith.constant 0 : i32
    %c0_i32_1 = arith.constant 0 : i32
    return %c0_i32, %c0_i32_0 : i32, i32
  }
  func.func @transform_3(%arg0: i32) -> (i32, i32) {
    %c0_i32 = arith.constant 0 : i32
    %c0_i32_0 = arith.constant 0 : i32
    %c0_i32_1 = arith.constant 0 : i32
    return %c0_i32, %c0_i32_0 : i32, i32
  }
  func.func @transform_4(%arg0: i32) -> (i32, i32) {
    %c0_i32 = arith.constant 0 : i32
    %c0_i32_0 = arith.constant 0 : i32
    %c0_i32_1 = arith.constant 0 : i32
    return %c0_i32, %c0_i32_0 : i32, i32
  }
  func.func @transform_5(%arg0: i32) -> (i32, i32) {
    %c0_i32 = arith.constant 0 : i32
    %c0_i32_0 = arith.constant 0 : i32
    return %arg0, %c0_i32 : i32, i32
  }
}

module attributes {stable_mosaic.version = 14 : i64} {
  func.func @body(%arg0: i32, %arg1: memref<2000x128xf32, #tpu.memory_space<vmem>>, %arg2: memref<2x2000x128xf32, #tpu.memory_space<vmem>>, %arg3: memref<128x128xf32, #tpu.memory_space<vmem>>, %arg4: memref<1x128xf32, #tpu.memory_space<vmem>>, %arg5: memref<128x128xf32, #tpu.memory_space<vmem>>, %arg6: memref<1x128xf32, #tpu.memory_space<vmem>>, %arg7: memref<1x1x2000xi32, #tpu.memory_space<vmem>>, %arg8: memref<128x128xf32, #tpu.memory_space<vmem>>, %arg9: memref<1x128xf32, #tpu.memory_space<vmem>>, %arg10: memref<128x128xf32, #tpu.memory_space<vmem>>, %arg11: memref<1x128xf32, #tpu.memory_space<vmem>>, %arg12: memref<64x128xf32, #tpu.memory_space<vmem>>, %arg13: memref<64x128xf32, #tpu.memory_space<vmem>>, %arg14: memref<64x128xf32, #tpu.memory_space<vmem>>) attributes {dimension_semantics = [#tpu.dimension_semantics<arbitrary>], iteration_bounds = array<i64: 5>, scalar_prefetch = 0 : i64, scratch_operands = 2 : i64, tpu.core_type = #tpu.core_type<tc>, window_params = [{transform_indices = @transform_0, window_bounds = array<i64: 2000, 128>}, {transform_indices = @transform_1, window_bounds = array<i64: 2, 2000, 128>}, {pipeline_mode = #tpu.pipeline_mode<synchronous>, transform_indices = @transform_2, window_bounds = array<i64: 128, 128>}, {pipeline_mode = #tpu.pipeline_mode<synchronous>, transform_indices = @transform_3, window_bounds = array<i64: 1, 128>}, {pipeline_mode = #tpu.pipeline_mode<synchronous>, transform_indices = @transform_4, window_bounds = array<i64: 128, 128>}, {pipeline_mode = #tpu.pipeline_mode<synchronous>, transform_indices = @transform_5, window_bounds = array<i64: 1, 128>}, {transform_indices = @transform_6, window_bounds = array<i64: 1, 1, 2000>}, {pipeline_mode = #tpu.pipeline_mode<synchronous>, transform_indices = @transform_7, window_bounds = array<i64: 128, 128>}, {pipeline_mode = #tpu.pipeline_mode<synchronous>, transform_indices = @transform_8, window_bounds = array<i64: 1, 128>}, {pipeline_mode = #tpu.pipeline_mode<synchronous>, transform_indices = @transform_9, window_bounds = array<i64: 128, 128>}, {pipeline_mode = #tpu.pipeline_mode<synchronous>, transform_indices = @transform_10, window_bounds = array<i64: 1, 128>}, {pipeline_mode = #tpu.pipeline_mode<synchronous>, transform_indices = @transform_11, window_bounds = array<i64: 64, 128>}]} {
    %eq3A = arith.constant 0 : i32
    %eq3A_0 = arith.cmpi eq, %arg0, %eq3A : i32
    %convert_element_type3A = arith.extui %eq3A_0 : i1 to i32
    %cond3A = arith.constant 0 : i32
    %cond3A_1 = arith.cmpi ne, %convert_element_type3A, %cond3A : i32
    scf.if %cond3A_1 {
      %broadcast_in_dim3A_72 = arith.constant 0.000000e+00 : f32
      %broadcast_in_dim3A_73 = vector.broadcast %broadcast_in_dim3A_72 : f32 to vector<64x128xf32>
      %swap3A_74 = arith.constant 0 : index
      %swap3A_75 = arith.constant 0 : index
      %swap3A_76 = vector.load %arg13[%swap3A_74, %swap3A_75] : memref<64x128xf32, #tpu.memory_space<vmem>>, vector<64x128xf32>
      tpu.vector_store %arg13[%swap3A_74, %swap3A_75], %broadcast_in_dim3A_73 {strides = array<i32>} : memref<64x128xf32, #tpu.memory_space<vmem>>, vector<64x128xf32>,
      %broadcast_in_dim3A_77 = arith.constant 0.000000e+00 : f32
      %broadcast_in_dim3A_78 = vector.broadcast %broadcast_in_dim3A_77 : f32 to vector<64x128xf32>
      %swap3A_79 = arith.constant 0 : index
      %swap3A_80 = arith.constant 0 : index
      %swap3A_81 = vector.load %arg14[%swap3A_79, %swap3A_80] : memref<64x128xf32, #tpu.memory_space<vmem>>, vector<64x128xf32>
      tpu.vector_store %arg14[%swap3A_79, %swap3A_80], %broadcast_in_dim3A_78 {strides = array<i32>} : memref<64x128xf32, #tpu.memory_space<vmem>>, vector<64x128xf32>,
    } else {
    }
    %get3A = arith.constant 0 : index
    %get3A_2 = arith.constant 0 : index
    %get3A_3 = vector.load %arg1[%get3A, %get3A_2] : memref<2000x128xf32, #tpu.memory_space<vmem>>, vector<2000x128xf32>
    %get3A_4 = arith.constant 0 : index
    %get3A_5 = arith.constant 0 : index
    %get3A_6 = arith.constant 0 : index
    %get3A_7 = vector.load %arg2[%get3A_4, %get3A_5, %get3A_6] : memref<2x2000x128xf32, #tpu.memory_space<vmem>>, vector<1x2000x128xf32>
    %get3A_8 = vector.shape_cast %get3A_7 : vector<1x2000x128xf32> to vector<2000x128xf32>
    %add3A = arith.addf %get3A_3, %get3A_8 : vector<2000x128xf32>
    %get3A_9 = arith.constant 1 : index
    %get3A_10 = arith.constant 0 : index
    %get3A_11 = arith.constant 0 : index
    %get3A_12 = vector.load %arg2[%get3A_9, %get3A_10, %get3A_11] : memref<2x2000x128xf32, #tpu.memory_space<vmem>>, vector<1x2000x128xf32>
    %get3A_13 = vector.shape_cast %get3A_12 : vector<1x2000x128xf32> to vector<2000x128xf32>
    %add3A_14 = arith.addf %add3A, %get3A_13 : vector<2000x128xf32>
    %get3A_15 = arith.constant 0 : index
    %get3A_16 = arith.constant 0 : index
    %get3A_17 = vector.load %arg3[%get3A_15, %get3A_16] : memref<128x128xf32, #tpu.memory_space<vmem>>, vector<128x128xf32>
    %dot_general3A = arith.constant dense<0.000000e+00> : vector<2000x128xf32>
    %dot_general3A_18 = tpu.matmul %add3A_14, %get3A_17, %dot_general3A {dimension_numbers = #tpu.dot_dimension_numbers<[1], [0], [0], [1], [0, 0, 1, 1], [], []>, transpose_lhs_hint = false} : vector<2000x128xf32>, vector<128x128xf32>, vector<2000x128xf32> -> vector<2000x128xf32>
    %get3A_19 = arith.constant 0 : index
    %get3A_20 = arith.constant 0 : index
    %get3A_21 = vector.load %arg4[%get3A_19, %get3A_20] : memref<1x128xf32, #tpu.memory_space<vmem>>, vector<1x128xf32>
    %add3A_22 = vector.broadcast %get3A_21 : vector<1x128xf32> to vector<2000x128xf32>
    %add3A_23 = arith.addf %dot_general3A_18, %add3A_22 : vector<2000x128xf32>
    %max3A = arith.constant 0.000000e+00 : f32
    %max3A_24 = vector.broadcast %max3A : f32 to vector<2000x128xf32>
    %max3A_25 = arith.maximumf %add3A_23, %max3A_24 : vector<2000x128xf32>
    %get3A_26 = arith.constant 0 : index
    %get3A_27 = arith.constant 0 : index
    %get3A_28 = vector.load %arg5[%get3A_26, %get3A_27] : memref<128x128xf32, #tpu.memory_space<vmem>>, vector<128x128xf32>
    %dot_general3A_29 = arith.constant dense<0.000000e+00> : vector<2000x128xf32>
    %dot_general3A_30 = tpu.matmul %max3A_25, %get3A_28, %dot_general3A_29 {dimension_numbers = #tpu.dot_dimension_numbers<[1], [0], [0], [1], [0, 0, 1, 1], [], []>, transpose_lhs_hint = false} : vector<2000x128xf32>, vector<128x128xf32>, vector<2000x128xf32> -> vector<2000x128xf32>
    %get3A_31 = arith.constant 0 : index
    %get3A_32 = arith.constant 0 : index
    %get3A_33 = vector.load %arg6[%get3A_31, %get3A_32] : memref<1x128xf32, #tpu.memory_space<vmem>>, vector<1x128xf32>
    %add3A_34 = vector.broadcast %get3A_33 : vector<1x128xf32> to vector<2000x128xf32>
    %add3A_35 = arith.addf %dot_general3A_30, %add3A_34 : vector<2000x128xf32>
    %max3A_36 = arith.constant 0.000000e+00 : f32
    %max3A_37 = vector.broadcast %max3A_36 : f32 to vector<2000x128xf32>
    %max3A_38 = arith.maximumf %add3A_35, %max3A_37 : vector<2000x128xf32>
    %get3A_39 = arith.constant 0 : index
    %get3A_40 = arith.constant 0 : index
    %get3A_41 = arith.constant 0 : index
    %get3A_42 = vector.load %arg7[%get3A_39, %get3A_40, %get3A_41] : memref<1x1x2000xi32, #tpu.memory_space<vmem>>, vector<1x1x2000xi32>
    %get3A_43 = vector.shape_cast %get3A_42 : vector<1x1x2000xi32> to vector<2000xi32>
    %iota3A = tpu.iota {dimensions = array<i32: 0>} : vector<64x2000xi32>
    %broadcast_in_dim3A = vector.shape_cast %get3A_43 : vector<2000xi32> to vector<1x2000xi32>
    %eq3A_44 = vector.broadcast %broadcast_in_dim3A : vector<1x2000xi32> to vector<64x2000xi32>
    %eq3A_45 = arith.cmpi eq, %eq3A_44, %iota3A : vector<64x2000xi32>
    %convert_element_type3A_46 = arith.extui %eq3A_45 : vector<64x2000xi1> to vector<64x2000xi32>
    %convert_element_type3A_47 = arith.sitofp %convert_element_type3A_46 : vector<64x2000xi32> to vector<64x2000xf32>
    %get3A_48 = arith.constant 0 : index
    %get3A_49 = arith.constant 0 : index
    %get3A_50 = vector.load %arg13[%get3A_48, %get3A_49] : memref<64x128xf32, #tpu.memory_space<vmem>>, vector<64x128xf32>
    %dot_general3A_51 = arith.constant dense<0.000000e+00> : vector<64x128xf32>
    %dot_general3A_52 = tpu.matmul %convert_element_type3A_47, %max3A_38, %dot_general3A_51 {dimension_numbers = #tpu.dot_dimension_numbers<[1], [0], [0], [1], [0, 0, 1, 1], [], []>, transpose_lhs_hint = false} : vector<64x2000xf32>, vector<2000x128xf32>, vector<64x128xf32> -> vector<64x128xf32>
    %add3A_53 = arith.addf %get3A_50, %dot_general3A_52 : vector<64x128xf32>
    %swap3A = arith.constant 0 : index
    %swap3A_54 = arith.constant 0 : index
    %swap3A_55 = vector.load %arg13[%swap3A, %swap3A_54] : memref<64x128xf32, #tpu.memory_space<vmem>>, vector<64x128xf32>
    tpu.vector_store %arg13[%swap3A, %swap3A_54], %add3A_53 {strides = array<i32>} : memref<64x128xf32, #tpu.memory_space<vmem>>, vector<64x128xf32>,
    %get3A_56 = arith.constant 0 : index
    %get3A_57 = arith.constant 0 : index
    %get3A_58 = vector.load %arg14[%get3A_56, %get3A_57] : memref<64x128xf32, #tpu.memory_space<vmem>>, vector<64x128xf32>
    %reduce_sum3A = arith.constant dense<0.000000e+00> : vector<64xf32>
    %reduce_sum3A_59 = vector.multi_reduction <add>, %convert_element_type3A_47, %reduce_sum3A [1] : vector<64x2000xf32> to vector<64xf32>
    %broadcast_in_dim3A_60 = vector.shape_cast %reduce_sum3A_59 : vector<64xf32> to vector<64x1xf32>
    %broadcast_in_dim3A_61 = vector.shape_cast %broadcast_in_dim3A_60 : vector<64x1xf32> to vector<64x1xf32>
    %broadcast_in_dim3A_62 = vector.broadcast %broadcast_in_dim3A_61 : vector<64x1xf32> to vector<64x128xf32>
    %add3A_63 = arith.addf %get3A_58, %broadcast_in_dim3A_62 : vector<64x128xf32>
    %swap3A_64 = arith.constant 0 : index
    %swap3A_65 = arith.constant 0 : index
    %swap3A_66 = vector.load %arg14[%swap3A_64, %swap3A_65] : memref<64x128xf32, #tpu.memory_space<vmem>>, vector<64x128xf32>
    tpu.vector_store %arg14[%swap3A_64, %swap3A_65], %add3A_63 {strides = array<i32>} : memref<64x128xf32, #tpu.memory_space<vmem>>, vector<64x128xf32>,
    %eq3A_67 = arith.constant 4 : i32
    %eq3A_68 = arith.cmpi eq, %arg0, %eq3A_67 : i32
    %convert_element_type3A_69 = arith.extui %eq3A_68 : i1 to i32
    %cond3A_70 = arith.constant 0 : i32
    %cond3A_71 = arith.cmpi ne, %convert_element_type3A_69, %cond3A_70 : i32
    scf.if %cond3A_71 {
      %get3A_72 = arith.constant 0 : index
      %get3A_73 = arith.constant 0 : index
      %get3A_74 = vector.load %arg13[%get3A_72, %get3A_73] : memref<64x128xf32, #tpu.memory_space<vmem>>, vector<64x128xf32>
      %get3A_75 = arith.constant 0 : index
      %get3A_76 = arith.constant 0 : index
      %get3A_77 = vector.load %arg14[%get3A_75, %get3A_76] : memref<64x128xf32, #tpu.memory_space<vmem>>, vector<64x128xf32>
      %max3A_78 = arith.constant 1.000000e+00 : f32
      %max3A_79 = vector.broadcast %max3A_78 : f32 to vector<64x128xf32>
      %max3A_80 = arith.maximumf %get3A_77, %max3A_79 : vector<64x128xf32>
      %div3A = arith.divf %get3A_74, %max3A_80 : vector<64x128xf32>
      %get3A_81 = arith.constant 0 : index
      %get3A_82 = arith.constant 0 : index
      %get3A_83 = vector.load %arg8[%get3A_81, %get3A_82] : memref<128x128xf32, #tpu.memory_space<vmem>>, vector<128x128xf32>
      %dot_general3A_84 = arith.constant dense<0.000000e+00> : vector<64x128xf32>
      %dot_general3A_85 = tpu.matmul %div3A, %get3A_83, %dot_general3A_84 {dimension_numbers = #tpu.dot_dimension_numbers<[1], [0], [0], [1], [0, 0, 1, 1], [], []>, transpose_lhs_hint = false} : vector<64x128xf32>, vector<128x128xf32>, vector<64x128xf32> -> vector<64x128xf32>
      %get3A_86 = arith.constant 0 : index
      %get3A_87 = arith.constant 0 : index
      %get3A_88 = vector.load %arg9[%get3A_86, %get3A_87] : memref<1x128xf32, #tpu.memory_space<vmem>>, vector<1x128xf32>
      %add3A_89 = vector.broadcast %get3A_88 : vector<1x128xf32> to vector<64x128xf32>
      %add3A_90 = arith.addf %dot_general3A_85, %add3A_89 : vector<64x128xf32>
      %max3A_91 = arith.constant 0.000000e+00 : f32
      %max3A_92 = vector.broadcast %max3A_91 : f32 to vector<64x128xf32>
      %max3A_93 = arith.maximumf %add3A_90, %max3A_92 : vector<64x128xf32>
      %get3A_94 = arith.constant 0 : index
      %get3A_95 = arith.constant 0 : index
      %get3A_96 = vector.load %arg10[%get3A_94, %get3A_95] : memref<128x128xf32, #tpu.memory_space<vmem>>, vector<128x128xf32>
      %dot_general3A_97 = arith.constant dense<0.000000e+00> : vector<64x128xf32>
      %dot_general3A_98 = tpu.matmul %max3A_93, %get3A_96, %dot_general3A_97 {dimension_numbers = #tpu.dot_dimension_numbers<[1], [0], [0], [1], [0, 0, 1, 1], [], []>, transpose_lhs_hint = false} : vector<64x128xf32>, vector<128x128xf32>, vector<64x128xf32> -> vector<64x128xf32>
      %get3A_99 = arith.constant 0 : index
      %get3A_100 = arith.constant 0 : index
      %get3A_101 = vector.load %arg11[%get3A_99, %get3A_100] : memref<1x128xf32, #tpu.memory_space<vmem>>, vector<1x128xf32>
      %add3A_102 = vector.broadcast %get3A_101 : vector<1x128xf32> to vector<64x128xf32>
      %add3A_103 = arith.addf %dot_general3A_98, %add3A_102 : vector<64x128xf32>
      %swap3A_104 = arith.constant 0 : index
      %swap3A_105 = arith.constant 0 : index
      %swap3A_106 = vector.load %arg12[%swap3A_104, %swap3A_105] : memref<64x128xf32, #tpu.memory_space<vmem>>, vector<64x128xf32>
      tpu.vector_store %arg12[%swap3A_104, %swap3A_105], %add3A_103 {strides = array<i32>} : memref<64x128xf32, #tpu.memory_space<vmem>>, vector<64x128xf32>,
    } else {
    }
    return
  }
  func.func @transform_0(%arg0: i32) -> (i32, i32) {
    %c0_i32 = arith.constant 0 : i32
    %c0_i32_0 = arith.constant 0 : i32
    return %arg0, %c0_i32 : i32, i32
  }
  func.func @transform_1(%arg0: i32) -> (i32, i32, i32) {
    %c0_i32 = arith.constant 0 : i32
    %c0_i32_0 = arith.constant 0 : i32
    %c0_i32_1 = arith.constant 0 : i32
    return %c0_i32, %arg0, %c0_i32_0 : i32, i32, i32
  }
  func.func @transform_2(%arg0: i32) -> (i32, i32) {
    %c0_i32 = arith.constant 0 : i32
    %c0_i32_0 = arith.constant 0 : i32
    %c0_i32_1 = arith.constant 0 : i32
    return %c0_i32, %c0_i32_0 : i32, i32
  }
  func.func @transform_3(%arg0: i32) -> (i32, i32) {
    %c0_i32 = arith.constant 0 : i32
    %c0_i32_0 = arith.constant 0 : i32
    %c0_i32_1 = arith.constant 0 : i32
    return %c0_i32, %c0_i32_0 : i32, i32
  }
  func.func @transform_4(%arg0: i32) -> (i32, i32) {
    %c0_i32 = arith.constant 0 : i32
    %c0_i32_0 = arith.constant 0 : i32
    %c0_i32_1 = arith.constant 0 : i32
    return %c0_i32, %c0_i32_0 : i32, i32
  }
  func.func @transform_5(%arg0: i32) -> (i32, i32) {
    %c0_i32 = arith.constant 0 : i32
    %c0_i32_0 = arith.constant 0 : i32
    %c0_i32_1 = arith.constant 0 : i32
    return %c0_i32, %c0_i32_0 : i32, i32
  }
  func.func @transform_6(%arg0: i32) -> (i32, i32, i32) {
    %c0_i32 = arith.constant 0 : i32
    %c0_i32_0 = arith.constant 0 : i32
    %c0_i32_1 = arith.constant 0 : i32
    return %arg0, %c0_i32, %c0_i32_0 : i32, i32, i32
  }
  func.func @transform_7(%arg0: i32) -> (i32, i32) {
    %c0_i32 = arith.constant 0 : i32
    %c0_i32_0 = arith.constant 0 : i32
    %c0_i32_1 = arith.constant 0 : i32
    return %c0_i32, %c0_i32_0 : i32, i32
  }
  func.func @transform_8(%arg0: i32) -> (i32, i32) {
    %c0_i32 = arith.constant 0 : i32
    %c0_i32_0 = arith.constant 0 : i32
    %c0_i32_1 = arith.constant 0 : i32
    return %c0_i32, %c0_i32_0 : i32, i32
  }
  func.func @transform_9(%arg0: i32) -> (i32, i32) {
    %c0_i32 = arith.constant 0 : i32
    %c0_i32_0 = arith.constant 0 : i32
    %c0_i32_1 = arith.constant 0 : i32
    return %c0_i32, %c0_i32_0 : i32, i32
  }
  func.func @transform_10(%arg0: i32) -> (i32, i32) {
    %c0_i32 = arith.constant 0 : i32
    %c0_i32_0 = arith.constant 0 : i32
    %c0_i32_1 = arith.constant 0 : i32
    return %c0_i32, %c0_i32_0 : i32, i32
  }
  func.func @transform_11(%arg0: i32) -> (i32, i32) {
    %c0_i32 = arith.constant 0 : i32
    %c0_i32_0 = arith.constant 0 : i32
    %c0_i32_1 = arith.constant 0 : i32
    return %c0_i32, %c0_i32_0 : i32, i32
  }
}

</mosaic_0001>

<sc_bundles>
// kernel: kernel.12.cloned.1.call-start
scs
__scs_entry_jumppad:
0x0: {  	(pc) =	sbr.rel $0x88, $3  }
0x1: {  	(tag) =	ssettag $0x0;
	lr =	simm.s32 $0x1  }
0x2: {  	[smem:$0x3F92] =	sst lr;
	_ =	strace $0xD0000000  }
0x3: {  	_ = 	snop  }
0x4: {  	_ = 	snop  }
0x5: {  	_ = 	snop  }
0x6: {  	_ = 	snop  }
0x7: {  	_ = 	snop  }
__scs_overlays_trampoline_lowered:
0x8: {  	[smem:$0x3FA1] =	sst s0  }
0x9: {  	[smem:$0x3FA2] =	sst s1  }
0xa: {  	[smem:$0x3FA3] =	sst s2  }
0xb: {  	[smem:$0x3FA4] =	sst s3  }
0xc: {  	[smem:$0x3FA5] =	sst s4  }
0xd: {  	[smem:$0x3FA6] =	sst s5  }
0xe: {  	[smem:$0x3FA7] =	sst s6  }
0xf: {  	[smem:$0x3FA8] =	sst s7  }
0x10: {  	[smem:$0x3FA9] =	sst s8  }
0x11: {  	[smem:$0x3FAA] =	sst s9;
	s0 =	simm.s32 @!p0 $0x0  }
0x12: {  	s1 =	sld [smem:$0x3F90];
	s0 =	simm.s32 @p0 $0x1  }
0x13: {  	[smem:$0x3FAB] =	sst s0;
	s0 =	simm.s32 @!p1 $0x0  }
0x14: {  	s2 =	sld [smem:$0x3F8F];
	s0 =	simm.s32 @p1 $0x1  }
0x15: {  	[smem:$0x3FAC] =	sst s0;
	s0 =	simm.s32 @!p2 $0x0  }
0x16: {  	s3 =	sld [smem:$0x3FDB];
	s0 =	simm.s32 @p2 $0x1  }
0x17: {  	s4 =	simm.s32 $0x1BF5;
	[smem:$0x3FAE] =	sst s0  }
0x18: {  	s0 =	sld [smem:$0x3F91];
	_ =	swait.ge [sflag:s4], $0x0  }
0x19: {  	s7 =	sld [smem:$0x3F92]  }
0x1a: {  	s8 =	sadd.s32 $0xFFFFE003, lr  }
0x1b: {  	s9 =	sadd.s32 $0xFFFFFEF7, lr;
	s5 =	simm.s32 $0xFFFFFFFF;
	p2 =	slt.u32 s8, $0xFFFFF086  }
0x1c: {  	p1 =	slt.u32 s9, $0xF7A;
	s5 =	simm.s32 @!p2 $0x0  }
0x1d: {  	s5 =	simm.s32 @p1 $0x1;
	p0 =	seq.s32 s7, s2  }
0x1e: {  	s7 =	smul.u32 @!p0 $0xF7A, s2;
	p2 =	seq.s32 @!p0 s5, $0x0  }
0x1f: {  	s9 =	smul.u32 $0xF7A, s1;
	s8 =	simm.s32 @!p0 $0x1BF5;
	p2 =	por !p2, p0  }
0x20: {  	[sflag:s8] =	ssyncset.s32 @!p0 $0xFFFFF086;
	s6 =	sadd.s32 @!p0 s3, s7;
	s7 =	simm.s32 @!p0 $0x108  }
0x21: {  	s3 =	sadd.s32 s3, s9;
	s6 =	sadd.s32 @!p0 $0x88, s6;
	s7 =	simm.s32 @p2 $0x1082  }
0x22: {  	[simem:s7], [sflag:s8] =	dma.local @!p0 [hbm:s6], $0xF7A  }
0x23: {  	s9 =	sor.u32 $0xD0000000, s2;
	s6 =	simm.s32 $0x108;
	_ =	swait.ge @!p0 [sflag:s8], $0x0  }
0x24: {  	s3 =	sadd.s32 $0x88, s3;
	s6 =	simm.s32 @!p1 $0x1082;
	[sflag:s4] =	ssyncset.s32 $0xFFFFF086  }
0x25: {  	[simem:s6], [sflag:s4] =	dma.local [hbm:s3], $0xF7A  }
0x26: {  	[smem:$0x3F92] =	sst s1;
	(tag) =	ssettag s2;
	_ =	strace s9  }
0x27: {  	s1 =	sld [smem:$0x3FA2]  }
0x28: {  	s2 =	sld [smem:$0x3FA3]  }
0x29: {  	s4 =	sld [smem:$0x3FA5]  }
0x2a: {  	p0 =	seq.s32 s5, $0x0;
	s5 =	sld [smem:$0x3FA6]  }
0x2b: {  	s6 =	sld [smem:$0x3FA7]  }
0x2c: {  	s7 =	sld [smem:$0x3FA8]  }
0x2d: {  	s3 =	simm.s32 $0x108;
	s8 =	sld [smem:$0x3FA9]  }
0x2e: {  	s3 =	simm.s32 @!p0 $0x1082;
	s9 =	sld [smem:$0x3FAA]  }
0x2f: {  	lr =	sadd.s32 s0, s3;
	s0 =	sld [smem:$0x3FA1]  }
0x30: {  	s3 =	sld [smem:$0x3FA4]  }
0x31: {  	[smem:$0x3FAD] =	sst s10  }
0x32: {  	s10 =	sld [smem:$0x3FAB];
	_ =	sdelay $0x3  }
0x33: {  	p0 =	seq.s32 s10, $0x1;
	s10 =	sld [smem:$0x3FAD];
	_ =	sdelay $0x3  }
0x34: {  	[smem:$0x3FAD] =	sst s10  }
0x35: {  	s10 =	sld [smem:$0x3FAC];
	_ =	sdelay $0x3  }
0x36: {  	p1 =	seq.s32 s10, $0x1;
	s10 =	sld [smem:$0x3FAD];
	_ =	sdelay $0x3  }
0x37: {  	[smem:$0x3FAD] =	sst s10  }
0x38: {  	s10 =	sld [smem:$0x3FAE]  }
0x39: {  	_ = 	snop;
	(pc) =	sbr.ind lr, $3  }
0x3a: {  	_ = 	snop  }
0x3b: {  	_ = 	snop  }
0x3c: {  	p2 =	seq.s32 s10, $0x1;
	s10 =	sld [smem:$0x3FAD]  }
0x3d: {  	_ =	shalt  }
0x3e: {  	_ =	shalt  }
0x3f: {  	_ =	shalt  }
0x40: {  	_ =	shalt  }
0x41: {  	_ =	shalt  }
0x42: {  	_ =	shalt  }
0x43: {  	_ =	shalt  }
0x44: {  	_ =	shalt  }
0x45: {  	_ =	shalt  }
0x46: {  	_ =	shalt  }
0x47: {  	_ =	shalt  }
0x48: {  	_ =	shalt  }
0x49: {  	_ =	shalt  }
0x4a: {  	_ =	shalt  }
0x4b: {  	_ =	shalt  }
0x4c: {  	_ =	shalt  }
0x4d: {  	_ =	shalt  }
0x4e: {  	_ =	shalt  }
0x4f: {  	_ =	shalt  }
0x50: {  	_ =	shalt  }
0x51: {  	_ =	shalt  }
0x52: {  	_ =	shalt  }
0x53: {  	_ =	shalt  }
0x54: {  	_ =	shalt  }
0x55: {  	_ =	shalt  }
0x56: {  	_ =	shalt  }
0x57: {  	_ =	shalt  }
0x58: {  	_ =	shalt  }
0x59: {  	_ =	shalt  }
0x5a: {  	_ =	shalt  }
0x5b: {  	_ =	shalt  }
0x5c: {  	_ =	shalt  }
0x5d: {  	_ =	shalt  }
0x5e: {  	_ =	shalt  }
0x5f: {  	_ =	shalt  }
0x60: {  	_ =	shalt  }
0x61: {  	_ =	shalt  }
0x62: {  	_ =	shalt  }
0x63: {  	_ =	shalt  }
0x64: {  	_ =	shalt  }
0x65: {  	_ =	shalt  }
0x66: {  	_ =	shalt  }
0x67: {  	_ =	shalt  }
0x68: {  	_ =	shalt  }
0x69: {  	_ =	shalt  }
0x6a: {  	_ =	shalt  }
0x6b: {  	_ =	shalt  }
0x6c: {  	_ =	shalt  }
0x6d: {  	_ =	shalt  }
0x6e: {  	_ =	shalt  }
0x6f: {  	_ =	shalt  }
0x70: {  	_ =	shalt  }
0x71: {  	_ =	shalt  }
0x72: {  	_ =	shalt  }
0x73: {  	_ =	shalt  }
0x74: {  	_ =	shalt  }
0x75: {  	_ =	shalt  }
0x76: {  	_ =	shalt  }
0x77: {  	_ =	shalt  }
0x78: {  	_ =	shalt  }
0x79: {  	_ =	shalt  }
0x7a: {  	_ =	shalt  }
0x7b: {  	_ =	shalt  }
0x7c: {  	_ =	shalt  }
0x7d: {  	_ =	shalt  }
0x7e: {  	_ =	shalt  }
0x7f: {  	_ =	shalt  }
0x80: {  	_ =	shalt  }
0x81: {  	_ =	shalt  }
0x82: {  	_ =	shalt  }
0x83: {  	_ =	shalt  }
0x84: {  	_ =	shalt  }
0x85: {  	_ =	shalt  }
0x86: {  	_ =	shalt  }
0x87: {  	_ =	shalt  }
.Lfunc_end0:
.L_simem_size_0:
called_computation.1_lowered:
.L_overlay_start_0:
0x88: {  	s2 =	sld [smem:$0x3FD9]  }
0x89: {  	s3 =	sld [smem:$0x3FFE];
	_ =	sdelay $0x1  }
0x8a: {  	s1 =	srdreg.scid  }
0x8b: {  	s0 =	sand.u32 $0x1, s1  }
0x8c: {  	s17 =	sshll.u32 s0, $0xA;
	s2 =	sadd.s32 s3, s2  }
0x8d: {  	s2 =	sadd.s32 s2, s17  }
0x8e: {  	[smem:$0x3FB9] =	sst s2  }
0x8f: {  	_ = 	snop  }
0x90: {  	s2 =	sld [smem:$0x3FC8];
	(tm) =	ssettm $0x1  }
0x91: {  	s18 =	sld [smem:$0x3FFB];
	_ =	sdelay $0x3  }
0x92: {  	_ =	strace s18  }
0x93: {  	s3 =	sld [smem:$0x3FFC];
	_ =	sdelay $0x3  }
0x94: {  	_ =	strace s3  }
0x95: {  	s3 =	sld [smem:$0x3FFD];
	_ =	sdelay $0x3  }
0x96: {  	_ =	strace s3  }
0x97: {  	_ =	strace $0x8FFFFFFF  }
0x98: {  	s19 =	sld [smem:$0x3FDB];
	_ =	sdelay $0x1  }
0x99: {  	s4 =	simm.s32 $_scs_section_size  }
0x9a: {  	s5 =	simm.s32 $_size__tile_overlayer_lowered;
	s6 =	simm.s32 $_tile_overlayer_lowered  }
0x9b: {  	s22 =	simm.s32 $0x1BFF;
	s21 =	sshll.u32 s6, $0x1;
	s3 =	sadd.s32 s4, s19  }
0x9c: {  	s7 =	simm.s32 $0x0;
	s20 =	sshll.u32 s5, $0x1;
	s5 =	sadd.s32 s21, s3  }
0x9d: {  	[timem:s7], [sflag:s22] =	dma.local [hbm:s5], s20  }
0x9e: {  	_ =	swait.ge [sflag:s22], s20  }
0x9f: {  	s4 =	ssub.s32 $0x0, s20;
	[sflag:s22] =	ssyncset.done $0x0  }
0xa0: {  	[sflag:s22] =	ssyncadd.s32 s4;
	_ =	sdelay $0x1  }
0xa1: {  	s23 =	simm.s32 $0x1B8B  }
0xa2: {  	_ =	swait.ge [sflag:s23], $0x1  }
0xa3: {  	[sflag:s23] =	ssyncset.done $0x0  }
0xa4: {  	s25 =	simm.s32 $0x1B8E;
	s24 =	sld [smem:$0x3FFE];
	[sflag:s23] =	ssyncadd.s32 $0xFFFFFFFF  }
0xa5: {  	s26 =	simm.s32 $execute0_lowered;
	[smem:$0x3FD2] =	sst s25  }
0xa6: {  	s5 =	sshll.u32 s26, $0x1;
	_ =	strace $0x80000049;
	[dreg:$0x1] =	wrdreg $0xFFFFFFFF  }
0xa7: {  	s28 =	simm.s32 $_size_execute0_lowered;
	s3 =	sadd.s32 s3, s5;
	[dreg:$0x0] =	wrdreg $0x0  }
0xa8: {  	s5 =	sshll.u32 s28, $0x1;
	[dreg:$0x2] =	wrdreg s3  }
0xa9: {  	[dreg:$0x3] =	wrdreg s5  }
0xaa: {  	[dreg:$0x4] =	wrdreg $0xC0  }
0xab: {  	_ =	task [dreg:s7], $0x5FFFF  }
0xac: {  	[dreg:$0x1] =	wrdreg $0xFFFFFFFF  }
0xad: {  	[dreg:$0x0] =	wrdreg $0x60  }
0xae: {  	[dreg:$0x2] =	wrdreg s24  }
0xaf: {  	[dreg:$0x3] =	wrdreg s2  }
0xb0: {  	[dreg:$0x4] =	wrdreg $0xC6000  }
0xb1: {  	[dreg:$0x5] =	wrdreg $0x9  }
0xb2: {  	_ =	task.clear_ibuf [dreg:s7], $0x6FFFF;
	_ =	strace $0x90000049  }
0xb3: {  	s29 =	simm.s32 $0x9;
	_ =	strace $0x8000004B  }
0xb4: {  	_ =	swait.ge [sflag:s29], $0x1  }
0xb5: {  	[sflag:s29] =	ssyncadd.s32 $0xFFFFFFFF  }
0xb6: {  	_ =	strace $0x9000004B  }
0xb7: {  	_ =	sfence  }
0xb8: {  	s30 =	sld [smem:$0x0];
	_ =	sdelay $0x2  }
0xb9: {  	s31 =	sshll.u32 s1, $0xD;
	s1 =	sshrl.u32 s1, $0x2  }
0xba: {  	s3 =	sand.u32 $0x4000, s31;
	s1 =	sadd.s32 s1, s30  }
0xbb: {  	s0 =	sor.u32 s3, s0;
	s1 =	sshll.u32 s1, $0x11  }
0xbc: {  	s0 =	sor.u32 s1, s0  }
0xbd: {  	s0 =	sadd.s32 $0x8F2B, s0  }
0xbe: {  	[sflag:s0] =	ssyncadd.remote.s32 $0x1  }
0xbf: {  	_ =	sfence.sel $0xFFFF  }
0xc0: {  	[dreg:$0x0] =	wrdreg $0xFFFFFFFF;
	(pc) =	sbr.abs _section_cstart, $3  }
0xc1: {  	[dreg:$0x1] =	wrdreg $0xFFFFFFFF  }
0xc2: {  	_ =	task.clear_ibuf [dreg:s7], $0x2FFFF;
	_ =	strace $0x9FFFFFFF  }
0xc3: {  	(tm) =	ssettm $0x7FFFFFFF  }
tec
execute0_lowered:
.L_overlay_start_1:
0x0: {  	(tag) =	ssettag $0x1  }
0x1: {  	s0 =	rddreg [dreg:$0x0]  }
0x2: {  	s2 =	rddreg [dreg:$0x1]  }
0x3: {  	s1 =	rddreg [dreg:$0x2];
	s3 =	srdreg.scid  }
0x4: {  	s5 =	simm.s32 $0x0;
	s11 =	stileid.u32;
	s29 =	simm.s32 $0x8  }
0x5: {  	s30 =	simm.s32 $0x3;
	s31 =	simm.s32 $0x0;
	s10 =	smul.u32 $0x4E000, s11  }
0x6: {  	s3 =	sand.u32 $0x1, s3;
	[smem:$0x7FF] =	sst s5;
	s23 =	smul.u32 $0x13800, s11  }
0x7: {  	s9 =	sadd.s32 $0x20, s2;
	s13 =	smul.u32 $0x4E, s11;
	s14 =	sshll.u32 s11, $0x5  }
0x8: {  	p1 =	seq.s32 s11, $0xF;
	s4 =	sshll.u32 s3, $0x4;
	s21 =	smul.u32 $0x138800, s3  }
0x9: {  	_ =	strace $0x8000004A;
	s6 =	ssub.s32 $0x2, s3;
	s3 =	smul.u32 $0x4E0, s3  }
0xa: {  	s5 =	sor.u32 s11, s4;
	s4 =	sadd.s32 $0x3E00, s0;
	s19 =	sshrl.u32 s10, $0x2  }
0xb: {  	s0 =	sadd.s32 $0x2B000, s0;
	s8 =	sshrl.u32 s6, $0x1;
	s20 =	sadd.s32 s19, s1  }
0xc: {  	s7 =	smul.u32 $0x4E00, s5;
	s19 =	sadd.s32 $0x12C800, s1;
	[dreg:$0xa] =	wrdreg s20  }
0xd: {  	s6 =	ssub.s32 s6, s8;
	s22 =	sadd.s32 $0x6800, s20;
	[dreg:$0x16] =	wrdreg s19  }
0xe: {  	s15 =	smul.u32 $0x9C0, s5;
	s24 =	sadd.s32 $0x9C00, s20;
	[dreg:$0xc] =	wrdreg s22  }
0xf: {  	s26 =	sshrl.u32 s21, $0x3;
	s25 =	sadd.s32 $0xD000, s20;
	[dreg:$0xd] =	wrdreg s24  }
0x10: {  	s3 =	sadd.s32 s13, s3;
	s6 =	smax.u32 s6, $0x1;
	[dreg:$0xe] =	wrdreg s25  }
0x11: {  	p0 =	sgt.u32 s5, $0x3;
	s12 =	sadd.s32 s2, s15;
	[dreg:$0x14] =	wrdreg s6  }
0x12: {  	s5 =	simm.s32 $0x500;
	s8 =	sadd.s32 s15, s9;
	[dreg:$0x4] =	wrdreg s12  }
0x13: {  	s13 =	simm.s32 $0x8600;
	s15 =	sadd.s32 $0x124800, s1;
	[dreg:$0x5] =	wrdreg s8  }
0x14: {  	s10 =	sadd.s32 s0, s26;
	s8 =	sadd.s32 $0x3400, s20;
	[dreg:$0x11] =	wrdreg s15  }
0x15: {  	s7 =	sshrl.u32 s7, $0x3;
	s12 =	sadd.s32 $0x10400, s20;
	[dreg:$0xb] =	wrdreg s8  }
0x16: {  	s7 =	sadd.s32 s2, s7;
	s20 =	sadd.s32 $0x130800, s1;
	[dreg:$0xf] =	wrdreg s12  }
0x17: {  	s3 =	sshll.u32 s3, $0x5;
	s16 =	sadd.s32 $0x40, s7;
	[dreg:$0x17] =	wrdreg s20  }
0x18: {  	s6 =	simm.s32 $0x580;
	s17 =	sadd.s32 $0x60, s7;
	[dreg:$0x6] =	wrdreg s16  }
0x19: {  	s15 =	simm.s32 $0xA;
	s18 =	sadd.s32 $0x80, s7;
	[dreg:$0x7] =	wrdreg s17  }
0x1a: {  	s7 =	sadd.s32 $0xA0, s7;
	s8 =	simm.s32 $0x600;
	[dreg:$0x8] =	wrdreg s18  }
0x1b: {  	s12 =	simm.s32 $0x6;
	[dreg:$0x9] =	wrdreg s7;
	s7 =	sadd.s32 s23, s21  }
0x1c: {  	s16 =	sadd.s32 $0x24900, s10;
	s17 =	sadd.s32 s9, s3;
	s18 =	sadd.s32 $0x128800, s1  }
0x1d: {  	s21 =	sadd.s32 $0x134800, s1;
	s10 =	simm.s32 $0x4600;
	[dreg:$0x12] =	wrdreg s16  }
0x1e: {  	s7 =	sshrl.u32 s7, $0x3;
	s22 =	sadd.s32 $0x140, s17;
	[dreg:$0x15] =	wrdreg s18  }
0x1f: {  	s23 =	sadd.s32 $0x100, s17;
	s24 =	sadd.s32 $0xC0, s17;
	[dreg:$0x18] =	wrdreg s21  }
0x20: {  	s17 =	simm.s32 $0x100;
	s16 =	simm.s32 $0x7;
	s21 =	simm.s32 $0x2  }
.Ltmp0:
0x21: {  	s18 =	simm.s32 $0x380;
	s0 =	sadd.s32 s0, s7;
	(pc) =	sbr.rel .LBB2_1-.Ltmp0, $4  }
0x22: {  	s7 =	simm.s32 $0x80;
	[dreg:$0x10] =	wrdreg s0;
	s0 =	sadd.s32 s14, s2  }
0x23: {  	s2 =	sadd.s32 s2, s3;
	s14 =	simm.s32 $0x1;
	s3 =	simm.s32 $0x0  }
0x24: {  	s0 =	sadd.s32 $0x13800, s0;
	s25 =	sadd.s32 $0x140, s2;
	s26 =	sadd.s32 $0xC0, s2  }
0x25: {  	v0 =	vimm.f32 $0.0e+00;
	s28 =	sadd.s32 $0x100, s2;
	[dreg:$0x13] =	wrdreg s0;
	s0 =	simm.s32 $0x9  }
.LBB2_10:
0x26: {  	s2 =	rddreg [dreg:$0x11]  }
0x27: {  	s3 =	rddreg [dreg:$0x12];
	s9 =	simm.s32 $0x1FCA;
	s2 =	sshrl.u32 s2, $0x3  }
0x28: {  	[hbm:s3], [sflag:s9] =	dma.local [spmem:s2], $0x2800  }
0x29: {  	_ =	swait.ge [sflag:s15], $0x2800  }
0x2a: {  	[sflag:s15] =	ssyncset.done $0x0  }
0x2b: {  	s3 =	rddreg [dreg:$0x19];
	[sflag:s15] =	ssyncadd.s32 $0xFFFFD800  }
.LBB2_11:
0x2c: {  	s3 =	sadd.s32 $0x1, s3;
	s2 =	rddreg [dreg:$0x14]  }
0x2d: {  	p2 =	sne.s32 s3, s2  }
.Ltmp1:
0x2e: {  	_ = 	snop;
	(pc) =	sbr.rel @!p2 .LBB2_12-.Ltmp1, $1  }
0x2f: {  	_ =	sdelay $0x3  }
.LBB2_1:
0x30: {  	[dreg:$0x19] =	wrdreg s3  }
0x31: {  	s2 =	simm.s32 $0x0;
	s20 =	rddreg [dreg:$0x4]  }
0x32: {  	[tilespmem:s2], [sflag:$0x4] =	stream.linear.gather [hbm4b:s20+s2], $0x100, $0x38;
	[tilespmem:$0x1FE80] =	vst v63  }
0x33: {  	s9 =	rddreg [dreg:$0x5]  }
0x34: {  	[tilespmem:s17], [sflag:$0x5] =	stream.linear.gather [hbm4b:s9+s2], $0x100, $0x38;
	[tilespmem:$0x1FE80] =	vst v63  }
0x35: {  	s11 =	rddreg [dreg:$0x6];
	s9 =	simm.s32 $0x200  }
0x36: {  	[tilespmem:s9], [sflag:$0x6] =	stream.linear.gather [hbm4b:s11+s2], $0x100, $0x38;
	[tilespmem:$0x1FE80] =	vst v63  }
0x37: {  	s19 =	rddreg [dreg:$0x7];
	s20 =	simm.s32 $0x300  }
0x38: {  	[tilespmem:s20], [sflag:$0x7] =	stream.linear.gather [hbm4b:s19+s2], $0x100, $0x38;
	[tilespmem:$0x1FE80] =	vst v63  }
0x39: {  	s11 =	rddreg [dreg:$0x8];
	s19 =	simm.s32 $0x400  }
0x3a: {  	[tilespmem:s19], [sflag:$0x8] =	stream.linear.gather [hbm4b:s11+s2], $0x100, $0x38;
	[tilespmem:$0x1FE80] =	vst v63  }
0x3b: {  	s3 =	simm.s32 $0x0;
	s9 =	simm.s32 $0x200;
	s20 =	rddreg [dreg:$0x9]  }
0x3c: {  	[tilespmem:s5], [sflag:$0x9] =	stream.linear.gather [hbm4b:s20+s2], $0x100, $0x38;
	[tilespmem:$0x1FE80] =	vst v63  }
.LBB2_2:
0x3d: {  	p2 =	sne.s32 s9, $0xFE00;
	[tilespmem:s3+$0x670] =	vst v0  }
0x3e: {  	[tilespmem:s3+$0x600] =	vst v0  }
0x3f: {  	[tilespmem:s3+$0x610] =	vst v0  }
.Ltmp2:
0x40: {  	[tilespmem:s3+$0x620] =	vst v0;
	(pc) =	sbr.rel @p2 .LBB2_2-.Ltmp2, $4  }
0x41: {  	[tilespmem:s3+$0x630] =	vst v0  }
0x42: {  	[tilespmem:s3+$0x640] =	vst v0  }
0x43: {  	[tilespmem:s3+$0x650] =	vst v0  }
0x44: {  	[tilespmem:s3+$0x660] =	vst v0;
	s3 =	sshra.s32 s9, $0x2;
	s9 =	sadd.s32 $0x200, s9  }
0x45: {  	[tilespmem:s3+$0x670] =	vst v0  }
0x46: {  	[tilespmem:s3+$0x600] =	vst v0  }
0x47: {  	[tilespmem:s3+$0x610] =	vst v0  }
0x48: {  	[tilespmem:s3+$0x620] =	vst v0  }
0x49: {  	[tilespmem:s3+$0x630] =	vst v0  }
0x4a: {  	[tilespmem:s3+$0x640] =	vst v0  }
0x4b: {  	[tilespmem:s3+$0x650] =	vst v0  }
0x4c: {  	[tilespmem:s3+$0x660] =	vst v0;
	s3 =	simm.s32 @p1 $0x600;
	s2 =	rddreg [dreg:$0x11]  }
0x4d: {  	[spmem:s2] =	stream.linear.scatter @p1 [tilespmem:s3], [sflag:$0x1], $0x4000, $0x38;
	[tilespmem:$0x1FE80] =	vst v63  }
0x4e: {  	s2 =	rddreg [dreg:$0x15]  }
0x4f: {  	[spmem:s2] =	stream.linear.scatter @p1 [tilespmem:s3], [sflag:$0x1], $0x4000, $0x38;
	[tilespmem:$0x1FE80] =	vst v63  }
0x50: {  	s2 =	rddreg [dreg:$0x16]  }
0x51: {  	[spmem:s2] =	stream.linear.scatter @p1 [tilespmem:s3], [sflag:$0x1], $0x4000, $0x38;
	[tilespmem:$0x1FE80] =	vst v63  }
0x52: {  	s2 =	rddreg [dreg:$0x17]  }
0x53: {  	[spmem:s2] =	stream.linear.scatter @p1 [tilespmem:s3], [sflag:$0x1], $0x4000, $0x38;
	[tilespmem:$0x1FE80] =	vst v63  }
0x54: {  	s2 =	rddreg [dreg:$0x18]  }
0x55: {  	[spmem:s2] =	stream.linear.scatter @p1 [tilespmem:s3], [sflag:$0x1], $0x4000, $0x38;
	[tilespmem:$0x1FE80] =	vst v63  }
0x56: {  	s3 =	simm.s32 @p1 $0x1  }
0x57: {  	_ =	swait.ge @p1 [sflag:s3], $0x4000  }
0x58: {  	[sflag:s3] =	ssyncset.done @p1 $0x0  }
0x59: {  	[sflag:s3] =	ssyncadd.s32 @p1 $0xFFFFC000  }
0x5a: {  	_ =	swait.ge @p1 [sflag:s3], $0x4000  }
0x5b: {  	[sflag:s3] =	ssyncset.done @p1 $0x0  }
0x5c: {  	[sflag:s3] =	ssyncadd.s32 @p1 $0xFFFFC000  }
0x5d: {  	_ =	swait.ge @p1 [sflag:s3], $0x4000  }
0x5e: {  	[sflag:s3] =	ssyncset.done @p1 $0x0  }
0x5f: {  	[sflag:s3] =	ssyncadd.s32 @p1 $0xFFFFC000  }
0x60: {  	_ =	swait.ge @p1 [sflag:s3], $0x4000  }
0x61: {  	[sflag:s3] =	ssyncset.done @p1 $0x0  }
0x62: {  	[sflag:s3] =	ssyncadd.s32 @p1 $0xFFFFC000  }
0x63: {  	_ =	swait.ge @p1 [sflag:s3], $0x4000  }
0x64: {  	[sflag:s3] =	ssyncset.done @p1 $0x0  }
0x65: {  	s2 =	rddreg [dreg:$0xa];
	[sflag:s3] =	ssyncadd.s32 @p1 $0xFFFFC000;
	s3 =	simm.s32 @!p1 $0x600  }
0x66: {  	[spmem:s2] =	stream.linear.scatter @!p1 [tilespmem:s3], [sflag:$0x1], $0x3400, $0x38;
	[tilespmem:$0x1FE80] =	vst v63  }
0x67: {  	s2 =	rddreg [dreg:$0xb]  }
0x68: {  	[spmem:s2] =	stream.linear.scatter @!p1 [tilespmem:s3], [sflag:$0x1], $0x3400, $0x38;
	[tilespmem:$0x1FE80] =	vst v63  }
0x69: {  	s2 =	rddreg [dreg:$0xc]  }
0x6a: {  	[spmem:s2] =	stream.linear.scatter @!p1 [tilespmem:s3], [sflag:$0x1], $0x3400, $0x38;
	[tilespmem:$0x1FE80] =	vst v63  }
0x6b: {  	s2 =	rddreg [dreg:$0xd]  }
0x6c: {  	[spmem:s2] =	stream.linear.scatter @!p1 [tilespmem:s3], [sflag:$0x1], $0x3400, $0x38;
	[tilespmem:$0x1FE80] =	vst v63  }
0x6d: {  	s2 =	rddreg [dreg:$0xe]  }
0x6e: {  	[spmem:s2] =	stream.linear.scatter @!p1 [tilespmem:s3], [sflag:$0x1], $0x3400, $0x38;
	[tilespmem:$0x1FE80] =	vst v63  }
0x6f: {  	s2 =	rddreg [dreg:$0xf]  }
0x70: {  	[spmem:s2] =	stream.linear.scatter @!p1 [tilespmem:s3], [sflag:$0x1], $0x3400, $0x38;
	[tilespmem:$0x1FE80] =	vst v63  }
0x71: {  	s3 =	simm.s32 @!p1 $0x1  }
0x72: {  	_ =	swait.ge @!p1 [sflag:s3], $0x3400  }
0x73: {  	[sflag:s3] =	ssyncset.done @!p1 $0x0  }
0x74: {  	[sflag:s3] =	ssyncadd.s32 @!p1 $0xFFFFCC00  }
0x75: {  	_ =	swait.ge @!p1 [sflag:s3], $0x3400  }
0x76: {  	[sflag:s3] =	ssyncset.done @!p1 $0x0  }
0x77: {  	[sflag:s3] =	ssyncadd.s32 @!p1 $0xFFFFCC00  }
0x78: {  	_ =	swait.ge @!p1 [sflag:s3], $0x3400  }
0x79: {  	[sflag:s3] =	ssyncset.done @!p1 $0x0  }
0x7a: {  	[sflag:s3] =	ssyncadd.s32 @!p1 $0xFFFFCC00  }
0x7b: {  	_ =	swait.ge @!p1 [sflag:s3], $0x3400  }
0x7c: {  	[sflag:s3] =	ssyncset.done @!p1 $0x0  }
0x7d: {  	[sflag:s3] =	ssyncadd.s32 @!p1 $0xFFFFCC00  }
0x7e: {  	_ =	swait.ge @!p1 [sflag:s3], $0x3400  }
0x7f: {  	[sflag:s3] =	ssyncset.done @!p1 $0x0  }
0x80: {  	[sflag:s3] =	ssyncadd.s32 @!p1 $0xFFFFCC00  }
0x81: {  	_ =	swait.ge @!p1 [sflag:s3], $0x3400  }
0x82: {  	[sflag:s3] =	ssyncset.done @!p1 $0x0  }
0x83: {  	s11 =	simm.s32 $0x4;
	[sflag:s3] =	ssyncadd.s32 @!p1 $0xFFFFCC00  }
0x84: {  	_ =	swait.ge [sflag:s11], $0x100  }
0x85: {  	[sflag:s11] =	ssyncset.done $0x0  }
0x86: {  	s19 =	simm.s32 $0x5;
	[sflag:s11] =	ssyncadd.s32 $0xFFFFFF00;
	s11 =	simm.s32 $0x0  }
0x87: {  	[tilespmem:s8], [sflag:$0x1] =	stream.indirect.gather [hbm4b:s4+s7], $0x80, s11, s7, $0xb8;
	[tilespmem:$0x1FE80] =	vst v63  }
0x88: {  	_ =	swait.ge [sflag:s19], $0x100  }
0x89: {  	[sflag:s19] =	ssyncset.done $0x0  }
0x8a: {  	[sflag:s19] =	ssyncadd.s32 $0xFFFFFF00  }
0x8b: {  	[tilespmem:s10], [sflag:$0x2] =	stream.indirect.gather [hbm4b:s4+s7], $0x80, s17, s7, $0xb8;
	[tilespmem:$0x1FE80] =	vst v63  }
0x8c: {  	_ =	swait.ge [sflag:s12], $0x100  }
0x8d: {  	[sflag:s12] =	ssyncset.done $0x0  }
0x8e: {  	s20 =	simm.s32 $0x200;
	[sflag:s12] =	ssyncadd.s32 $0xFFFFFF00  }
0x8f: {  	[tilespmem:s13], [sflag:$0x3] =	stream.indirect.gather [hbm4b:s4+s7], $0x80, s20, s7, $0xb8;
	[tilespmem:$0x1FE80] =	vst v63  }
0x90: {  	[bflag:$0x0] =	sbarrier.arrive $0xFFFF  }
.LBB2_4:
0x91: {  	_ =	swait.ge [sflag:s14], $0x4000  }
0x92: {  	[sflag:s14] =	ssyncset.done $0x0  }
0x93: {  	[sflag:s14] =	ssyncadd.s32 $0xFFFFC000  }
0x94: {  	[spmem:s1] =	stream.indirect.scatter.add.f32 [tilespmem:s8], [sflag:$0xA], $0x80, s7, s7, $0xb8;
	[tilespmem:$0x1FE80] =	vst v63  }
0x95: {  	_ =	swait.ge [sflag:s15], $0x4000  }
0x96: {  	p2 =	seq.s32 s11, $0x900;
	[sflag:s15] =	ssyncset.done $0x0  }
0x97: {  	s3 =	sadd.s32 @!p2 s11, s26;
	s9 =	simm.s32 @!p2 $0x0;
	[sflag:s15] =	ssyncadd.s32 $0xFFFFC000  }
0x98: {  	[tilespmem:s9], [sflag:$0x4] =	stream.linear.gather @!p2 [hbm4b:s3+s9], $0x100, $0x38;
	[tilespmem:$0x1FE80] =	vst v63  }
0x99: {  	_ =	swait.ge [sflag:s16], $0x100  }
0x9a: {  	[sflag:s16] =	ssyncset.done $0x0  }
0x9b: {  	s2 =	simm.s32 $0x300;
	[sflag:s16] =	ssyncadd.s32 $0xFFFFFF00  }
0x9c: {  	[tilespmem:s8], [sflag:$0x1] =	stream.indirect.gather [hbm4b:s4+s7], $0x80, s2, s7, $0xb8;
	[tilespmem:$0x1FE80] =	vst v63  }
0x9d: {  	_ =	swait.ge [sflag:s21], $0x4000  }
0x9e: {  	[sflag:s21] =	ssyncset.done $0x0  }
0x9f: {  	s17 =	simm.s32 $0x180;
	[sflag:s21] =	ssyncadd.s32 $0xFFFFC000  }
0xa0: {  	[spmem:s1] =	stream.indirect.scatter.add.f32 [tilespmem:s10], [sflag:$0xA], $0x80, s17, s7, $0xb8;
	[tilespmem:$0x1FE80] =	vst v63  }
0xa1: {  	_ =	swait.ge [sflag:s15], $0x4000  }
0xa2: {  	[sflag:s15] =	ssyncset.done $0x0  }
0xa3: {  	s3 =	simm.s32 @!p2 $0x100;
	s2 =	sadd.s32 @!p2 s11, s24;
	[sflag:s15] =	ssyncadd.s32 $0xFFFFC000  }
0xa4: {  	[tilespmem:s3], [sflag:$0x5] =	stream.linear.gather @!p2 [hbm4b:s2+s9], $0x100, $0x38;
	[tilespmem:$0x1FE80] =	vst v63  }
0xa5: {  	_ =	swait.ge [sflag:s29], $0x100  }
0xa6: {  	[sflag:s29] =	ssyncset.done $0x0  }
0xa7: {  	s19 =	simm.s32 $0x400;
	[sflag:s29] =	ssyncadd.s32 $0xFFFFFF00  }
0xa8: {  	[tilespmem:s10], [sflag:$0x2] =	stream.indirect.gather [hbm4b:s4+s7], $0x80, s19, s7, $0xb8;
	[tilespmem:$0x1FE80] =	vst v63  }
0xa9: {  	_ =	swait.ge [sflag:s30], $0x4000  }
0xaa: {  	[sflag:s30] =	ssyncset.done $0x0  }
0xab: {  	s20 =	simm.s32 $0x280;
	[sflag:s30] =	ssyncadd.s32 $0xFFFFC000  }
0xac: {  	[spmem:s1] =	stream.indirect.scatter.add.f32 [tilespmem:s13], [sflag:$0xA], $0x80, s20, s7, $0xb8;
	[tilespmem:$0x1FE80] =	vst v63  }
0xad: {  	_ =	swait.ge [sflag:s15], $0x4000  }
0xae: {  	[sflag:s15] =	ssyncset.done $0x0  }
0xaf: {  	s2 =	sadd.s32 @!p2 s11, s28;
	s20 =	simm.s32 @!p2 $0x200;
	[sflag:s15] =	ssyncadd.s32 $0xFFFFC000  }
0xb0: {  	[tilespmem:s20], [sflag:$0x6] =	stream.linear.gather @!p2 [hbm4b:s2+s9], $0x100, $0x38;
	[tilespmem:$0x1FE80] =	vst v63  }
0xb1: {  	_ =	swait.ge [sflag:s0], $0x100  }
0xb2: {  	[sflag:s0] =	ssyncset.done $0x0  }
0xb3: {  	[sflag:s0] =	ssyncadd.s32 $0xFFFFFF00  }
0xb4: {  	[tilespmem:s13], [sflag:$0x3] =	stream.indirect.gather [hbm4b:s4+s7], $0x80, s5, s7, $0xb8;
	[tilespmem:$0x1FE80] =	vst v63  }
0xb5: {  	_ =	swait.ge [sflag:s14], $0x4000  }
0xb6: {  	[sflag:s14] =	ssyncset.done $0x0  }
0xb7: {  	[sflag:s14] =	ssyncadd.s32 $0xFFFFC000  }
0xb8: {  	[spmem:s1] =	stream.indirect.scatter.add.f32 [tilespmem:s8], [sflag:$0xA], $0x80, s18, s7, $0xb8;
	[tilespmem:$0x1FE80] =	vst v63  }
0xb9: {  	_ =	swait.ge [sflag:s15], $0x4000  }
0xba: {  	[sflag:s15] =	ssyncset.done $0x0  }
0xbb: {  	s2 =	simm.s32 @p2 $0x2;
	[sflag:s15] =	ssyncadd.s32 $0xFFFFC000  }
0xbc: {  	_ =	swait.ge @p2 [sflag:s2], $0x4000  }
0xbd: {  	s17 =	simm.s32 @p2 $0x4600;
	[sflag:s2] =	ssyncset.done @p2 $0x0  }
0xbe: {  	s20 =	simm.s32 @p2 $0x480;
	[sflag:s2] =	ssyncadd.s32 @p2 $0xFFFFC000;
	s2 =	simm.s32 @p2 $0x80  }
0xbf: {  	[spmem:s1] =	stream.indirect.scatter.add.f32 @p2 [tilespmem:s17], [sflag:$0xA], $0x80, s20, s2, $0xb8;
	[tilespmem:$0x1FE80] =	vst v63  }
0xc0: {  	s2 =	simm.s32 @p2 $0xA  }
0xc1: {  	_ =	swait.ge @p2 [sflag:s2], $0x4000  }
0xc2: {  	[sflag:s2] =	ssyncset.done @p2 $0x0  }
0xc3: {  	s17 =	simm.s32 @!p2 $0x300;
	[sflag:s2] =	ssyncadd.s32 @p2 $0xFFFFC000;
	s2 =	sadd.s32 @!p2 s11, s23  }
0xc4: {  	[tilespmem:s17], [sflag:$0x7] =	stream.linear.gather @!p2 [hbm4b:s2+s9], $0x100, $0x38;
	[tilespmem:$0x1FE80] =	vst v63  }
0xc5: {  	s2 =	simm.s32 @!p2 $0x4  }
0xc6: {  	_ =	swait.ge @!p2 [sflag:s2], $0x100  }
0xc7: {  	[sflag:s2] =	ssyncset.done @!p2 $0x0  }
0xc8: {  	s17 =	simm.s32 @!p2 $0x600;
	[sflag:s2] =	ssyncadd.s32 @!p2 $0xFFFFFF00;
	s2 =	simm.s32 @!p2 $0x80  }
0xc9: {  	[tilespmem:s17], [sflag:$0x1] =	stream.indirect.gather @!p2 [hbm4b:s4+s2], $0x80, s9, s2, $0xb8;
	[tilespmem:$0x1FE80] =	vst v63  }
0xca: {  	s17 =	simm.s32 @!p2 $0x2  }
0xcb: {  	_ =	swait.ge @!p2 [sflag:s17], $0x4000  }
0xcc: {  	[sflag:s17] =	ssyncset.done @!p2 $0x0  }
0xcd: {  	s20 =	simm.s32 @!p2 $0x4600;
	[sflag:s17] =	ssyncadd.s32 @!p2 $0xFFFFC000;
	s17 =	simm.s32 @!p2 $0x480  }
0xce: {  	[spmem:s1] =	stream.indirect.scatter.add.f32 @!p2 [tilespmem:s20], [sflag:$0xA], $0x80, s17, s2, $0xb8;
	[tilespmem:$0x1FE80] =	vst v63  }
0xcf: {  	s17 =	simm.s32 @!p2 $0xA  }
0xd0: {  	_ =	swait.ge @!p2 [sflag:s17], $0x4000  }
0xd1: {  	[sflag:s17] =	ssyncset.done @!p2 $0x0  }
0xd2: {  	s19 =	simm.s32 @!p2 $0x400;
	[sflag:s17] =	ssyncadd.s32 @!p2 $0xFFFFC000;
	s17 =	sadd.s32 @!p2 s11, s25  }
0xd3: {  	[tilespmem:s19], [sflag:$0x8] =	stream.linear.gather @!p2 [hbm4b:s17+s9], $0x100, $0x38;
	[tilespmem:$0x1FE80] =	vst v63  }
0xd4: {  	s9 =	simm.s32 @!p2 $0x5  }
0xd5: {  	_ =	swait.ge @!p2 [sflag:s9], $0x100  }
0xd6: {  	[sflag:s9] =	ssyncset.done @!p2 $0x0  }
0xd7: {  	[sflag:s9] =	ssyncadd.s32 @!p2 $0xFFFFFF00  }
0xd8: {  	[tilespmem:s20], [sflag:$0x2] =	stream.indirect.gather @!p2 [hbm4b:s4+s2], $0x80, s3, s2, $0xb8;
	[tilespmem:$0x1FE80] =	vst v63  }
0xd9: {  	_ =	swait.ge [sflag:s30], $0x4000  }
0xda: {  	[sflag:s30] =	ssyncset.done $0x0  }
.Ltmp3:
0xdb: {  	[sflag:s30] =	ssyncadd.s32 $0xFFFFC000;
	(pc) =	sbr.rel @p2 .LBB2_6-.Ltmp3, $4  }
0xdc: {  	[spmem:s1] =	stream.indirect.scatter.add.f32 [tilespmem:s13], [sflag:$0xA], $0x80, s6, s7, $0xb8;
	[tilespmem:$0x1FE80] =	vst v63  }
0xdd: {  	_ =	swait.ge [sflag:s15], $0x4000  }
0xde: {  	[sflag:s15] =	ssyncset.done $0x0  }
0xdf: {  	[sflag:s15] =	ssyncadd.s32 $0xFFFFC000  }
0xe0: {  	s2 =	sadd.s32 s11, s22  }
0xe1: {  	[tilespmem:s5], [sflag:$0x9] =	stream.linear.gather [hbm4b:s2+s31], $0x100, $0x38;
	[tilespmem:$0x1FE80] =	vst v63  }
.Ltmp4:
0xe2: {  	_ = 	snop;
	(pc) =	sbr.rel .LBB2_4-.Ltmp4, $4  }
0xe3: {  	_ =	swait.ge [sflag:s12], $0x100  }
0xe4: {  	[sflag:s12] =	ssyncset.done $0x0  }
0xe5: {  	s20 =	simm.s32 $0x200;
	s11 =	sadd.s32 $0xC0, s11;
	[sflag:s12] =	ssyncadd.s32 $0xFFFFFF00  }
0xe6: {  	[tilespmem:s13], [sflag:$0x3] =	stream.indirect.gather [hbm4b:s4+s7], $0x80, s20, s7, $0xb8;
	[tilespmem:$0x1FE80] =	vst v63  }
.LBB2_6:
.Ltmp5:
0xe7: {  	(pc) =	sbr.rel @p0 .LBB2_8-.Ltmp5, $1  }
0xe8: {  	_ =	sdelay $0x3  }
0xe9: {  	s2 =	simm.s32 $0x0;
	s3 =	rddreg [dreg:$0x13]  }
0xea: {  	[tilespmem:s2], [sflag:$0xA] =	stream.linear.gather [hbm4b:s3+s2], $0x100, $0x38;
	[tilespmem:$0x1FE80] =	vst v63  }
0xeb: {  	_ =	swait.ge [sflag:s15], $0x100  }
0xec: {  	[sflag:s15] =	ssyncset.done $0x0  }
0xed: {  	[sflag:s15] =	ssyncadd.s32 $0xFFFFFF00  }
0xee: {  	[tilespmem:s8], [sflag:$0x1] =	stream.indirect.gather [hbm4b:s4+s7], $0x80, s2, s7, $0xb8;
	[tilespmem:$0x1FE80] =	vst v63  }
0xef: {  	_ =	swait.ge [sflag:s14], $0x4000  }
0xf0: {  	[sflag:s14] =	ssyncset.done $0x0  }
0xf1: {  	[sflag:s14] =	ssyncadd.s32 $0xFFFFC000  }
0xf2: {  	[spmem:s1] =	stream.indirect.scatter.add.f32 [tilespmem:s8], [sflag:$0xA], $0x80, s7, s7, $0xb8;
	[tilespmem:$0x1FE80] =	vst v63  }
.Ltmp6:
0xf3: {  	_ =	swait.ge [sflag:s15], $0x4000;
	(pc) =	sbr.rel .LBB2_9-.Ltmp6, $4  }
0xf4: {  	[sflag:s15] =	ssyncset.done $0x0  }
0xf5: {  	[sflag:s15] =	ssyncadd.s32 $0xFFFFC000  }
0xf6: {  	[bflag:$0x0] =	sbarrier.arrive $0xFFFF  }
0xf7: {  	s17 =	simm.s32 $0x100  }
.LBB2_8:
.Ltmp7:
0xf8: {  	(pc) =	sbr.rel @p1 .LBB2_10-.Ltmp7, $3  }
0xf9: {  	_ =	sdelay $0x1  }
0xfa: {  	[bflag:$0x0] =	sbarrier.arrive $0xFFFF  }
0xfb: {  	s17 =	simm.s32 $0x100  }
.LBB2_9:
0xfc: {  	s2 =	stileid.u32;
	s3 =	rddreg [dreg:$0xa]  }
0xfd: {  	s9 =	rddreg [dreg:$0x10];
	s2 =	sshll.u32 s2, $0x6  }
.Ltmp8:
0xfe: {  	s3 =	sshrl.u32 s3, $0x3;
	s2 =	sor.u32 $0x1C0A, s2;
	(pc) =	sbr.rel .LBB2_11-.Ltmp8, $4  }
0xff: {  	[hbm:s9], [sflag:s2] =	dma.local [spmem:s3], $0x2700  }
0x100: {  	_ =	swait.ge [sflag:s15], $0x2700  }
0x101: {  	[sflag:s15] =	ssyncset.done $0x0  }
0x102: {  	s3 =	rddreg [dreg:$0x19];
	[sflag:s15] =	ssyncadd.s32 $0xFFFFD900  }
.LBB2_12:
0x103: {  	_ =	sfence.sel $0x180000  }
0x104: {  	[bflag:$0x0] =	sbarrier.arrive $0xFFFF  }
0x105: {  	_ =	strace $0x9000004A  }
0x106: {  	s0 =	stileid.u32;
	[bflag:$0x2] =	sbarrier.arrive $0xFFFF  }
0x107: {  	p0 =	sne.s32 s0, $0x0;
	s0 =	rddreg [dreg:$0x3]  }
0x108: {  	s0 =	sadd.s32 @!p0 $0x100000, s0  }
0x109: {  	[sflag:s0] =	ssyncadd.tile.s32 @!p0 $0x1;
	_ =	shalt  }
.Lfunc_end2:
_tile_overlayer_lowered:
.L_overlay_start_2:
0x10a: {  	(tag) =	ssettag $0x2  }
0x10b: {  	s0 =	rddreg [dreg:$0x0];
	s2 =	stileid.u32  }
0x10c: {  	s1 =	rddreg [dreg:$0x1];
	p0 =	sne.s32 s2, $0x0  }
0x10d: {  	s3 =	rddreg [dreg:$0x2];
	[bflag:$0x3] =	sbarrier.arrive $0xFFFF;
	s2 =	simm.s32 @!p0 $0x1C0A  }
0x10e: {  	[timem:s3], [sflag:s2] =	dma.local @!p0 [hbm:s0], s1  }
0x10f: {  	s0 =	simm.s32 @!p0 $0xA  }
0x110: {  	_ =	swait.ge @!p0 [sflag:s0], s1  }
0x111: {  	s1 =	ssub.s32 @!p0 $0x0, s1;
	[sflag:s0] =	ssyncset.done @!p0 $0x0  }
0x112: {  	[sflag:s0] =	ssyncadd.s32 @!p0 s1  }
0x113: {  	[bflag:$0x3] =	sbarrier.arrive $0xFFFF  }
0x114: {  	_ =	shalt  }

// kernel: kernel.15.cloned.1.call-start
scs
__scs_entry_jumppad:
0x0: {  	(pc) =	sbr.rel $0x88, $3  }
0x1: {  	(tag) =	ssettag $0x0;
	lr =	simm.s32 $0x1  }
0x2: {  	[smem:$0x3F92] =	sst lr;
	_ =	strace $0xD0000000  }
0x3: {  	_ = 	snop  }
0x4: {  	_ = 	snop  }
0x5: {  	_ = 	snop  }
0x6: {  	_ = 	snop  }
0x7: {  	_ = 	snop  }
__scs_overlays_trampoline_lowered:
0x8: {  	[smem:$0x3FA1] =	sst s0  }
0x9: {  	[smem:$0x3FA2] =	sst s1  }
0xa: {  	[smem:$0x3FA3] =	sst s2  }
0xb: {  	[smem:$0x3FA4] =	sst s3  }
0xc: {  	[smem:$0x3FA5] =	sst s4  }
0xd: {  	[smem:$0x3FA6] =	sst s5  }
0xe: {  	[smem:$0x3FA7] =	sst s6  }
0xf: {  	[smem:$0x3FA8] =	sst s7  }
0x10: {  	[smem:$0x3FA9] =	sst s8  }
0x11: {  	[smem:$0x3FAA] =	sst s9;
	s0 =	simm.s32 @!p0 $0x0  }
0x12: {  	s1 =	sld [smem:$0x3F90];
	s0 =	simm.s32 @p0 $0x1  }
0x13: {  	[smem:$0x3FAB] =	sst s0;
	s0 =	simm.s32 @!p1 $0x0  }
0x14: {  	s2 =	sld [smem:$0x3F8F];
	s0 =	simm.s32 @p1 $0x1  }
0x15: {  	[smem:$0x3FAC] =	sst s0;
	s0 =	simm.s32 @!p2 $0x0  }
0x16: {  	s3 =	sld [smem:$0x3FDB];
	s0 =	simm.s32 @p2 $0x1  }
0x17: {  	s4 =	simm.s32 $0x1BF5;
	[smem:$0x3FAE] =	sst s0  }
0x18: {  	s0 =	sld [smem:$0x3F91];
	_ =	swait.ge [sflag:s4], $0x0  }
0x19: {  	s7 =	sld [smem:$0x3F92]  }
0x1a: {  	s8 =	sadd.s32 $0xFFFFE003, lr  }
0x1b: {  	s9 =	sadd.s32 $0xFFFFFEF7, lr;
	s5 =	simm.s32 $0xFFFFFFFF;
	p2 =	slt.u32 s8, $0xFFFFF086  }
0x1c: {  	p1 =	slt.u32 s9, $0xF7A;
	s5 =	simm.s32 @!p2 $0x0  }
0x1d: {  	s5 =	simm.s32 @p1 $0x1;
	p0 =	seq.s32 s7, s2  }
0x1e: {  	s7 =	smul.u32 @!p0 $0xF7A, s2;
	p2 =	seq.s32 @!p0 s5, $0x0  }
0x1f: {  	s9 =	smul.u32 $0xF7A, s1;
	s8 =	simm.s32 @!p0 $0x1BF5;
	p2 =	por !p2, p0  }
0x20: {  	[sflag:s8] =	ssyncset.s32 @!p0 $0xFFFFF086;
	s6 =	sadd.s32 @!p0 s3, s7;
	s7 =	simm.s32 @!p0 $0x108  }
0x21: {  	s3 =	sadd.s32 s3, s9;
	s6 =	sadd.s32 @!p0 $0x88, s6;
	s7 =	simm.s32 @p2 $0x1082  }
0x22: {  	[simem:s7], [sflag:s8] =	dma.local @!p0 [hbm:s6], $0xF7A  }
0x23: {  	s9 =	sor.u32 $0xD0000000, s2;
	s6 =	simm.s32 $0x108;
	_ =	swait.ge @!p0 [sflag:s8], $0x0  }
0x24: {  	s3 =	sadd.s32 $0x88, s3;
	s6 =	simm.s32 @!p1 $0x1082;
	[sflag:s4] =	ssyncset.s32 $0xFFFFF086  }
0x25: {  	[simem:s6], [sflag:s4] =	dma.local [hbm:s3], $0xF7A  }
0x26: {  	[smem:$0x3F92] =	sst s1;
	(tag) =	ssettag s2;
	_ =	strace s9  }
0x27: {  	s1 =	sld [smem:$0x3FA2]  }
0x28: {  	s2 =	sld [smem:$0x3FA3]  }
0x29: {  	s4 =	sld [smem:$0x3FA5]  }
0x2a: {  	p0 =	seq.s32 s5, $0x0;
	s5 =	sld [smem:$0x3FA6]  }
0x2b: {  	s6 =	sld [smem:$0x3FA7]  }
0x2c: {  	s7 =	sld [smem:$0x3FA8]  }
0x2d: {  	s3 =	simm.s32 $0x108;
	s8 =	sld [smem:$0x3FA9]  }
0x2e: {  	s3 =	simm.s32 @!p0 $0x1082;
	s9 =	sld [smem:$0x3FAA]  }
0x2f: {  	lr =	sadd.s32 s0, s3;
	s0 =	sld [smem:$0x3FA1]  }
0x30: {  	s3 =	sld [smem:$0x3FA4]  }
0x31: {  	[smem:$0x3FAD] =	sst s10  }
0x32: {  	s10 =	sld [smem:$0x3FAB];
	_ =	sdelay $0x3  }
0x33: {  	p0 =	seq.s32 s10, $0x1;
	s10 =	sld [smem:$0x3FAD];
	_ =	sdelay $0x3  }
0x34: {  	[smem:$0x3FAD] =	sst s10  }
0x35: {  	s10 =	sld [smem:$0x3FAC];
	_ =	sdelay $0x3  }
0x36: {  	p1 =	seq.s32 s10, $0x1;
	s10 =	sld [smem:$0x3FAD];
	_ =	sdelay $0x3  }
0x37: {  	[smem:$0x3FAD] =	sst s10  }
0x38: {  	s10 =	sld [smem:$0x3FAE]  }
0x39: {  	_ = 	snop;
	(pc) =	sbr.ind lr, $3  }
0x3a: {  	_ = 	snop  }
0x3b: {  	_ = 	snop  }
0x3c: {  	p2 =	seq.s32 s10, $0x1;
	s10 =	sld [smem:$0x3FAD]  }
0x3d: {  	_ =	shalt  }
0x3e: {  	_ =	shalt  }
0x3f: {  	_ =	shalt  }
0x40: {  	_ =	shalt  }
0x41: {  	_ =	shalt  }
0x42: {  	_ =	shalt  }
0x43: {  	_ =	shalt  }
0x44: {  	_ =	shalt  }
0x45: {  	_ =	shalt  }
0x46: {  	_ =	shalt  }
0x47: {  	_ =	shalt  }
0x48: {  	_ =	shalt  }
0x49: {  	_ =	shalt  }
0x4a: {  	_ =	shalt  }
0x4b: {  	_ =	shalt  }
0x4c: {  	_ =	shalt  }
0x4d: {  	_ =	shalt  }
0x4e: {  	_ =	shalt  }
0x4f: {  	_ =	shalt  }
0x50: {  	_ =	shalt  }
0x51: {  	_ =	shalt  }
0x52: {  	_ =	shalt  }
0x53: {  	_ =	shalt  }
0x54: {  	_ =	shalt  }
0x55: {  	_ =	shalt  }
0x56: {  	_ =	shalt  }
0x57: {  	_ =	shalt  }
0x58: {  	_ =	shalt  }
0x59: {  	_ =	shalt  }
0x5a: {  	_ =	shalt  }
0x5b: {  	_ =	shalt  }
0x5c: {  	_ =	shalt  }
0x5d: {  	_ =	shalt  }
0x5e: {  	_ =	shalt  }
0x5f: {  	_ =	shalt  }
0x60: {  	_ =	shalt  }
0x61: {  	_ =	shalt  }
0x62: {  	_ =	shalt  }
0x63: {  	_ =	shalt  }
0x64: {  	_ =	shalt  }
0x65: {  	_ =	shalt  }
0x66: {  	_ =	shalt  }
0x67: {  	_ =	shalt  }
0x68: {  	_ =	shalt  }
0x69: {  	_ =	shalt  }
0x6a: {  	_ =	shalt  }
0x6b: {  	_ =	shalt  }
0x6c: {  	_ =	shalt  }
0x6d: {  	_ =	shalt  }
0x6e: {  	_ =	shalt  }
0x6f: {  	_ =	shalt  }
0x70: {  	_ =	shalt  }
0x71: {  	_ =	shalt  }
0x72: {  	_ =	shalt  }
0x73: {  	_ =	shalt  }
0x74: {  	_ =	shalt  }
0x75: {  	_ =	shalt  }
0x76: {  	_ =	shalt  }
0x77: {  	_ =	shalt  }
0x78: {  	_ =	shalt  }
0x79: {  	_ =	shalt  }
0x7a: {  	_ =	shalt  }
0x7b: {  	_ =	shalt  }
0x7c: {  	_ =	shalt  }
0x7d: {  	_ =	shalt  }
0x7e: {  	_ =	shalt  }
0x7f: {  	_ =	shalt  }
0x80: {  	_ =	shalt  }
0x81: {  	_ =	shalt  }
0x82: {  	_ =	shalt  }
0x83: {  	_ =	shalt  }
0x84: {  	_ =	shalt  }
0x85: {  	_ =	shalt  }
0x86: {  	_ =	shalt  }
0x87: {  	_ =	shalt  }
.Lfunc_end0:
.L_simem_size_0:
called_computation.2_lowered:
.L_overlay_start_0:
0x88: {  	s2 =	sld [smem:$0x3FD9]  }
0x89: {  	s3 =	sld [smem:$0x3FFE];
	_ =	sdelay $0x1  }
0x8a: {  	s1 =	srdreg.scid  }
0x8b: {  	s0 =	sand.u32 $0x1, s1  }
0x8c: {  	s17 =	sshll.u32 s0, $0xA;
	s2 =	sadd.s32 s3, s2  }
0x8d: {  	s2 =	sadd.s32 s2, s17  }
0x8e: {  	[smem:$0x3FB9] =	sst s2  }
0x8f: {  	_ = 	snop  }
0x90: {  	s2 =	sld [smem:$0x3FC8];
	(tm) =	ssettm $0x1  }
0x91: {  	s18 =	sld [smem:$0x3FFB];
	_ =	sdelay $0x3  }
0x92: {  	_ =	strace s18  }
0x93: {  	s3 =	sld [smem:$0x3FFC];
	_ =	sdelay $0x3  }
0x94: {  	_ =	strace s3  }
0x95: {  	s3 =	sld [smem:$0x3FFD];
	_ =	sdelay $0x3  }
0x96: {  	_ =	strace s3  }
0x97: {  	_ =	strace $0x8FFFFFFF  }
0x98: {  	s19 =	sld [smem:$0x3FDB];
	_ =	sdelay $0x1  }
0x99: {  	s4 =	simm.s32 $_scs_section_size  }
0x9a: {  	s5 =	simm.s32 $_size__tile_overlayer_lowered;
	s6 =	simm.s32 $_tile_overlayer_lowered  }
0x9b: {  	s22 =	simm.s32 $0x1BFF;
	s21 =	sshll.u32 s6, $0x1;
	s3 =	sadd.s32 s4, s19  }
0x9c: {  	s7 =	simm.s32 $0x0;
	s20 =	sshll.u32 s5, $0x1;
	s5 =	sadd.s32 s21, s3  }
0x9d: {  	[timem:s7], [sflag:s22] =	dma.local [hbm:s5], s20  }
0x9e: {  	_ =	swait.ge [sflag:s22], s20  }
0x9f: {  	s4 =	ssub.s32 $0x0, s20;
	[sflag:s22] =	ssyncset.done $0x0  }
0xa0: {  	[sflag:s22] =	ssyncadd.s32 s4;
	_ =	sdelay $0x1  }
0xa1: {  	s23 =	simm.s32 $0x1B8B  }
0xa2: {  	_ =	swait.ge [sflag:s23], $0x1  }
0xa3: {  	[sflag:s23] =	ssyncset.done $0x0  }
0xa4: {  	s25 =	simm.s32 $0x1B8E;
	s24 =	sld [smem:$0x3FFE];
	[sflag:s23] =	ssyncadd.s32 $0xFFFFFFFF  }
0xa5: {  	s26 =	simm.s32 $execute0_lowered;
	[smem:$0x3FD2] =	sst s25  }
0xa6: {  	s5 =	sshll.u32 s26, $0x1;
	_ =	strace $0x8000004C;
	[dreg:$0x1] =	wrdreg $0xFFFFFFFF  }
0xa7: {  	s28 =	simm.s32 $_size_execute0_lowered;
	s3 =	sadd.s32 s3, s5;
	[dreg:$0x0] =	wrdreg $0x0  }
0xa8: {  	s5 =	sshll.u32 s28, $0x1;
	[dreg:$0x2] =	wrdreg s3  }
0xa9: {  	[dreg:$0x3] =	wrdreg s5  }
0xaa: {  	[dreg:$0x4] =	wrdreg $0xC0  }
0xab: {  	_ =	task [dreg:s7], $0x5FFFF  }
0xac: {  	[dreg:$0x1] =	wrdreg $0xFFFFFFFF  }
0xad: {  	[dreg:$0x0] =	wrdreg $0x60  }
0xae: {  	[dreg:$0x2] =	wrdreg s24  }
0xaf: {  	[dreg:$0x3] =	wrdreg s2  }
0xb0: {  	[dreg:$0x4] =	wrdreg $0xC6000  }
0xb1: {  	[dreg:$0x5] =	wrdreg $0x9  }
0xb2: {  	_ =	task.clear_ibuf [dreg:s7], $0x6FFFF;
	_ =	strace $0x9000004C  }
0xb3: {  	s29 =	simm.s32 $0x9;
	_ =	strace $0x8000004E  }
0xb4: {  	_ =	swait.ge [sflag:s29], $0x1  }
0xb5: {  	[sflag:s29] =	ssyncadd.s32 $0xFFFFFFFF  }
0xb6: {  	_ =	strace $0x9000004E  }
0xb7: {  	_ =	sfence  }
0xb8: {  	s30 =	sld [smem:$0x0];
	_ =	sdelay $0x2  }
0xb9: {  	s31 =	sshll.u32 s1, $0xD;
	s1 =	sshrl.u32 s1, $0x2  }
0xba: {  	s3 =	sand.u32 $0x4000, s31;
	s1 =	sadd.s32 s1, s30  }
0xbb: {  	s0 =	sor.u32 s3, s0;
	s1 =	sshll.u32 s1, $0x11  }
0xbc: {  	s0 =	sor.u32 s1, s0  }
0xbd: {  	s0 =	sadd.s32 $0x8F2B, s0  }
0xbe: {  	[sflag:s0] =	ssyncadd.remote.s32 $0x1  }
0xbf: {  	_ =	sfence.sel $0xFFFF  }
0xc0: {  	[dreg:$0x0] =	wrdreg $0xFFFFFFFF;
	(pc) =	sbr.abs _section_cstart, $3  }
0xc1: {  	[dreg:$0x1] =	wrdreg $0xFFFFFFFF  }
0xc2: {  	_ =	task.clear_ibuf [dreg:s7], $0x2FFFF;
	_ =	strace $0x9FFFFFFF  }
0xc3: {  	(tm) =	ssettm $0x7FFFFFFF  }
tec
execute0_lowered:
.L_overlay_start_1:
0x0: {  	(tag) =	ssettag $0x1  }
0x1: {  	s0 =	rddreg [dreg:$0x0]  }
0x2: {  	s2 =	rddreg [dreg:$0x1]  }
0x3: {  	s1 =	rddreg [dreg:$0x2];
	s3 =	srdreg.scid  }
0x4: {  	s5 =	simm.s32 $0x0;
	s11 =	stileid.u32;
	s29 =	simm.s32 $0x8  }
0x5: {  	s30 =	simm.s32 $0x3;
	s31 =	simm.s32 $0x0;
	s10 =	smul.u32 $0x4E000, s11  }
0x6: {  	s3 =	sand.u32 $0x1, s3;
	[smem:$0x7FF] =	sst s5;
	s23 =	smul.u32 $0x13800, s11  }
0x7: {  	s9 =	sadd.s32 $0x20, s2;
	s13 =	smul.u32 $0x4E, s11;
	s14 =	sshll.u32 s11, $0x5  }
0x8: {  	p1 =	seq.s32 s11, $0xF;
	s4 =	sshll.u32 s3, $0x4;
	s21 =	smul.u32 $0x138800, s3  }
0x9: {  	_ =	strace $0x8000004D;
	s6 =	ssub.s32 $0x2, s3;
	s3 =	smul.u32 $0x4E0, s3  }
0xa: {  	s5 =	sor.u32 s11, s4;
	s4 =	sadd.s32 $0x3E00, s0;
	s19 =	sshrl.u32 s10, $0x2  }
0xb: {  	s0 =	sadd.s32 $0x2B000, s0;
	s8 =	sshrl.u32 s6, $0x1;
	s20 =	sadd.s32 s19, s1  }
0xc: {  	s7 =	smul.u32 $0x4E00, s5;
	s19 =	sadd.s32 $0x12C800, s1;
	[dreg:$0xa] =	wrdreg s20  }
0xd: {  	s6 =	ssub.s32 s6, s8;
	s22 =	sadd.s32 $0x6800, s20;
	[dreg:$0x16] =	wrdreg s19  }
0xe: {  	s15 =	smul.u32 $0x9C0, s5;
	s24 =	sadd.s32 $0x9C00, s20;
	[dreg:$0xc] =	wrdreg s22  }
0xf: {  	s26 =	sshrl.u32 s21, $0x3;
	s25 =	sadd.s32 $0xD000, s20;
	[dreg:$0xd] =	wrdreg s24  }
0x10: {  	s3 =	sadd.s32 s13, s3;
	s6 =	smax.u32 s6, $0x1;
	[dreg:$0xe] =	wrdreg s25  }
0x11: {  	p0 =	sgt.u32 s5, $0x3;
	s12 =	sadd.s32 s2, s15;
	[dreg:$0x14] =	wrdreg s6  }
0x12: {  	s5 =	simm.s32 $0x500;
	s8 =	sadd.s32 s15, s9;
	[dreg:$0x4] =	wrdreg s12  }
0x13: {  	s13 =	simm.s32 $0x8600;
	s15 =	sadd.s32 $0x124800, s1;
	[dreg:$0x5] =	wrdreg s8  }
0x14: {  	s10 =	sadd.s32 s0, s26;
	s8 =	sadd.s32 $0x3400, s20;
	[dreg:$0x11] =	wrdreg s15  }
0x15: {  	s7 =	sshrl.u32 s7, $0x3;
	s12 =	sadd.s32 $0x10400, s20;
	[dreg:$0xb] =	wrdreg s8  }
0x16: {  	s7 =	sadd.s32 s2, s7;
	s20 =	sadd.s32 $0x130800, s1;
	[dreg:$0xf] =	wrdreg s12  }
0x17: {  	s3 =	sshll.u32 s3, $0x5;
	s16 =	sadd.s32 $0x40, s7;
	[dreg:$0x17] =	wrdreg s20  }
0x18: {  	s6 =	simm.s32 $0x580;
	s17 =	sadd.s32 $0x60, s7;
	[dreg:$0x6] =	wrdreg s16  }
0x19: {  	s15 =	simm.s32 $0xA;
	s18 =	sadd.s32 $0x80, s7;
	[dreg:$0x7] =	wrdreg s17  }
0x1a: {  	s7 =	sadd.s32 $0xA0, s7;
	s8 =	simm.s32 $0x600;
	[dreg:$0x8] =	wrdreg s18  }
0x1b: {  	s12 =	simm.s32 $0x6;
	[dreg:$0x9] =	wrdreg s7;
	s7 =	sadd.s32 s23, s21  }
0x1c: {  	s16 =	sadd.s32 $0x24900, s10;
	s17 =	sadd.s32 s9, s3;
	s18 =	sadd.s32 $0x128800, s1  }
0x1d: {  	s21 =	sadd.s32 $0x134800, s1;
	s10 =	simm.s32 $0x4600;
	[dreg:$0x12] =	wrdreg s16  }
0x1e: {  	s7 =	sshrl.u32 s7, $0x3;
	s22 =	sadd.s32 $0x140, s17;
	[dreg:$0x15] =	wrdreg s18  }
0x1f: {  	s23 =	sadd.s32 $0x100, s17;
	s24 =	sadd.s32 $0xC0, s17;
	[dreg:$0x18] =	wrdreg s21  }
0x20: {  	s17 =	simm.s32 $0x100;
	s16 =	simm.s32 $0x7;
	s21 =	simm.s32 $0x2  }
.Ltmp0:
0x21: {  	s18 =	simm.s32 $0x380;
	s0 =	sadd.s32 s0, s7;
	(pc) =	sbr.rel .LBB2_1-.Ltmp0, $4  }
0x22: {  	s7 =	simm.s32 $0x80;
	[dreg:$0x10] =	wrdreg s0;
	s0 =	sadd.s32 s14, s2  }
0x23: {  	s2 =	sadd.s32 s2, s3;
	s14 =	simm.s32 $0x1;
	s3 =	simm.s32 $0x0  }
0x24: {  	s0 =	sadd.s32 $0x13800, s0;
	s25 =	sadd.s32 $0x140, s2;
	s26 =	sadd.s32 $0xC0, s2  }
0x25: {  	v0 =	vimm.f32 $0.0e+00;
	s28 =	sadd.s32 $0x100, s2;
	[dreg:$0x13] =	wrdreg s0;
	s0 =	simm.s32 $0x9  }
.LBB2_10:
0x26: {  	s2 =	rddreg [dreg:$0x11]  }
0x27: {  	s3 =	rddreg [dreg:$0x12];
	s9 =	simm.s32 $0x1FCA;
	s2 =	sshrl.u32 s2, $0x3  }
0x28: {  	[hbm:s3], [sflag:s9] =	dma.local [spmem:s2], $0x2800  }
0x29: {  	_ =	swait.ge [sflag:s15], $0x2800  }
0x2a: {  	[sflag:s15] =	ssyncset.done $0x0  }
0x2b: {  	s3 =	rddreg [dreg:$0x19];
	[sflag:s15] =	ssyncadd.s32 $0xFFFFD800  }
.LBB2_11:
0x2c: {  	s3 =	sadd.s32 $0x1, s3;
	s2 =	rddreg [dreg:$0x14]  }
0x2d: {  	p2 =	sne.s32 s3, s2  }
.Ltmp1:
0x2e: {  	_ = 	snop;
	(pc) =	sbr.rel @!p2 .LBB2_12-.Ltmp1, $1  }
0x2f: {  	_ =	sdelay $0x3  }
.LBB2_1:
0x30: {  	[dreg:$0x19] =	wrdreg s3  }
0x31: {  	s2 =	simm.s32 $0x0;
	s20 =	rddreg [dreg:$0x4]  }
0x32: {  	[tilespmem:s2], [sflag:$0x4] =	stream.linear.gather [hbm4b:s20+s2], $0x100, $0x38;
	[tilespmem:$0x1FE80] =	vst v63  }
0x33: {  	s9 =	rddreg [dreg:$0x5]  }
0x34: {  	[tilespmem:s17], [sflag:$0x5] =	stream.linear.gather [hbm4b:s9+s2], $0x100, $0x38;
	[tilespmem:$0x1FE80] =	vst v63  }
0x35: {  	s11 =	rddreg [dreg:$0x6];
	s9 =	simm.s32 $0x200  }
0x36: {  	[tilespmem:s9], [sflag:$0x6] =	stream.linear.gather [hbm4b:s11+s2], $0x100, $0x38;
	[tilespmem:$0x1FE80] =	vst v63  }
0x37: {  	s19 =	rddreg [dreg:$0x7];
	s20 =	simm.s32 $0x300  }
0x38: {  	[tilespmem:s20], [sflag:$0x7] =	stream.linear.gather [hbm4b:s19+s2], $0x100, $0x38;
	[tilespmem:$0x1FE80] =	vst v63  }
0x39: {  	s11 =	rddreg [dreg:$0x8];
	s19 =	simm.s32 $0x400  }
0x3a: {  	[tilespmem:s19], [sflag:$0x8] =	stream.linear.gather [hbm4b:s11+s2], $0x100, $0x38;
	[tilespmem:$0x1FE80] =	vst v63  }
0x3b: {  	s3 =	simm.s32 $0x0;
	s9 =	simm.s32 $0x200;
	s20 =	rddreg [dreg:$0x9]  }
0x3c: {  	[tilespmem:s5], [sflag:$0x9] =	stream.linear.gather [hbm4b:s20+s2], $0x100, $0x38;
	[tilespmem:$0x1FE80] =	vst v63  }
.LBB2_2:
0x3d: {  	p2 =	sne.s32 s9, $0xFE00;
	[tilespmem:s3+$0x670] =	vst v0  }
0x3e: {  	[tilespmem:s3+$0x600] =	vst v0  }
0x3f: {  	[tilespmem:s3+$0x610] =	vst v0  }
.Ltmp2:
0x40: {  	[tilespmem:s3+$0x620] =	vst v0;
	(pc) =	sbr.rel @p2 .LBB2_2-.Ltmp2, $4  }
0x41: {  	[tilespmem:s3+$0x630] =	vst v0  }
0x42: {  	[tilespmem:s3+$0x640] =	vst v0  }
0x43: {  	[tilespmem:s3+$0x650] =	vst v0  }
0x44: {  	[tilespmem:s3+$0x660] =	vst v0;
	s3 =	sshra.s32 s9, $0x2;
	s9 =	sadd.s32 $0x200, s9  }
0x45: {  	[tilespmem:s3+$0x670] =	vst v0  }
0x46: {  	[tilespmem:s3+$0x600] =	vst v0  }
0x47: {  	[tilespmem:s3+$0x610] =	vst v0  }
0x48: {  	[tilespmem:s3+$0x620] =	vst v0  }
0x49: {  	[tilespmem:s3+$0x630] =	vst v0  }
0x4a: {  	[tilespmem:s3+$0x640] =	vst v0  }
0x4b: {  	[tilespmem:s3+$0x650] =	vst v0  }
0x4c: {  	[tilespmem:s3+$0x660] =	vst v0;
	s3 =	simm.s32 @p1 $0x600;
	s2 =	rddreg [dreg:$0x11]  }
0x4d: {  	[spmem:s2] =	stream.linear.scatter @p1 [tilespmem:s3], [sflag:$0x1], $0x4000, $0x38;
	[tilespmem:$0x1FE80] =	vst v63  }
0x4e: {  	s2 =	rddreg [dreg:$0x15]  }
0x4f: {  	[spmem:s2] =	stream.linear.scatter @p1 [tilespmem:s3], [sflag:$0x1], $0x4000, $0x38;
	[tilespmem:$0x1FE80] =	vst v63  }
0x50: {  	s2 =	rddreg [dreg:$0x16]  }
0x51: {  	[spmem:s2] =	stream.linear.scatter @p1 [tilespmem:s3], [sflag:$0x1], $0x4000, $0x38;
	[tilespmem:$0x1FE80] =	vst v63  }
0x52: {  	s2 =	rddreg [dreg:$0x17]  }
0x53: {  	[spmem:s2] =	stream.linear.scatter @p1 [tilespmem:s3], [sflag:$0x1], $0x4000, $0x38;
	[tilespmem:$0x1FE80] =	vst v63  }
0x54: {  	s2 =	rddreg [dreg:$0x18]  }
0x55: {  	[spmem:s2] =	stream.linear.scatter @p1 [tilespmem:s3], [sflag:$0x1], $0x4000, $0x38;
	[tilespmem:$0x1FE80] =	vst v63  }
0x56: {  	s3 =	simm.s32 @p1 $0x1  }
0x57: {  	_ =	swait.ge @p1 [sflag:s3], $0x4000  }
0x58: {  	[sflag:s3] =	ssyncset.done @p1 $0x0  }
0x59: {  	[sflag:s3] =	ssyncadd.s32 @p1 $0xFFFFC000  }
0x5a: {  	_ =	swait.ge @p1 [sflag:s3], $0x4000  }
0x5b: {  	[sflag:s3] =	ssyncset.done @p1 $0x0  }
0x5c: {  	[sflag:s3] =	ssyncadd.s32 @p1 $0xFFFFC000  }
0x5d: {  	_ =	swait.ge @p1 [sflag:s3], $0x4000  }
0x5e: {  	[sflag:s3] =	ssyncset.done @p1 $0x0  }
0x5f: {  	[sflag:s3] =	ssyncadd.s32 @p1 $0xFFFFC000  }
0x60: {  	_ =	swait.ge @p1 [sflag:s3], $0x4000  }
0x61: {  	[sflag:s3] =	ssyncset.done @p1 $0x0  }
0x62: {  	[sflag:s3] =	ssyncadd.s32 @p1 $0xFFFFC000  }
0x63: {  	_ =	swait.ge @p1 [sflag:s3], $0x4000  }
0x64: {  	[sflag:s3] =	ssyncset.done @p1 $0x0  }
0x65: {  	s2 =	rddreg [dreg:$0xa];
	[sflag:s3] =	ssyncadd.s32 @p1 $0xFFFFC000;
	s3 =	simm.s32 @!p1 $0x600  }
0x66: {  	[spmem:s2] =	stream.linear.scatter @!p1 [tilespmem:s3], [sflag:$0x1], $0x3400, $0x38;
	[tilespmem:$0x1FE80] =	vst v63  }
0x67: {  	s2 =	rddreg [dreg:$0xb]  }
0x68: {  	[spmem:s2] =	stream.linear.scatter @!p1 [tilespmem:s3], [sflag:$0x1], $0x3400, $0x38;
	[tilespmem:$0x1FE80] =	vst v63  }
0x69: {  	s2 =	rddreg [dreg:$0xc]  }
0x6a: {  	[spmem:s2] =	stream.linear.scatter @!p1 [tilespmem:s3], [sflag:$0x1], $0x3400, $0x38;
	[tilespmem:$0x1FE80] =	vst v63  }
0x6b: {  	s2 =	rddreg [dreg:$0xd]  }
0x6c: {  	[spmem:s2] =	stream.linear.scatter @!p1 [tilespmem:s3], [sflag:$0x1], $0x3400, $0x38;
	[tilespmem:$0x1FE80] =	vst v63  }
0x6d: {  	s2 =	rddreg [dreg:$0xe]  }
0x6e: {  	[spmem:s2] =	stream.linear.scatter @!p1 [tilespmem:s3], [sflag:$0x1], $0x3400, $0x38;
	[tilespmem:$0x1FE80] =	vst v63  }
0x6f: {  	s2 =	rddreg [dreg:$0xf]  }
0x70: {  	[spmem:s2] =	stream.linear.scatter @!p1 [tilespmem:s3], [sflag:$0x1], $0x3400, $0x38;
	[tilespmem:$0x1FE80] =	vst v63  }
0x71: {  	s3 =	simm.s32 @!p1 $0x1  }
0x72: {  	_ =	swait.ge @!p1 [sflag:s3], $0x3400  }
0x73: {  	[sflag:s3] =	ssyncset.done @!p1 $0x0  }
0x74: {  	[sflag:s3] =	ssyncadd.s32 @!p1 $0xFFFFCC00  }
0x75: {  	_ =	swait.ge @!p1 [sflag:s3], $0x3400  }
0x76: {  	[sflag:s3] =	ssyncset.done @!p1 $0x0  }
0x77: {  	[sflag:s3] =	ssyncadd.s32 @!p1 $0xFFFFCC00  }
0x78: {  	_ =	swait.ge @!p1 [sflag:s3], $0x3400  }
0x79: {  	[sflag:s3] =	ssyncset.done @!p1 $0x0  }
0x7a: {  	[sflag:s3] =	ssyncadd.s32 @!p1 $0xFFFFCC00  }
0x7b: {  	_ =	swait.ge @!p1 [sflag:s3], $0x3400  }
0x7c: {  	[sflag:s3] =	ssyncset.done @!p1 $0x0  }
0x7d: {  	[sflag:s3] =	ssyncadd.s32 @!p1 $0xFFFFCC00  }
0x7e: {  	_ =	swait.ge @!p1 [sflag:s3], $0x3400  }
0x7f: {  	[sflag:s3] =	ssyncset.done @!p1 $0x0  }
0x80: {  	[sflag:s3] =	ssyncadd.s32 @!p1 $0xFFFFCC00  }
0x81: {  	_ =	swait.ge @!p1 [sflag:s3], $0x3400  }
0x82: {  	[sflag:s3] =	ssyncset.done @!p1 $0x0  }
0x83: {  	s11 =	simm.s32 $0x4;
	[sflag:s3] =	ssyncadd.s32 @!p1 $0xFFFFCC00  }
0x84: {  	_ =	swait.ge [sflag:s11], $0x100  }
0x85: {  	[sflag:s11] =	ssyncset.done $0x0  }
0x86: {  	s19 =	simm.s32 $0x5;
	[sflag:s11] =	ssyncadd.s32 $0xFFFFFF00;
	s11 =	simm.s32 $0x0  }
0x87: {  	[tilespmem:s8], [sflag:$0x1] =	stream.indirect.gather [hbm4b:s4+s7], $0x80, s11, s7, $0xb8;
	[tilespmem:$0x1FE80] =	vst v63  }
0x88: {  	_ =	swait.ge [sflag:s19], $0x100  }
0x89: {  	[sflag:s19] =	ssyncset.done $0x0  }
0x8a: {  	[sflag:s19] =	ssyncadd.s32 $0xFFFFFF00  }
0x8b: {  	[tilespmem:s10], [sflag:$0x2] =	stream.indirect.gather [hbm4b:s4+s7], $0x80, s17, s7, $0xb8;
	[tilespmem:$0x1FE80] =	vst v63  }
0x8c: {  	_ =	swait.ge [sflag:s12], $0x100  }
0x8d: {  	[sflag:s12] =	ssyncset.done $0x0  }
0x8e: {  	s20 =	simm.s32 $0x200;
	[sflag:s12] =	ssyncadd.s32 $0xFFFFFF00  }
0x8f: {  	[tilespmem:s13], [sflag:$0x3] =	stream.indirect.gather [hbm4b:s4+s7], $0x80, s20, s7, $0xb8;
	[tilespmem:$0x1FE80] =	vst v63  }
0x90: {  	[bflag:$0x0] =	sbarrier.arrive $0xFFFF  }
.LBB2_4:
0x91: {  	_ =	swait.ge [sflag:s14], $0x4000  }
0x92: {  	[sflag:s14] =	ssyncset.done $0x0  }
0x93: {  	[sflag:s14] =	ssyncadd.s32 $0xFFFFC000  }
0x94: {  	[spmem:s1] =	stream.indirect.scatter.add.f32 [tilespmem:s8], [sflag:$0xA], $0x80, s7, s7, $0xb8;
	[tilespmem:$0x1FE80] =	vst v63  }
0x95: {  	_ =	swait.ge [sflag:s15], $0x4000  }
0x96: {  	p2 =	seq.s32 s11, $0x900;
	[sflag:s15] =	ssyncset.done $0x0  }
0x97: {  	s3 =	sadd.s32 @!p2 s11, s26;
	s9 =	simm.s32 @!p2 $0x0;
	[sflag:s15] =	ssyncadd.s32 $0xFFFFC000  }
0x98: {  	[tilespmem:s9], [sflag:$0x4] =	stream.linear.gather @!p2 [hbm4b:s3+s9], $0x100, $0x38;
	[tilespmem:$0x1FE80] =	vst v63  }
0x99: {  	_ =	swait.ge [sflag:s16], $0x100  }
0x9a: {  	[sflag:s16] =	ssyncset.done $0x0  }
0x9b: {  	s2 =	simm.s32 $0x300;
	[sflag:s16] =	ssyncadd.s32 $0xFFFFFF00  }
0x9c: {  	[tilespmem:s8], [sflag:$0x1] =	stream.indirect.gather [hbm4b:s4+s7], $0x80, s2, s7, $0xb8;
	[tilespmem:$0x1FE80] =	vst v63  }
0x9d: {  	_ =	swait.ge [sflag:s21], $0x4000  }
0x9e: {  	[sflag:s21] =	ssyncset.done $0x0  }
0x9f: {  	s17 =	simm.s32 $0x180;
	[sflag:s21] =	ssyncadd.s32 $0xFFFFC000  }
0xa0: {  	[spmem:s1] =	stream.indirect.scatter.add.f32 [tilespmem:s10], [sflag:$0xA], $0x80, s17, s7, $0xb8;
	[tilespmem:$0x1FE80] =	vst v63  }
0xa1: {  	_ =	swait.ge [sflag:s15], $0x4000  }
0xa2: {  	[sflag:s15] =	ssyncset.done $0x0  }
0xa3: {  	s3 =	simm.s32 @!p2 $0x100;
	s2 =	sadd.s32 @!p2 s11, s24;
	[sflag:s15] =	ssyncadd.s32 $0xFFFFC000  }
0xa4: {  	[tilespmem:s3], [sflag:$0x5] =	stream.linear.gather @!p2 [hbm4b:s2+s9], $0x100, $0x38;
	[tilespmem:$0x1FE80] =	vst v63  }
0xa5: {  	_ =	swait.ge [sflag:s29], $0x100  }
0xa6: {  	[sflag:s29] =	ssyncset.done $0x0  }
0xa7: {  	s19 =	simm.s32 $0x400;
	[sflag:s29] =	ssyncadd.s32 $0xFFFFFF00  }
0xa8: {  	[tilespmem:s10], [sflag:$0x2] =	stream.indirect.gather [hbm4b:s4+s7], $0x80, s19, s7, $0xb8;
	[tilespmem:$0x1FE80] =	vst v63  }
0xa9: {  	_ =	swait.ge [sflag:s30], $0x4000  }
0xaa: {  	[sflag:s30] =	ssyncset.done $0x0  }
0xab: {  	s20 =	simm.s32 $0x280;
	[sflag:s30] =	ssyncadd.s32 $0xFFFFC000  }
0xac: {  	[spmem:s1] =	stream.indirect.scatter.add.f32 [tilespmem:s13], [sflag:$0xA], $0x80, s20, s7, $0xb8;
	[tilespmem:$0x1FE80] =	vst v63  }
0xad: {  	_ =	swait.ge [sflag:s15], $0x4000  }
0xae: {  	[sflag:s15] =	ssyncset.done $0x0  }
0xaf: {  	s2 =	sadd.s32 @!p2 s11, s28;
	s20 =	simm.s32 @!p2 $0x200;
	[sflag:s15] =	ssyncadd.s32 $0xFFFFC000  }
0xb0: {  	[tilespmem:s20], [sflag:$0x6] =	stream.linear.gather @!p2 [hbm4b:s2+s9], $0x100, $0x38;
	[tilespmem:$0x1FE80] =	vst v63  }
0xb1: {  	_ =	swait.ge [sflag:s0], $0x100  }
0xb2: {  	[sflag:s0] =	ssyncset.done $0x0  }
0xb3: {  	[sflag:s0] =	ssyncadd.s32 $0xFFFFFF00  }
0xb4: {  	[tilespmem:s13], [sflag:$0x3] =	stream.indirect.gather [hbm4b:s4+s7], $0x80, s5, s7, $0xb8;
	[tilespmem:$0x1FE80] =	vst v63  }
0xb5: {  	_ =	swait.ge [sflag:s14], $0x4000  }
0xb6: {  	[sflag:s14] =	ssyncset.done $0x0  }
0xb7: {  	[sflag:s14] =	ssyncadd.s32 $0xFFFFC000  }
0xb8: {  	[spmem:s1] =	stream.indirect.scatter.add.f32 [tilespmem:s8], [sflag:$0xA], $0x80, s18, s7, $0xb8;
	[tilespmem:$0x1FE80] =	vst v63  }
0xb9: {  	_ =	swait.ge [sflag:s15], $0x4000  }
0xba: {  	[sflag:s15] =	ssyncset.done $0x0  }
0xbb: {  	s2 =	simm.s32 @p2 $0x2;
	[sflag:s15] =	ssyncadd.s32 $0xFFFFC000  }
0xbc: {  	_ =	swait.ge @p2 [sflag:s2], $0x4000  }
0xbd: {  	s17 =	simm.s32 @p2 $0x4600;
	[sflag:s2] =	ssyncset.done @p2 $0x0  }
0xbe: {  	s20 =	simm.s32 @p2 $0x480;
	[sflag:s2] =	ssyncadd.s32 @p2 $0xFFFFC000;
	s2 =	simm.s32 @p2 $0x80  }
0xbf: {  	[spmem:s1] =	stream.indirect.scatter.add.f32 @p2 [tilespmem:s17], [sflag:$0xA], $0x80, s20, s2, $0xb8;
	[tilespmem:$0x1FE80] =	vst v63  }
0xc0: {  	s2 =	simm.s32 @p2 $0xA  }
0xc1: {  	_ =	swait.ge @p2 [sflag:s2], $0x4000  }
0xc2: {  	[sflag:s2] =	ssyncset.done @p2 $0x0  }
0xc3: {  	s17 =	simm.s32 @!p2 $0x300;
	[sflag:s2] =	ssyncadd.s32 @p2 $0xFFFFC000;
	s2 =	sadd.s32 @!p2 s11, s23  }
0xc4: {  	[tilespmem:s17], [sflag:$0x7] =	stream.linear.gather @!p2 [hbm4b:s2+s9], $0x100, $0x38;
	[tilespmem:$0x1FE80] =	vst v63  }
0xc5: {  	s2 =	simm.s32 @!p2 $0x4  }
0xc6: {  	_ =	swait.ge @!p2 [sflag:s2], $0x100  }
0xc7: {  	[sflag:s2] =	ssyncset.done @!p2 $0x0  }
0xc8: {  	s17 =	simm.s32 @!p2 $0x600;
	[sflag:s2] =	ssyncadd.s32 @!p2 $0xFFFFFF00;
	s2 =	simm.s32 @!p2 $0x80  }
0xc9: {  	[tilespmem:s17], [sflag:$0x1] =	stream.indirect.gather @!p2 [hbm4b:s4+s2], $0x80, s9, s2, $0xb8;
	[tilespmem:$0x1FE80] =	vst v63  }
0xca: {  	s17 =	simm.s32 @!p2 $0x2  }
0xcb: {  	_ =	swait.ge @!p2 [sflag:s17], $0x4000  }
0xcc: {  	[sflag:s17] =	ssyncset.done @!p2 $0x0  }
0xcd: {  	s20 =	simm.s32 @!p2 $0x4600;
	[sflag:s17] =	ssyncadd.s32 @!p2 $0xFFFFC000;
	s17 =	simm.s32 @!p2 $0x480  }
0xce: {  	[spmem:s1] =	stream.indirect.scatter.add.f32 @!p2 [tilespmem:s20], [sflag:$0xA], $0x80, s17, s2, $0xb8;
	[tilespmem:$0x1FE80] =	vst v63  }
0xcf: {  	s17 =	simm.s32 @!p2 $0xA  }
0xd0: {  	_ =	swait.ge @!p2 [sflag:s17], $0x4000  }
0xd1: {  	[sflag:s17] =	ssyncset.done @!p2 $0x0  }
0xd2: {  	s19 =	simm.s32 @!p2 $0x400;
	[sflag:s17] =	ssyncadd.s32 @!p2 $0xFFFFC000;
	s17 =	sadd.s32 @!p2 s11, s25  }
0xd3: {  	[tilespmem:s19], [sflag:$0x8] =	stream.linear.gather @!p2 [hbm4b:s17+s9], $0x100, $0x38;
	[tilespmem:$0x1FE80] =	vst v63  }
0xd4: {  	s9 =	simm.s32 @!p2 $0x5  }
0xd5: {  	_ =	swait.ge @!p2 [sflag:s9], $0x100  }
0xd6: {  	[sflag:s9] =	ssyncset.done @!p2 $0x0  }
0xd7: {  	[sflag:s9] =	ssyncadd.s32 @!p2 $0xFFFFFF00  }
0xd8: {  	[tilespmem:s20], [sflag:$0x2] =	stream.indirect.gather @!p2 [hbm4b:s4+s2], $0x80, s3, s2, $0xb8;
	[tilespmem:$0x1FE80] =	vst v63  }
0xd9: {  	_ =	swait.ge [sflag:s30], $0x4000  }
0xda: {  	[sflag:s30] =	ssyncset.done $0x0  }
.Ltmp3:
0xdb: {  	[sflag:s30] =	ssyncadd.s32 $0xFFFFC000;
	(pc) =	sbr.rel @p2 .LBB2_6-.Ltmp3, $4  }
0xdc: {  	[spmem:s1] =	stream.indirect.scatter.add.f32 [tilespmem:s13], [sflag:$0xA], $0x80, s6, s7, $0xb8;
	[tilespmem:$0x1FE80] =	vst v63  }
0xdd: {  	_ =	swait.ge [sflag:s15], $0x4000  }
0xde: {  	[sflag:s15] =	ssyncset.done $0x0  }
0xdf: {  	[sflag:s15] =	ssyncadd.s32 $0xFFFFC000  }
0xe0: {  	s2 =	sadd.s32 s11, s22  }
0xe1: {  	[tilespmem:s5], [sflag:$0x9] =	stream.linear.gather [hbm4b:s2+s31], $0x100, $0x38;
	[tilespmem:$0x1FE80] =	vst v63  }
.Ltmp4:
0xe2: {  	_ = 	snop;
	(pc) =	sbr.rel .LBB2_4-.Ltmp4, $4  }
0xe3: {  	_ =	swait.ge [sflag:s12], $0x100  }
0xe4: {  	[sflag:s12] =	ssyncset.done $0x0  }
0xe5: {  	s20 =	simm.s32 $0x200;
	s11 =	sadd.s32 $0xC0, s11;
	[sflag:s12] =	ssyncadd.s32 $0xFFFFFF00  }
0xe6: {  	[tilespmem:s13], [sflag:$0x3] =	stream.indirect.gather [hbm4b:s4+s7], $0x80, s20, s7, $0xb8;
	[tilespmem:$0x1FE80] =	vst v63  }
.LBB2_6:
.Ltmp5:
0xe7: {  	(pc) =	sbr.rel @p0 .LBB2_8-.Ltmp5, $1  }
0xe8: {  	_ =	sdelay $0x3  }
0xe9: {  	s2 =	simm.s32 $0x0;
	s3 =	rddreg [dreg:$0x13]  }
0xea: {  	[tilespmem:s2], [sflag:$0xA] =	stream.linear.gather [hbm4b:s3+s2], $0x100, $0x38;
	[tilespmem:$0x1FE80] =	vst v63  }
0xeb: {  	_ =	swait.ge [sflag:s15], $0x100  }
0xec: {  	[sflag:s15] =	ssyncset.done $0x0  }
0xed: {  	[sflag:s15] =	ssyncadd.s32 $0xFFFFFF00  }
0xee: {  	[tilespmem:s8], [sflag:$0x1] =	stream.indirect.gather [hbm4b:s4+s7], $0x80, s2, s7, $0xb8;
	[tilespmem:$0x1FE80] =	vst v63  }
0xef: {  	_ =	swait.ge [sflag:s14], $0x4000  }
0xf0: {  	[sflag:s14] =	ssyncset.done $0x0  }
0xf1: {  	[sflag:s14] =	ssyncadd.s32 $0xFFFFC000  }
0xf2: {  	[spmem:s1] =	stream.indirect.scatter.add.f32 [tilespmem:s8], [sflag:$0xA], $0x80, s7, s7, $0xb8;
	[tilespmem:$0x1FE80] =	vst v63  }
.Ltmp6:
0xf3: {  	_ =	swait.ge [sflag:s15], $0x4000;
	(pc) =	sbr.rel .LBB2_9-.Ltmp6, $4  }
0xf4: {  	[sflag:s15] =	ssyncset.done $0x0  }
0xf5: {  	[sflag:s15] =	ssyncadd.s32 $0xFFFFC000  }
0xf6: {  	[bflag:$0x0] =	sbarrier.arrive $0xFFFF  }
0xf7: {  	s17 =	simm.s32 $0x100  }
.LBB2_8:
.Ltmp7:
0xf8: {  	(pc) =	sbr.rel @p1 .LBB2_10-.Ltmp7, $3  }
0xf9: {  	_ =	sdelay $0x1  }
0xfa: {  	[bflag:$0x0] =	sbarrier.arrive $0xFFFF  }
0xfb: {  	s17 =	simm.s32 $0x100  }
.LBB2_9:
0xfc: {  	s2 =	stileid.u32;
	s3 =	rddreg [dreg:$0xa]  }
0xfd: {  	s9 =	rddreg [dreg:$0x10];
	s2 =	sshll.u32 s2, $0x6  }
.Ltmp8:
0xfe: {  	s3 =	sshrl.u32 s3, $0x3;
	s2 =	sor.u32 $0x1C0A, s2;
	(pc) =	sbr.rel .LBB2_11-.Ltmp8, $4  }
0xff: {  	[hbm:s9], [sflag:s2] =	dma.local [spmem:s3], $0x2700  }
0x100: {  	_ =	swait.ge [sflag:s15], $0x2700  }
0x101: {  	[sflag:s15] =	ssyncset.done $0x0  }
0x102: {  	s3 =	rddreg [dreg:$0x19];
	[sflag:s15] =	ssyncadd.s32 $0xFFFFD900  }
.LBB2_12:
0x103: {  	_ =	sfence.sel $0x180000  }
0x104: {  	[bflag:$0x0] =	sbarrier.arrive $0xFFFF  }
0x105: {  	_ =	strace $0x9000004D  }
0x106: {  	s0 =	stileid.u32;
	[bflag:$0x2] =	sbarrier.arrive $0xFFFF  }
0x107: {  	p0 =	sne.s32 s0, $0x0;
	s0 =	rddreg [dreg:$0x3]  }
0x108: {  	s0 =	sadd.s32 @!p0 $0x100000, s0  }
0x109: {  	[sflag:s0] =	ssyncadd.tile.s32 @!p0 $0x1;
	_ =	shalt  }
.Lfunc_end2:
_tile_overlayer_lowered:
.L_overlay_start_2:
0x10a: {  	(tag) =	ssettag $0x2  }
0x10b: {  	s0 =	rddreg [dreg:$0x0];
	s2 =	stileid.u32  }
0x10c: {  	s1 =	rddreg [dreg:$0x1];
	p0 =	sne.s32 s2, $0x0  }
0x10d: {  	s3 =	rddreg [dreg:$0x2];
	[bflag:$0x3] =	sbarrier.arrive $0xFFFF;
	s2 =	simm.s32 @!p0 $0x1C0A  }
0x10e: {  	[timem:s3], [sflag:s2] =	dma.local @!p0 [hbm:s0], s1  }
0x10f: {  	s0 =	simm.s32 @!p0 $0xA  }
0x110: {  	_ =	swait.ge @!p0 [sflag:s0], s1  }
0x111: {  	s1 =	ssub.s32 @!p0 $0x0, s1;
	[sflag:s0] =	ssyncset.done @!p0 $0x0  }
0x112: {  	[sflag:s0] =	ssyncadd.s32 @!p0 s1  }
0x113: {  	[bflag:$0x3] =	sbarrier.arrive $0xFFFF  }
0x114: {  	_ =	shalt  }

// kernel: kernel.9.cloned.1.call-start
scs
__scs_entry_jumppad:
0x0: {  	(pc) =	sbr.rel $0x88, $3  }
0x1: {  	(tag) =	ssettag $0x0;
	lr =	simm.s32 $0x1  }
0x2: {  	[smem:$0x3F92] =	sst lr;
	_ =	strace $0xD0000000  }
0x3: {  	_ = 	snop  }
0x4: {  	_ = 	snop  }
0x5: {  	_ = 	snop  }
0x6: {  	_ = 	snop  }
0x7: {  	_ = 	snop  }
__scs_overlays_trampoline_lowered:
0x8: {  	[smem:$0x3FA1] =	sst s0  }
0x9: {  	[smem:$0x3FA2] =	sst s1  }
0xa: {  	[smem:$0x3FA3] =	sst s2  }
0xb: {  	[smem:$0x3FA4] =	sst s3  }
0xc: {  	[smem:$0x3FA5] =	sst s4  }
0xd: {  	[smem:$0x3FA6] =	sst s5  }
0xe: {  	[smem:$0x3FA7] =	sst s6  }
0xf: {  	[smem:$0x3FA8] =	sst s7  }
0x10: {  	[smem:$0x3FA9] =	sst s8  }
0x11: {  	[smem:$0x3FAA] =	sst s9;
	s0 =	simm.s32 @!p0 $0x0  }
0x12: {  	s1 =	sld [smem:$0x3F90];
	s0 =	simm.s32 @p0 $0x1  }
0x13: {  	[smem:$0x3FAB] =	sst s0;
	s0 =	simm.s32 @!p1 $0x0  }
0x14: {  	s2 =	sld [smem:$0x3F8F];
	s0 =	simm.s32 @p1 $0x1  }
0x15: {  	[smem:$0x3FAC] =	sst s0;
	s0 =	simm.s32 @!p2 $0x0  }
0x16: {  	s3 =	sld [smem:$0x3FDB];
	s0 =	simm.s32 @p2 $0x1  }
0x17: {  	s4 =	simm.s32 $0x1BF5;
	[smem:$0x3FAE] =	sst s0  }
0x18: {  	s0 =	sld [smem:$0x3F91];
	_ =	swait.ge [sflag:s4], $0x0  }
0x19: {  	s7 =	sld [smem:$0x3F92]  }
0x1a: {  	s8 =	sadd.s32 $0xFFFFE003, lr  }
0x1b: {  	s9 =	sadd.s32 $0xFFFFFEF7, lr;
	s5 =	simm.s32 $0xFFFFFFFF;
	p2 =	slt.u32 s8, $0xFFFFF086  }
0x1c: {  	p1 =	slt.u32 s9, $0xF7A;
	s5 =	simm.s32 @!p2 $0x0  }
0x1d: {  	s5 =	simm.s32 @p1 $0x1;
	p0 =	seq.s32 s7, s2  }
0x1e: {  	s7 =	smul.u32 @!p0 $0xF7A, s2;
	p2 =	seq.s32 @!p0 s5, $0x0  }
0x1f: {  	s9 =	smul.u32 $0xF7A, s1;
	s8 =	simm.s32 @!p0 $0x1BF5;
	p2 =	por !p2, p0  }
0x20: {  	[sflag:s8] =	ssyncset.s32 @!p0 $0xFFFFF086;
	s6 =	sadd.s32 @!p0 s3, s7;
	s7 =	simm.s32 @!p0 $0x108  }
0x21: {  	s3 =	sadd.s32 s3, s9;
	s6 =	sadd.s32 @!p0 $0x88, s6;
	s7 =	simm.s32 @p2 $0x1082  }
0x22: {  	[simem:s7], [sflag:s8] =	dma.local @!p0 [hbm:s6], $0xF7A  }
0x23: {  	s9 =	sor.u32 $0xD0000000, s2;
	s6 =	simm.s32 $0x108;
	_ =	swait.ge @!p0 [sflag:s8], $0x0  }
0x24: {  	s3 =	sadd.s32 $0x88, s3;
	s6 =	simm.s32 @!p1 $0x1082;
	[sflag:s4] =	ssyncset.s32 $0xFFFFF086  }
0x25: {  	[simem:s6], [sflag:s4] =	dma.local [hbm:s3], $0xF7A  }
0x26: {  	[smem:$0x3F92] =	sst s1;
	(tag) =	ssettag s2;
	_ =	strace s9  }
0x27: {  	s1 =	sld [smem:$0x3FA2]  }
0x28: {  	s2 =	sld [smem:$0x3FA3]  }
0x29: {  	s4 =	sld [smem:$0x3FA5]  }
0x2a: {  	p0 =	seq.s32 s5, $0x0;
	s5 =	sld [smem:$0x3FA6]  }
0x2b: {  	s6 =	sld [smem:$0x3FA7]  }
0x2c: {  	s7 =	sld [smem:$0x3FA8]  }
0x2d: {  	s3 =	simm.s32 $0x108;
	s8 =	sld [smem:$0x3FA9]  }
0x2e: {  	s3 =	simm.s32 @!p0 $0x1082;
	s9 =	sld [smem:$0x3FAA]  }
0x2f: {  	lr =	sadd.s32 s0, s3;
	s0 =	sld [smem:$0x3FA1]  }
0x30: {  	s3 =	sld [smem:$0x3FA4]  }
0x31: {  	[smem:$0x3FAD] =	sst s10  }
0x32: {  	s10 =	sld [smem:$0x3FAB];
	_ =	sdelay $0x3  }
0x33: {  	p0 =	seq.s32 s10, $0x1;
	s10 =	sld [smem:$0x3FAD];
	_ =	sdelay $0x3  }
0x34: {  	[smem:$0x3FAD] =	sst s10  }
0x35: {  	s10 =	sld [smem:$0x3FAC];
	_ =	sdelay $0x3  }
0x36: {  	p1 =	seq.s32 s10, $0x1;
	s10 =	sld [smem:$0x3FAD];
	_ =	sdelay $0x3  }
0x37: {  	[smem:$0x3FAD] =	sst s10  }
0x38: {  	s10 =	sld [smem:$0x3FAE]  }
0x39: {  	_ = 	snop;
	(pc) =	sbr.ind lr, $3  }
0x3a: {  	_ = 	snop  }
0x3b: {  	_ = 	snop  }
0x3c: {  	p2 =	seq.s32 s10, $0x1;
	s10 =	sld [smem:$0x3FAD]  }
0x3d: {  	_ =	shalt  }
0x3e: {  	_ =	shalt  }
0x3f: {  	_ =	shalt  }
0x40: {  	_ =	shalt  }
0x41: {  	_ =	shalt  }
0x42: {  	_ =	shalt  }
0x43: {  	_ =	shalt  }
0x44: {  	_ =	shalt  }
0x45: {  	_ =	shalt  }
0x46: {  	_ =	shalt  }
0x47: {  	_ =	shalt  }
0x48: {  	_ =	shalt  }
0x49: {  	_ =	shalt  }
0x4a: {  	_ =	shalt  }
0x4b: {  	_ =	shalt  }
0x4c: {  	_ =	shalt  }
0x4d: {  	_ =	shalt  }
0x4e: {  	_ =	shalt  }
0x4f: {  	_ =	shalt  }
0x50: {  	_ =	shalt  }
0x51: {  	_ =	shalt  }
0x52: {  	_ =	shalt  }
0x53: {  	_ =	shalt  }
0x54: {  	_ =	shalt  }
0x55: {  	_ =	shalt  }
0x56: {  	_ =	shalt  }
0x57: {  	_ =	shalt  }
0x58: {  	_ =	shalt  }
0x59: {  	_ =	shalt  }
0x5a: {  	_ =	shalt  }
0x5b: {  	_ =	shalt  }
0x5c: {  	_ =	shalt  }
0x5d: {  	_ =	shalt  }
0x5e: {  	_ =	shalt  }
0x5f: {  	_ =	shalt  }
0x60: {  	_ =	shalt  }
0x61: {  	_ =	shalt  }
0x62: {  	_ =	shalt  }
0x63: {  	_ =	shalt  }
0x64: {  	_ =	shalt  }
0x65: {  	_ =	shalt  }
0x66: {  	_ =	shalt  }
0x67: {  	_ =	shalt  }
0x68: {  	_ =	shalt  }
0x69: {  	_ =	shalt  }
0x6a: {  	_ =	shalt  }
0x6b: {  	_ =	shalt  }
0x6c: {  	_ =	shalt  }
0x6d: {  	_ =	shalt  }
0x6e: {  	_ =	shalt  }
0x6f: {  	_ =	shalt  }
0x70: {  	_ =	shalt  }
0x71: {  	_ =	shalt  }
0x72: {  	_ =	shalt  }
0x73: {  	_ =	shalt  }
0x74: {  	_ =	shalt  }
0x75: {  	_ =	shalt  }
0x76: {  	_ =	shalt  }
0x77: {  	_ =	shalt  }
0x78: {  	_ =	shalt  }
0x79: {  	_ =	shalt  }
0x7a: {  	_ =	shalt  }
0x7b: {  	_ =	shalt  }
0x7c: {  	_ =	shalt  }
0x7d: {  	_ =	shalt  }
0x7e: {  	_ =	shalt  }
0x7f: {  	_ =	shalt  }
0x80: {  	_ =	shalt  }
0x81: {  	_ =	shalt  }
0x82: {  	_ =	shalt  }
0x83: {  	_ =	shalt  }
0x84: {  	_ =	shalt  }
0x85: {  	_ =	shalt  }
0x86: {  	_ =	shalt  }
0x87: {  	_ =	shalt  }
.Lfunc_end0:
.L_simem_size_0:
called_computation_lowered:
.L_overlay_start_0:
0x88: {  	s2 =	sld [smem:$0x3FD9]  }
0x89: {  	s3 =	sld [smem:$0x3FFE];
	_ =	sdelay $0x1  }
0x8a: {  	s1 =	srdreg.scid  }
0x8b: {  	s0 =	sand.u32 $0x1, s1  }
0x8c: {  	s17 =	sshll.u32 s0, $0xA;
	s2 =	sadd.s32 s3, s2  }
0x8d: {  	s2 =	sadd.s32 s2, s17  }
0x8e: {  	[smem:$0x3FB9] =	sst s2  }
0x8f: {  	_ = 	snop  }
0x90: {  	s2 =	sld [smem:$0x3FC8];
	(tm) =	ssettm $0x1  }
0x91: {  	s18 =	sld [smem:$0x3FFB];
	_ =	sdelay $0x3  }
0x92: {  	_ =	strace s18  }
0x93: {  	s3 =	sld [smem:$0x3FFC];
	_ =	sdelay $0x3  }
0x94: {  	_ =	strace s3  }
0x95: {  	s3 =	sld [smem:$0x3FFD];
	_ =	sdelay $0x3  }
0x96: {  	_ =	strace s3  }
0x97: {  	_ =	strace $0x8FFFFFFF  }
0x98: {  	s19 =	sld [smem:$0x3FDB];
	_ =	sdelay $0x1  }
0x99: {  	s4 =	simm.s32 $_scs_section_size  }
0x9a: {  	s5 =	simm.s32 $_size__tile_overlayer_lowered;
	s6 =	simm.s32 $_tile_overlayer_lowered  }
0x9b: {  	s22 =	simm.s32 $0x1BFF;
	s21 =	sshll.u32 s6, $0x1;
	s3 =	sadd.s32 s4, s19  }
0x9c: {  	s7 =	simm.s32 $0x0;
	s20 =	sshll.u32 s5, $0x1;
	s5 =	sadd.s32 s21, s3  }
0x9d: {  	[timem:s7], [sflag:s22] =	dma.local [hbm:s5], s20  }
0x9e: {  	_ =	swait.ge [sflag:s22], s20  }
0x9f: {  	s4 =	ssub.s32 $0x0, s20;
	[sflag:s22] =	ssyncset.done $0x0  }
0xa0: {  	[sflag:s22] =	ssyncadd.s32 s4;
	_ =	sdelay $0x1  }
0xa1: {  	s23 =	simm.s32 $0x1B8B  }
0xa2: {  	_ =	swait.ge [sflag:s23], $0x1  }
0xa3: {  	[sflag:s23] =	ssyncset.done $0x0  }
0xa4: {  	s25 =	simm.s32 $0x1B8E;
	s24 =	sld [smem:$0x3FFE];
	[sflag:s23] =	ssyncadd.s32 $0xFFFFFFFF  }
0xa5: {  	s26 =	simm.s32 $execute0_lowered;
	[smem:$0x3FD2] =	sst s25  }
0xa6: {  	s5 =	sshll.u32 s26, $0x1;
	_ =	strace $0x80000046;
	[dreg:$0x1] =	wrdreg $0xFFFFFFFF  }
0xa7: {  	s28 =	simm.s32 $_size_execute0_lowered;
	s3 =	sadd.s32 s3, s5;
	[dreg:$0x0] =	wrdreg $0x0  }
0xa8: {  	s5 =	sshll.u32 s28, $0x1;
	[dreg:$0x2] =	wrdreg s3  }
0xa9: {  	[dreg:$0x3] =	wrdreg s5  }
0xaa: {  	[dreg:$0x4] =	wrdreg $0xC0  }
0xab: {  	_ =	task [dreg:s7], $0x5FFFF  }
0xac: {  	[dreg:$0x1] =	wrdreg $0xFFFFFFFF  }
0xad: {  	[dreg:$0x0] =	wrdreg $0x60  }
0xae: {  	[dreg:$0x2] =	wrdreg s24  }
0xaf: {  	[dreg:$0x3] =	wrdreg s2  }
0xb0: {  	[dreg:$0x4] =	wrdreg $0xC6000  }
0xb1: {  	[dreg:$0x5] =	wrdreg $0x9  }
0xb2: {  	_ =	task.clear_ibuf [dreg:s7], $0x6FFFF;
	_ =	strace $0x90000046  }
0xb3: {  	s29 =	simm.s32 $0x9;
	_ =	strace $0x80000048  }
0xb4: {  	_ =	swait.ge [sflag:s29], $0x1  }
0xb5: {  	[sflag:s29] =	ssyncadd.s32 $0xFFFFFFFF  }
0xb6: {  	_ =	strace $0x90000048  }
0xb7: {  	_ =	sfence  }
0xb8: {  	s30 =	sld [smem:$0x0];
	_ =	sdelay $0x2  }
0xb9: {  	s31 =	sshll.u32 s1, $0xD;
	s1 =	sshrl.u32 s1, $0x2  }
0xba: {  	s3 =	sand.u32 $0x4000, s31;
	s1 =	sadd.s32 s1, s30  }
0xbb: {  	s0 =	sor.u32 s3, s0;
	s1 =	sshll.u32 s1, $0x11  }
0xbc: {  	s0 =	sor.u32 s1, s0  }
0xbd: {  	s0 =	sadd.s32 $0x8F2B, s0  }
0xbe: {  	[sflag:s0] =	ssyncadd.remote.s32 $0x1  }
0xbf: {  	_ =	sfence.sel $0xFFFF  }
0xc0: {  	[dreg:$0x0] =	wrdreg $0xFFFFFFFF;
	(pc) =	sbr.abs _section_cstart, $3  }
0xc1: {  	[dreg:$0x1] =	wrdreg $0xFFFFFFFF  }
0xc2: {  	_ =	task.clear_ibuf [dreg:s7], $0x2FFFF;
	_ =	strace $0x9FFFFFFF  }
0xc3: {  	(tm) =	ssettm $0x7FFFFFFF  }
tec
execute0_lowered:
.L_overlay_start_1:
0x0: {  	(tag) =	ssettag $0x1  }
0x1: {  	s0 =	rddreg [dreg:$0x0]  }
0x2: {  	s2 =	rddreg [dreg:$0x1]  }
0x3: {  	s1 =	rddreg [dreg:$0x2];
	s3 =	srdreg.scid  }
0x4: {  	s5 =	simm.s32 $0x0;
	s11 =	stileid.u32;
	s29 =	simm.s32 $0x8  }
0x5: {  	s30 =	simm.s32 $0x3;
	s31 =	simm.s32 $0x0;
	s10 =	smul.u32 $0x4E000, s11  }
0x6: {  	s3 =	sand.u32 $0x1, s3;
	[smem:$0x7FF] =	sst s5;
	s23 =	smul.u32 $0x13800, s11  }
0x7: {  	s9 =	sadd.s32 $0x20, s2;
	s13 =	smul.u32 $0x4E, s11;
	s14 =	sshll.u32 s11, $0x5  }
0x8: {  	p1 =	seq.s32 s11, $0xF;
	s4 =	sshll.u32 s3, $0x4;
	s21 =	smul.u32 $0x138800, s3  }
0x9: {  	_ =	strace $0x80000047;
	s6 =	ssub.s32 $0x2, s3;
	s3 =	smul.u32 $0x4E0, s3  }
0xa: {  	s5 =	sor.u32 s11, s4;
	s4 =	sadd.s32 $0x3E00, s0;
	s19 =	sshrl.u32 s10, $0x2  }
0xb: {  	s0 =	sadd.s32 $0x2B000, s0;
	s8 =	sshrl.u32 s6, $0x1;
	s20 =	sadd.s32 s19, s1  }
0xc: {  	s7 =	smul.u32 $0x4E00, s5;
	s19 =	sadd.s32 $0x12C800, s1;
	[dreg:$0xa] =	wrdreg s20  }
0xd: {  	s6 =	ssub.s32 s6, s8;
	s22 =	sadd.s32 $0x6800, s20;
	[dreg:$0x16] =	wrdreg s19  }
0xe: {  	s15 =	smul.u32 $0x9C0, s5;
	s24 =	sadd.s32 $0x9C00, s20;
	[dreg:$0xc] =	wrdreg s22  }
0xf: {  	s26 =	sshrl.u32 s21, $0x3;
	s25 =	sadd.s32 $0xD000, s20;
	[dreg:$0xd] =	wrdreg s24  }
0x10: {  	s3 =	sadd.s32 s13, s3;
	s6 =	smax.u32 s6, $0x1;
	[dreg:$0xe] =	wrdreg s25  }
0x11: {  	p0 =	sgt.u32 s5, $0x3;
	s12 =	sadd.s32 s2, s15;
	[dreg:$0x14] =	wrdreg s6  }
0x12: {  	s5 =	simm.s32 $0x500;
	s8 =	sadd.s32 s15, s9;
	[dreg:$0x4] =	wrdreg s12  }
0x13: {  	s13 =	simm.s32 $0x8600;
	s15 =	sadd.s32 $0x124800, s1;
	[dreg:$0x5] =	wrdreg s8  }
0x14: {  	s10 =	sadd.s32 s0, s26;
	s8 =	sadd.s32 $0x3400, s20;
	[dreg:$0x11] =	wrdreg s15  }
0x15: {  	s7 =	sshrl.u32 s7, $0x3;
	s12 =	sadd.s32 $0x10400, s20;
	[dreg:$0xb] =	wrdreg s8  }
0x16: {  	s7 =	sadd.s32 s2, s7;
	s20 =	sadd.s32 $0x130800, s1;
	[dreg:$0xf] =	wrdreg s12  }
0x17: {  	s3 =	sshll.u32 s3, $0x5;
	s16 =	sadd.s32 $0x40, s7;
	[dreg:$0x17] =	wrdreg s20  }
0x18: {  	s6 =	simm.s32 $0x580;
	s17 =	sadd.s32 $0x60, s7;
	[dreg:$0x6] =	wrdreg s16  }
0x19: {  	s15 =	simm.s32 $0xA;
	s18 =	sadd.s32 $0x80, s7;
	[dreg:$0x7] =	wrdreg s17  }
0x1a: {  	s7 =	sadd.s32 $0xA0, s7;
	s8 =	simm.s32 $0x600;
	[dreg:$0x8] =	wrdreg s18  }
0x1b: {  	s12 =	simm.s32 $0x6;
	[dreg:$0x9] =	wrdreg s7;
	s7 =	sadd.s32 s23, s21  }
0x1c: {  	s16 =	sadd.s32 $0x24900, s10;
	s17 =	sadd.s32 s9, s3;
	s18 =	sadd.s32 $0x128800, s1  }
0x1d: {  	s21 =	sadd.s32 $0x134800, s1;
	s10 =	simm.s32 $0x4600;
	[dreg:$0x12] =	wrdreg s16  }
0x1e: {  	s7 =	sshrl.u32 s7, $0x3;
	s22 =	sadd.s32 $0x140, s17;
	[dreg:$0x15] =	wrdreg s18  }
0x1f: {  	s23 =	sadd.s32 $0x100, s17;
	s24 =	sadd.s32 $0xC0, s17;
	[dreg:$0x18] =	wrdreg s21  }
0x20: {  	s17 =	simm.s32 $0x100;
	s16 =	simm.s32 $0x7;
	s21 =	simm.s32 $0x2  }
.Ltmp0:
0x21: {  	s18 =	simm.s32 $0x380;
	s0 =	sadd.s32 s0, s7;
	(pc) =	sbr.rel .LBB2_1-.Ltmp0, $4  }
0x22: {  	s7 =	simm.s32 $0x80;
	[dreg:$0x10] =	wrdreg s0;
	s0 =	sadd.s32 s14, s2  }
0x23: {  	s2 =	sadd.s32 s2, s3;
	s14 =	simm.s32 $0x1;
	s3 =	simm.s32 $0x0  }
0x24: {  	s0 =	sadd.s32 $0x13800, s0;
	s25 =	sadd.s32 $0x140, s2;
	s26 =	sadd.s32 $0xC0, s2  }
0x25: {  	v0 =	vimm.f32 $0.0e+00;
	s28 =	sadd.s32 $0x100, s2;
	[dreg:$0x13] =	wrdreg s0;
	s0 =	simm.s32 $0x9  }
.LBB2_10:
0x26: {  	s2 =	rddreg [dreg:$0x11]  }
0x27: {  	s3 =	rddreg [dreg:$0x12];
	s9 =	simm.s32 $0x1FCA;
	s2 =	sshrl.u32 s2, $0x3  }
0x28: {  	[hbm:s3], [sflag:s9] =	dma.local [spmem:s2], $0x2800  }
0x29: {  	_ =	swait.ge [sflag:s15], $0x2800  }
0x2a: {  	[sflag:s15] =	ssyncset.done $0x0  }
0x2b: {  	s3 =	rddreg [dreg:$0x19];
	[sflag:s15] =	ssyncadd.s32 $0xFFFFD800  }
.LBB2_11:
0x2c: {  	s3 =	sadd.s32 $0x1, s3;
	s2 =	rddreg [dreg:$0x14]  }
0x2d: {  	p2 =	sne.s32 s3, s2  }
.Ltmp1:
0x2e: {  	_ = 	snop;
	(pc) =	sbr.rel @!p2 .LBB2_12-.Ltmp1, $1  }
0x2f: {  	_ =	sdelay $0x3  }
.LBB2_1:
0x30: {  	[dreg:$0x19] =	wrdreg s3  }
0x31: {  	s2 =	simm.s32 $0x0;
	s20 =	rddreg [dreg:$0x4]  }
0x32: {  	[tilespmem:s2], [sflag:$0x4] =	stream.linear.gather [hbm4b:s20+s2], $0x100, $0x38;
	[tilespmem:$0x1FE80] =	vst v63  }
0x33: {  	s9 =	rddreg [dreg:$0x5]  }
0x34: {  	[tilespmem:s17], [sflag:$0x5] =	stream.linear.gather [hbm4b:s9+s2], $0x100, $0x38;
	[tilespmem:$0x1FE80] =	vst v63  }
0x35: {  	s11 =	rddreg [dreg:$0x6];
	s9 =	simm.s32 $0x200  }
0x36: {  	[tilespmem:s9], [sflag:$0x6] =	stream.linear.gather [hbm4b:s11+s2], $0x100, $0x38;
	[tilespmem:$0x1FE80] =	vst v63  }
0x37: {  	s19 =	rddreg [dreg:$0x7];
	s20 =	simm.s32 $0x300  }
0x38: {  	[tilespmem:s20], [sflag:$0x7] =	stream.linear.gather [hbm4b:s19+s2], $0x100, $0x38;
	[tilespmem:$0x1FE80] =	vst v63  }
0x39: {  	s11 =	rddreg [dreg:$0x8];
	s19 =	simm.s32 $0x400  }
0x3a: {  	[tilespmem:s19], [sflag:$0x8] =	stream.linear.gather [hbm4b:s11+s2], $0x100, $0x38;
	[tilespmem:$0x1FE80] =	vst v63  }
0x3b: {  	s3 =	simm.s32 $0x0;
	s9 =	simm.s32 $0x200;
	s20 =	rddreg [dreg:$0x9]  }
0x3c: {  	[tilespmem:s5], [sflag:$0x9] =	stream.linear.gather [hbm4b:s20+s2], $0x100, $0x38;
	[tilespmem:$0x1FE80] =	vst v63  }
.LBB2_2:
0x3d: {  	p2 =	sne.s32 s9, $0xFE00;
	[tilespmem:s3+$0x670] =	vst v0  }
0x3e: {  	[tilespmem:s3+$0x600] =	vst v0  }
0x3f: {  	[tilespmem:s3+$0x610] =	vst v0  }
.Ltmp2:
0x40: {  	[tilespmem:s3+$0x620] =	vst v0;
	(pc) =	sbr.rel @p2 .LBB2_2-.Ltmp2, $4  }
0x41: {  	[tilespmem:s3+$0x630] =	vst v0  }
0x42: {  	[tilespmem:s3+$0x640] =	vst v0  }
0x43: {  	[tilespmem:s3+$0x650] =	vst v0  }
0x44: {  	[tilespmem:s3+$0x660] =	vst v0;
	s3 =	sshra.s32 s9, $0x2;
	s9 =	sadd.s32 $0x200, s9  }
0x45: {  	[tilespmem:s3+$0x670] =	vst v0  }
0x46: {  	[tilespmem:s3+$0x600] =	vst v0  }
0x47: {  	[tilespmem:s3+$0x610] =	vst v0  }
0x48: {  	[tilespmem:s3+$0x620] =	vst v0  }
0x49: {  	[tilespmem:s3+$0x630] =	vst v0  }
0x4a: {  	[tilespmem:s3+$0x640] =	vst v0  }
0x4b: {  	[tilespmem:s3+$0x650] =	vst v0  }
0x4c: {  	[tilespmem:s3+$0x660] =	vst v0;
	s3 =	simm.s32 @p1 $0x600;
	s2 =	rddreg [dreg:$0x11]  }
0x4d: {  	[spmem:s2] =	stream.linear.scatter @p1 [tilespmem:s3], [sflag:$0x1], $0x4000, $0x38;
	[tilespmem:$0x1FE80] =	vst v63  }
0x4e: {  	s2 =	rddreg [dreg:$0x15]  }
0x4f: {  	[spmem:s2] =	stream.linear.scatter @p1 [tilespmem:s3], [sflag:$0x1], $0x4000, $0x38;
	[tilespmem:$0x1FE80] =	vst v63  }
0x50: {  	s2 =	rddreg [dreg:$0x16]  }
0x51: {  	[spmem:s2] =	stream.linear.scatter @p1 [tilespmem:s3], [sflag:$0x1], $0x4000, $0x38;
	[tilespmem:$0x1FE80] =	vst v63  }
0x52: {  	s2 =	rddreg [dreg:$0x17]  }
0x53: {  	[spmem:s2] =	stream.linear.scatter @p1 [tilespmem:s3], [sflag:$0x1], $0x4000, $0x38;
	[tilespmem:$0x1FE80] =	vst v63  }
0x54: {  	s2 =	rddreg [dreg:$0x18]  }
0x55: {  	[spmem:s2] =	stream.linear.scatter @p1 [tilespmem:s3], [sflag:$0x1], $0x4000, $0x38;
	[tilespmem:$0x1FE80] =	vst v63  }
0x56: {  	s3 =	simm.s32 @p1 $0x1  }
0x57: {  	_ =	swait.ge @p1 [sflag:s3], $0x4000  }
0x58: {  	[sflag:s3] =	ssyncset.done @p1 $0x0  }
0x59: {  	[sflag:s3] =	ssyncadd.s32 @p1 $0xFFFFC000  }
0x5a: {  	_ =	swait.ge @p1 [sflag:s3], $0x4000  }
0x5b: {  	[sflag:s3] =	ssyncset.done @p1 $0x0  }
0x5c: {  	[sflag:s3] =	ssyncadd.s32 @p1 $0xFFFFC000  }
0x5d: {  	_ =	swait.ge @p1 [sflag:s3], $0x4000  }
0x5e: {  	[sflag:s3] =	ssyncset.done @p1 $0x0  }
0x5f: {  	[sflag:s3] =	ssyncadd.s32 @p1 $0xFFFFC000  }
0x60: {  	_ =	swait.ge @p1 [sflag:s3], $0x4000  }
0x61: {  	[sflag:s3] =	ssyncset.done @p1 $0x0  }
0x62: {  	[sflag:s3] =	ssyncadd.s32 @p1 $0xFFFFC000  }
0x63: {  	_ =	swait.ge @p1 [sflag:s3], $0x4000  }
0x64: {  	[sflag:s3] =	ssyncset.done @p1 $0x0  }
0x65: {  	s2 =	rddreg [dreg:$0xa];
	[sflag:s3] =	ssyncadd.s32 @p1 $0xFFFFC000;
	s3 =	simm.s32 @!p1 $0x600  }
0x66: {  	[spmem:s2] =	stream.linear.scatter @!p1 [tilespmem:s3], [sflag:$0x1], $0x3400, $0x38;
	[tilespmem:$0x1FE80] =	vst v63  }
0x67: {  	s2 =	rddreg [dreg:$0xb]  }
0x68: {  	[spmem:s2] =	stream.linear.scatter @!p1 [tilespmem:s3], [sflag:$0x1], $0x3400, $0x38;
	[tilespmem:$0x1FE80] =	vst v63  }
0x69: {  	s2 =	rddreg [dreg:$0xc]  }
0x6a: {  	[spmem:s2] =	stream.linear.scatter @!p1 [tilespmem:s3], [sflag:$0x1], $0x3400, $0x38;
	[tilespmem:$0x1FE80] =	vst v63  }
0x6b: {  	s2 =	rddreg [dreg:$0xd]  }
0x6c: {  	[spmem:s2] =	stream.linear.scatter @!p1 [tilespmem:s3], [sflag:$0x1], $0x3400, $0x38;
	[tilespmem:$0x1FE80] =	vst v63  }
0x6d: {  	s2 =	rddreg [dreg:$0xe]  }
0x6e: {  	[spmem:s2] =	stream.linear.scatter @!p1 [tilespmem:s3], [sflag:$0x1], $0x3400, $0x38;
	[tilespmem:$0x1FE80] =	vst v63  }
0x6f: {  	s2 =	rddreg [dreg:$0xf]  }
0x70: {  	[spmem:s2] =	stream.linear.scatter @!p1 [tilespmem:s3], [sflag:$0x1], $0x3400, $0x38;
	[tilespmem:$0x1FE80] =	vst v63  }
0x71: {  	s3 =	simm.s32 @!p1 $0x1  }
0x72: {  	_ =	swait.ge @!p1 [sflag:s3], $0x3400  }
0x73: {  	[sflag:s3] =	ssyncset.done @!p1 $0x0  }
0x74: {  	[sflag:s3] =	ssyncadd.s32 @!p1 $0xFFFFCC00  }
0x75: {  	_ =	swait.ge @!p1 [sflag:s3], $0x3400  }
0x76: {  	[sflag:s3] =	ssyncset.done @!p1 $0x0  }
0x77: {  	[sflag:s3] =	ssyncadd.s32 @!p1 $0xFFFFCC00  }
0x78: {  	_ =	swait.ge @!p1 [sflag:s3], $0x3400  }
0x79: {  	[sflag:s3] =	ssyncset.done @!p1 $0x0  }
0x7a: {  	[sflag:s3] =	ssyncadd.s32 @!p1 $0xFFFFCC00  }
0x7b: {  	_ =	swait.ge @!p1 [sflag:s3], $0x3400  }
0x7c: {  	[sflag:s3] =	ssyncset.done @!p1 $0x0  }
0x7d: {  	[sflag:s3] =	ssyncadd.s32 @!p1 $0xFFFFCC00  }
0x7e: {  	_ =	swait.ge @!p1 [sflag:s3], $0x3400  }
0x7f: {  	[sflag:s3] =	ssyncset.done @!p1 $0x0  }
0x80: {  	[sflag:s3] =	ssyncadd.s32 @!p1 $0xFFFFCC00  }
0x81: {  	_ =	swait.ge @!p1 [sflag:s3], $0x3400  }
0x82: {  	[sflag:s3] =	ssyncset.done @!p1 $0x0  }
0x83: {  	s11 =	simm.s32 $0x4;
	[sflag:s3] =	ssyncadd.s32 @!p1 $0xFFFFCC00  }
0x84: {  	_ =	swait.ge [sflag:s11], $0x100  }
0x85: {  	[sflag:s11] =	ssyncset.done $0x0  }
0x86: {  	s19 =	simm.s32 $0x5;
	[sflag:s11] =	ssyncadd.s32 $0xFFFFFF00;
	s11 =	simm.s32 $0x0  }
0x87: {  	[tilespmem:s8], [sflag:$0x1] =	stream.indirect.gather [hbm4b:s4+s7], $0x80, s11, s7, $0xb8;
	[tilespmem:$0x1FE80] =	vst v63  }
0x88: {  	_ =	swait.ge [sflag:s19], $0x100  }
0x89: {  	[sflag:s19] =	ssyncset.done $0x0  }
0x8a: {  	[sflag:s19] =	ssyncadd.s32 $0xFFFFFF00  }
0x8b: {  	[tilespmem:s10], [sflag:$0x2] =	stream.indirect.gather [hbm4b:s4+s7], $0x80, s17, s7, $0xb8;
	[tilespmem:$0x1FE80] =	vst v63  }
0x8c: {  	_ =	swait.ge [sflag:s12], $0x100  }
0x8d: {  	[sflag:s12] =	ssyncset.done $0x0  }
0x8e: {  	s20 =	simm.s32 $0x200;
	[sflag:s12] =	ssyncadd.s32 $0xFFFFFF00  }
0x8f: {  	[tilespmem:s13], [sflag:$0x3] =	stream.indirect.gather [hbm4b:s4+s7], $0x80, s20, s7, $0xb8;
	[tilespmem:$0x1FE80] =	vst v63  }
0x90: {  	[bflag:$0x0] =	sbarrier.arrive $0xFFFF  }
.LBB2_4:
0x91: {  	_ =	swait.ge [sflag:s14], $0x4000  }
0x92: {  	[sflag:s14] =	ssyncset.done $0x0  }
0x93: {  	[sflag:s14] =	ssyncadd.s32 $0xFFFFC000  }
0x94: {  	[spmem:s1] =	stream.indirect.scatter.add.f32 [tilespmem:s8], [sflag:$0xA], $0x80, s7, s7, $0xb8;
	[tilespmem:$0x1FE80] =	vst v63  }
0x95: {  	_ =	swait.ge [sflag:s15], $0x4000  }
0x96: {  	p2 =	seq.s32 s11, $0x900;
	[sflag:s15] =	ssyncset.done $0x0  }
0x97: {  	s3 =	sadd.s32 @!p2 s11, s26;
	s9 =	simm.s32 @!p2 $0x0;
	[sflag:s15] =	ssyncadd.s32 $0xFFFFC000  }
0x98: {  	[tilespmem:s9], [sflag:$0x4] =	stream.linear.gather @!p2 [hbm4b:s3+s9], $0x100, $0x38;
	[tilespmem:$0x1FE80] =	vst v63  }
0x99: {  	_ =	swait.ge [sflag:s16], $0x100  }
0x9a: {  	[sflag:s16] =	ssyncset.done $0x0  }
0x9b: {  	s2 =	simm.s32 $0x300;
	[sflag:s16] =	ssyncadd.s32 $0xFFFFFF00  }
0x9c: {  	[tilespmem:s8], [sflag:$0x1] =	stream.indirect.gather [hbm4b:s4+s7], $0x80, s2, s7, $0xb8;
	[tilespmem:$0x1FE80] =	vst v63  }
0x9d: {  	_ =	swait.ge [sflag:s21], $0x4000  }
0x9e: {  	[sflag:s21] =	ssyncset.done $0x0  }
0x9f: {  	s17 =	simm.s32 $0x180;
	[sflag:s21] =	ssyncadd.s32 $0xFFFFC000  }
0xa0: {  	[spmem:s1] =	stream.indirect.scatter.add.f32 [tilespmem:s10], [sflag:$0xA], $0x80, s17, s7, $0xb8;
	[tilespmem:$0x1FE80] =	vst v63  }
0xa1: {  	_ =	swait.ge [sflag:s15], $0x4000  }
0xa2: {  	[sflag:s15] =	ssyncset.done $0x0  }
0xa3: {  	s3 =	simm.s32 @!p2 $0x100;
	s2 =	sadd.s32 @!p2 s11, s24;
	[sflag:s15] =	ssyncadd.s32 $0xFFFFC000  }
0xa4: {  	[tilespmem:s3], [sflag:$0x5] =	stream.linear.gather @!p2 [hbm4b:s2+s9], $0x100, $0x38;
	[tilespmem:$0x1FE80] =	vst v63  }
0xa5: {  	_ =	swait.ge [sflag:s29], $0x100  }
0xa6: {  	[sflag:s29] =	ssyncset.done $0x0  }
0xa7: {  	s19 =	simm.s32 $0x400;
	[sflag:s29] =	ssyncadd.s32 $0xFFFFFF00  }
0xa8: {  	[tilespmem:s10], [sflag:$0x2] =	stream.indirect.gather [hbm4b:s4+s7], $0x80, s19, s7, $0xb8;
	[tilespmem:$0x1FE80] =	vst v63  }
0xa9: {  	_ =	swait.ge [sflag:s30], $0x4000  }
0xaa: {  	[sflag:s30] =	ssyncset.done $0x0  }
0xab: {  	s20 =	simm.s32 $0x280;
	[sflag:s30] =	ssyncadd.s32 $0xFFFFC000  }
0xac: {  	[spmem:s1] =	stream.indirect.scatter.add.f32 [tilespmem:s13], [sflag:$0xA], $0x80, s20, s7, $0xb8;
	[tilespmem:$0x1FE80] =	vst v63  }
0xad: {  	_ =	swait.ge [sflag:s15], $0x4000  }
0xae: {  	[sflag:s15] =	ssyncset.done $0x0  }
0xaf: {  	s2 =	sadd.s32 @!p2 s11, s28;
	s20 =	simm.s32 @!p2 $0x200;
	[sflag:s15] =	ssyncadd.s32 $0xFFFFC000  }
0xb0: {  	[tilespmem:s20], [sflag:$0x6] =	stream.linear.gather @!p2 [hbm4b:s2+s9], $0x100, $0x38;
	[tilespmem:$0x1FE80] =	vst v63  }
0xb1: {  	_ =	swait.ge [sflag:s0], $0x100  }
0xb2: {  	[sflag:s0] =	ssyncset.done $0x0  }
0xb3: {  	[sflag:s0] =	ssyncadd.s32 $0xFFFFFF00  }
0xb4: {  	[tilespmem:s13], [sflag:$0x3] =	stream.indirect.gather [hbm4b:s4+s7], $0x80, s5, s7, $0xb8;
	[tilespmem:$0x1FE80] =	vst v63  }
0xb5: {  	_ =	swait.ge [sflag:s14], $0x4000  }
0xb6: {  	[sflag:s14] =	ssyncset.done $0x0  }
0xb7: {  	[sflag:s14] =	ssyncadd.s32 $0xFFFFC000  }
0xb8: {  	[spmem:s1] =	stream.indirect.scatter.add.f32 [tilespmem:s8], [sflag:$0xA], $0x80, s18, s7, $0xb8;
	[tilespmem:$0x1FE80] =	vst v63  }
0xb9: {  	_ =	swait.ge [sflag:s15], $0x4000  }
0xba: {  	[sflag:s15] =	ssyncset.done $0x0  }
0xbb: {  	s2 =	simm.s32 @p2 $0x2;
	[sflag:s15] =	ssyncadd.s32 $0xFFFFC000  }
0xbc: {  	_ =	swait.ge @p2 [sflag:s2], $0x4000  }
0xbd: {  	s17 =	simm.s32 @p2 $0x4600;
	[sflag:s2] =	ssyncset.done @p2 $0x0  }
0xbe: {  	s20 =	simm.s32 @p2 $0x480;
	[sflag:s2] =	ssyncadd.s32 @p2 $0xFFFFC000;
	s2 =	simm.s32 @p2 $0x80  }
0xbf: {  	[spmem:s1] =	stream.indirect.scatter.add.f32 @p2 [tilespmem:s17], [sflag:$0xA], $0x80, s20, s2, $0xb8;
	[tilespmem:$0x1FE80] =	vst v63  }
0xc0: {  	s2 =	simm.s32 @p2 $0xA  }
0xc1: {  	_ =	swait.ge @p2 [sflag:s2], $0x4000  }
0xc2: {  	[sflag:s2] =	ssyncset.done @p2 $0x0  }
0xc3: {  	s17 =	simm.s32 @!p2 $0x300;
	[sflag:s2] =	ssyncadd.s32 @p2 $0xFFFFC000;
	s2 =	sadd.s32 @!p2 s11, s23  }
0xc4: {  	[tilespmem:s17], [sflag:$0x7] =	stream.linear.gather @!p2 [hbm4b:s2+s9], $0x100, $0x38;
	[tilespmem:$0x1FE80] =	vst v63  }
0xc5: {  	s2 =	simm.s32 @!p2 $0x4  }
0xc6: {  	_ =	swait.ge @!p2 [sflag:s2], $0x100  }
0xc7: {  	[sflag:s2] =	ssyncset.done @!p2 $0x0  }
0xc8: {  	s17 =	simm.s32 @!p2 $0x600;
	[sflag:s2] =	ssyncadd.s32 @!p2 $0xFFFFFF00;
	s2 =	simm.s32 @!p2 $0x80  }
0xc9: {  	[tilespmem:s17], [sflag:$0x1] =	stream.indirect.gather @!p2 [hbm4b:s4+s2], $0x80, s9, s2, $0xb8;
	[tilespmem:$0x1FE80] =	vst v63  }
0xca: {  	s17 =	simm.s32 @!p2 $0x2  }
0xcb: {  	_ =	swait.ge @!p2 [sflag:s17], $0x4000  }
0xcc: {  	[sflag:s17] =	ssyncset.done @!p2 $0x0  }
0xcd: {  	s20 =	simm.s32 @!p2 $0x4600;
	[sflag:s17] =	ssyncadd.s32 @!p2 $0xFFFFC000;
	s17 =	simm.s32 @!p2 $0x480  }
0xce: {  	[spmem:s1] =	stream.indirect.scatter.add.f32 @!p2 [tilespmem:s20], [sflag:$0xA], $0x80, s17, s2, $0xb8;
	[tilespmem:$0x1FE80] =	vst v63  }
0xcf: {  	s17 =	simm.s32 @!p2 $0xA  }
0xd0: {  	_ =	swait.ge @!p2 [sflag:s17], $0x4000  }
0xd1: {  	[sflag:s17] =	ssyncset.done @!p2 $0x0  }
0xd2: {  	s19 =	simm.s32 @!p2 $0x400;
	[sflag:s17] =	ssyncadd.s32 @!p2 $0xFFFFC000;
	s17 =	sadd.s32 @!p2 s11, s25  }
0xd3: {  	[tilespmem:s19], [sflag:$0x8] =	stream.linear.gather @!p2 [hbm4b:s17+s9], $0x100, $0x38;
	[tilespmem:$0x1FE80] =	vst v63  }
0xd4: {  	s9 =	simm.s32 @!p2 $0x5  }
0xd5: {  	_ =	swait.ge @!p2 [sflag:s9], $0x100  }
0xd6: {  	[sflag:s9] =	ssyncset.done @!p2 $0x0  }
0xd7: {  	[sflag:s9] =	ssyncadd.s32 @!p2 $0xFFFFFF00  }
0xd8: {  	[tilespmem:s20], [sflag:$0x2] =	stream.indirect.gather @!p2 [hbm4b:s4+s2], $0x80, s3, s2, $0xb8;
	[tilespmem:$0x1FE80] =	vst v63  }
0xd9: {  	_ =	swait.ge [sflag:s30], $0x4000  }
0xda: {  	[sflag:s30] =	ssyncset.done $0x0  }
.Ltmp3:
0xdb: {  	[sflag:s30] =	ssyncadd.s32 $0xFFFFC000;
	(pc) =	sbr.rel @p2 .LBB2_6-.Ltmp3, $4  }
0xdc: {  	[spmem:s1] =	stream.indirect.scatter.add.f32 [tilespmem:s13], [sflag:$0xA], $0x80, s6, s7, $0xb8;
	[tilespmem:$0x1FE80] =	vst v63  }
0xdd: {  	_ =	swait.ge [sflag:s15], $0x4000  }
0xde: {  	[sflag:s15] =	ssyncset.done $0x0  }
0xdf: {  	[sflag:s15] =	ssyncadd.s32 $0xFFFFC000  }
0xe0: {  	s2 =	sadd.s32 s11, s22  }
0xe1: {  	[tilespmem:s5], [sflag:$0x9] =	stream.linear.gather [hbm4b:s2+s31], $0x100, $0x38;
	[tilespmem:$0x1FE80] =	vst v63  }
.Ltmp4:
0xe2: {  	_ = 	snop;
	(pc) =	sbr.rel .LBB2_4-.Ltmp4, $4  }
0xe3: {  	_ =	swait.ge [sflag:s12], $0x100  }
0xe4: {  	[sflag:s12] =	ssyncset.done $0x0  }
0xe5: {  	s20 =	simm.s32 $0x200;
	s11 =	sadd.s32 $0xC0, s11;
	[sflag:s12] =	ssyncadd.s32 $0xFFFFFF00  }
0xe6: {  	[tilespmem:s13], [sflag:$0x3] =	stream.indirect.gather [hbm4b:s4+s7], $0x80, s20, s7, $0xb8;
	[tilespmem:$0x1FE80] =	vst v63  }
.LBB2_6:
.Ltmp5:
0xe7: {  	(pc) =	sbr.rel @p0 .LBB2_8-.Ltmp5, $1  }
0xe8: {  	_ =	sdelay $0x3  }
0xe9: {  	s2 =	simm.s32 $0x0;
	s3 =	rddreg [dreg:$0x13]  }
0xea: {  	[tilespmem:s2], [sflag:$0xA] =	stream.linear.gather [hbm4b:s3+s2], $0x100, $0x38;
	[tilespmem:$0x1FE80] =	vst v63  }
0xeb: {  	_ =	swait.ge [sflag:s15], $0x100  }
0xec: {  	[sflag:s15] =	ssyncset.done $0x0  }
0xed: {  	[sflag:s15] =	ssyncadd.s32 $0xFFFFFF00  }
0xee: {  	[tilespmem:s8], [sflag:$0x1] =	stream.indirect.gather [hbm4b:s4+s7], $0x80, s2, s7, $0xb8;
	[tilespmem:$0x1FE80] =	vst v63  }
0xef: {  	_ =	swait.ge [sflag:s14], $0x4000  }
0xf0: {  	[sflag:s14] =	ssyncset.done $0x0  }
0xf1: {  	[sflag:s14] =	ssyncadd.s32 $0xFFFFC000  }
0xf2: {  	[spmem:s1] =	stream.indirect.scatter.add.f32 [tilespmem:s8], [sflag:$0xA], $0x80, s7, s7, $0xb8;
	[tilespmem:$0x1FE80] =	vst v63  }
.Ltmp6:
0xf3: {  	_ =	swait.ge [sflag:s15], $0x4000;
	(pc) =	sbr.rel .LBB2_9-.Ltmp6, $4  }
0xf4: {  	[sflag:s15] =	ssyncset.done $0x0  }
0xf5: {  	[sflag:s15] =	ssyncadd.s32 $0xFFFFC000  }
0xf6: {  	[bflag:$0x0] =	sbarrier.arrive $0xFFFF  }
0xf7: {  	s17 =	simm.s32 $0x100  }
.LBB2_8:
.Ltmp7:
0xf8: {  	(pc) =	sbr.rel @p1 .LBB2_10-.Ltmp7, $3  }
0xf9: {  	_ =	sdelay $0x1  }
0xfa: {  	[bflag:$0x0] =	sbarrier.arrive $0xFFFF  }
0xfb: {  	s17 =	simm.s32 $0x100  }
.LBB2_9:
0xfc: {  	s2 =	stileid.u32;
	s3 =	rddreg [dreg:$0xa]  }
0xfd: {  	s9 =	rddreg [dreg:$0x10];
	s2 =	sshll.u32 s2, $0x6  }
.Ltmp8:
0xfe: {  	s3 =	sshrl.u32 s3, $0x3;
	s2 =	sor.u32 $0x1C0A, s2;
	(pc) =	sbr.rel .LBB2_11-.Ltmp8, $4  }
0xff: {  	[hbm:s9], [sflag:s2] =	dma.local [spmem:s3], $0x2700  }
0x100: {  	_ =	swait.ge [sflag:s15], $0x2700  }
0x101: {  	[sflag:s15] =	ssyncset.done $0x0  }
0x102: {  	s3 =	rddreg [dreg:$0x19];
	[sflag:s15] =	ssyncadd.s32 $0xFFFFD900  }
.LBB2_12:
0x103: {  	_ =	sfence.sel $0x180000  }
0x104: {  	[bflag:$0x0] =	sbarrier.arrive $0xFFFF  }
0x105: {  	_ =	strace $0x90000047  }
0x106: {  	s0 =	stileid.u32;
	[bflag:$0x2] =	sbarrier.arrive $0xFFFF  }
0x107: {  	p0 =	sne.s32 s0, $0x0;
	s0 =	rddreg [dreg:$0x3]  }
0x108: {  	s0 =	sadd.s32 @!p0 $0x100000, s0  }
0x109: {  	[sflag:s0] =	ssyncadd.tile.s32 @!p0 $0x1;
	_ =	shalt  }
.Lfunc_end2:
_tile_overlayer_lowered:
.L_overlay_start_2:
0x10a: {  	(tag) =	ssettag $0x2  }
0x10b: {  	s0 =	rddreg [dreg:$0x0];
	s2 =	stileid.u32  }
0x10c: {  	s1 =	rddreg [dreg:$0x1];
	p0 =	sne.s32 s2, $0x0  }
0x10d: {  	s3 =	rddreg [dreg:$0x2];
	[bflag:$0x3] =	sbarrier.arrive $0xFFFF;
	s2 =	simm.s32 @!p0 $0x1C0A  }
0x10e: {  	[timem:s3], [sflag:s2] =	dma.local @!p0 [hbm:s0], s1  }
0x10f: {  	s0 =	simm.s32 @!p0 $0xA  }
0x110: {  	_ =	swait.ge @!p0 [sflag:s0], s1  }
0x111: {  	s1 =	ssub.s32 @!p0 $0x0, s1;
	[sflag:s0] =	ssyncset.done @!p0 $0x0  }
0x112: {  	[sflag:s0] =	ssyncadd.s32 @!p0 s1  }
0x113: {  	[bflag:$0x3] =	sbarrier.arrive $0xFFFF  }
0x114: {  	_ =	shalt  }

</sc_bundles>
